<compile_context>
chip_gen: v7x
topology: tpu7x:2x2x1
jax: 0.10.2.dev20260603
libtpu: 0.0.44.dev20260713+nightly
codegen_flags: <defaults>
</compile_context>

<pallas_src>
import functools

import jax
import jax.numpy as jnp
from jax import lax
from jax.experimental import pallas as pl
from jax.experimental.pallas import tpu as pltpu
from jax.experimental.pallas import tpu_sc as plsc

N = 10000
E = 320000
D = 128
NC = 2
NS = 16
NW = NC * NS
C = 80
NPAD = 10112
RPT = NPAD // NS
DROW = 2000
EB = (192000, 128000)
BE = 2000

f32 = jnp.float32

_mesh = plsc.VectorSubcoreMesh(
    core_axis_name="c", subcore_axis_name="s", num_cores=NC, num_subcores=NS)
_sc_params = pltpu.CompilerParams(needs_layout_passes=False)


def _prep_body(x_ref, wint_ref, wdt_ref, wst_ref, be1_ref,
               u_ref, a_ref, b_ref):
    u = jnp.dot(x_ref[...], wint_ref[...], preferred_element_type=f32)
    u_ref[...] = u
    a_ref[...] = jnp.dot(u, wdt_ref[...], preferred_element_type=f32) + be1_ref[...]
    b_ref[...] = jnp.dot(u, wst_ref[...], preferred_element_type=f32)


def _prep(x, wint, wdt, wst, be1):
    BN = 2000
    grid = (N // BN,)
    return pl.pallas_call(
        _prep_body,
        grid=grid,
        in_specs=[
            pl.BlockSpec((BN, D), lambda i: (i, 0)),
            pl.BlockSpec((D, D), lambda i: (0, 0)),
            pl.BlockSpec((D, D), lambda i: (0, 0)),
            pl.BlockSpec((D, D), lambda i: (0, 0)),
            pl.BlockSpec((1, D), lambda i: (0, 0)),
        ],
        out_specs=[
            pl.BlockSpec((BN, D), lambda i: (i, 0)),
            pl.BlockSpec((BN, D), lambda i: (i, 0)),
            pl.BlockSpec((BN, D), lambda i: (i, 0)),
        ],
        out_shape=[
            jax.ShapeDtypeStruct((N, D), f32),
            jax.ShapeDtypeStruct((N, D), f32),
            jax.ShapeDtypeStruct((N, D), f32),
        ],
    )(x, wint, wdt, wst, be1)


def _make_sc_gather(eh):
    epw = eh // NW
    nchunk = epw // C
    drpw = epw // DROW

    def body(a_hbm, b_hbm, posx_hbm, posy_hbm, posz_hbm,
             srcg_hbm, dstg_hbm,
             zrows_hbm, dist_hbm,
             idxs_v, idxd_v, posx_v, posy_v, posz_v,
             bufA0, bufB0, bufA1, bufB1, dist_v,
             gA0, gB0, gA1, gB1, oA0, oB0, oA1, oB1):
        cid = lax.axis_index("c")
        sid = lax.axis_index("s")
        wid = sid * NC + cid
        pltpu.sync_copy(srcg_hbm.at[wid], idxs_v)
        pltpu.sync_copy(dstg_hbm.at[wid], idxd_v)
        pltpu.sync_copy(posx_hbm, posx_v)
        pltpu.sync_copy(posy_hbm, posy_v)
        pltpu.sync_copy(posz_hbm, posz_v)

        def issue_g(j, bA, bB, sA, sB):
            pltpu.async_copy(a_hbm.at[idxd_v.at[j]], bA, sA)
            pltpu.async_copy(b_hbm.at[idxs_v.at[j]], bB, sB)

        def wait_g(j, bA, bB, sA, sB):
            pltpu.make_async_copy(a_hbm.at[idxd_v.at[j]], bA, sA).wait()
            pltpu.make_async_copy(b_hbm.at[idxs_v.at[j]], bB, sB).wait()

        def issue_o(j, bA, sA):
            base = wid * epw + j * C
            pltpu.async_copy(bA, zrows_hbm.at[pl.ds(base, C)], sA)

        def wait_o(j, bA, sA):
            base = wid * epw + j * C
            pltpu.make_async_copy(bA, zrows_hbm.at[pl.ds(base, C)], sA).wait()

        def add_rows(bA, bB):
            def row_body(r, carry):
                for k in range(D // 16):
                    sl = pl.ds(k * 16, 16)
                    bA[r, sl] = bA[r, sl] + bB[r, sl]
                return carry
            lax.fori_loop(0, C, row_body, 0)

        def dist_chunk(j):
            for k in range(C // 16):
                s16 = idxs_v[j, pl.ds(k * 16, 16)]
                d16 = idxd_v[j, pl.ds(k * 16, 16)]
                dx = plsc.load_gather(posx_v, [s16]) - plsc.load_gather(posx_v, [d16])
                dy = plsc.load_gather(posy_v, [s16]) - plsc.load_gather(posy_v, [d16])
                dz = plsc.load_gather(posz_v, [s16]) - plsc.load_gather(posz_v, [d16])
                flat = j * C + k * 16
                dist_v[flat // DROW, 0, pl.ds(flat % DROW, 16)] = (
                    dx * dx + dy * dy + dz * dz)

        def process(j, bA, bB, gA, gB, oA):
            dist_chunk(j)
            wait_g(j, bA, bB, gA, gB)
            add_rows(bA, bB)
            issue_o(j, bA, oA)

        issue_g(0, bufA0, bufB0, gA0, gB0)
        issue_g(1, bufA1, bufB1, gA1, gB1)

        def loop(i, carry):
            j0 = 2 * i
            j1 = j0 + 1
            n0 = jnp.minimum(j0 + 2, nchunk - 1)
            n1 = jnp.minimum(j1 + 2, nchunk - 1)
            process(j0, bufA0, bufB0, gA0, gB0, oA0)
            process(j1, bufA1, bufB1, gA1, gB1, oA1)
            wait_o(j0, bufA0, oA0)
            issue_g(n0, bufA0, bufB0, gA0, gB0)
            wait_o(j1, bufA1, oA1)
            issue_g(n1, bufA1, bufB1, gA1, gB1)
            return carry

        lax.fori_loop(0, (nchunk - 1) // 2, loop, 0)
        if nchunk % 2 == 1:
            j = nchunk - 1
            process(j, bufA0, bufB0, gA0, gB0, oA0)
            wait_g(j, bufA1, bufB1, gA1, gB1)
            wait_o(j, bufA0, oA0)
        else:
            j0 = nchunk - 2
            j1 = nchunk - 1
            process(j0, bufA0, bufB0, gA0, gB0, oA0)
            process(j1, bufA1, bufB1, gA1, gB1, oA1)
            wait_o(j0, bufA0, oA0)
            wait_o(j1, bufA1, oA1)
        pltpu.sync_copy(dist_v, dist_hbm.at[pl.ds(wid * drpw, drpw)])

    return functools.partial(
        pl.kernel,
        out_type=(
            jax.ShapeDtypeStruct((eh, D), f32),
            jax.ShapeDtypeStruct((eh // DROW, 1, DROW), f32),
        ),
        mesh=_mesh,
        compiler_params=_sc_params,
        scratch_types=[
            pltpu.VMEM((nchunk, C), jnp.int32),
            pltpu.VMEM((nchunk, C), jnp.int32),
            pltpu.VMEM((N,), f32),
            pltpu.VMEM((N,), f32),
            pltpu.VMEM((N,), f32),
            pltpu.VMEM((C, D), f32),
            pltpu.VMEM((C, D), f32),
            pltpu.VMEM((C, D), f32),
            pltpu.VMEM((C, D), f32),
            pltpu.VMEM((drpw, 1, DROW), f32),
        ] + [pltpu.SemaphoreType.DMA] * 8,
    )(body)


def _edge_body(z_ref, dist_ref, wd_ref, we2t_ref, be2_ref, out_ref):
    de = dist_ref[0]
    dist_term = lax.dot_general(de, wd_ref[...], (((0,), (0,)), ((), ())),
                                preferred_element_type=f32)
    z = z_ref[...] + dist_term
    z = z * jax.nn.sigmoid(z)
    m = jnp.dot(z, we2t_ref[...], preferred_element_type=f32) + be2_ref[...]
    out_ref[...] = m * jax.nn.sigmoid(m)


def _edge_mlp(zrows, dist, wd, we2t, be2, eh):
    grid = (eh // BE,)
    return pl.pallas_call(
        _edge_body,
        grid=grid,
        in_specs=[
            pl.BlockSpec((BE, D), lambda i: (i, 0)),
            pl.BlockSpec((1, 1, BE), lambda i: (i, 0, 0)),
            pl.BlockSpec((1, D), lambda i: (0, 0)),
            pl.BlockSpec((D, D), lambda i: (0, 0)),
            pl.BlockSpec((1, D), lambda i: (0, 0)),
        ],
        out_specs=pl.BlockSpec((BE, D), lambda i: (i, 0)),
        out_shape=jax.ShapeDtypeStruct((eh, D), f32),
    )(zrows, dist, wd, we2t, be2)


def _make_sc_scatter(eh):
    epw = eh // NW
    nchunk = epw // C

    def body(m2_hbm, dstg_hbm, zeros_hbm, part_hbm,
             idxd_v, buf0, buf1, agg_sh,
             g0, g1, s0, s1):
        cid = lax.axis_index("c")
        sid = lax.axis_index("s")
        wid = sid * NC + cid
        pltpu.sync_copy(dstg_hbm.at[wid], idxd_v)
        pltpu.sync_copy(zeros_hbm.at[pl.ds(sid * RPT, RPT)],
                        agg_sh.at[pl.ds(sid * RPT, RPT)])
        plsc.subcore_barrier()

        def issue_g(j, b, s):
            pltpu.async_copy(m2_hbm.at[pl.ds(wid * epw + j * C, C)], b, s)

        def wait_g(j, b, s):
            pltpu.make_async_copy(
                m2_hbm.at[pl.ds(wid * epw + j * C, C)], b, s).wait()

        def issue_a(j, b, s):
            pltpu.async_copy(b, agg_sh.at[idxd_v.at[j]], s, add=True)

        def wait_a(j, b, s):
            pltpu.make_async_copy(b, agg_sh.at[idxd_v.at[j]], s).wait()

        issue_g(0, buf0, g0)
        issue_g(1, buf1, g1)

        def loop(i, carry):
            j0 = 2 * i
            j1 = j0 + 1
            n0 = jnp.minimum(j0 + 2, nchunk - 1)
            n1 = jnp.minimum(j1 + 2, nchunk - 1)
            wait_g(j0, buf0, g0)
            issue_a(j0, buf0, s0)
            wait_g(j1, buf1, g1)
            issue_a(j1, buf1, s1)
            wait_a(j0, buf0, s0)
            issue_g(n0, buf0, g0)
            wait_a(j1, buf1, s1)
            issue_g(n1, buf1, g1)
            return carry

        lax.fori_loop(0, (nchunk - 1) // 2, loop, 0)
        if nchunk % 2 == 1:
            j = nchunk - 1
            wait_g(j, buf0, g0)
            issue_a(j, buf0, s0)
            wait_g(j, buf1, g1)
            wait_a(j, buf0, s0)
        else:
            j0 = nchunk - 2
            j1 = nchunk - 1
            wait_g(j0, buf0, g0)
            issue_a(j0, buf0, s0)
            wait_g(j1, buf1, g1)
            issue_a(j1, buf1, s1)
            wait_a(j0, buf0, s0)
            wait_a(j1, buf1, s1)
        plsc.subcore_barrier()
        pltpu.sync_copy(agg_sh.at[pl.ds(sid * RPT, RPT)],
                        part_hbm.at[cid, pl.ds(sid * RPT, RPT)])

    return functools.partial(
        pl.kernel,
        out_type=jax.ShapeDtypeStruct((NC, NPAD, D), f32),
        mesh=_mesh,
        compiler_params=_sc_params,
        scratch_types=[
            pltpu.VMEM((nchunk, C), jnp.int32),
            pltpu.VMEM((C, D), f32),
            pltpu.VMEM((C, D), f32),
            pltpu.VMEM_SHARED((NPAD, D), f32),
        ] + [pltpu.SemaphoreType.DMA] * 4,
    )(body)


_sc_gathers = {eh: _make_sc_gather(eh) for eh in set(EB)}
_sc_scatters = {eh: _make_sc_scatter(eh) for eh in set(EB)}


def _node_body(*refs):
    u_ref = refs[0]
    nparts = len(EB)
    parts = refs[1:1 + nparts]
    wn1ut_ref, wn1at_ref, bn1_ref, woutt_ref, y_ref = refs[1 + nparts:]
    agg = parts[0][0] + parts[0][1]
    for p in parts[1:]:
        agg = agg + p[0] + p[1]
    v = (jnp.dot(u_ref[...], wn1ut_ref[...], preferred_element_type=f32)
         + jnp.dot(agg, wn1at_ref[...], preferred_element_type=f32)
         + bn1_ref[...])
    y_ref[...] = jnp.dot(v, woutt_ref[...], preferred_element_type=f32)


def _node(u, ps, wn1ut, wn1at, bn1, woutt):
    BN = 2000
    grid = (N // BN,)
    return pl.pallas_call(
        _node_body,
        grid=grid,
        in_specs=[pl.BlockSpec((BN, D), lambda i: (i, 0))]
        + [pl.BlockSpec((NC, BN, D), lambda i: (0, i, 0)) for _ in ps]
        + [
            pl.BlockSpec((D, D), lambda i: (0, 0)),
            pl.BlockSpec((D, D), lambda i: (0, 0)),
            pl.BlockSpec((1, D), lambda i: (0, 0)),
            pl.BlockSpec((D, D), lambda i: (0, 0)),
        ],
        out_specs=pl.BlockSpec((BN, D), lambda i: (i, 0)),
        out_shape=jax.ShapeDtypeStruct((N, D), f32),
    )(u, *ps, wn1ut, wn1at, bn1, woutt)


def kernel(x, pos, edge_index, W_in, W_e1, b_e1, W_e2, b_e2, W_n1, b_n1, W_out):
    offs = [0]
    for eh in EB:
        offs.append(offs[-1] + eh)
    srcs = [edge_index[0, offs[i]:offs[i + 1]].reshape(NW, EB[i] // NW // C, C)
            for i in range(len(EB))]
    dsts = [edge_index[1, offs[i]:offs[i + 1]].reshape(NW, EB[i] // NW // C, C)
            for i in range(len(EB))]
    posx = pos[:, 0]
    posy = pos[:, 1]
    posz = pos[:, 2]
    wd = W_e1[:, 2 * D].reshape(1, D)
    we2t = W_e2.T
    be2 = b_e2.reshape(1, D)

    u, a, b = _prep(x, W_in.T, W_e1[:, :D].T, W_e1[:, D:2 * D].T,
                    b_e1.reshape(1, D))
    zs = [_sc_gathers[EB[i]](a, b, posx, posy, posz, srcs[i], dsts[i])
          for i in range(len(EB))]
    ms = [_edge_mlp(zs[i][0], zs[i][1], wd, we2t, be2, EB[i])
          for i in range(len(EB))]
    zeros = jnp.zeros((NPAD, D), f32)
    ps = [_sc_scatters[EB[i]](ms[i], dsts[i], zeros) for i in range(len(EB))]
    y = _node(u, ps, W_n1[:, :D].T, W_n1[:, D:].T,
              b_n1.reshape(1, D), W_out.T)
    return (y, pos)

# --- scband reference (transcript-rebuilt; emitter-appended) ---
"""Pipeline reference for scband-deep-unrecorded-egnn-44796508897959 (READ-ONLY COPY).

The authoritative reference and input builder live on the scoring server;
editing this copy changes nothing except your own understanding.
"""

import jax, jax.numpy as jnp
import numpy as np

N = 10000
E = 320000
D = 128


def setup_inputs(seed: int = 0) -> dict:
    key = jax.random.key(seed)
    ks = jax.random.split(key, 12)
    x = jax.random.normal(ks[0], (N, D), dtype=jnp.float32)
    pos = jax.random.normal(ks[1], (N, 3), dtype=jnp.float32)
    edge_index = jax.random.randint(ks[2], (2, E), 0, N, dtype=jnp.int32)

    def lin(k, out_d, in_d):
        return jax.random.normal(k, (out_d, in_d), dtype=jnp.float32) * (1.0 / np.sqrt(in_d))

    # mix_in: Linear(d_in -> d_chan * channels), no bias (channels=1)
    W_in = lin(ks[3], D, D)
    # edge network: input = h_dst(128) + h_src(128) + dist(1) + edge_attr(0) = 257
    W_e1 = lin(ks[4], D, 2 * D + 1)
    b_e1 = jnp.zeros((D,), dtype=jnp.float32)
    W_e2 = lin(ks[5], D, D)
    b_e2 = jnp.zeros((D,), dtype=jnp.float32)
    # node network: input = h(128) + agg_msg(128) = 256 -> 128
    W_n1 = lin(ks[6], D, 2 * D)
    b_n1 = jnp.zeros((D,), dtype=jnp.float32)
    # mix_out: Linear(d_chan_out * channels -> d_out), no bias
    W_out = lin(ks[7], D, D)
    return {
        "x": x, "pos": pos, "edge_index": edge_index,
        "W_in": W_in, "W_e1": W_e1, "b_e1": b_e1,
        "W_e2": W_e2, "b_e2": b_e2, "W_n1": W_n1, "b_n1": b_n1,
        "W_out": W_out,
    }


def reference(x, pos, edge_index, W_in, W_e1, b_e1, W_e2, b_e2, W_n1, b_n1, W_out):
    # mix_in + chunk over channels (channels = 1)
    u = x @ W_in.T
    src = edge_index[0]
    dst = edge_index[1]
    # EGNN edge model: m_ij = phi_e(h_dst, h_src, ||pos_src - pos_dst||^2)
    rel = pos[src] - pos[dst]
    dist = jnp.sum(rel * rel, axis=-1, keepdims=True)  # num_encode=1 -> raw distances only
    m_in = jnp.concatenate([u[dst], u[src], dist], axis=-1)
    m = jax.nn.silu(m_in @ W_e1.T + b_e1)
    m = jax.nn.silu(m @ W_e2.T + b_e2)
    # aggregate messages per destination node (scatter-add / segment_sum)
    agg = jax.ops.segment_sum(m, dst, num_segments=N)
    # node update
    v = jnp.concatenate([u, agg], axis=-1) @ W_n1.T + b_n1
    # dims_pos=[] disables coordinate updates: pos_i = pos, pos_s/channels = pos
    pos_out = pos
    # dropout p=0 -> identity; concat of 1 channel -> v; mix_out
    y = v @ W_out.T
    return (y, pos_out)

if __name__ == "__main__":
    import jax
    _d = setup_inputs()
    print(jax.jit(kernel)(*tuple(_d.values())))

</pallas_src>

<mosaic_0001>
#map = affine_map<(d0, d1) -> (0, 0)>
#map1 = affine_map<(d0, d1) -> (0, 0, 0)>
module attributes {stable_mosaic.version = 14 : i64} {
  func.func @body(%arg0: i32, %arg1: i32, %arg2: memref<192000x128xf32, #tpu.memory_space<hbm>>, %arg3: memref<32x75x80xi32, #tpu.memory_space<hbm>>, %arg4: memref<10112x128xf32, #tpu.memory_space<hbm>>, %arg5: memref<2x10112x128xf32, #tpu.memory_space<hbm>>, %arg6: memref<75x80xi32, #tpu.memory_space<vmem>>, %arg7: memref<80x128xf32, #tpu.memory_space<vmem>>, %arg8: memref<80x128xf32, #tpu.memory_space<vmem>>, %arg9: memref<10112x128xf32, #tpu.memory_space<vmem_shared>>, %arg10: memref<!tpu.dma_semaphore, #tpu.memory_space<semaphore_mem>>, %arg11: memref<!tpu.dma_semaphore, #tpu.memory_space<semaphore_mem>>, %arg12: memref<!tpu.dma_semaphore, #tpu.memory_space<semaphore_mem>>, %arg13: memref<!tpu.dma_semaphore, #tpu.memory_space<semaphore_mem>>) attributes {dimension_semantics = [#tpu.dimension_semantics<core_parallel>, #tpu.dimension_semantics<subcore_parallel>], iteration_bounds = array<i64: 2, 16>, scalar_prefetch = 0 : i64, scratch_operands = 8 : i64, tpu.core_type = #tpu.core_type<sc_vector_subcore>, window_params = [{transform_indices = #map}, {transform_indices = #map1}, {transform_indices = #map}, {transform_indices = #map1}]} {
    %mul3A = arith.constant 2 : i32
    %mul3A_0 = arith.muli %arg1, %mul3A : i32
    %add3A = arith.addi %mul3A_0, %arg0 : i32
    "tpu.region"() ({
      %run_scoped3A = tpu.sem_alloc : memref<!tpu.dma_semaphore, #tpu.memory_space<semaphore_mem>>
      %dma_start3A_59 = arith.constant 0 : i32
      %dma_start3A_60 = arith.constant 0 : i32
      %dma_start3A_61 = tpu.memref_slice %arg3[%add3A, %dma_start3A_59, %dma_start3A_60] : memref<32x75x80xi32, #tpu.memory_space<hbm>> -> memref<1x75x80xi32, #tpu.memory_space<hbm>>
      %dma_start3A_62 = tpu.memref_squeeze %dma_start3A_61 : memref<1x75x80xi32, #tpu.memory_space<hbm>> -> memref<75x80xi32, #tpu.memory_space<hbm>>
      %dma_start3A_63 = arith.constant 0 : i32
      %dma_start3A_64 = arith.constant 0 : i32
      %dma_start3A_65 = tpu.memref_slice %arg3[%add3A, %dma_start3A_63, %dma_start3A_64] : memref<32x75x80xi32, #tpu.memory_space<hbm>> -> memref<1x75x80xi32, #tpu.memory_space<hbm>>
      %dma_start3A_66 = tpu.memref_squeeze %dma_start3A_65 : memref<1x75x80xi32, #tpu.memory_space<hbm>> -> memref<75x80xi32, #tpu.memory_space<hbm>>
      tpu.enqueue_dma source(%dma_start3A_66 : memref<75x80xi32, #tpu.memory_space<hbm>>) target(%arg6 : memref<75x80xi32, #tpu.memory_space<vmem>>) target_semaphore(%run_scoped3A : memref<!tpu.dma_semaphore, #tpu.memory_space<semaphore_mem>>)
      %dma_wait3A_67 = arith.constant 0 : i32
      %dma_wait3A_68 = arith.constant 0 : i32
      %dma_wait3A_69 = tpu.memref_slice %arg3[%add3A, %dma_wait3A_67, %dma_wait3A_68] : memref<32x75x80xi32, #tpu.memory_space<hbm>> -> memref<1x75x80xi32, #tpu.memory_space<hbm>>
      %dma_wait3A_70 = tpu.memref_squeeze %dma_wait3A_69 : memref<1x75x80xi32, #tpu.memory_space<hbm>> -> memref<75x80xi32, #tpu.memory_space<hbm>>
      %dma_wait3A_71 = arith.constant 0 : i32
      %dma_wait3A_72 = arith.constant 0 : i32
      %dma_wait3A_73 = tpu.memref_slice %arg3[%add3A, %dma_wait3A_71, %dma_wait3A_72] : memref<32x75x80xi32, #tpu.memory_space<hbm>> -> memref<1x75x80xi32, #tpu.memory_space<hbm>>
      %dma_wait3A_74 = tpu.memref_squeeze %dma_wait3A_73 : memref<1x75x80xi32, #tpu.memory_space<hbm>> -> memref<75x80xi32, #tpu.memory_space<hbm>>
      tpu.wait_dma2 semaphore(%run_scoped3A : memref<!tpu.dma_semaphore, #tpu.memory_space<semaphore_mem>>) src(%dma_wait3A_74 : memref<75x80xi32, #tpu.memory_space<hbm>>) dst(%arg6 : memref<75x80xi32, #tpu.memory_space<vmem>>)
      tpu.yield
    }) : () -> ()
    %mul3A_1 = arith.constant 632 : i32
    %mul3A_2 = arith.muli %arg1, %mul3A_1 : i32
    %mul3A_3 = arith.constant 632 : i32
    %mul3A_4 = arith.muli %arg1, %mul3A_3 : i32
    "tpu.region"() ({
      %run_scoped3A = tpu.sem_alloc : memref<!tpu.dma_semaphore, #tpu.memory_space<semaphore_mem>>
      %dma_start3A_59 = arith.constant 0 : i32
      %dma_start3A_60 = tpu.memref_slice %arg9[%mul3A_4, %dma_start3A_59] : memref<10112x128xf32, #tpu.memory_space<vmem_shared>> -> memref<632x128xf32, #tpu.memory_space<vmem_shared>>
      %dma_start3A_61 = arith.constant 0 : i32
      %dma_start3A_62 = tpu.memref_slice %arg4[%mul3A_2, %dma_start3A_61] : memref<10112x128xf32, #tpu.memory_space<hbm>> -> memref<632x128xf32, #tpu.memory_space<hbm>>
      tpu.enqueue_dma source(%dma_start3A_62 : memref<632x128xf32, #tpu.memory_space<hbm>>) target(%dma_start3A_60 : memref<632x128xf32, #tpu.memory_space<vmem_shared>>) target_semaphore(%run_scoped3A : memref<!tpu.dma_semaphore, #tpu.memory_space<semaphore_mem>>)
      %dma_wait3A_63 = arith.constant 0 : i32
      %dma_wait3A_64 = tpu.memref_slice %arg9[%mul3A_4, %dma_wait3A_63] : memref<10112x128xf32, #tpu.memory_space<vmem_shared>> -> memref<632x128xf32, #tpu.memory_space<vmem_shared>>
      %dma_wait3A_65 = arith.constant 0 : i32
      %dma_wait3A_66 = tpu.memref_slice %arg4[%mul3A_2, %dma_wait3A_65] : memref<10112x128xf32, #tpu.memory_space<hbm>> -> memref<632x128xf32, #tpu.memory_space<hbm>>
      tpu.wait_dma2 semaphore(%run_scoped3A : memref<!tpu.dma_semaphore, #tpu.memory_space<semaphore_mem>>) src(%dma_wait3A_66 : memref<632x128xf32, #tpu.memory_space<hbm>>) dst(%dma_wait3A_64 : memref<632x128xf32, #tpu.memory_space<vmem_shared>>)
      tpu.yield
    }) : () -> ()
    %barrier3A = arith.constant 0 : index
    tpu.barrier barrier_id(%barrier3A)
    %mul3A_5 = arith.constant 6000 : i32
    %mul3A_6 = arith.muli %add3A, %mul3A_5 : i32
    %add3A_7 = arith.constant 0 : i32
    %add3A_8 = arith.addi %mul3A_6, %add3A_7 : i32
    %dma_start3A = arith.constant 0 : i32
    %dma_start3A_9 = tpu.memref_slice %arg2[%add3A_8, %dma_start3A] : memref<192000x128xf32, #tpu.memory_space<hbm>> -> memref<80x128xf32, #tpu.memory_space<hbm>>
    %dma_start3A_10 = arith.constant 0 : i32
    %dma_start3A_11 = tpu.memref_slice %arg2[%add3A_8, %dma_start3A_10] : memref<192000x128xf32, #tpu.memory_space<hbm>> -> memref<80x128xf32, #tpu.memory_space<hbm>>
    tpu.enqueue_dma source(%dma_start3A_11 : memref<80x128xf32, #tpu.memory_space<hbm>>) target(%arg7 : memref<80x128xf32, #tpu.memory_space<vmem>>) target_semaphore(%arg10 : memref<!tpu.dma_semaphore, #tpu.memory_space<semaphore_mem>>)
    %mul3A_12 = arith.constant 6000 : i32
    %mul3A_13 = arith.muli %add3A, %mul3A_12 : i32
    %add3A_14 = arith.constant 80 : i32
    %add3A_15 = arith.addi %mul3A_13, %add3A_14 : i32
    %dma_start3A_16 = arith.constant 0 : i32
    %dma_start3A_17 = tpu.memref_slice %arg2[%add3A_15, %dma_start3A_16] : memref<192000x128xf32, #tpu.memory_space<hbm>> -> memref<80x128xf32, #tpu.memory_space<hbm>>
    %dma_start3A_18 = arith.constant 0 : i32
    %dma_start3A_19 = tpu.memref_slice %arg2[%add3A_15, %dma_start3A_18] : memref<192000x128xf32, #tpu.memory_space<hbm>> -> memref<80x128xf32, #tpu.memory_space<hbm>>
    tpu.enqueue_dma source(%dma_start3A_19 : memref<80x128xf32, #tpu.memory_space<hbm>>) target(%arg8 : memref<80x128xf32, #tpu.memory_space<vmem>>) target_semaphore(%arg11 : memref<!tpu.dma_semaphore, #tpu.memory_space<semaphore_mem>>)
    %scan3A = arith.constant 0 : i32
    %scan3A_20 = arith.constant 0 : i32
    %scan3A_21 = arith.constant 37 : i32
    %scan3A_22 = arith.addi %scan3A_20, %scan3A_21 : i32
    %scan3A_23 = arith.constant 1 : i32
    scf.for %scan3A_59 = %scan3A_20 to %scan3A_22 step %scan3A_23  : i32 {
      %mul3A_60 = arith.constant 2 : i32
      %mul3A_61 = arith.muli %mul3A_60, %scan3A_59 : i32
      %add3A_62 = arith.constant 1 : i32
      %add3A_63 = arith.addi %mul3A_61, %add3A_62 : i32
      %add3A_64 = arith.constant 2 : i32
      %add3A_65 = arith.addi %mul3A_61, %add3A_64 : i32
      %min3A = arith.constant 74 : i32
      %min3A_66 = arith.minsi %add3A_65, %min3A : i32
      %add3A_67 = arith.constant 2 : i32
      %add3A_68 = arith.addi %add3A_63, %add3A_67 : i32
      %min3A_69 = arith.constant 74 : i32
      %min3A_70 = arith.minsi %add3A_68, %min3A_69 : i32
      %mul3A_71 = arith.constant 6000 : i32
      %mul3A_72 = arith.muli %add3A, %mul3A_71 : i32
      %mul3A_73 = arith.constant 80 : i32
      %mul3A_74 = arith.muli %mul3A_61, %mul3A_73 : i32
      %add3A_75 = arith.addi %mul3A_72, %mul3A_74 : i32
      %dma_wait3A_76 = arith.constant 0 : i32
      %dma_wait3A_77 = tpu.memref_slice %arg2[%add3A_75, %dma_wait3A_76] : memref<192000x128xf32, #tpu.memory_space<hbm>> -> memref<80x128xf32, #tpu.memory_space<hbm>>
      %dma_wait3A_78 = arith.constant 0 : i32
      %dma_wait3A_79 = tpu.memref_slice %arg2[%add3A_75, %dma_wait3A_78] : memref<192000x128xf32, #tpu.memory_space<hbm>> -> memref<80x128xf32, #tpu.memory_space<hbm>>
      tpu.wait_dma2 semaphore(%arg10 : memref<!tpu.dma_semaphore, #tpu.memory_space<semaphore_mem>>) src(%dma_wait3A_79 : memref<80x128xf32, #tpu.memory_space<hbm>>) dst(%arg7 : memref<80x128xf32, #tpu.memory_space<vmem>>)
      %dma_start3A_80 = arith.constant 0 : i32
      %dma_start3A_81 = tpu.memref_slice %arg6[%mul3A_61, %dma_start3A_80] : memref<75x80xi32, #tpu.memory_space<vmem>> -> memref<1x80xi32, #tpu.memory_space<vmem>>
      %dma_start3A_82 = tpu.memref_squeeze %dma_start3A_81 : memref<1x80xi32, #tpu.memory_space<vmem>> -> memref<80xi32, #tpu.memory_space<vmem>>
      %dma_start3A_83 = arith.constant 0 : i32
      %dma_start3A_84 = arith.constant 0 : i32
      %dma_start3A_85 = tpu.memref_slice %arg9[%dma_start3A_83, %dma_start3A_84] : memref<10112x128xf32, #tpu.memory_space<vmem_shared>> -> memref<10112x128xf32, #tpu.memory_space<vmem_shared>>
      tpu.enqueue_indirect_dma source(%arg7 : memref<80x128xf32, #tpu.memory_space<vmem>>) target(%dma_start3A_85 : memref<10112x128xf32, #tpu.memory_space<vmem_shared>>) offsets(%dma_start3A_82 : memref<80xi32, #tpu.memory_space<vmem>>) semaphore(%arg12 : memref<!tpu.dma_semaphore, #tpu.memory_space<semaphore_mem>>) {add = true}
      %mul3A_86 = arith.constant 6000 : i32
      %mul3A_87 = arith.muli %add3A, %mul3A_86 : i32
      %mul3A_88 = arith.constant 80 : i32
      %mul3A_89 = arith.muli %add3A_63, %mul3A_88 : i32
      %add3A_90 = arith.addi %mul3A_87, %mul3A_89 : i32
      %dma_wait3A_91 = arith.constant 0 : i32
      %dma_wait3A_92 = tpu.memref_slice %arg2[%add3A_90, %dma_wait3A_91] : memref<192000x128xf32, #tpu.memory_space<hbm>> -> memref<80x128xf32, #tpu.memory_space<hbm>>
      %dma_wait3A_93 = arith.constant 0 : i32
      %dma_wait3A_94 = tpu.memref_slice %arg2[%add3A_90, %dma_wait3A_93] : memref<192000x128xf32, #tpu.memory_space<hbm>> -> memref<80x128xf32, #tpu.memory_space<hbm>>
      tpu.wait_dma2 semaphore(%arg11 : memref<!tpu.dma_semaphore, #tpu.memory_space<semaphore_mem>>) src(%dma_wait3A_94 : memref<80x128xf32, #tpu.memory_space<hbm>>) dst(%arg8 : memref<80x128xf32, #tpu.memory_space<vmem>>)
      %dma_start3A_95 = arith.constant 0 : i32
      %dma_start3A_96 = tpu.memref_slice %arg6[%add3A_63, %dma_start3A_95] : memref<75x80xi32, #tpu.memory_space<vmem>> -> memref<1x80xi32, #tpu.memory_space<vmem>>
      %dma_start3A_97 = tpu.memref_squeeze %dma_start3A_96 : memref<1x80xi32, #tpu.memory_space<vmem>> -> memref<80xi32, #tpu.memory_space<vmem>>
      %dma_start3A_98 = arith.constant 0 : i32
      %dma_start3A_99 = arith.constant 0 : i32
      %dma_start3A_100 = tpu.memref_slice %arg9[%dma_start3A_98, %dma_start3A_99] : memref<10112x128xf32, #tpu.memory_space<vmem_shared>> -> memref<10112x128xf32, #tpu.memory_space<vmem_shared>>
      tpu.enqueue_indirect_dma source(%arg8 : memref<80x128xf32, #tpu.memory_space<vmem>>) target(%dma_start3A_100 : memref<10112x128xf32, #tpu.memory_space<vmem_shared>>) offsets(%dma_start3A_97 : memref<80xi32, #tpu.memory_space<vmem>>) semaphore(%arg13 : memref<!tpu.dma_semaphore, #tpu.memory_space<semaphore_mem>>) {add = true}
      %dma_wait3A_101 = arith.constant 0 : i32
      %dma_wait3A_102 = tpu.memref_slice %arg6[%mul3A_61, %dma_wait3A_101] : memref<75x80xi32, #tpu.memory_space<vmem>> -> memref<1x80xi32, #tpu.memory_space<vmem>>
      %dma_wait3A_103 = tpu.memref_squeeze %dma_wait3A_102 : memref<1x80xi32, #tpu.memory_space<vmem>> -> memref<80xi32, #tpu.memory_space<vmem>>
      %dma_wait3A_104 = arith.constant 0 : i32
      %dma_wait3A_105 = arith.constant 0 : i32
      %dma_wait3A_106 = tpu.memref_slice %arg9[%dma_wait3A_104, %dma_wait3A_105] : memref<10112x128xf32, #tpu.memory_space<vmem_shared>> -> memref<10112x128xf32, #tpu.memory_space<vmem_shared>>
      tpu.wait_indirect_dma semaphore(%arg12 : memref<!tpu.dma_semaphore, #tpu.memory_space<semaphore_mem>>) src(%arg7 : memref<80x128xf32, #tpu.memory_space<vmem>>) dst(%dma_wait3A_106 : memref<10112x128xf32, #tpu.memory_space<vmem_shared>>)
      %mul3A_107 = arith.constant 6000 : i32
      %mul3A_108 = arith.muli %add3A, %mul3A_107 : i32
      %mul3A_109 = arith.constant 80 : i32
      %mul3A_110 = arith.muli %min3A_66, %mul3A_109 : i32
      %add3A_111 = arith.addi %mul3A_108, %mul3A_110 : i32
      %dma_start3A_112 = arith.constant 0 : i32
      %dma_start3A_113 = tpu.memref_slice %arg2[%add3A_111, %dma_start3A_112] : memref<192000x128xf32, #tpu.memory_space<hbm>> -> memref<80x128xf32, #tpu.memory_space<hbm>>
      %dma_start3A_114 = arith.constant 0 : i32
      %dma_start3A_115 = tpu.memref_slice %arg2[%add3A_111, %dma_start3A_114] : memref<192000x128xf32, #tpu.memory_space<hbm>> -> memref<80x128xf32, #tpu.memory_space<hbm>>
      tpu.enqueue_dma source(%dma_start3A_115 : memref<80x128xf32, #tpu.memory_space<hbm>>) target(%arg7 : memref<80x128xf32, #tpu.memory_space<vmem>>) target_semaphore(%arg10 : memref<!tpu.dma_semaphore, #tpu.memory_space<semaphore_mem>>)
      %dma_wait3A_116 = arith.constant 0 : i32
      %dma_wait3A_117 = tpu.memref_slice %arg6[%add3A_63, %dma_wait3A_116] : memref<75x80xi32, #tpu.memory_space<vmem>> -> memref<1x80xi32, #tpu.memory_space<vmem>>
      %dma_wait3A_118 = tpu.memref_squeeze %dma_wait3A_117 : memref<1x80xi32, #tpu.memory_space<vmem>> -> memref<80xi32, #tpu.memory_space<vmem>>
      %dma_wait3A_119 = arith.constant 0 : i32
      %dma_wait3A_120 = arith.constant 0 : i32
      %dma_wait3A_121 = tpu.memref_slice %arg9[%dma_wait3A_119, %dma_wait3A_120] : memref<10112x128xf32, #tpu.memory_space<vmem_shared>> -> memref<10112x128xf32, #tpu.memory_space<vmem_shared>>
      tpu.wait_indirect_dma semaphore(%arg13 : memref<!tpu.dma_semaphore, #tpu.memory_space<semaphore_mem>>) src(%arg8 : memref<80x128xf32, #tpu.memory_space<vmem>>) dst(%dma_wait3A_121 : memref<10112x128xf32, #tpu.memory_space<vmem_shared>>)
      %mul3A_122 = arith.constant 6000 : i32
      %mul3A_123 = arith.muli %add3A, %mul3A_122 : i32
      %mul3A_124 = arith.constant 80 : i32
      %mul3A_125 = arith.muli %min3A_70, %mul3A_124 : i32
      %add3A_126 = arith.addi %mul3A_123, %mul3A_125 : i32
      %dma_start3A_127 = arith.constant 0 : i32
      %dma_start3A_128 = tpu.memref_slice %arg2[%add3A_126, %dma_start3A_127] : memref<192000x128xf32, #tpu.memory_space<hbm>> -> memref<80x128xf32, #tpu.memory_space<hbm>>
      %dma_start3A_129 = arith.constant 0 : i32
      %dma_start3A_130 = tpu.memref_slice %arg2[%add3A_126, %dma_start3A_129] : memref<192000x128xf32, #tpu.memory_space<hbm>> -> memref<80x128xf32, #tpu.memory_space<hbm>>
      tpu.enqueue_dma source(%dma_start3A_130 : memref<80x128xf32, #tpu.memory_space<hbm>>) target(%arg8 : memref<80x128xf32, #tpu.memory_space<vmem>>) target_semaphore(%arg11 : memref<!tpu.dma_semaphore, #tpu.memory_space<semaphore_mem>>)
    }
    %scan3A_24 = arith.constant 37 : i32
    %mul3A_25 = arith.constant 6000 : i32
    %mul3A_26 = arith.muli %add3A, %mul3A_25 : i32
    %add3A_27 = arith.constant 5920 : i32
    %add3A_28 = arith.addi %mul3A_26, %add3A_27 : i32
    %dma_wait3A = arith.constant 0 : i32
    %dma_wait3A_29 = tpu.memref_slice %arg2[%add3A_28, %dma_wait3A] : memref<192000x128xf32, #tpu.memory_space<hbm>> -> memref<80x128xf32, #tpu.memory_space<hbm>>
    %dma_wait3A_30 = arith.constant 0 : i32
    %dma_wait3A_31 = tpu.memref_slice %arg2[%add3A_28, %dma_wait3A_30] : memref<192000x128xf32, #tpu.memory_space<hbm>> -> memref<80x128xf32, #tpu.memory_space<hbm>>
    tpu.wait_dma2 semaphore(%arg10 : memref<!tpu.dma_semaphore, #tpu.memory_space<semaphore_mem>>) src(%dma_wait3A_31 : memref<80x128xf32, #tpu.memory_space<hbm>>) dst(%arg7 : memref<80x128xf32, #tpu.memory_space<vmem>>)
    %dma_start3A_32 = arith.constant 74 : i32
    %dma_start3A_33 = arith.constant 0 : i32
    %dma_start3A_34 = tpu.memref_slice %arg6[%dma_start3A_32, %dma_start3A_33] : memref<75x80xi32, #tpu.memory_space<vmem>> -> memref<1x80xi32, #tpu.memory_space<vmem>>
    %dma_start3A_35 = tpu.memref_squeeze %dma_start3A_34 : memref<1x80xi32, #tpu.memory_space<vmem>> -> memref<80xi32, #tpu.memory_space<vmem>>
    %dma_start3A_36 = arith.constant 0 : i32
    %dma_start3A_37 = arith.constant 0 : i32
    %dma_start3A_38 = tpu.memref_slice %arg9[%dma_start3A_36, %dma_start3A_37] : memref<10112x128xf32, #tpu.memory_space<vmem_shared>> -> memref<10112x128xf32, #tpu.memory_space<vmem_shared>>
    tpu.enqueue_indirect_dma source(%arg7 : memref<80x128xf32, #tpu.memory_space<vmem>>) target(%dma_start3A_38 : memref<10112x128xf32, #tpu.memory_space<vmem_shared>>) offsets(%dma_start3A_35 : memref<80xi32, #tpu.memory_space<vmem>>) semaphore(%arg12 : memref<!tpu.dma_semaphore, #tpu.memory_space<semaphore_mem>>) {add = true}
    %mul3A_39 = arith.constant 6000 : i32
    %mul3A_40 = arith.muli %add3A, %mul3A_39 : i32
    %add3A_41 = arith.constant 5920 : i32
    %add3A_42 = arith.addi %mul3A_40, %add3A_41 : i32
    %dma_wait3A_43 = arith.constant 0 : i32
    %dma_wait3A_44 = tpu.memref_slice %arg2[%add3A_42, %dma_wait3A_43] : memref<192000x128xf32, #tpu.memory_space<hbm>> -> memref<80x128xf32, #tpu.memory_space<hbm>>
    %dma_wait3A_45 = arith.constant 0 : i32
    %dma_wait3A_46 = tpu.memref_slice %arg2[%add3A_42, %dma_wait3A_45] : memref<192000x128xf32, #tpu.memory_space<hbm>> -> memref<80x128xf32, #tpu.memory_space<hbm>>
    tpu.wait_dma2 semaphore(%arg11 : memref<!tpu.dma_semaphore, #tpu.memory_space<semaphore_mem>>) src(%dma_wait3A_46 : memref<80x128xf32, #tpu.memory_space<hbm>>) dst(%arg8 : memref<80x128xf32, #tpu.memory_space<vmem>>)
    %dma_wait3A_47 = arith.constant 74 : i32
    %dma_wait3A_48 = arith.constant 0 : i32
    %dma_wait3A_49 = tpu.memref_slice %arg6[%dma_wait3A_47, %dma_wait3A_48] : memref<75x80xi32, #tpu.memory_space<vmem>> -> memref<1x80xi32, #tpu.memory_space<vmem>>
    %dma_wait3A_50 = tpu.memref_squeeze %dma_wait3A_49 : memref<1x80xi32, #tpu.memory_space<vmem>> -> memref<80xi32, #tpu.memory_space<vmem>>
    %dma_wait3A_51 = arith.constant 0 : i32
    %dma_wait3A_52 = arith.constant 0 : i32
    %dma_wait3A_53 = tpu.memref_slice %arg9[%dma_wait3A_51, %dma_wait3A_52] : memref<10112x128xf32, #tpu.memory_space<vmem_shared>> -> memref<10112x128xf32, #tpu.memory_space<vmem_shared>>
    tpu.wait_indirect_dma semaphore(%arg12 : memref<!tpu.dma_semaphore, #tpu.memory_space<semaphore_mem>>) src(%arg7 : memref<80x128xf32, #tpu.memory_space<vmem>>) dst(%dma_wait3A_53 : memref<10112x128xf32, #tpu.memory_space<vmem_shared>>)
    %barrier3A_54 = arith.constant 0 : index
    tpu.barrier barrier_id(%barrier3A_54)
    %mul3A_55 = arith.constant 632 : i32
    %mul3A_56 = arith.muli %arg1, %mul3A_55 : i32
    %mul3A_57 = arith.constant 632 : i32
    %mul3A_58 = arith.muli %arg1, %mul3A_57 : i32
    "tpu.region"() ({
      %run_scoped3A = tpu.sem_alloc : memref<!tpu.dma_semaphore, #tpu.memory_space<semaphore_mem>>
      %dma_start3A_59 = arith.constant 0 : i32
      %dma_start3A_60 = tpu.memref_slice %arg5[%arg0, %mul3A_58, %dma_start3A_59] : memref<2x10112x128xf32, #tpu.memory_space<hbm>> -> memref<1x632x128xf32, #tpu.memory_space<hbm>>
      %dma_start3A_61 = tpu.memref_squeeze %dma_start3A_60 : memref<1x632x128xf32, #tpu.memory_space<hbm>> -> memref<632x128xf32, #tpu.memory_space<hbm>>
      %dma_start3A_62 = arith.constant 0 : i32
      %dma_start3A_63 = tpu.memref_slice %arg9[%mul3A_56, %dma_start3A_62] : memref<10112x128xf32, #tpu.memory_space<vmem_shared>> -> memref<632x128xf32, #tpu.memory_space<vmem_shared>>
      tpu.enqueue_dma source(%dma_start3A_63 : memref<632x128xf32, #tpu.memory_space<vmem_shared>>) target(%dma_start3A_61 : memref<632x128xf32, #tpu.memory_space<hbm>>) target_semaphore(%run_scoped3A : memref<!tpu.dma_semaphore, #tpu.memory_space<semaphore_mem>>)
      %dma_wait3A_64 = arith.constant 0 : i32
      %dma_wait3A_65 = tpu.memref_slice %arg5[%arg0, %mul3A_58, %dma_wait3A_64] : memref<2x10112x128xf32, #tpu.memory_space<hbm>> -> memref<1x632x128xf32, #tpu.memory_space<hbm>>
      %dma_wait3A_66 = tpu.memref_squeeze %dma_wait3A_65 : memref<1x632x128xf32, #tpu.memory_space<hbm>> -> memref<632x128xf32, #tpu.memory_space<hbm>>
      %dma_wait3A_67 = arith.constant 0 : i32
      %dma_wait3A_68 = tpu.memref_slice %arg9[%mul3A_56, %dma_wait3A_67] : memref<10112x128xf32, #tpu.memory_space<vmem_shared>> -> memref<632x128xf32, #tpu.memory_space<vmem_shared>>
      tpu.wait_dma2 semaphore(%run_scoped3A : memref<!tpu.dma_semaphore, #tpu.memory_space<semaphore_mem>>) src(%dma_wait3A_68 : memref<632x128xf32, #tpu.memory_space<vmem_shared>>) dst(%dma_wait3A_66 : memref<632x128xf32, #tpu.memory_space<hbm>>)
      tpu.yield
    }) : () -> ()
    return
  }
}

#map = affine_map<(d0, d1) -> (0, 0)>
#map1 = affine_map<(d0, d1) -> (0, 0, 0)>
module attributes {stable_mosaic.version = 14 : i64} {
  func.func @body(%arg0: i32, %arg1: i32, %arg2: memref<128000x128xf32, #tpu.memory_space<hbm>>, %arg3: memref<32x50x80xi32, #tpu.memory_space<hbm>>, %arg4: memref<10112x128xf32, #tpu.memory_space<hbm>>, %arg5: memref<2x10112x128xf32, #tpu.memory_space<hbm>>, %arg6: memref<50x80xi32, #tpu.memory_space<vmem>>, %arg7: memref<80x128xf32, #tpu.memory_space<vmem>>, %arg8: memref<80x128xf32, #tpu.memory_space<vmem>>, %arg9: memref<10112x128xf32, #tpu.memory_space<vmem_shared>>, %arg10: memref<!tpu.dma_semaphore, #tpu.memory_space<semaphore_mem>>, %arg11: memref<!tpu.dma_semaphore, #tpu.memory_space<semaphore_mem>>, %arg12: memref<!tpu.dma_semaphore, #tpu.memory_space<semaphore_mem>>, %arg13: memref<!tpu.dma_semaphore, #tpu.memory_space<semaphore_mem>>) attributes {dimension_semantics = [#tpu.dimension_semantics<core_parallel>, #tpu.dimension_semantics<subcore_parallel>], iteration_bounds = array<i64: 2, 16>, scalar_prefetch = 0 : i64, scratch_operands = 8 : i64, tpu.core_type = #tpu.core_type<sc_vector_subcore>, window_params = [{transform_indices = #map}, {transform_indices = #map1}, {transform_indices = #map}, {transform_indices = #map1}]} {
    %mul3A = arith.constant 2 : i32
    %mul3A_0 = arith.muli %arg1, %mul3A : i32
    %add3A = arith.addi %mul3A_0, %arg0 : i32
    "tpu.region"() ({
      %run_scoped3A = tpu.sem_alloc : memref<!tpu.dma_semaphore, #tpu.memory_space<semaphore_mem>>
      %dma_start3A_73 = arith.constant 0 : i32
      %dma_start3A_74 = arith.constant 0 : i32
      %dma_start3A_75 = tpu.memref_slice %arg3[%add3A, %dma_start3A_73, %dma_start3A_74] : memref<32x50x80xi32, #tpu.memory_space<hbm>> -> memref<1x50x80xi32, #tpu.memory_space<hbm>>
      %dma_start3A_76 = tpu.memref_squeeze %dma_start3A_75 : memref<1x50x80xi32, #tpu.memory_space<hbm>> -> memref<50x80xi32, #tpu.memory_space<hbm>>
      %dma_start3A_77 = arith.constant 0 : i32
      %dma_start3A_78 = arith.constant 0 : i32
      %dma_start3A_79 = tpu.memref_slice %arg3[%add3A, %dma_start3A_77, %dma_start3A_78] : memref<32x50x80xi32, #tpu.memory_space<hbm>> -> memref<1x50x80xi32, #tpu.memory_space<hbm>>
      %dma_start3A_80 = tpu.memref_squeeze %dma_start3A_79 : memref<1x50x80xi32, #tpu.memory_space<hbm>> -> memref<50x80xi32, #tpu.memory_space<hbm>>
      tpu.enqueue_dma source(%dma_start3A_80 : memref<50x80xi32, #tpu.memory_space<hbm>>) target(%arg6 : memref<50x80xi32, #tpu.memory_space<vmem>>) target_semaphore(%run_scoped3A : memref<!tpu.dma_semaphore, #tpu.memory_space<semaphore_mem>>)
      %dma_wait3A_81 = arith.constant 0 : i32
      %dma_wait3A_82 = arith.constant 0 : i32
      %dma_wait3A_83 = tpu.memref_slice %arg3[%add3A, %dma_wait3A_81, %dma_wait3A_82] : memref<32x50x80xi32, #tpu.memory_space<hbm>> -> memref<1x50x80xi32, #tpu.memory_space<hbm>>
      %dma_wait3A_84 = tpu.memref_squeeze %dma_wait3A_83 : memref<1x50x80xi32, #tpu.memory_space<hbm>> -> memref<50x80xi32, #tpu.memory_space<hbm>>
      %dma_wait3A_85 = arith.constant 0 : i32
      %dma_wait3A_86 = arith.constant 0 : i32
      %dma_wait3A_87 = tpu.memref_slice %arg3[%add3A, %dma_wait3A_85, %dma_wait3A_86] : memref<32x50x80xi32, #tpu.memory_space<hbm>> -> memref<1x50x80xi32, #tpu.memory_space<hbm>>
      %dma_wait3A_88 = tpu.memref_squeeze %dma_wait3A_87 : memref<1x50x80xi32, #tpu.memory_space<hbm>> -> memref<50x80xi32, #tpu.memory_space<hbm>>
      tpu.wait_dma2 semaphore(%run_scoped3A : memref<!tpu.dma_semaphore, #tpu.memory_space<semaphore_mem>>) src(%dma_wait3A_88 : memref<50x80xi32, #tpu.memory_space<hbm>>) dst(%arg6 : memref<50x80xi32, #tpu.memory_space<vmem>>)
      tpu.yield
    }) : () -> ()
    %mul3A_1 = arith.constant 632 : i32
    %mul3A_2 = arith.muli %arg1, %mul3A_1 : i32
    %mul3A_3 = arith.constant 632 : i32
    %mul3A_4 = arith.muli %arg1, %mul3A_3 : i32
    "tpu.region"() ({
      %run_scoped3A = tpu.sem_alloc : memref<!tpu.dma_semaphore, #tpu.memory_space<semaphore_mem>>
      %dma_start3A_73 = arith.constant 0 : i32
      %dma_start3A_74 = tpu.memref_slice %arg9[%mul3A_4, %dma_start3A_73] : memref<10112x128xf32, #tpu.memory_space<vmem_shared>> -> memref<632x128xf32, #tpu.memory_space<vmem_shared>>
      %dma_start3A_75 = arith.constant 0 : i32
      %dma_start3A_76 = tpu.memref_slice %arg4[%mul3A_2, %dma_start3A_75] : memref<10112x128xf32, #tpu.memory_space<hbm>> -> memref<632x128xf32, #tpu.memory_space<hbm>>
      tpu.enqueue_dma source(%dma_start3A_76 : memref<632x128xf32, #tpu.memory_space<hbm>>) target(%dma_start3A_74 : memref<632x128xf32, #tpu.memory_space<vmem_shared>>) target_semaphore(%run_scoped3A : memref<!tpu.dma_semaphore, #tpu.memory_space<semaphore_mem>>)
      %dma_wait3A_77 = arith.constant 0 : i32
      %dma_wait3A_78 = tpu.memref_slice %arg9[%mul3A_4, %dma_wait3A_77] : memref<10112x128xf32, #tpu.memory_space<vmem_shared>> -> memref<632x128xf32, #tpu.memory_space<vmem_shared>>
      %dma_wait3A_79 = arith.constant 0 : i32
      %dma_wait3A_80 = tpu.memref_slice %arg4[%mul3A_2, %dma_wait3A_79] : memref<10112x128xf32, #tpu.memory_space<hbm>> -> memref<632x128xf32, #tpu.memory_space<hbm>>
      tpu.wait_dma2 semaphore(%run_scoped3A : memref<!tpu.dma_semaphore, #tpu.memory_space<semaphore_mem>>) src(%dma_wait3A_80 : memref<632x128xf32, #tpu.memory_space<hbm>>) dst(%dma_wait3A_78 : memref<632x128xf32, #tpu.memory_space<vmem_shared>>)
      tpu.yield
    }) : () -> ()
    %barrier3A = arith.constant 0 : index
    tpu.barrier barrier_id(%barrier3A)
    %mul3A_5 = arith.constant 4000 : i32
    %mul3A_6 = arith.muli %add3A, %mul3A_5 : i32
    %add3A_7 = arith.constant 0 : i32
    %add3A_8 = arith.addi %mul3A_6, %add3A_7 : i32
    %dma_start3A = arith.constant 0 : i32
    %dma_start3A_9 = tpu.memref_slice %arg2[%add3A_8, %dma_start3A] : memref<128000x128xf32, #tpu.memory_space<hbm>> -> memref<80x128xf32, #tpu.memory_space<hbm>>
    %dma_start3A_10 = arith.constant 0 : i32
    %dma_start3A_11 = tpu.memref_slice %arg2[%add3A_8, %dma_start3A_10] : memref<128000x128xf32, #tpu.memory_space<hbm>> -> memref<80x128xf32, #tpu.memory_space<hbm>>
    tpu.enqueue_dma source(%dma_start3A_11 : memref<80x128xf32, #tpu.memory_space<hbm>>) target(%arg7 : memref<80x128xf32, #tpu.memory_space<vmem>>) target_semaphore(%arg10 : memref<!tpu.dma_semaphore, #tpu.memory_space<semaphore_mem>>)
    %mul3A_12 = arith.constant 4000 : i32
    %mul3A_13 = arith.muli %add3A, %mul3A_12 : i32
    %add3A_14 = arith.constant 80 : i32
    %add3A_15 = arith.addi %mul3A_13, %add3A_14 : i32
    %dma_start3A_16 = arith.constant 0 : i32
    %dma_start3A_17 = tpu.memref_slice %arg2[%add3A_15, %dma_start3A_16] : memref<128000x128xf32, #tpu.memory_space<hbm>> -> memref<80x128xf32, #tpu.memory_space<hbm>>
    %dma_start3A_18 = arith.constant 0 : i32
    %dma_start3A_19 = tpu.memref_slice %arg2[%add3A_15, %dma_start3A_18] : memref<128000x128xf32, #tpu.memory_space<hbm>> -> memref<80x128xf32, #tpu.memory_space<hbm>>
    tpu.enqueue_dma source(%dma_start3A_19 : memref<80x128xf32, #tpu.memory_space<hbm>>) target(%arg8 : memref<80x128xf32, #tpu.memory_space<vmem>>) target_semaphore(%arg11 : memref<!tpu.dma_semaphore, #tpu.memory_space<semaphore_mem>>)
    %scan3A = arith.constant 0 : i32
    %scan3A_20 = arith.constant 0 : i32
    %scan3A_21 = arith.constant 24 : i32
    %scan3A_22 = arith.addi %scan3A_20, %scan3A_21 : i32
    %scan3A_23 = arith.constant 1 : i32
    scf.for %scan3A_73 = %scan3A_20 to %scan3A_22 step %scan3A_23  : i32 {
      %mul3A_74 = arith.constant 2 : i32
      %mul3A_75 = arith.muli %mul3A_74, %scan3A_73 : i32
      %add3A_76 = arith.constant 1 : i32
      %add3A_77 = arith.addi %mul3A_75, %add3A_76 : i32
      %add3A_78 = arith.constant 2 : i32
      %add3A_79 = arith.addi %mul3A_75, %add3A_78 : i32
      %min3A = arith.constant 49 : i32
      %min3A_80 = arith.minsi %add3A_79, %min3A : i32
      %add3A_81 = arith.constant 2 : i32
      %add3A_82 = arith.addi %add3A_77, %add3A_81 : i32
      %min3A_83 = arith.constant 49 : i32
      %min3A_84 = arith.minsi %add3A_82, %min3A_83 : i32
      %mul3A_85 = arith.constant 4000 : i32
      %mul3A_86 = arith.muli %add3A, %mul3A_85 : i32
      %mul3A_87 = arith.constant 80 : i32
      %mul3A_88 = arith.muli %mul3A_75, %mul3A_87 : i32
      %add3A_89 = arith.addi %mul3A_86, %mul3A_88 : i32
      %dma_wait3A_90 = arith.constant 0 : i32
      %dma_wait3A_91 = tpu.memref_slice %arg2[%add3A_89, %dma_wait3A_90] : memref<128000x128xf32, #tpu.memory_space<hbm>> -> memref<80x128xf32, #tpu.memory_space<hbm>>
      %dma_wait3A_92 = arith.constant 0 : i32
      %dma_wait3A_93 = tpu.memref_slice %arg2[%add3A_89, %dma_wait3A_92] : memref<128000x128xf32, #tpu.memory_space<hbm>> -> memref<80x128xf32, #tpu.memory_space<hbm>>
      tpu.wait_dma2 semaphore(%arg10 : memref<!tpu.dma_semaphore, #tpu.memory_space<semaphore_mem>>) src(%dma_wait3A_93 : memref<80x128xf32, #tpu.memory_space<hbm>>) dst(%arg7 : memref<80x128xf32, #tpu.memory_space<vmem>>)
      %dma_start3A_94 = arith.constant 0 : i32
      %dma_start3A_95 = tpu.memref_slice %arg6[%mul3A_75, %dma_start3A_94] : memref<50x80xi32, #tpu.memory_space<vmem>> -> memref<1x80xi32, #tpu.memory_space<vmem>>
      %dma_start3A_96 = tpu.memref_squeeze %dma_start3A_95 : memref<1x80xi32, #tpu.memory_space<vmem>> -> memref<80xi32, #tpu.memory_space<vmem>>
      %dma_start3A_97 = arith.constant 0 : i32
      %dma_start3A_98 = arith.constant 0 : i32
      %dma_start3A_99 = tpu.memref_slice %arg9[%dma_start3A_97, %dma_start3A_98] : memref<10112x128xf32, #tpu.memory_space<vmem_shared>> -> memref<10112x128xf32, #tpu.memory_space<vmem_shared>>
      tpu.enqueue_indirect_dma source(%arg7 : memref<80x128xf32, #tpu.memory_space<vmem>>) target(%dma_start3A_99 : memref<10112x128xf32, #tpu.memory_space<vmem_shared>>) offsets(%dma_start3A_96 : memref<80xi32, #tpu.memory_space<vmem>>) semaphore(%arg12 : memref<!tpu.dma_semaphore, #tpu.memory_space<semaphore_mem>>) {add = true}
      %mul3A_100 = arith.constant 4000 : i32
      %mul3A_101 = arith.muli %add3A, %mul3A_100 : i32
      %mul3A_102 = arith.constant 80 : i32
      %mul3A_103 = arith.muli %add3A_77, %mul3A_102 : i32
      %add3A_104 = arith.addi %mul3A_101, %mul3A_103 : i32
      %dma_wait3A_105 = arith.constant 0 : i32
      %dma_wait3A_106 = tpu.memref_slice %arg2[%add3A_104, %dma_wait3A_105] : memref<128000x128xf32, #tpu.memory_space<hbm>> -> memref<80x128xf32, #tpu.memory_space<hbm>>
      %dma_wait3A_107 = arith.constant 0 : i32
      %dma_wait3A_108 = tpu.memref_slice %arg2[%add3A_104, %dma_wait3A_107] : memref<128000x128xf32, #tpu.memory_space<hbm>> -> memref<80x128xf32, #tpu.memory_space<hbm>>
      tpu.wait_dma2 semaphore(%arg11 : memref<!tpu.dma_semaphore, #tpu.memory_space<semaphore_mem>>) src(%dma_wait3A_108 : memref<80x128xf32, #tpu.memory_space<hbm>>) dst(%arg8 : memref<80x128xf32, #tpu.memory_space<vmem>>)
      %dma_start3A_109 = arith.constant 0 : i32
      %dma_start3A_110 = tpu.memref_slice %arg6[%add3A_77, %dma_start3A_109] : memref<50x80xi32, #tpu.memory_space<vmem>> -> memref<1x80xi32, #tpu.memory_space<vmem>>
      %dma_start3A_111 = tpu.memref_squeeze %dma_start3A_110 : memref<1x80xi32, #tpu.memory_space<vmem>> -> memref<80xi32, #tpu.memory_space<vmem>>
      %dma_start3A_112 = arith.constant 0 : i32
      %dma_start3A_113 = arith.constant 0 : i32
      %dma_start3A_114 = tpu.memref_slice %arg9[%dma_start3A_112, %dma_start3A_113] : memref<10112x128xf32, #tpu.memory_space<vmem_shared>> -> memref<10112x128xf32, #tpu.memory_space<vmem_shared>>
      tpu.enqueue_indirect_dma source(%arg8 : memref<80x128xf32, #tpu.memory_space<vmem>>) target(%dma_start3A_114 : memref<10112x128xf32, #tpu.memory_space<vmem_shared>>) offsets(%dma_start3A_111 : memref<80xi32, #tpu.memory_space<vmem>>) semaphore(%arg13 : memref<!tpu.dma_semaphore, #tpu.memory_space<semaphore_mem>>) {add = true}
      %dma_wait3A_115 = arith.constant 0 : i32
      %dma_wait3A_116 = tpu.memref_slice %arg6[%mul3A_75, %dma_wait3A_115] : memref<50x80xi32, #tpu.memory_space<vmem>> -> memref<1x80xi32, #tpu.memory_space<vmem>>
      %dma_wait3A_117 = tpu.memref_squeeze %dma_wait3A_116 : memref<1x80xi32, #tpu.memory_space<vmem>> -> memref<80xi32, #tpu.memory_space<vmem>>
      %dma_wait3A_118 = arith.constant 0 : i32
      %dma_wait3A_119 = arith.constant 0 : i32
      %dma_wait3A_120 = tpu.memref_slice %arg9[%dma_wait3A_118, %dma_wait3A_119] : memref<10112x128xf32, #tpu.memory_space<vmem_shared>> -> memref<10112x128xf32, #tpu.memory_space<vmem_shared>>
      tpu.wait_indirect_dma semaphore(%arg12 : memref<!tpu.dma_semaphore, #tpu.memory_space<semaphore_mem>>) src(%arg7 : memref<80x128xf32, #tpu.memory_space<vmem>>) dst(%dma_wait3A_120 : memref<10112x128xf32, #tpu.memory_space<vmem_shared>>)
      %mul3A_121 = arith.constant 4000 : i32
      %mul3A_122 = arith.muli %add3A, %mul3A_121 : i32
      %mul3A_123 = arith.constant 80 : i32
      %mul3A_124 = arith.muli %min3A_80, %mul3A_123 : i32
      %add3A_125 = arith.addi %mul3A_122, %mul3A_124 : i32
      %dma_start3A_126 = arith.constant 0 : i32
      %dma_start3A_127 = tpu.memref_slice %arg2[%add3A_125, %dma_start3A_126] : memref<128000x128xf32, #tpu.memory_space<hbm>> -> memref<80x128xf32, #tpu.memory_space<hbm>>
      %dma_start3A_128 = arith.constant 0 : i32
      %dma_start3A_129 = tpu.memref_slice %arg2[%add3A_125, %dma_start3A_128] : memref<128000x128xf32, #tpu.memory_space<hbm>> -> memref<80x128xf32, #tpu.memory_space<hbm>>
      tpu.enqueue_dma source(%dma_start3A_129 : memref<80x128xf32, #tpu.memory_space<hbm>>) target(%arg7 : memref<80x128xf32, #tpu.memory_space<vmem>>) target_semaphore(%arg10 : memref<!tpu.dma_semaphore, #tpu.memory_space<semaphore_mem>>)
      %dma_wait3A_130 = arith.constant 0 : i32
      %dma_wait3A_131 = tpu.memref_slice %arg6[%add3A_77, %dma_wait3A_130] : memref<50x80xi32, #tpu.memory_space<vmem>> -> memref<1x80xi32, #tpu.memory_space<vmem>>
      %dma_wait3A_132 = tpu.memref_squeeze %dma_wait3A_131 : memref<1x80xi32, #tpu.memory_space<vmem>> -> memref<80xi32, #tpu.memory_space<vmem>>
      %dma_wait3A_133 = arith.constant 0 : i32
      %dma_wait3A_134 = arith.constant 0 : i32
      %dma_wait3A_135 = tpu.memref_slice %arg9[%dma_wait3A_133, %dma_wait3A_134] : memref<10112x128xf32, #tpu.memory_space<vmem_shared>> -> memref<10112x128xf32, #tpu.memory_space<vmem_shared>>
      tpu.wait_indirect_dma semaphore(%arg13 : memref<!tpu.dma_semaphore, #tpu.memory_space<semaphore_mem>>) src(%arg8 : memref<80x128xf32, #tpu.memory_space<vmem>>) dst(%dma_wait3A_135 : memref<10112x128xf32, #tpu.memory_space<vmem_shared>>)
      %mul3A_136 = arith.constant 4000 : i32
      %mul3A_137 = arith.muli %add3A, %mul3A_136 : i32
      %mul3A_138 = arith.constant 80 : i32
      %mul3A_139 = arith.muli %min3A_84, %mul3A_138 : i32
      %add3A_140 = arith.addi %mul3A_137, %mul3A_139 : i32
      %dma_start3A_141 = arith.constant 0 : i32
      %dma_start3A_142 = tpu.memref_slice %arg2[%add3A_140, %dma_start3A_141] : memref<128000x128xf32, #tpu.memory_space<hbm>> -> memref<80x128xf32, #tpu.memory_space<hbm>>
      %dma_start3A_143 = arith.constant 0 : i32
      %dma_start3A_144 = tpu.memref_slice %arg2[%add3A_140, %dma_start3A_143] : memref<128000x128xf32, #tpu.memory_space<hbm>> -> memref<80x128xf32, #tpu.memory_space<hbm>>
      tpu.enqueue_dma source(%dma_start3A_144 : memref<80x128xf32, #tpu.memory_space<hbm>>) target(%arg8 : memref<80x128xf32, #tpu.memory_space<vmem>>) target_semaphore(%arg11 : memref<!tpu.dma_semaphore, #tpu.memory_space<semaphore_mem>>)
    }
    %scan3A_24 = arith.constant 24 : i32
    %mul3A_25 = arith.constant 4000 : i32
    %mul3A_26 = arith.muli %add3A, %mul3A_25 : i32
    %add3A_27 = arith.constant 3840 : i32
    %add3A_28 = arith.addi %mul3A_26, %add3A_27 : i32
    %dma_wait3A = arith.constant 0 : i32
    %dma_wait3A_29 = tpu.memref_slice %arg2[%add3A_28, %dma_wait3A] : memref<128000x128xf32, #tpu.memory_space<hbm>> -> memref<80x128xf32, #tpu.memory_space<hbm>>
    %dma_wait3A_30 = arith.constant 0 : i32
    %dma_wait3A_31 = tpu.memref_slice %arg2[%add3A_28, %dma_wait3A_30] : memref<128000x128xf32, #tpu.memory_space<hbm>> -> memref<80x128xf32, #tpu.memory_space<hbm>>
    tpu.wait_dma2 semaphore(%arg10 : memref<!tpu.dma_semaphore, #tpu.memory_space<semaphore_mem>>) src(%dma_wait3A_31 : memref<80x128xf32, #tpu.memory_space<hbm>>) dst(%arg7 : memref<80x128xf32, #tpu.memory_space<vmem>>)
    %dma_start3A_32 = arith.constant 48 : i32
    %dma_start3A_33 = arith.constant 0 : i32
    %dma_start3A_34 = tpu.memref_slice %arg6[%dma_start3A_32, %dma_start3A_33] : memref<50x80xi32, #tpu.memory_space<vmem>> -> memref<1x80xi32, #tpu.memory_space<vmem>>
    %dma_start3A_35 = tpu.memref_squeeze %dma_start3A_34 : memref<1x80xi32, #tpu.memory_space<vmem>> -> memref<80xi32, #tpu.memory_space<vmem>>
    %dma_start3A_36 = arith.constant 0 : i32
    %dma_start3A_37 = arith.constant 0 : i32
    %dma_start3A_38 = tpu.memref_slice %arg9[%dma_start3A_36, %dma_start3A_37] : memref<10112x128xf32, #tpu.memory_space<vmem_shared>> -> memref<10112x128xf32, #tpu.memory_space<vmem_shared>>
    tpu.enqueue_indirect_dma source(%arg7 : memref<80x128xf32, #tpu.memory_space<vmem>>) target(%dma_start3A_38 : memref<10112x128xf32, #tpu.memory_space<vmem_shared>>) offsets(%dma_start3A_35 : memref<80xi32, #tpu.memory_space<vmem>>) semaphore(%arg12 : memref<!tpu.dma_semaphore, #tpu.memory_space<semaphore_mem>>) {add = true}
    %mul3A_39 = arith.constant 4000 : i32
    %mul3A_40 = arith.muli %add3A, %mul3A_39 : i32
    %add3A_41 = arith.constant 3920 : i32
    %add3A_42 = arith.addi %mul3A_40, %add3A_41 : i32
    %dma_wait3A_43 = arith.constant 0 : i32
    %dma_wait3A_44 = tpu.memref_slice %arg2[%add3A_42, %dma_wait3A_43] : memref<128000x128xf32, #tpu.memory_space<hbm>> -> memref<80x128xf32, #tpu.memory_space<hbm>>
    %dma_wait3A_45 = arith.constant 0 : i32
    %dma_wait3A_46 = tpu.memref_slice %arg2[%add3A_42, %dma_wait3A_45] : memref<128000x128xf32, #tpu.memory_space<hbm>> -> memref<80x128xf32, #tpu.memory_space<hbm>>
    tpu.wait_dma2 semaphore(%arg11 : memref<!tpu.dma_semaphore, #tpu.memory_space<semaphore_mem>>) src(%dma_wait3A_46 : memref<80x128xf32, #tpu.memory_space<hbm>>) dst(%arg8 : memref<80x128xf32, #tpu.memory_space<vmem>>)
    %dma_start3A_47 = arith.constant 49 : i32
    %dma_start3A_48 = arith.constant 0 : i32
    %dma_start3A_49 = tpu.memref_slice %arg6[%dma_start3A_47, %dma_start3A_48] : memref<50x80xi32, #tpu.memory_space<vmem>> -> memref<1x80xi32, #tpu.memory_space<vmem>>
    %dma_start3A_50 = tpu.memref_squeeze %dma_start3A_49 : memref<1x80xi32, #tpu.memory_space<vmem>> -> memref<80xi32, #tpu.memory_space<vmem>>
    %dma_start3A_51 = arith.constant 0 : i32
    %dma_start3A_52 = arith.constant 0 : i32
    %dma_start3A_53 = tpu.memref_slice %arg9[%dma_start3A_51, %dma_start3A_52] : memref<10112x128xf32, #tpu.memory_space<vmem_shared>> -> memref<10112x128xf32, #tpu.memory_space<vmem_shared>>
    tpu.enqueue_indirect_dma source(%arg8 : memref<80x128xf32, #tpu.memory_space<vmem>>) target(%dma_start3A_53 : memref<10112x128xf32, #tpu.memory_space<vmem_shared>>) offsets(%dma_start3A_50 : memref<80xi32, #tpu.memory_space<vmem>>) semaphore(%arg13 : memref<!tpu.dma_semaphore, #tpu.memory_space<semaphore_mem>>) {add = true}
    %dma_wait3A_54 = arith.constant 48 : i32
    %dma_wait3A_55 = arith.constant 0 : i32
    %dma_wait3A_56 = tpu.memref_slice %arg6[%dma_wait3A_54, %dma_wait3A_55] : memref<50x80xi32, #tpu.memory_space<vmem>> -> memref<1x80xi32, #tpu.memory_space<vmem>>
    %dma_wait3A_57 = tpu.memref_squeeze %dma_wait3A_56 : memref<1x80xi32, #tpu.memory_space<vmem>> -> memref<80xi32, #tpu.memory_space<vmem>>
    %dma_wait3A_58 = arith.constant 0 : i32
    %dma_wait3A_59 = arith.constant 0 : i32
    %dma_wait3A_60 = tpu.memref_slice %arg9[%dma_wait3A_58, %dma_wait3A_59] : memref<10112x128xf32, #tpu.memory_space<vmem_shared>> -> memref<10112x128xf32, #tpu.memory_space<vmem_shared>>
    tpu.wait_indirect_dma semaphore(%arg12 : memref<!tpu.dma_semaphore, #tpu.memory_space<semaphore_mem>>) src(%arg7 : memref<80x128xf32, #tpu.memory_space<vmem>>) dst(%dma_wait3A_60 : memref<10112x128xf32, #tpu.memory_space<vmem_shared>>)
    %dma_wait3A_61 = arith.constant 49 : i32
    %dma_wait3A_62 = arith.constant 0 : i32
    %dma_wait3A_63 = tpu.memref_slice %arg6[%dma_wait3A_61, %dma_wait3A_62] : memref<50x80xi32, #tpu.memory_space<vmem>> -> memref<1x80xi32, #tpu.memory_space<vmem>>
    %dma_wait3A_64 = tpu.memref_squeeze %dma_wait3A_63 : memref<1x80xi32, #tpu.memory_space<vmem>> -> memref<80xi32, #tpu.memory_space<vmem>>
    %dma_wait3A_65 = arith.constant 0 : i32
    %dma_wait3A_66 = arith.constant 0 : i32
    %dma_wait3A_67 = tpu.memref_slice %arg9[%dma_wait3A_65, %dma_wait3A_66] : memref<10112x128xf32, #tpu.memory_space<vmem_shared>> -> memref<10112x128xf32, #tpu.memory_space<vmem_shared>>
    tpu.wait_indirect_dma semaphore(%arg13 : memref<!tpu.dma_semaphore, #tpu.memory_space<semaphore_mem>>) src(%arg8 : memref<80x128xf32, #tpu.memory_space<vmem>>) dst(%dma_wait3A_67 : memref<10112x128xf32, #tpu.memory_space<vmem_shared>>)
    %barrier3A_68 = arith.constant 0 : index
    tpu.barrier barrier_id(%barrier3A_68)
    %mul3A_69 = arith.constant 632 : i32
    %mul3A_70 = arith.muli %arg1, %mul3A_69 : i32
    %mul3A_71 = arith.constant 632 : i32
    %mul3A_72 = arith.muli %arg1, %mul3A_71 : i32
    "tpu.region"() ({
      %run_scoped3A = tpu.sem_alloc : memref<!tpu.dma_semaphore, #tpu.memory_space<semaphore_mem>>
      %dma_start3A_73 = arith.constant 0 : i32
      %dma_start3A_74 = tpu.memref_slice %arg5[%arg0, %mul3A_72, %dma_start3A_73] : memref<2x10112x128xf32, #tpu.memory_space<hbm>> -> memref<1x632x128xf32, #tpu.memory_space<hbm>>
      %dma_start3A_75 = tpu.memref_squeeze %dma_start3A_74 : memref<1x632x128xf32, #tpu.memory_space<hbm>> -> memref<632x128xf32, #tpu.memory_space<hbm>>
      %dma_start3A_76 = arith.constant 0 : i32
      %dma_start3A_77 = tpu.memref_slice %arg9[%mul3A_70, %dma_start3A_76] : memref<10112x128xf32, #tpu.memory_space<vmem_shared>> -> memref<632x128xf32, #tpu.memory_space<vmem_shared>>
      tpu.enqueue_dma source(%dma_start3A_77 : memref<632x128xf32, #tpu.memory_space<vmem_shared>>) target(%dma_start3A_75 : memref<632x128xf32, #tpu.memory_space<hbm>>) target_semaphore(%run_scoped3A : memref<!tpu.dma_semaphore, #tpu.memory_space<semaphore_mem>>)
      %dma_wait3A_78 = arith.constant 0 : i32
      %dma_wait3A_79 = tpu.memref_slice %arg5[%arg0, %mul3A_72, %dma_wait3A_78] : memref<2x10112x128xf32, #tpu.memory_space<hbm>> -> memref<1x632x128xf32, #tpu.memory_space<hbm>>
      %dma_wait3A_80 = tpu.memref_squeeze %dma_wait3A_79 : memref<1x632x128xf32, #tpu.memory_space<hbm>> -> memref<632x128xf32, #tpu.memory_space<hbm>>
      %dma_wait3A_81 = arith.constant 0 : i32
      %dma_wait3A_82 = tpu.memref_slice %arg9[%mul3A_70, %dma_wait3A_81] : memref<10112x128xf32, #tpu.memory_space<vmem_shared>> -> memref<632x128xf32, #tpu.memory_space<vmem_shared>>
      tpu.wait_dma2 semaphore(%run_scoped3A : memref<!tpu.dma_semaphore, #tpu.memory_space<semaphore_mem>>) src(%dma_wait3A_82 : memref<632x128xf32, #tpu.memory_space<vmem_shared>>) dst(%dma_wait3A_80 : memref<632x128xf32, #tpu.memory_space<hbm>>)
      tpu.yield
    }) : () -> ()
    return
  }
}

#map = affine_map<(d0, d1) -> (0, 0)>
#map1 = affine_map<(d0, d1) -> (0)>
#map2 = affine_map<(d0, d1) -> (0, 0, 0)>
module attributes {stable_mosaic.version = 14 : i64} {
  func.func @body(%arg0: i32, %arg1: i32, %arg2: memref<10000x128xf32, #tpu.memory_space<hbm>>, %arg3: memref<10000x128xf32, #tpu.memory_space<hbm>>, %arg4: memref<10000xf32, #tpu.memory_space<hbm>>, %arg5: memref<10000xf32, #tpu.memory_space<hbm>>, %arg6: memref<10000xf32, #tpu.memory_space<hbm>>, %arg7: memref<32x75x80xi32, #tpu.memory_space<hbm>>, %arg8: memref<32x75x80xi32, #tpu.memory_space<hbm>>, %arg9: memref<192000x128xf32, #tpu.memory_space<hbm>>, %arg10: memref<96x1x2000xf32, #tpu.memory_space<hbm>>, %arg11: memref<75x80xi32, #tpu.memory_space<vmem>>, %arg12: memref<75x80xi32, #tpu.memory_space<vmem>>, %arg13: memref<10000xf32, #tpu.memory_space<vmem>>, %arg14: memref<10000xf32, #tpu.memory_space<vmem>>, %arg15: memref<10000xf32, #tpu.memory_space<vmem>>, %arg16: memref<80x128xf32, #tpu.memory_space<vmem>>, %arg17: memref<80x128xf32, #tpu.memory_space<vmem>>, %arg18: memref<80x128xf32, #tpu.memory_space<vmem>>, %arg19: memref<80x128xf32, #tpu.memory_space<vmem>>, %arg20: memref<3x1x2000xf32, #tpu.memory_space<vmem>>, %arg21: memref<!tpu.dma_semaphore, #tpu.memory_space<semaphore_mem>>, %arg22: memref<!tpu.dma_semaphore, #tpu.memory_space<semaphore_mem>>, %arg23: memref<!tpu.dma_semaphore, #tpu.memory_space<semaphore_mem>>, %arg24: memref<!tpu.dma_semaphore, #tpu.memory_space<semaphore_mem>>, %arg25: memref<!tpu.dma_semaphore, #tpu.memory_space<semaphore_mem>>, %arg26: memref<!tpu.dma_semaphore, #tpu.memory_space<semaphore_mem>>, %arg27: memref<!tpu.dma_semaphore, #tpu.memory_space<semaphore_mem>>, %arg28: memref<!tpu.dma_semaphore, #tpu.memory_space<semaphore_mem>>) attributes {dimension_semantics = [#tpu.dimension_semantics<core_parallel>, #tpu.dimension_semantics<subcore_parallel>], iteration_bounds = array<i64: 2, 16>, scalar_prefetch = 0 : i64, scratch_operands = 18 : i64, tpu.core_type = #tpu.core_type<sc_vector_subcore>, window_params = [{transform_indices = #map}, {transform_indices = #map}, {transform_indices = #map1}, {transform_indices = #map1}, {transform_indices = #map1}, {transform_indices = #map2}, {transform_indices = #map2}, {transform_indices = #map}, {transform_indices = #map2}]} {
    %mul3A = arith.constant 2 : i32
    %mul3A_0 = arith.muli %arg1, %mul3A : i32
    %add3A = arith.addi %mul3A_0, %arg0 : i32
    "tpu.region"() ({
      %run_scoped3A = tpu.sem_alloc : memref<!tpu.dma_semaphore, #tpu.memory_space<semaphore_mem>>
      %dma_start3A_220 = arith.constant 0 : i32
      %dma_start3A_221 = arith.constant 0 : i32
      %dma_start3A_222 = tpu.memref_slice %arg7[%add3A, %dma_start3A_220, %dma_start3A_221] : memref<32x75x80xi32, #tpu.memory_space<hbm>> -> memref<1x75x80xi32, #tpu.memory_space<hbm>>
      %dma_start3A_223 = tpu.memref_squeeze %dma_start3A_222 : memref<1x75x80xi32, #tpu.memory_space<hbm>> -> memref<75x80xi32, #tpu.memory_space<hbm>>
      %dma_start3A_224 = arith.constant 0 : i32
      %dma_start3A_225 = arith.constant 0 : i32
      %dma_start3A_226 = tpu.memref_slice %arg7[%add3A, %dma_start3A_224, %dma_start3A_225] : memref<32x75x80xi32, #tpu.memory_space<hbm>> -> memref<1x75x80xi32, #tpu.memory_space<hbm>>
      %dma_start3A_227 = tpu.memref_squeeze %dma_start3A_226 : memref<1x75x80xi32, #tpu.memory_space<hbm>> -> memref<75x80xi32, #tpu.memory_space<hbm>>
      tpu.enqueue_dma source(%dma_start3A_227 : memref<75x80xi32, #tpu.memory_space<hbm>>) target(%arg11 : memref<75x80xi32, #tpu.memory_space<vmem>>) target_semaphore(%run_scoped3A : memref<!tpu.dma_semaphore, #tpu.memory_space<semaphore_mem>>)
      %dma_wait3A_228 = arith.constant 0 : i32
      %dma_wait3A_229 = arith.constant 0 : i32
      %dma_wait3A_230 = tpu.memref_slice %arg7[%add3A, %dma_wait3A_228, %dma_wait3A_229] : memref<32x75x80xi32, #tpu.memory_space<hbm>> -> memref<1x75x80xi32, #tpu.memory_space<hbm>>
      %dma_wait3A_231 = tpu.memref_squeeze %dma_wait3A_230 : memref<1x75x80xi32, #tpu.memory_space<hbm>> -> memref<75x80xi32, #tpu.memory_space<hbm>>
      %dma_wait3A_232 = arith.constant 0 : i32
      %dma_wait3A_233 = arith.constant 0 : i32
      %dma_wait3A_234 = tpu.memref_slice %arg7[%add3A, %dma_wait3A_232, %dma_wait3A_233] : memref<32x75x80xi32, #tpu.memory_space<hbm>> -> memref<1x75x80xi32, #tpu.memory_space<hbm>>
      %dma_wait3A_235 = tpu.memref_squeeze %dma_wait3A_234 : memref<1x75x80xi32, #tpu.memory_space<hbm>> -> memref<75x80xi32, #tpu.memory_space<hbm>>
      tpu.wait_dma2 semaphore(%run_scoped3A : memref<!tpu.dma_semaphore, #tpu.memory_space<semaphore_mem>>) src(%dma_wait3A_235 : memref<75x80xi32, #tpu.memory_space<hbm>>) dst(%arg11 : memref<75x80xi32, #tpu.memory_space<vmem>>)
      tpu.yield
    }) : () -> ()
    "tpu.region"() ({
      %run_scoped3A = tpu.sem_alloc : memref<!tpu.dma_semaphore, #tpu.memory_space<semaphore_mem>>
      %dma_start3A_220 = arith.constant 0 : i32
      %dma_start3A_221 = arith.constant 0 : i32
      %dma_start3A_222 = tpu.memref_slice %arg8[%add3A, %dma_start3A_220, %dma_start3A_221] : memref<32x75x80xi32, #tpu.memory_space<hbm>> -> memref<1x75x80xi32, #tpu.memory_space<hbm>>
      %dma_start3A_223 = tpu.memref_squeeze %dma_start3A_222 : memref<1x75x80xi32, #tpu.memory_space<hbm>> -> memref<75x80xi32, #tpu.memory_space<hbm>>
      %dma_start3A_224 = arith.constant 0 : i32
      %dma_start3A_225 = arith.constant 0 : i32
      %dma_start3A_226 = tpu.memref_slice %arg8[%add3A, %dma_start3A_224, %dma_start3A_225] : memref<32x75x80xi32, #tpu.memory_space<hbm>> -> memref<1x75x80xi32, #tpu.memory_space<hbm>>
      %dma_start3A_227 = tpu.memref_squeeze %dma_start3A_226 : memref<1x75x80xi32, #tpu.memory_space<hbm>> -> memref<75x80xi32, #tpu.memory_space<hbm>>
      tpu.enqueue_dma source(%dma_start3A_227 : memref<75x80xi32, #tpu.memory_space<hbm>>) target(%arg12 : memref<75x80xi32, #tpu.memory_space<vmem>>) target_semaphore(%run_scoped3A : memref<!tpu.dma_semaphore, #tpu.memory_space<semaphore_mem>>)
      %dma_wait3A_228 = arith.constant 0 : i32
      %dma_wait3A_229 = arith.constant 0 : i32
      %dma_wait3A_230 = tpu.memref_slice %arg8[%add3A, %dma_wait3A_228, %dma_wait3A_229] : memref<32x75x80xi32, #tpu.memory_space<hbm>> -> memref<1x75x80xi32, #tpu.memory_space<hbm>>
      %dma_wait3A_231 = tpu.memref_squeeze %dma_wait3A_230 : memref<1x75x80xi32, #tpu.memory_space<hbm>> -> memref<75x80xi32, #tpu.memory_space<hbm>>
      %dma_wait3A_232 = arith.constant 0 : i32
      %dma_wait3A_233 = arith.constant 0 : i32
      %dma_wait3A_234 = tpu.memref_slice %arg8[%add3A, %dma_wait3A_232, %dma_wait3A_233] : memref<32x75x80xi32, #tpu.memory_space<hbm>> -> memref<1x75x80xi32, #tpu.memory_space<hbm>>
      %dma_wait3A_235 = tpu.memref_squeeze %dma_wait3A_234 : memref<1x75x80xi32, #tpu.memory_space<hbm>> -> memref<75x80xi32, #tpu.memory_space<hbm>>
      tpu.wait_dma2 semaphore(%run_scoped3A : memref<!tpu.dma_semaphore, #tpu.memory_space<semaphore_mem>>) src(%dma_wait3A_235 : memref<75x80xi32, #tpu.memory_space<hbm>>) dst(%arg12 : memref<75x80xi32, #tpu.memory_space<vmem>>)
      tpu.yield
    }) : () -> ()
    "tpu.region"() ({
      %run_scoped3A = tpu.sem_alloc : memref<!tpu.dma_semaphore, #tpu.memory_space<semaphore_mem>>
      tpu.enqueue_dma source(%arg4 : memref<10000xf32, #tpu.memory_space<hbm>>) target(%arg13 : memref<10000xf32, #tpu.memory_space<vmem>>) target_semaphore(%run_scoped3A : memref<!tpu.dma_semaphore, #tpu.memory_space<semaphore_mem>>)
      tpu.wait_dma2 semaphore(%run_scoped3A : memref<!tpu.dma_semaphore, #tpu.memory_space<semaphore_mem>>) src(%arg4 : memref<10000xf32, #tpu.memory_space<hbm>>) dst(%arg13 : memref<10000xf32, #tpu.memory_space<vmem>>)
      tpu.yield
    }) : () -> ()
    "tpu.region"() ({
      %run_scoped3A = tpu.sem_alloc : memref<!tpu.dma_semaphore, #tpu.memory_space<semaphore_mem>>
      tpu.enqueue_dma source(%arg5 : memref<10000xf32, #tpu.memory_space<hbm>>) target(%arg14 : memref<10000xf32, #tpu.memory_space<vmem>>) target_semaphore(%run_scoped3A : memref<!tpu.dma_semaphore, #tpu.memory_space<semaphore_mem>>)
      tpu.wait_dma2 semaphore(%run_scoped3A : memref<!tpu.dma_semaphore, #tpu.memory_space<semaphore_mem>>) src(%arg5 : memref<10000xf32, #tpu.memory_space<hbm>>) dst(%arg14 : memref<10000xf32, #tpu.memory_space<vmem>>)
      tpu.yield
    }) : () -> ()
    "tpu.region"() ({
      %run_scoped3A = tpu.sem_alloc : memref<!tpu.dma_semaphore, #tpu.memory_space<semaphore_mem>>
      tpu.enqueue_dma source(%arg6 : memref<10000xf32, #tpu.memory_space<hbm>>) target(%arg15 : memref<10000xf32, #tpu.memory_space<vmem>>) target_semaphore(%run_scoped3A : memref<!tpu.dma_semaphore, #tpu.memory_space<semaphore_mem>>)
      tpu.wait_dma2 semaphore(%run_scoped3A : memref<!tpu.dma_semaphore, #tpu.memory_space<semaphore_mem>>) src(%arg6 : memref<10000xf32, #tpu.memory_space<hbm>>) dst(%arg15 : memref<10000xf32, #tpu.memory_space<vmem>>)
      tpu.yield
    }) : () -> ()
    %dma_start3A = arith.constant 0 : i32
    %dma_start3A_1 = arith.constant 0 : i32
    %dma_start3A_2 = tpu.memref_slice %arg12[%dma_start3A, %dma_start3A_1] : memref<75x80xi32, #tpu.memory_space<vmem>> -> memref<1x80xi32, #tpu.memory_space<vmem>>
    %dma_start3A_3 = tpu.memref_squeeze %dma_start3A_2 : memref<1x80xi32, #tpu.memory_space<vmem>> -> memref<80xi32, #tpu.memory_space<vmem>>
    %dma_start3A_4 = arith.constant 0 : i32
    %dma_start3A_5 = arith.constant 0 : i32
    %dma_start3A_6 = tpu.memref_slice %arg2[%dma_start3A_4, %dma_start3A_5] : memref<10000x128xf32, #tpu.memory_space<hbm>> -> memref<10000x128xf32, #tpu.memory_space<hbm>>
    tpu.enqueue_indirect_dma source(%dma_start3A_6 : memref<10000x128xf32, #tpu.memory_space<hbm>>) target(%arg16 : memref<80x128xf32, #tpu.memory_space<vmem>>) offsets(%dma_start3A_3 : memref<80xi32, #tpu.memory_space<vmem>>) semaphore(%arg21 : memref<!tpu.dma_semaphore, #tpu.memory_space<semaphore_mem>>)
    %dma_start3A_7 = arith.constant 0 : i32
    %dma_start3A_8 = arith.constant 0 : i32
    %dma_start3A_9 = tpu.memref_slice %arg11[%dma_start3A_7, %dma_start3A_8] : memref<75x80xi32, #tpu.memory_space<vmem>> -> memref<1x80xi32, #tpu.memory_space<vmem>>
    %dma_start3A_10 = tpu.memref_squeeze %dma_start3A_9 : memref<1x80xi32, #tpu.memory_space<vmem>> -> memref<80xi32, #tpu.memory_space<vmem>>
    %dma_start3A_11 = arith.constant 0 : i32
    %dma_start3A_12 = arith.constant 0 : i32
    %dma_start3A_13 = tpu.memref_slice %arg3[%dma_start3A_11, %dma_start3A_12] : memref<10000x128xf32, #tpu.memory_space<hbm>> -> memref<10000x128xf32, #tpu.memory_space<hbm>>
    tpu.enqueue_indirect_dma source(%dma_start3A_13 : memref<10000x128xf32, #tpu.memory_space<hbm>>) target(%arg17 : memref<80x128xf32, #tpu.memory_space<vmem>>) offsets(%dma_start3A_10 : memref<80xi32, #tpu.memory_space<vmem>>) semaphore(%arg22 : memref<!tpu.dma_semaphore, #tpu.memory_space<semaphore_mem>>)
    %dma_start3A_14 = arith.constant 1 : i32
    %dma_start3A_15 = arith.constant 0 : i32
    %dma_start3A_16 = tpu.memref_slice %arg12[%dma_start3A_14, %dma_start3A_15] : memref<75x80xi32, #tpu.memory_space<vmem>> -> memref<1x80xi32, #tpu.memory_space<vmem>>
    %dma_start3A_17 = tpu.memref_squeeze %dma_start3A_16 : memref<1x80xi32, #tpu.memory_space<vmem>> -> memref<80xi32, #tpu.memory_space<vmem>>
    %dma_start3A_18 = arith.constant 0 : i32
    %dma_start3A_19 = arith.constant 0 : i32
    %dma_start3A_20 = tpu.memref_slice %arg2[%dma_start3A_18, %dma_start3A_19] : memref<10000x128xf32, #tpu.memory_space<hbm>> -> memref<10000x128xf32, #tpu.memory_space<hbm>>
    tpu.enqueue_indirect_dma source(%dma_start3A_20 : memref<10000x128xf32, #tpu.memory_space<hbm>>) target(%arg18 : memref<80x128xf32, #tpu.memory_space<vmem>>) offsets(%dma_start3A_17 : memref<80xi32, #tpu.memory_space<vmem>>) semaphore(%arg23 : memref<!tpu.dma_semaphore, #tpu.memory_space<semaphore_mem>>)
    %dma_start3A_21 = arith.constant 1 : i32
    %dma_start3A_22 = arith.constant 0 : i32
    %dma_start3A_23 = tpu.memref_slice %arg11[%dma_start3A_21, %dma_start3A_22] : memref<75x80xi32, #tpu.memory_space<vmem>> -> memref<1x80xi32, #tpu.memory_space<vmem>>
    %dma_start3A_24 = tpu.memref_squeeze %dma_start3A_23 : memref<1x80xi32, #tpu.memory_space<vmem>> -> memref<80xi32, #tpu.memory_space<vmem>>
    %dma_start3A_25 = arith.constant 0 : i32
    %dma_start3A_26 = arith.constant 0 : i32
    %dma_start3A_27 = tpu.memref_slice %arg3[%dma_start3A_25, %dma_start3A_26] : memref<10000x128xf32, #tpu.memory_space<hbm>> -> memref<10000x128xf32, #tpu.memory_space<hbm>>
    tpu.enqueue_indirect_dma source(%dma_start3A_27 : memref<10000x128xf32, #tpu.memory_space<hbm>>) target(%arg19 : memref<80x128xf32, #tpu.memory_space<vmem>>) offsets(%dma_start3A_24 : memref<80xi32, #tpu.memory_space<vmem>>) semaphore(%arg24 : memref<!tpu.dma_semaphore, #tpu.memory_space<semaphore_mem>>)
    %scan3A = arith.constant 0 : i32
    %scan3A_28 = arith.constant 0 : i32
    %scan3A_29 = arith.constant 37 : i32
    %scan3A_30 = arith.addi %scan3A_28, %scan3A_29 : i32
    %scan3A_31 = arith.constant 1 : i32
    scf.for %scan3A_220 = %scan3A_28 to %scan3A_30 step %scan3A_31  : i32 {
      %mul3A_221 = arith.constant 2 : i32
      %mul3A_222 = arith.muli %mul3A_221, %scan3A_220 : i32
      %add3A_223 = arith.constant 1 : i32
      %add3A_224 = arith.addi %mul3A_222, %add3A_223 : i32
      %add3A_225 = arith.constant 2 : i32
      %add3A_226 = arith.addi %mul3A_222, %add3A_225 : i32
      %min3A = arith.constant 74 : i32
      %min3A_227 = arith.minsi %add3A_226, %min3A : i32
      %add3A_228 = arith.constant 2 : i32
      %add3A_229 = arith.addi %add3A_224, %add3A_228 : i32
      %min3A_230 = arith.constant 74 : i32
      %min3A_231 = arith.minsi %add3A_229, %min3A_230 : i32
      %get3A_232 = arith.index_cast %mul3A_222 : i32 to index
      %get3A_233 = arith.constant 0 : index
      %get3A_234 = tpu.vector_load %arg11[%get3A_232, %get3A_233] {strides = array<i32>} : memref<75x80xi32, #tpu.memory_space<vmem>>, vector<16xi32>,
      %get3A_235 = arith.index_cast %mul3A_222 : i32 to index
      %get3A_236 = arith.constant 0 : index
      %get3A_237 = tpu.vector_load %arg12[%get3A_235, %get3A_236] {strides = array<i32>} : memref<75x80xi32, #tpu.memory_space<vmem>>, vector<16xi32>,
      %gather3A_238 = tpu.vector_load_idx %arg13[%get3A_234] : memref<10000xf32, #tpu.memory_space<vmem>>[vector<16xi32>], vector<16xf32>,
      %gather3A_239 = tpu.vector_load_idx %arg13[%get3A_237] : memref<10000xf32, #tpu.memory_space<vmem>>[vector<16xi32>], vector<16xf32>,
      %sub3A_240 = arith.subf %gather3A_238, %gather3A_239 : vector<16xf32>
      %gather3A_241 = tpu.vector_load_idx %arg14[%get3A_234] : memref<10000xf32, #tpu.memory_space<vmem>>[vector<16xi32>], vector<16xf32>,
      %gather3A_242 = tpu.vector_load_idx %arg14[%get3A_237] : memref<10000xf32, #tpu.memory_space<vmem>>[vector<16xi32>], vector<16xf32>,
      %sub3A_243 = arith.subf %gather3A_241, %gather3A_242 : vector<16xf32>
      %gather3A_244 = tpu.vector_load_idx %arg15[%get3A_234] : memref<10000xf32, #tpu.memory_space<vmem>>[vector<16xi32>], vector<16xf32>,
      %gather3A_245 = tpu.vector_load_idx %arg15[%get3A_237] : memref<10000xf32, #tpu.memory_space<vmem>>[vector<16xi32>], vector<16xf32>,
      %sub3A_246 = arith.subf %gather3A_244, %gather3A_245 : vector<16xf32>
      %mul3A_247 = arith.constant 80 : i32
      %mul3A_248 = arith.muli %mul3A_222, %mul3A_247 : i32
      %add3A_249 = arith.constant 0 : i32
      %add3A_250 = arith.addi %mul3A_248, %add3A_249 : i32
      %mul3A_251 = arith.mulf %sub3A_240, %sub3A_240 : vector<16xf32>
      %mul3A_252 = arith.mulf %sub3A_243, %sub3A_243 : vector<16xf32>
      %add3A_253 = arith.addf %mul3A_251, %mul3A_252 : vector<16xf32>
      %mul3A_254 = arith.mulf %sub3A_246, %sub3A_246 : vector<16xf32>
      %add3A_255 = arith.addf %add3A_253, %mul3A_254 : vector<16xf32>
      %jit3A = arith.constant 2000 : i32
      %div3A = arith.divsi %add3A_250, %jit3A : i32
      %sign3A = arith.constant 0 : i32
      %sign3A_256 = arith.cmpi sgt, %add3A_250, %sign3A : i32
      %sign3A_257 = arith.extui %sign3A_256 : i1 to i32
      %sign3A_258 = arith.constant 0 : i32
      %sign3A_259 = arith.cmpi slt, %add3A_250, %sign3A_258 : i32
      %sign3A_260 = arith.extui %sign3A_259 : i1 to i32
      %sign3A_261 = arith.subi %sign3A_257, %sign3A_260 : i32
      %sign3A_262 = arith.constant 0 : i32
      %sign3A_263 = arith.cmpi sgt, %jit3A, %sign3A_262 : i32
      %sign3A_264 = arith.extui %sign3A_263 : i1 to i32
      %sign3A_265 = arith.constant 0 : i32
      %sign3A_266 = arith.cmpi slt, %jit3A, %sign3A_265 : i32
      %sign3A_267 = arith.extui %sign3A_266 : i1 to i32
      %sign3A_268 = arith.subi %sign3A_264, %sign3A_267 : i32
      %ne3A = arith.cmpi ne, %sign3A_261, %sign3A_268 : i32
      %rem3A = arith.remsi %add3A_250, %jit3A : i32
      %ne3A_269 = arith.constant 0 : i32
      %ne3A_270 = arith.cmpi ne, %rem3A, %ne3A_269 : i32
      %and3A = arith.andi %ne3A, %ne3A_270 : i1
      %sub3A_271 = arith.constant 1 : i32
      %sub3A_272 = arith.subi %div3A, %sub3A_271 : i32
      %select_n3A = arith.select %and3A, %sub3A_272, %div3A : i32
      %jit3A_273 = arith.constant 2000 : i32
      %eq3A = arith.constant 0 : i32
      %eq3A_274 = arith.cmpi eq, %jit3A_273, %eq3A : i32
      %jit3A_275 = arith.constant 1 : i32
      %select_n3A_276 = arith.select %eq3A_274, %jit3A_275, %jit3A_273 : i32
      %rem3A_277 = arith.remsi %add3A_250, %select_n3A_276 : i32
      %ne3A_278 = arith.constant 0 : i32
      %ne3A_279 = arith.cmpi ne, %rem3A_277, %ne3A_278 : i32
      %lt3A = arith.constant 0 : i32
      %lt3A_280 = arith.cmpi slt, %rem3A_277, %lt3A : i32
      %lt3A_281 = arith.constant 0 : i32
      %lt3A_282 = arith.cmpi slt, %select_n3A_276, %lt3A_281 : i32
      %ne3A_283 = arith.xori %lt3A_280, %lt3A_282 : i1
      %and3A_284 = arith.andi %ne3A_283, %ne3A_279 : i1
      %add3A_285 = arith.addi %rem3A_277, %select_n3A_276 : i32
      %select_n3A_286 = arith.select %and3A_284, %add3A_285, %rem3A_277 : i32
      %swap3A_287 = arith.constant 0 : i32
      %swap3A_288 = arith.index_cast %select_n3A : i32 to index
      %swap3A_289 = arith.index_cast %swap3A_287 : i32 to index
      %swap3A_290 = arith.index_cast %select_n3A_286 : i32 to index
      %swap3A_291 = tpu.vector_load %arg20[%swap3A_288, %swap3A_289, %swap3A_290] {strides = array<i32>} : memref<3x1x2000xf32, #tpu.memory_space<vmem>>, vector<16xf32>,
      tpu.vector_store %arg20[%swap3A_288, %swap3A_289, %swap3A_290], %add3A_255 {strides = array<i32>} : memref<3x1x2000xf32, #tpu.memory_space<vmem>>, vector<16xf32>,
      %get3A_292 = arith.index_cast %mul3A_222 : i32 to index
      %get3A_293 = arith.constant 16 : index
      %get3A_294 = tpu.vector_load %arg11[%get3A_292, %get3A_293] {strides = array<i32>} : memref<75x80xi32, #tpu.memory_space<vmem>>, vector<16xi32>,
      %get3A_295 = arith.index_cast %mul3A_222 : i32 to index
      %get3A_296 = arith.constant 16 : index
      %get3A_297 = tpu.vector_load %arg12[%get3A_295, %get3A_296] {strides = array<i32>} : memref<75x80xi32, #tpu.memory_space<vmem>>, vector<16xi32>,
      %gather3A_298 = tpu.vector_load_idx %arg13[%get3A_294] : memref<10000xf32, #tpu.memory_space<vmem>>[vector<16xi32>], vector<16xf32>,
      %gather3A_299 = tpu.vector_load_idx %arg13[%get3A_297] : memref<10000xf32, #tpu.memory_space<vmem>>[vector<16xi32>], vector<16xf32>,
      %sub3A_300 = arith.subf %gather3A_298, %gather3A_299 : vector<16xf32>
      %gather3A_301 = tpu.vector_load_idx %arg14[%get3A_294] : memref<10000xf32, #tpu.memory_space<vmem>>[vector<16xi32>], vector<16xf32>,
      %gather3A_302 = tpu.vector_load_idx %arg14[%get3A_297] : memref<10000xf32, #tpu.memory_space<vmem>>[vector<16xi32>], vector<16xf32>,
      %sub3A_303 = arith.subf %gather3A_301, %gather3A_302 : vector<16xf32>
      %gather3A_304 = tpu.vector_load_idx %arg15[%get3A_294] : memref<10000xf32, #tpu.memory_space<vmem>>[vector<16xi32>], vector<16xf32>,
      %gather3A_305 = tpu.vector_load_idx %arg15[%get3A_297] : memref<10000xf32, #tpu.memory_space<vmem>>[vector<16xi32>], vector<16xf32>,
      %sub3A_306 = arith.subf %gather3A_304, %gather3A_305 : vector<16xf32>
      %mul3A_307 = arith.constant 80 : i32
      %mul3A_308 = arith.muli %mul3A_222, %mul3A_307 : i32
      %add3A_309 = arith.constant 16 : i32
      %add3A_310 = arith.addi %mul3A_308, %add3A_309 : i32
      %mul3A_311 = arith.mulf %sub3A_300, %sub3A_300 : vector<16xf32>
      %mul3A_312 = arith.mulf %sub3A_303, %sub3A_303 : vector<16xf32>
      %add3A_313 = arith.addf %mul3A_311, %mul3A_312 : vector<16xf32>
      %mul3A_314 = arith.mulf %sub3A_306, %sub3A_306 : vector<16xf32>
      %add3A_315 = arith.addf %add3A_313, %mul3A_314 : vector<16xf32>
      %jit3A_316 = arith.constant 2000 : i32
      %div3A_317 = arith.divsi %add3A_310, %jit3A_316 : i32
      %sign3A_318 = arith.constant 0 : i32
      %sign3A_319 = arith.cmpi sgt, %add3A_310, %sign3A_318 : i32
      %sign3A_320 = arith.extui %sign3A_319 : i1 to i32
      %sign3A_321 = arith.constant 0 : i32
      %sign3A_322 = arith.cmpi slt, %add3A_310, %sign3A_321 : i32
      %sign3A_323 = arith.extui %sign3A_322 : i1 to i32
      %sign3A_324 = arith.subi %sign3A_320, %sign3A_323 : i32
      %sign3A_325 = arith.constant 0 : i32
      %sign3A_326 = arith.cmpi sgt, %jit3A_316, %sign3A_325 : i32
      %sign3A_327 = arith.extui %sign3A_326 : i1 to i32
      %sign3A_328 = arith.constant 0 : i32
      %sign3A_329 = arith.cmpi slt, %jit3A_316, %sign3A_328 : i32
      %sign3A_330 = arith.extui %sign3A_329 : i1 to i32
      %sign3A_331 = arith.subi %sign3A_327, %sign3A_330 : i32
      %ne3A_332 = arith.cmpi ne, %sign3A_324, %sign3A_331 : i32
      %rem3A_333 = arith.remsi %add3A_310, %jit3A_316 : i32
      %ne3A_334 = arith.constant 0 : i32
      %ne3A_335 = arith.cmpi ne, %rem3A_333, %ne3A_334 : i32
      %and3A_336 = arith.andi %ne3A_332, %ne3A_335 : i1
      %sub3A_337 = arith.constant 1 : i32
      %sub3A_338 = arith.subi %div3A_317, %sub3A_337 : i32
      %select_n3A_339 = arith.select %and3A_336, %sub3A_338, %div3A_317 : i32
      %jit3A_340 = arith.constant 2000 : i32
      %eq3A_341 = arith.constant 0 : i32
      %eq3A_342 = arith.cmpi eq, %jit3A_340, %eq3A_341 : i32
      %jit3A_343 = arith.constant 1 : i32
      %select_n3A_344 = arith.select %eq3A_342, %jit3A_343, %jit3A_340 : i32
      %rem3A_345 = arith.remsi %add3A_310, %select_n3A_344 : i32
      %ne3A_346 = arith.constant 0 : i32
      %ne3A_347 = arith.cmpi ne, %rem3A_345, %ne3A_346 : i32
      %lt3A_348 = arith.constant 0 : i32
      %lt3A_349 = arith.cmpi slt, %rem3A_345, %lt3A_348 : i32
      %lt3A_350 = arith.constant 0 : i32
      %lt3A_351 = arith.cmpi slt, %select_n3A_344, %lt3A_350 : i32
      %ne3A_352 = arith.xori %lt3A_349, %lt3A_351 : i1
      %and3A_353 = arith.andi %ne3A_352, %ne3A_347 : i1
      %add3A_354 = arith.addi %rem3A_345, %select_n3A_344 : i32
      %select_n3A_355 = arith.select %and3A_353, %add3A_354, %rem3A_345 : i32
      %swap3A_356 = arith.constant 0 : i32
      %swap3A_357 = arith.index_cast %select_n3A_339 : i32 to index
      %swap3A_358 = arith.index_cast %swap3A_356 : i32 to index
      %swap3A_359 = arith.index_cast %select_n3A_355 : i32 to index
      %swap3A_360 = tpu.vector_load %arg20[%swap3A_357, %swap3A_358, %swap3A_359] {strides = array<i32>} : memref<3x1x2000xf32, #tpu.memory_space<vmem>>, vector<16xf32>,
      tpu.vector_store %arg20[%swap3A_357, %swap3A_358, %swap3A_359], %add3A_315 {strides = array<i32>} : memref<3x1x2000xf32, #tpu.memory_space<vmem>>, vector<16xf32>,
      %get3A_361 = arith.index_cast %mul3A_222 : i32 to index
      %get3A_362 = arith.constant 32 : index
      %get3A_363 = tpu.vector_load %arg11[%get3A_361, %get3A_362] {strides = array<i32>} : memref<75x80xi32, #tpu.memory_space<vmem>>, vector<16xi32>,
      %get3A_364 = arith.index_cast %mul3A_222 : i32 to index
      %get3A_365 = arith.constant 32 : index
      %get3A_366 = tpu.vector_load %arg12[%get3A_364, %get3A_365] {strides = array<i32>} : memref<75x80xi32, #tpu.memory_space<vmem>>, vector<16xi32>,
      %gather3A_367 = tpu.vector_load_idx %arg13[%get3A_363] : memref<10000xf32, #tpu.memory_space<vmem>>[vector<16xi32>], vector<16xf32>,
      %gather3A_368 = tpu.vector_load_idx %arg13[%get3A_366] : memref<10000xf32, #tpu.memory_space<vmem>>[vector<16xi32>], vector<16xf32>,
      %sub3A_369 = arith.subf %gather3A_367, %gather3A_368 : vector<16xf32>
      %gather3A_370 = tpu.vector_load_idx %arg14[%get3A_363] : memref<10000xf32, #tpu.memory_space<vmem>>[vector<16xi32>], vector<16xf32>,
      %gather3A_371 = tpu.vector_load_idx %arg14[%get3A_366] : memref<10000xf32, #tpu.memory_space<vmem>>[vector<16xi32>], vector<16xf32>,
      %sub3A_372 = arith.subf %gather3A_370, %gather3A_371 : vector<16xf32>
      %gather3A_373 = tpu.vector_load_idx %arg15[%get3A_363] : memref<10000xf32, #tpu.memory_space<vmem>>[vector<16xi32>], vector<16xf32>,
      %gather3A_374 = tpu.vector_load_idx %arg15[%get3A_366] : memref<10000xf32, #tpu.memory_space<vmem>>[vector<16xi32>], vector<16xf32>,
      %sub3A_375 = arith.subf %gather3A_373, %gather3A_374 : vector<16xf32>
      %mul3A_376 = arith.constant 80 : i32
      %mul3A_377 = arith.muli %mul3A_222, %mul3A_376 : i32
      %add3A_378 = arith.constant 32 : i32
      %add3A_379 = arith.addi %mul3A_377, %add3A_378 : i32
      %mul3A_380 = arith.mulf %sub3A_369, %sub3A_369 : vector<16xf32>
      %mul3A_381 = arith.mulf %sub3A_372, %sub3A_372 : vector<16xf32>
      %add3A_382 = arith.addf %mul3A_380, %mul3A_381 : vector<16xf32>
      %mul3A_383 = arith.mulf %sub3A_375, %sub3A_375 : vector<16xf32>
      %add3A_384 = arith.addf %add3A_382, %mul3A_383 : vector<16xf32>
      %jit3A_385 = arith.constant 2000 : i32
      %div3A_386 = arith.divsi %add3A_379, %jit3A_385 : i32
      %sign3A_387 = arith.constant 0 : i32
      %sign3A_388 = arith.cmpi sgt, %add3A_379, %sign3A_387 : i32
      %sign3A_389 = arith.extui %sign3A_388 : i1 to i32
      %sign3A_390 = arith.constant 0 : i32
      %sign3A_391 = arith.cmpi slt, %add3A_379, %sign3A_390 : i32
      %sign3A_392 = arith.extui %sign3A_391 : i1 to i32
      %sign3A_393 = arith.subi %sign3A_389, %sign3A_392 : i32
      %sign3A_394 = arith.constant 0 : i32
      %sign3A_395 = arith.cmpi sgt, %jit3A_385, %sign3A_394 : i32
      %sign3A_396 = arith.extui %sign3A_395 : i1 to i32
      %sign3A_397 = arith.constant 0 : i32
      %sign3A_398 = arith.cmpi slt, %jit3A_385, %sign3A_397 : i32
      %sign3A_399 = arith.extui %sign3A_398 : i1 to i32
      %sign3A_400 = arith.subi %sign3A_396, %sign3A_399 : i32
      %ne3A_401 = arith.cmpi ne, %sign3A_393, %sign3A_400 : i32
      %rem3A_402 = arith.remsi %add3A_379, %jit3A_385 : i32
      %ne3A_403 = arith.constant 0 : i32
      %ne3A_404 = arith.cmpi ne, %rem3A_402, %ne3A_403 : i32
      %and3A_405 = arith.andi %ne3A_401, %ne3A_404 : i1
      %sub3A_406 = arith.constant 1 : i32
      %sub3A_407 = arith.subi %div3A_386, %sub3A_406 : i32
      %select_n3A_408 = arith.select %and3A_405, %sub3A_407, %div3A_386 : i32
      %jit3A_409 = arith.constant 2000 : i32
      %eq3A_410 = arith.constant 0 : i32
      %eq3A_411 = arith.cmpi eq, %jit3A_409, %eq3A_410 : i32
      %jit3A_412 = arith.constant 1 : i32
      %select_n3A_413 = arith.select %eq3A_411, %jit3A_412, %jit3A_409 : i32
      %rem3A_414 = arith.remsi %add3A_379, %select_n3A_413 : i32
      %ne3A_415 = arith.constant 0 : i32
      %ne3A_416 = arith.cmpi ne, %rem3A_414, %ne3A_415 : i32
      %lt3A_417 = arith.constant 0 : i32
      %lt3A_418 = arith.cmpi slt, %rem3A_414, %lt3A_417 : i32
      %lt3A_419 = arith.constant 0 : i32
      %lt3A_420 = arith.cmpi slt, %select_n3A_413, %lt3A_419 : i32
      %ne3A_421 = arith.xori %lt3A_418, %lt3A_420 : i1
      %and3A_422 = arith.andi %ne3A_421, %ne3A_416 : i1
      %add3A_423 = arith.addi %rem3A_414, %select_n3A_413 : i32
      %select_n3A_424 = arith.select %and3A_422, %add3A_423, %rem3A_414 : i32
      %swap3A_425 = arith.constant 0 : i32
      %swap3A_426 = arith.index_cast %select_n3A_408 : i32 to index
      %swap3A_427 = arith.index_cast %swap3A_425 : i32 to index
      %swap3A_428 = arith.index_cast %select_n3A_424 : i32 to index
      %swap3A_429 = tpu.vector_load %arg20[%swap3A_426, %swap3A_427, %swap3A_428] {strides = array<i32>} : memref<3x1x2000xf32, #tpu.memory_space<vmem>>, vector<16xf32>,
      tpu.vector_store %arg20[%swap3A_426, %swap3A_427, %swap3A_428], %add3A_384 {strides = array<i32>} : memref<3x1x2000xf32, #tpu.memory_space<vmem>>, vector<16xf32>,
      %get3A_430 = arith.index_cast %mul3A_222 : i32 to index
      %get3A_431 = arith.constant 48 : index
      %get3A_432 = tpu.vector_load %arg11[%get3A_430, %get3A_431] {strides = array<i32>} : memref<75x80xi32, #tpu.memory_space<vmem>>, vector<16xi32>,
      %get3A_433 = arith.index_cast %mul3A_222 : i32 to index
      %get3A_434 = arith.constant 48 : index
      %get3A_435 = tpu.vector_load %arg12[%get3A_433, %get3A_434] {strides = array<i32>} : memref<75x80xi32, #tpu.memory_space<vmem>>, vector<16xi32>,
      %gather3A_436 = tpu.vector_load_idx %arg13[%get3A_432] : memref<10000xf32, #tpu.memory_space<vmem>>[vector<16xi32>], vector<16xf32>,
      %gather3A_437 = tpu.vector_load_idx %arg13[%get3A_435] : memref<10000xf32, #tpu.memory_space<vmem>>[vector<16xi32>], vector<16xf32>,
      %sub3A_438 = arith.subf %gather3A_436, %gather3A_437 : vector<16xf32>
      %gather3A_439 = tpu.vector_load_idx %arg14[%get3A_432] : memref<10000xf32, #tpu.memory_space<vmem>>[vector<16xi32>], vector<16xf32>,
      %gather3A_440 = tpu.vector_load_idx %arg14[%get3A_435] : memref<10000xf32, #tpu.memory_space<vmem>>[vector<16xi32>], vector<16xf32>,
      %sub3A_441 = arith.subf %gather3A_439, %gather3A_440 : vector<16xf32>
      %gather3A_442 = tpu.vector_load_idx %arg15[%get3A_432] : memref<10000xf32, #tpu.memory_space<vmem>>[vector<16xi32>], vector<16xf32>,
      %gather3A_443 = tpu.vector_load_idx %arg15[%get3A_435] : memref<10000xf32, #tpu.memory_space<vmem>>[vector<16xi32>], vector<16xf32>,
      %sub3A_444 = arith.subf %gather3A_442, %gather3A_443 : vector<16xf32>
      %mul3A_445 = arith.constant 80 : i32
      %mul3A_446 = arith.muli %mul3A_222, %mul3A_445 : i32
      %add3A_447 = arith.constant 48 : i32
      %add3A_448 = arith.addi %mul3A_446, %add3A_447 : i32
      %mul3A_449 = arith.mulf %sub3A_438, %sub3A_438 : vector<16xf32>
      %mul3A_450 = arith.mulf %sub3A_441, %sub3A_441 : vector<16xf32>
      %add3A_451 = arith.addf %mul3A_449, %mul3A_450 : vector<16xf32>
      %mul3A_452 = arith.mulf %sub3A_444, %sub3A_444 : vector<16xf32>
      %add3A_453 = arith.addf %add3A_451, %mul3A_452 : vector<16xf32>
      %jit3A_454 = arith.constant 2000 : i32
      %div3A_455 = arith.divsi %add3A_448, %jit3A_454 : i32
      %sign3A_456 = arith.constant 0 : i32
      %sign3A_457 = arith.cmpi sgt, %add3A_448, %sign3A_456 : i32
      %sign3A_458 = arith.extui %sign3A_457 : i1 to i32
      %sign3A_459 = arith.constant 0 : i32
      %sign3A_460 = arith.cmpi slt, %add3A_448, %sign3A_459 : i32
      %sign3A_461 = arith.extui %sign3A_460 : i1 to i32
      %sign3A_462 = arith.subi %sign3A_458, %sign3A_461 : i32
      %sign3A_463 = arith.constant 0 : i32
      %sign3A_464 = arith.cmpi sgt, %jit3A_454, %sign3A_463 : i32
      %sign3A_465 = arith.extui %sign3A_464 : i1 to i32
      %sign3A_466 = arith.constant 0 : i32
      %sign3A_467 = arith.cmpi slt, %jit3A_454, %sign3A_466 : i32
      %sign3A_468 = arith.extui %sign3A_467 : i1 to i32
      %sign3A_469 = arith.subi %sign3A_465, %sign3A_468 : i32
      %ne3A_470 = arith.cmpi ne, %sign3A_462, %sign3A_469 : i32
      %rem3A_471 = arith.remsi %add3A_448, %jit3A_454 : i32
      %ne3A_472 = arith.constant 0 : i32
      %ne3A_473 = arith.cmpi ne, %rem3A_471, %ne3A_472 : i32
      %and3A_474 = arith.andi %ne3A_470, %ne3A_473 : i1
      %sub3A_475 = arith.constant 1 : i32
      %sub3A_476 = arith.subi %div3A_455, %sub3A_475 : i32
      %select_n3A_477 = arith.select %and3A_474, %sub3A_476, %div3A_455 : i32
      %jit3A_478 = arith.constant 2000 : i32
      %eq3A_479 = arith.constant 0 : i32
      %eq3A_480 = arith.cmpi eq, %jit3A_478, %eq3A_479 : i32
      %jit3A_481 = arith.constant 1 : i32
      %select_n3A_482 = arith.select %eq3A_480, %jit3A_481, %jit3A_478 : i32
      %rem3A_483 = arith.remsi %add3A_448, %select_n3A_482 : i32
      %ne3A_484 = arith.constant 0 : i32
      %ne3A_485 = arith.cmpi ne, %rem3A_483, %ne3A_484 : i32
      %lt3A_486 = arith.constant 0 : i32
      %lt3A_487 = arith.cmpi slt, %rem3A_483, %lt3A_486 : i32
      %lt3A_488 = arith.constant 0 : i32
      %lt3A_489 = arith.cmpi slt, %select_n3A_482, %lt3A_488 : i32
      %ne3A_490 = arith.xori %lt3A_487, %lt3A_489 : i1
      %and3A_491 = arith.andi %ne3A_490, %ne3A_485 : i1
      %add3A_492 = arith.addi %rem3A_483, %select_n3A_482 : i32
      %select_n3A_493 = arith.select %and3A_491, %add3A_492, %rem3A_483 : i32
      %swap3A_494 = arith.constant 0 : i32
      %swap3A_495 = arith.index_cast %select_n3A_477 : i32 to index
      %swap3A_496 = arith.index_cast %swap3A_494 : i32 to index
      %swap3A_497 = arith.index_cast %select_n3A_493 : i32 to index
      %swap3A_498 = tpu.vector_load %arg20[%swap3A_495, %swap3A_496, %swap3A_497] {strides = array<i32>} : memref<3x1x2000xf32, #tpu.memory_space<vmem>>, vector<16xf32>,
      tpu.vector_store %arg20[%swap3A_495, %swap3A_496, %swap3A_497], %add3A_453 {strides = array<i32>} : memref<3x1x2000xf32, #tpu.memory_space<vmem>>, vector<16xf32>,
      %get3A_499 = arith.index_cast %mul3A_222 : i32 to index
      %get3A_500 = arith.constant 64 : index
      %get3A_501 = tpu.vector_load %arg11[%get3A_499, %get3A_500] {strides = array<i32>} : memref<75x80xi32, #tpu.memory_space<vmem>>, vector<16xi32>,
      %get3A_502 = arith.index_cast %mul3A_222 : i32 to index
      %get3A_503 = arith.constant 64 : index
      %get3A_504 = tpu.vector_load %arg12[%get3A_502, %get3A_503] {strides = array<i32>} : memref<75x80xi32, #tpu.memory_space<vmem>>, vector<16xi32>,
      %gather3A_505 = tpu.vector_load_idx %arg13[%get3A_501] : memref<10000xf32, #tpu.memory_space<vmem>>[vector<16xi32>], vector<16xf32>,
      %gather3A_506 = tpu.vector_load_idx %arg13[%get3A_504] : memref<10000xf32, #tpu.memory_space<vmem>>[vector<16xi32>], vector<16xf32>,
      %sub3A_507 = arith.subf %gather3A_505, %gather3A_506 : vector<16xf32>
      %gather3A_508 = tpu.vector_load_idx %arg14[%get3A_501] : memref<10000xf32, #tpu.memory_space<vmem>>[vector<16xi32>], vector<16xf32>,
      %gather3A_509 = tpu.vector_load_idx %arg14[%get3A_504] : memref<10000xf32, #tpu.memory_space<vmem>>[vector<16xi32>], vector<16xf32>,
      %sub3A_510 = arith.subf %gather3A_508, %gather3A_509 : vector<16xf32>
      %gather3A_511 = tpu.vector_load_idx %arg15[%get3A_501] : memref<10000xf32, #tpu.memory_space<vmem>>[vector<16xi32>], vector<16xf32>,
      %gather3A_512 = tpu.vector_load_idx %arg15[%get3A_504] : memref<10000xf32, #tpu.memory_space<vmem>>[vector<16xi32>], vector<16xf32>,
      %sub3A_513 = arith.subf %gather3A_511, %gather3A_512 : vector<16xf32>
      %mul3A_514 = arith.constant 80 : i32
      %mul3A_515 = arith.muli %mul3A_222, %mul3A_514 : i32
      %add3A_516 = arith.constant 64 : i32
      %add3A_517 = arith.addi %mul3A_515, %add3A_516 : i32
      %mul3A_518 = arith.mulf %sub3A_507, %sub3A_507 : vector<16xf32>
      %mul3A_519 = arith.mulf %sub3A_510, %sub3A_510 : vector<16xf32>
      %add3A_520 = arith.addf %mul3A_518, %mul3A_519 : vector<16xf32>
      %mul3A_521 = arith.mulf %sub3A_513, %sub3A_513 : vector<16xf32>
      %add3A_522 = arith.addf %add3A_520, %mul3A_521 : vector<16xf32>
      %jit3A_523 = arith.constant 2000 : i32
      %div3A_524 = arith.divsi %add3A_517, %jit3A_523 : i32
      %sign3A_525 = arith.constant 0 : i32
      %sign3A_526 = arith.cmpi sgt, %add3A_517, %sign3A_525 : i32
      %sign3A_527 = arith.extui %sign3A_526 : i1 to i32
      %sign3A_528 = arith.constant 0 : i32
      %sign3A_529 = arith.cmpi slt, %add3A_517, %sign3A_528 : i32
      %sign3A_530 = arith.extui %sign3A_529 : i1 to i32
      %sign3A_531 = arith.subi %sign3A_527, %sign3A_530 : i32
      %sign3A_532 = arith.constant 0 : i32
      %sign3A_533 = arith.cmpi sgt, %jit3A_523, %sign3A_532 : i32
      %sign3A_534 = arith.extui %sign3A_533 : i1 to i32
      %sign3A_535 = arith.constant 0 : i32
      %sign3A_536 = arith.cmpi slt, %jit3A_523, %sign3A_535 : i32
      %sign3A_537 = arith.extui %sign3A_536 : i1 to i32
      %sign3A_538 = arith.subi %sign3A_534, %sign3A_537 : i32
      %ne3A_539 = arith.cmpi ne, %sign3A_531, %sign3A_538 : i32
      %rem3A_540 = arith.remsi %add3A_517, %jit3A_523 : i32
      %ne3A_541 = arith.constant 0 : i32
      %ne3A_542 = arith.cmpi ne, %rem3A_540, %ne3A_541 : i32
      %and3A_543 = arith.andi %ne3A_539, %ne3A_542 : i1
      %sub3A_544 = arith.constant 1 : i32
      %sub3A_545 = arith.subi %div3A_524, %sub3A_544 : i32
      %select_n3A_546 = arith.select %and3A_543, %sub3A_545, %div3A_524 : i32
      %jit3A_547 = arith.constant 2000 : i32
      %eq3A_548 = arith.constant 0 : i32
      %eq3A_549 = arith.cmpi eq, %jit3A_547, %eq3A_548 : i32
      %jit3A_550 = arith.constant 1 : i32
      %select_n3A_551 = arith.select %eq3A_549, %jit3A_550, %jit3A_547 : i32
      %rem3A_552 = arith.remsi %add3A_517, %select_n3A_551 : i32
      %ne3A_553 = arith.constant 0 : i32
      %ne3A_554 = arith.cmpi ne, %rem3A_552, %ne3A_553 : i32
      %lt3A_555 = arith.constant 0 : i32
      %lt3A_556 = arith.cmpi slt, %rem3A_552, %lt3A_555 : i32
      %lt3A_557 = arith.constant 0 : i32
      %lt3A_558 = arith.cmpi slt, %select_n3A_551, %lt3A_557 : i32
      %ne3A_559 = arith.xori %lt3A_556, %lt3A_558 : i1
      %and3A_560 = arith.andi %ne3A_559, %ne3A_554 : i1
      %add3A_561 = arith.addi %rem3A_552, %select_n3A_551 : i32
      %select_n3A_562 = arith.select %and3A_560, %add3A_561, %rem3A_552 : i32
      %swap3A_563 = arith.constant 0 : i32
      %swap3A_564 = arith.index_cast %select_n3A_546 : i32 to index
      %swap3A_565 = arith.index_cast %swap3A_563 : i32 to index
      %swap3A_566 = arith.index_cast %select_n3A_562 : i32 to index
      %swap3A_567 = tpu.vector_load %arg20[%swap3A_564, %swap3A_565, %swap3A_566] {strides = array<i32>} : memref<3x1x2000xf32, #tpu.memory_space<vmem>>, vector<16xf32>,
      tpu.vector_store %arg20[%swap3A_564, %swap3A_565, %swap3A_566], %add3A_522 {strides = array<i32>} : memref<3x1x2000xf32, #tpu.memory_space<vmem>>, vector<16xf32>,
      %dma_wait3A_568 = arith.constant 0 : i32
      %dma_wait3A_569 = tpu.memref_slice %arg12[%mul3A_222, %dma_wait3A_568] : memref<75x80xi32, #tpu.memory_space<vmem>> -> memref<1x80xi32, #tpu.memory_space<vmem>>
      %dma_wait3A_570 = tpu.memref_squeeze %dma_wait3A_569 : memref<1x80xi32, #tpu.memory_space<vmem>> -> memref<80xi32, #tpu.memory_space<vmem>>
      %dma_wait3A_571 = arith.constant 0 : i32
      %dma_wait3A_572 = arith.constant 0 : i32
      %dma_wait3A_573 = tpu.memref_slice %arg2[%dma_wait3A_571, %dma_wait3A_572] : memref<10000x128xf32, #tpu.memory_space<hbm>> -> memref<10000x128xf32, #tpu.memory_space<hbm>>
      tpu.wait_indirect_dma semaphore(%arg21 : memref<!tpu.dma_semaphore, #tpu.memory_space<semaphore_mem>>) src(%dma_wait3A_573 : memref<10000x128xf32, #tpu.memory_space<hbm>>) dst(%arg16 : memref<80x128xf32, #tpu.memory_space<vmem>>)
      %dma_wait3A_574 = arith.constant 0 : i32
      %dma_wait3A_575 = tpu.memref_slice %arg11[%mul3A_222, %dma_wait3A_574] : memref<75x80xi32, #tpu.memory_space<vmem>> -> memref<1x80xi32, #tpu.memory_space<vmem>>
      %dma_wait3A_576 = tpu.memref_squeeze %dma_wait3A_575 : memref<1x80xi32, #tpu.memory_space<vmem>> -> memref<80xi32, #tpu.memory_space<vmem>>
      %dma_wait3A_577 = arith.constant 0 : i32
      %dma_wait3A_578 = arith.constant 0 : i32
      %dma_wait3A_579 = tpu.memref_slice %arg3[%dma_wait3A_577, %dma_wait3A_578] : memref<10000x128xf32, #tpu.memory_space<hbm>> -> memref<10000x128xf32, #tpu.memory_space<hbm>>
      tpu.wait_indirect_dma semaphore(%arg22 : memref<!tpu.dma_semaphore, #tpu.memory_space<semaphore_mem>>) src(%dma_wait3A_579 : memref<10000x128xf32, #tpu.memory_space<hbm>>) dst(%arg17 : memref<80x128xf32, #tpu.memory_space<vmem>>)
      %scan3A_580 = arith.constant 0 : i32
      %scan3A_581 = arith.constant 0 : i32
      %scan3A_582 = arith.constant 80 : i32
      %scan3A_583 = arith.addi %scan3A_581, %scan3A_582 : i32
      %scan3A_584 = arith.constant 1 : i32
      scf.for %scan3A_1009 = %scan3A_581 to %scan3A_583 step %scan3A_584  : i32 {
        %get3A_1010 = arith.index_cast %scan3A_1009 : i32 to index
        %get3A_1011 = arith.constant 0 : index
        %get3A_1012 = tpu.vector_load %arg16[%get3A_1010, %get3A_1011] {strides = array<i32>} : memref<80x128xf32, #tpu.memory_space<vmem>>, vector<16xf32>,
        %get3A_1013 = arith.index_cast %scan3A_1009 : i32 to index
        %get3A_1014 = arith.constant 0 : index
        %get3A_1015 = tpu.vector_load %arg17[%get3A_1013, %get3A_1014] {strides = array<i32>} : memref<80x128xf32, #tpu.memory_space<vmem>>, vector<16xf32>,
        %add3A_1016 = arith.addf %get3A_1012, %get3A_1015 : vector<16xf32>
        %swap3A_1017 = arith.index_cast %scan3A_1009 : i32 to index
        %swap3A_1018 = arith.constant 0 : index
        %swap3A_1019 = tpu.vector_load %arg16[%swap3A_1017, %swap3A_1018] {strides = array<i32>} : memref<80x128xf32, #tpu.memory_space<vmem>>, vector<16xf32>,
        tpu.vector_store %arg16[%swap3A_1017, %swap3A_1018], %add3A_1016 {strides = array<i32>} : memref<80x128xf32, #tpu.memory_space<vmem>>, vector<16xf32>,
        %get3A_1020 = arith.index_cast %scan3A_1009 : i32 to index
        %get3A_1021 = arith.constant 16 : index
        %get3A_1022 = tpu.vector_load %arg16[%get3A_1020, %get3A_1021] {strides = array<i32>} : memref<80x128xf32, #tpu.memory_space<vmem>>, vector<16xf32>,
        %get3A_1023 = arith.index_cast %scan3A_1009 : i32 to index
        %get3A_1024 = arith.constant 16 : index
        %get3A_1025 = tpu.vector_load %arg17[%get3A_1023, %get3A_1024] {strides = array<i32>} : memref<80x128xf32, #tpu.memory_space<vmem>>, vector<16xf32>,
        %add3A_1026 = arith.addf %get3A_1022, %get3A_1025 : vector<16xf32>
        %swap3A_1027 = arith.index_cast %scan3A_1009 : i32 to index
        %swap3A_1028 = arith.constant 16 : index
        %swap3A_1029 = tpu.vector_load %arg16[%swap3A_1027, %swap3A_1028] {strides = array<i32>} : memref<80x128xf32, #tpu.memory_space<vmem>>, vector<16xf32>,
        tpu.vector_store %arg16[%swap3A_1027, %swap3A_1028], %add3A_1026 {strides = array<i32>} : memref<80x128xf32, #tpu.memory_space<vmem>>, vector<16xf32>,
        %get3A_1030 = arith.index_cast %scan3A_1009 : i32 to index
        %get3A_1031 = arith.constant 32 : index
        %get3A_1032 = tpu.vector_load %arg16[%get3A_1030, %get3A_1031] {strides = array<i32>} : memref<80x128xf32, #tpu.memory_space<vmem>>, vector<16xf32>,
        %get3A_1033 = arith.index_cast %scan3A_1009 : i32 to index
        %get3A_1034 = arith.constant 32 : index
        %get3A_1035 = tpu.vector_load %arg17[%get3A_1033, %get3A_1034] {strides = array<i32>} : memref<80x128xf32, #tpu.memory_space<vmem>>, vector<16xf32>,
        %add3A_1036 = arith.addf %get3A_1032, %get3A_1035 : vector<16xf32>
        %swap3A_1037 = arith.index_cast %scan3A_1009 : i32 to index
        %swap3A_1038 = arith.constant 32 : index
        %swap3A_1039 = tpu.vector_load %arg16[%swap3A_1037, %swap3A_1038] {strides = array<i32>} : memref<80x128xf32, #tpu.memory_space<vmem>>, vector<16xf32>,
        tpu.vector_store %arg16[%swap3A_1037, %swap3A_1038], %add3A_1036 {strides = array<i32>} : memref<80x128xf32, #tpu.memory_space<vmem>>, vector<16xf32>,
        %get3A_1040 = arith.index_cast %scan3A_1009 : i32 to index
        %get3A_1041 = arith.constant 48 : index
        %get3A_1042 = tpu.vector_load %arg16[%get3A_1040, %get3A_1041] {strides = array<i32>} : memref<80x128xf32, #tpu.memory_space<vmem>>, vector<16xf32>,
        %get3A_1043 = arith.index_cast %scan3A_1009 : i32 to index
        %get3A_1044 = arith.constant 48 : index
        %get3A_1045 = tpu.vector_load %arg17[%get3A_1043, %get3A_1044] {strides = array<i32>} : memref<80x128xf32, #tpu.memory_space<vmem>>, vector<16xf32>,
        %add3A_1046 = arith.addf %get3A_1042, %get3A_1045 : vector<16xf32>
        %swap3A_1047 = arith.index_cast %scan3A_1009 : i32 to index
        %swap3A_1048 = arith.constant 48 : index
        %swap3A_1049 = tpu.vector_load %arg16[%swap3A_1047, %swap3A_1048] {strides = array<i32>} : memref<80x128xf32, #tpu.memory_space<vmem>>, vector<16xf32>,
        tpu.vector_store %arg16[%swap3A_1047, %swap3A_1048], %add3A_1046 {strides = array<i32>} : memref<80x128xf32, #tpu.memory_space<vmem>>, vector<16xf32>,
        %get3A_1050 = arith.index_cast %scan3A_1009 : i32 to index
        %get3A_1051 = arith.constant 64 : index
        %get3A_1052 = tpu.vector_load %arg16[%get3A_1050, %get3A_1051] {strides = array<i32>} : memref<80x128xf32, #tpu.memory_space<vmem>>, vector<16xf32>,
        %get3A_1053 = arith.index_cast %scan3A_1009 : i32 to index
        %get3A_1054 = arith.constant 64 : index
        %get3A_1055 = tpu.vector_load %arg17[%get3A_1053, %get3A_1054] {strides = array<i32>} : memref<80x128xf32, #tpu.memory_space<vmem>>, vector<16xf32>,
        %add3A_1056 = arith.addf %get3A_1052, %get3A_1055 : vector<16xf32>
        %swap3A_1057 = arith.index_cast %scan3A_1009 : i32 to index
        %swap3A_1058 = arith.constant 64 : index
        %swap3A_1059 = tpu.vector_load %arg16[%swap3A_1057, %swap3A_1058] {strides = array<i32>} : memref<80x128xf32, #tpu.memory_space<vmem>>, vector<16xf32>,
        tpu.vector_store %arg16[%swap3A_1057, %swap3A_1058], %add3A_1056 {strides = array<i32>} : memref<80x128xf32, #tpu.memory_space<vmem>>, vector<16xf32>,
        %get3A_1060 = arith.index_cast %scan3A_1009 : i32 to index
        %get3A_1061 = arith.constant 80 : index
        %get3A_1062 = tpu.vector_load %arg16[%get3A_1060, %get3A_1061] {strides = array<i32>} : memref<80x128xf32, #tpu.memory_space<vmem>>, vector<16xf32>,
        %get3A_1063 = arith.index_cast %scan3A_1009 : i32 to index
        %get3A_1064 = arith.constant 80 : index
        %get3A_1065 = tpu.vector_load %arg17[%get3A_1063, %get3A_1064] {strides = array<i32>} : memref<80x128xf32, #tpu.memory_space<vmem>>, vector<16xf32>,
        %add3A_1066 = arith.addf %get3A_1062, %get3A_1065 : vector<16xf32>
        %swap3A_1067 = arith.index_cast %scan3A_1009 : i32 to index
        %swap3A_1068 = arith.constant 80 : index
        %swap3A_1069 = tpu.vector_load %arg16[%swap3A_1067, %swap3A_1068] {strides = array<i32>} : memref<80x128xf32, #tpu.memory_space<vmem>>, vector<16xf32>,
        tpu.vector_store %arg16[%swap3A_1067, %swap3A_1068], %add3A_1066 {strides = array<i32>} : memref<80x128xf32, #tpu.memory_space<vmem>>, vector<16xf32>,
        %get3A_1070 = arith.index_cast %scan3A_1009 : i32 to index
        %get3A_1071 = arith.constant 96 : index
        %get3A_1072 = tpu.vector_load %arg16[%get3A_1070, %get3A_1071] {strides = array<i32>} : memref<80x128xf32, #tpu.memory_space<vmem>>, vector<16xf32>,
        %get3A_1073 = arith.index_cast %scan3A_1009 : i32 to index
        %get3A_1074 = arith.constant 96 : index
        %get3A_1075 = tpu.vector_load %arg17[%get3A_1073, %get3A_1074] {strides = array<i32>} : memref<80x128xf32, #tpu.memory_space<vmem>>, vector<16xf32>,
        %add3A_1076 = arith.addf %get3A_1072, %get3A_1075 : vector<16xf32>
        %swap3A_1077 = arith.index_cast %scan3A_1009 : i32 to index
        %swap3A_1078 = arith.constant 96 : index
        %swap3A_1079 = tpu.vector_load %arg16[%swap3A_1077, %swap3A_1078] {strides = array<i32>} : memref<80x128xf32, #tpu.memory_space<vmem>>, vector<16xf32>,
        tpu.vector_store %arg16[%swap3A_1077, %swap3A_1078], %add3A_1076 {strides = array<i32>} : memref<80x128xf32, #tpu.memory_space<vmem>>, vector<16xf32>,
        %get3A_1080 = arith.index_cast %scan3A_1009 : i32 to index
        %get3A_1081 = arith.constant 112 : index
        %get3A_1082 = tpu.vector_load %arg16[%get3A_1080, %get3A_1081] {strides = array<i32>} : memref<80x128xf32, #tpu.memory_space<vmem>>, vector<16xf32>,
        %get3A_1083 = arith.index_cast %scan3A_1009 : i32 to index
        %get3A_1084 = arith.constant 112 : index
        %get3A_1085 = tpu.vector_load %arg17[%get3A_1083, %get3A_1084] {strides = array<i32>} : memref<80x128xf32, #tpu.memory_space<vmem>>, vector<16xf32>,
        %add3A_1086 = arith.addf %get3A_1082, %get3A_1085 : vector<16xf32>
        %swap3A_1087 = arith.index_cast %scan3A_1009 : i32 to index
        %swap3A_1088 = arith.constant 112 : index
        %swap3A_1089 = tpu.vector_load %arg16[%swap3A_1087, %swap3A_1088] {strides = array<i32>} : memref<80x128xf32, #tpu.memory_space<vmem>>, vector<16xf32>,
        tpu.vector_store %arg16[%swap3A_1087, %swap3A_1088], %add3A_1086 {strides = array<i32>} : memref<80x128xf32, #tpu.memory_space<vmem>>, vector<16xf32>,
      }
      %scan3A_585 = arith.constant 80 : i32
      %mul3A_586 = arith.constant 6000 : i32
      %mul3A_587 = arith.muli %add3A, %mul3A_586 : i32
      %mul3A_588 = arith.constant 80 : i32
      %mul3A_589 = arith.muli %mul3A_222, %mul3A_588 : i32
      %add3A_590 = arith.addi %mul3A_587, %mul3A_589 : i32
      %dma_start3A_591 = arith.constant 0 : i32
      %dma_start3A_592 = tpu.memref_slice %arg9[%add3A_590, %dma_start3A_591] : memref<192000x128xf32, #tpu.memory_space<hbm>> -> memref<80x128xf32, #tpu.memory_space<hbm>>
      %dma_start3A_593 = arith.constant 0 : i32
      %dma_start3A_594 = tpu.memref_slice %arg9[%add3A_590, %dma_start3A_593] : memref<192000x128xf32, #tpu.memory_space<hbm>> -> memref<80x128xf32, #tpu.memory_space<hbm>>
      tpu.enqueue_dma source(%arg16 : memref<80x128xf32, #tpu.memory_space<vmem>>) target(%dma_start3A_594 : memref<80x128xf32, #tpu.memory_space<hbm>>) target_semaphore(%arg25 : memref<!tpu.dma_semaphore, #tpu.memory_space<semaphore_mem>>)
      %get3A_595 = arith.index_cast %add3A_224 : i32 to index
      %get3A_596 = arith.constant 0 : index
      %get3A_597 = tpu.vector_load %arg11[%get3A_595, %get3A_596] {strides = array<i32>} : memref<75x80xi32, #tpu.memory_space<vmem>>, vector<16xi32>,
      %get3A_598 = arith.index_cast %add3A_224 : i32 to index
      %get3A_599 = arith.constant 0 : index
      %get3A_600 = tpu.vector_load %arg12[%get3A_598, %get3A_599] {strides = array<i32>} : memref<75x80xi32, #tpu.memory_space<vmem>>, vector<16xi32>,
      %gather3A_601 = tpu.vector_load_idx %arg13[%get3A_597] : memref<10000xf32, #tpu.memory_space<vmem>>[vector<16xi32>], vector<16xf32>,
      %gather3A_602 = tpu.vector_load_idx %arg13[%get3A_600] : memref<10000xf32, #tpu.memory_space<vmem>>[vector<16xi32>], vector<16xf32>,
      %sub3A_603 = arith.subf %gather3A_601, %gather3A_602 : vector<16xf32>
      %gather3A_604 = tpu.vector_load_idx %arg14[%get3A_597] : memref<10000xf32, #tpu.memory_space<vmem>>[vector<16xi32>], vector<16xf32>,
      %gather3A_605 = tpu.vector_load_idx %arg14[%get3A_600] : memref<10000xf32, #tpu.memory_space<vmem>>[vector<16xi32>], vector<16xf32>,
      %sub3A_606 = arith.subf %gather3A_604, %gather3A_605 : vector<16xf32>
      %gather3A_607 = tpu.vector_load_idx %arg15[%get3A_597] : memref<10000xf32, #tpu.memory_space<vmem>>[vector<16xi32>], vector<16xf32>,
      %gather3A_608 = tpu.vector_load_idx %arg15[%get3A_600] : memref<10000xf32, #tpu.memory_space<vmem>>[vector<16xi32>], vector<16xf32>,
      %sub3A_609 = arith.subf %gather3A_607, %gather3A_608 : vector<16xf32>
      %mul3A_610 = arith.constant 80 : i32
      %mul3A_611 = arith.muli %add3A_224, %mul3A_610 : i32
      %add3A_612 = arith.constant 0 : i32
      %add3A_613 = arith.addi %mul3A_611, %add3A_612 : i32
      %mul3A_614 = arith.mulf %sub3A_603, %sub3A_603 : vector<16xf32>
      %mul3A_615 = arith.mulf %sub3A_606, %sub3A_606 : vector<16xf32>
      %add3A_616 = arith.addf %mul3A_614, %mul3A_615 : vector<16xf32>
      %mul3A_617 = arith.mulf %sub3A_609, %sub3A_609 : vector<16xf32>
      %add3A_618 = arith.addf %add3A_616, %mul3A_617 : vector<16xf32>
      %jit3A_619 = arith.constant 2000 : i32
      %div3A_620 = arith.divsi %add3A_613, %jit3A_619 : i32
      %sign3A_621 = arith.constant 0 : i32
      %sign3A_622 = arith.cmpi sgt, %add3A_613, %sign3A_621 : i32
      %sign3A_623 = arith.extui %sign3A_622 : i1 to i32
      %sign3A_624 = arith.constant 0 : i32
      %sign3A_625 = arith.cmpi slt, %add3A_613, %sign3A_624 : i32
      %sign3A_626 = arith.extui %sign3A_625 : i1 to i32
      %sign3A_627 = arith.subi %sign3A_623, %sign3A_626 : i32
      %sign3A_628 = arith.constant 0 : i32
      %sign3A_629 = arith.cmpi sgt, %jit3A_619, %sign3A_628 : i32
      %sign3A_630 = arith.extui %sign3A_629 : i1 to i32
      %sign3A_631 = arith.constant 0 : i32
      %sign3A_632 = arith.cmpi slt, %jit3A_619, %sign3A_631 : i32
      %sign3A_633 = arith.extui %sign3A_632 : i1 to i32
      %sign3A_634 = arith.subi %sign3A_630, %sign3A_633 : i32
      %ne3A_635 = arith.cmpi ne, %sign3A_627, %sign3A_634 : i32
      %rem3A_636 = arith.remsi %add3A_613, %jit3A_619 : i32
      %ne3A_637 = arith.constant 0 : i32
      %ne3A_638 = arith.cmpi ne, %rem3A_636, %ne3A_637 : i32
      %and3A_639 = arith.andi %ne3A_635, %ne3A_638 : i1
      %sub3A_640 = arith.constant 1 : i32
      %sub3A_641 = arith.subi %div3A_620, %sub3A_640 : i32
      %select_n3A_642 = arith.select %and3A_639, %sub3A_641, %div3A_620 : i32
      %jit3A_643 = arith.constant 2000 : i32
      %eq3A_644 = arith.constant 0 : i32
      %eq3A_645 = arith.cmpi eq, %jit3A_643, %eq3A_644 : i32
      %jit3A_646 = arith.constant 1 : i32
      %select_n3A_647 = arith.select %eq3A_645, %jit3A_646, %jit3A_643 : i32
      %rem3A_648 = arith.remsi %add3A_613, %select_n3A_647 : i32
      %ne3A_649 = arith.constant 0 : i32
      %ne3A_650 = arith.cmpi ne, %rem3A_648, %ne3A_649 : i32
      %lt3A_651 = arith.constant 0 : i32
      %lt3A_652 = arith.cmpi slt, %rem3A_648, %lt3A_651 : i32
      %lt3A_653 = arith.constant 0 : i32
      %lt3A_654 = arith.cmpi slt, %select_n3A_647, %lt3A_653 : i32
      %ne3A_655 = arith.xori %lt3A_652, %lt3A_654 : i1
      %and3A_656 = arith.andi %ne3A_655, %ne3A_650 : i1
      %add3A_657 = arith.addi %rem3A_648, %select_n3A_647 : i32
      %select_n3A_658 = arith.select %and3A_656, %add3A_657, %rem3A_648 : i32
      %swap3A_659 = arith.constant 0 : i32
      %swap3A_660 = arith.index_cast %select_n3A_642 : i32 to index
      %swap3A_661 = arith.index_cast %swap3A_659 : i32 to index
      %swap3A_662 = arith.index_cast %select_n3A_658 : i32 to index
      %swap3A_663 = tpu.vector_load %arg20[%swap3A_660, %swap3A_661, %swap3A_662] {strides = array<i32>} : memref<3x1x2000xf32, #tpu.memory_space<vmem>>, vector<16xf32>,
      tpu.vector_store %arg20[%swap3A_660, %swap3A_661, %swap3A_662], %add3A_618 {strides = array<i32>} : memref<3x1x2000xf32, #tpu.memory_space<vmem>>, vector<16xf32>,
      %get3A_664 = arith.index_cast %add3A_224 : i32 to index
      %get3A_665 = arith.constant 16 : index
      %get3A_666 = tpu.vector_load %arg11[%get3A_664, %get3A_665] {strides = array<i32>} : memref<75x80xi32, #tpu.memory_space<vmem>>, vector<16xi32>,
      %get3A_667 = arith.index_cast %add3A_224 : i32 to index
      %get3A_668 = arith.constant 16 : index
      %get3A_669 = tpu.vector_load %arg12[%get3A_667, %get3A_668] {strides = array<i32>} : memref<75x80xi32, #tpu.memory_space<vmem>>, vector<16xi32>,
      %gather3A_670 = tpu.vector_load_idx %arg13[%get3A_666] : memref<10000xf32, #tpu.memory_space<vmem>>[vector<16xi32>], vector<16xf32>,
      %gather3A_671 = tpu.vector_load_idx %arg13[%get3A_669] : memref<10000xf32, #tpu.memory_space<vmem>>[vector<16xi32>], vector<16xf32>,
      %sub3A_672 = arith.subf %gather3A_670, %gather3A_671 : vector<16xf32>
      %gather3A_673 = tpu.vector_load_idx %arg14[%get3A_666] : memref<10000xf32, #tpu.memory_space<vmem>>[vector<16xi32>], vector<16xf32>,
      %gather3A_674 = tpu.vector_load_idx %arg14[%get3A_669] : memref<10000xf32, #tpu.memory_space<vmem>>[vector<16xi32>], vector<16xf32>,
      %sub3A_675 = arith.subf %gather3A_673, %gather3A_674 : vector<16xf32>
      %gather3A_676 = tpu.vector_load_idx %arg15[%get3A_666] : memref<10000xf32, #tpu.memory_space<vmem>>[vector<16xi32>], vector<16xf32>,
      %gather3A_677 = tpu.vector_load_idx %arg15[%get3A_669] : memref<10000xf32, #tpu.memory_space<vmem>>[vector<16xi32>], vector<16xf32>,
      %sub3A_678 = arith.subf %gather3A_676, %gather3A_677 : vector<16xf32>
      %mul3A_679 = arith.constant 80 : i32
      %mul3A_680 = arith.muli %add3A_224, %mul3A_679 : i32
      %add3A_681 = arith.constant 16 : i32
      %add3A_682 = arith.addi %mul3A_680, %add3A_681 : i32
      %mul3A_683 = arith.mulf %sub3A_672, %sub3A_672 : vector<16xf32>
      %mul3A_684 = arith.mulf %sub3A_675, %sub3A_675 : vector<16xf32>
      %add3A_685 = arith.addf %mul3A_683, %mul3A_684 : vector<16xf32>
      %mul3A_686 = arith.mulf %sub3A_678, %sub3A_678 : vector<16xf32>
      %add3A_687 = arith.addf %add3A_685, %mul3A_686 : vector<16xf32>
      %jit3A_688 = arith.constant 2000 : i32
      %div3A_689 = arith.divsi %add3A_682, %jit3A_688 : i32
      %sign3A_690 = arith.constant 0 : i32
      %sign3A_691 = arith.cmpi sgt, %add3A_682, %sign3A_690 : i32
      %sign3A_692 = arith.extui %sign3A_691 : i1 to i32
      %sign3A_693 = arith.constant 0 : i32
      %sign3A_694 = arith.cmpi slt, %add3A_682, %sign3A_693 : i32
      %sign3A_695 = arith.extui %sign3A_694 : i1 to i32
      %sign3A_696 = arith.subi %sign3A_692, %sign3A_695 : i32
      %sign3A_697 = arith.constant 0 : i32
      %sign3A_698 = arith.cmpi sgt, %jit3A_688, %sign3A_697 : i32
      %sign3A_699 = arith.extui %sign3A_698 : i1 to i32
      %sign3A_700 = arith.constant 0 : i32
      %sign3A_701 = arith.cmpi slt, %jit3A_688, %sign3A_700 : i32
      %sign3A_702 = arith.extui %sign3A_701 : i1 to i32
      %sign3A_703 = arith.subi %sign3A_699, %sign3A_702 : i32
      %ne3A_704 = arith.cmpi ne, %sign3A_696, %sign3A_703 : i32
      %rem3A_705 = arith.remsi %add3A_682, %jit3A_688 : i32
      %ne3A_706 = arith.constant 0 : i32
      %ne3A_707 = arith.cmpi ne, %rem3A_705, %ne3A_706 : i32
      %and3A_708 = arith.andi %ne3A_704, %ne3A_707 : i1
      %sub3A_709 = arith.constant 1 : i32
      %sub3A_710 = arith.subi %div3A_689, %sub3A_709 : i32
      %select_n3A_711 = arith.select %and3A_708, %sub3A_710, %div3A_689 : i32
      %jit3A_712 = arith.constant 2000 : i32
      %eq3A_713 = arith.constant 0 : i32
      %eq3A_714 = arith.cmpi eq, %jit3A_712, %eq3A_713 : i32
      %jit3A_715 = arith.constant 1 : i32
      %select_n3A_716 = arith.select %eq3A_714, %jit3A_715, %jit3A_712 : i32
      %rem3A_717 = arith.remsi %add3A_682, %select_n3A_716 : i32
      %ne3A_718 = arith.constant 0 : i32
      %ne3A_719 = arith.cmpi ne, %rem3A_717, %ne3A_718 : i32
      %lt3A_720 = arith.constant 0 : i32
      %lt3A_721 = arith.cmpi slt, %rem3A_717, %lt3A_720 : i32
      %lt3A_722 = arith.constant 0 : i32
      %lt3A_723 = arith.cmpi slt, %select_n3A_716, %lt3A_722 : i32
      %ne3A_724 = arith.xori %lt3A_721, %lt3A_723 : i1
      %and3A_725 = arith.andi %ne3A_724, %ne3A_719 : i1
      %add3A_726 = arith.addi %rem3A_717, %select_n3A_716 : i32
      %select_n3A_727 = arith.select %and3A_725, %add3A_726, %rem3A_717 : i32
      %swap3A_728 = arith.constant 0 : i32
      %swap3A_729 = arith.index_cast %select_n3A_711 : i32 to index
      %swap3A_730 = arith.index_cast %swap3A_728 : i32 to index
      %swap3A_731 = arith.index_cast %select_n3A_727 : i32 to index
      %swap3A_732 = tpu.vector_load %arg20[%swap3A_729, %swap3A_730, %swap3A_731] {strides = array<i32>} : memref<3x1x2000xf32, #tpu.memory_space<vmem>>, vector<16xf32>,
      tpu.vector_store %arg20[%swap3A_729, %swap3A_730, %swap3A_731], %add3A_687 {strides = array<i32>} : memref<3x1x2000xf32, #tpu.memory_space<vmem>>, vector<16xf32>,
      %get3A_733 = arith.index_cast %add3A_224 : i32 to index
      %get3A_734 = arith.constant 32 : index
      %get3A_735 = tpu.vector_load %arg11[%get3A_733, %get3A_734] {strides = array<i32>} : memref<75x80xi32, #tpu.memory_space<vmem>>, vector<16xi32>,
      %get3A_736 = arith.index_cast %add3A_224 : i32 to index
      %get3A_737 = arith.constant 32 : index
      %get3A_738 = tpu.vector_load %arg12[%get3A_736, %get3A_737] {strides = array<i32>} : memref<75x80xi32, #tpu.memory_space<vmem>>, vector<16xi32>,
      %gather3A_739 = tpu.vector_load_idx %arg13[%get3A_735] : memref<10000xf32, #tpu.memory_space<vmem>>[vector<16xi32>], vector<16xf32>,
      %gather3A_740 = tpu.vector_load_idx %arg13[%get3A_738] : memref<10000xf32, #tpu.memory_space<vmem>>[vector<16xi32>], vector<16xf32>,
      %sub3A_741 = arith.subf %gather3A_739, %gather3A_740 : vector<16xf32>
      %gather3A_742 = tpu.vector_load_idx %arg14[%get3A_735] : memref<10000xf32, #tpu.memory_space<vmem>>[vector<16xi32>], vector<16xf32>,
      %gather3A_743 = tpu.vector_load_idx %arg14[%get3A_738] : memref<10000xf32, #tpu.memory_space<vmem>>[vector<16xi32>], vector<16xf32>,
      %sub3A_744 = arith.subf %gather3A_742, %gather3A_743 : vector<16xf32>
      %gather3A_745 = tpu.vector_load_idx %arg15[%get3A_735] : memref<10000xf32, #tpu.memory_space<vmem>>[vector<16xi32>], vector<16xf32>,
      %gather3A_746 = tpu.vector_load_idx %arg15[%get3A_738] : memref<10000xf32, #tpu.memory_space<vmem>>[vector<16xi32>], vector<16xf32>,
      %sub3A_747 = arith.subf %gather3A_745, %gather3A_746 : vector<16xf32>
      %mul3A_748 = arith.constant 80 : i32
      %mul3A_749 = arith.muli %add3A_224, %mul3A_748 : i32
      %add3A_750 = arith.constant 32 : i32
      %add3A_751 = arith.addi %mul3A_749, %add3A_750 : i32
      %mul3A_752 = arith.mulf %sub3A_741, %sub3A_741 : vector<16xf32>
      %mul3A_753 = arith.mulf %sub3A_744, %sub3A_744 : vector<16xf32>
      %add3A_754 = arith.addf %mul3A_752, %mul3A_753 : vector<16xf32>
      %mul3A_755 = arith.mulf %sub3A_747, %sub3A_747 : vector<16xf32>
      %add3A_756 = arith.addf %add3A_754, %mul3A_755 : vector<16xf32>
      %jit3A_757 = arith.constant 2000 : i32
      %div3A_758 = arith.divsi %add3A_751, %jit3A_757 : i32
      %sign3A_759 = arith.constant 0 : i32
      %sign3A_760 = arith.cmpi sgt, %add3A_751, %sign3A_759 : i32
      %sign3A_761 = arith.extui %sign3A_760 : i1 to i32
      %sign3A_762 = arith.constant 0 : i32
      %sign3A_763 = arith.cmpi slt, %add3A_751, %sign3A_762 : i32
      %sign3A_764 = arith.extui %sign3A_763 : i1 to i32
      %sign3A_765 = arith.subi %sign3A_761, %sign3A_764 : i32
      %sign3A_766 = arith.constant 0 : i32
      %sign3A_767 = arith.cmpi sgt, %jit3A_757, %sign3A_766 : i32
      %sign3A_768 = arith.extui %sign3A_767 : i1 to i32
      %sign3A_769 = arith.constant 0 : i32
      %sign3A_770 = arith.cmpi slt, %jit3A_757, %sign3A_769 : i32
      %sign3A_771 = arith.extui %sign3A_770 : i1 to i32
      %sign3A_772 = arith.subi %sign3A_768, %sign3A_771 : i32
      %ne3A_773 = arith.cmpi ne, %sign3A_765, %sign3A_772 : i32
      %rem3A_774 = arith.remsi %add3A_751, %jit3A_757 : i32
      %ne3A_775 = arith.constant 0 : i32
      %ne3A_776 = arith.cmpi ne, %rem3A_774, %ne3A_775 : i32
      %and3A_777 = arith.andi %ne3A_773, %ne3A_776 : i1
      %sub3A_778 = arith.constant 1 : i32
      %sub3A_779 = arith.subi %div3A_758, %sub3A_778 : i32
      %select_n3A_780 = arith.select %and3A_777, %sub3A_779, %div3A_758 : i32
      %jit3A_781 = arith.constant 2000 : i32
      %eq3A_782 = arith.constant 0 : i32
      %eq3A_783 = arith.cmpi eq, %jit3A_781, %eq3A_782 : i32
      %jit3A_784 = arith.constant 1 : i32
      %select_n3A_785 = arith.select %eq3A_783, %jit3A_784, %jit3A_781 : i32
      %rem3A_786 = arith.remsi %add3A_751, %select_n3A_785 : i32
      %ne3A_787 = arith.constant 0 : i32
      %ne3A_788 = arith.cmpi ne, %rem3A_786, %ne3A_787 : i32
      %lt3A_789 = arith.constant 0 : i32
      %lt3A_790 = arith.cmpi slt, %rem3A_786, %lt3A_789 : i32
      %lt3A_791 = arith.constant 0 : i32
      %lt3A_792 = arith.cmpi slt, %select_n3A_785, %lt3A_791 : i32
      %ne3A_793 = arith.xori %lt3A_790, %lt3A_792 : i1
      %and3A_794 = arith.andi %ne3A_793, %ne3A_788 : i1
      %add3A_795 = arith.addi %rem3A_786, %select_n3A_785 : i32
      %select_n3A_796 = arith.select %and3A_794, %add3A_795, %rem3A_786 : i32
      %swap3A_797 = arith.constant 0 : i32
      %swap3A_798 = arith.index_cast %select_n3A_780 : i32 to index
      %swap3A_799 = arith.index_cast %swap3A_797 : i32 to index
      %swap3A_800 = arith.index_cast %select_n3A_796 : i32 to index
      %swap3A_801 = tpu.vector_load %arg20[%swap3A_798, %swap3A_799, %swap3A_800] {strides = array<i32>} : memref<3x1x2000xf32, #tpu.memory_space<vmem>>, vector<16xf32>,
      tpu.vector_store %arg20[%swap3A_798, %swap3A_799, %swap3A_800], %add3A_756 {strides = array<i32>} : memref<3x1x2000xf32, #tpu.memory_space<vmem>>, vector<16xf32>,
      %get3A_802 = arith.index_cast %add3A_224 : i32 to index
      %get3A_803 = arith.constant 48 : index
      %get3A_804 = tpu.vector_load %arg11[%get3A_802, %get3A_803] {strides = array<i32>} : memref<75x80xi32, #tpu.memory_space<vmem>>, vector<16xi32>,
      %get3A_805 = arith.index_cast %add3A_224 : i32 to index
      %get3A_806 = arith.constant 48 : index
      %get3A_807 = tpu.vector_load %arg12[%get3A_805, %get3A_806] {strides = array<i32>} : memref<75x80xi32, #tpu.memory_space<vmem>>, vector<16xi32>,
      %gather3A_808 = tpu.vector_load_idx %arg13[%get3A_804] : memref<10000xf32, #tpu.memory_space<vmem>>[vector<16xi32>], vector<16xf32>,
      %gather3A_809 = tpu.vector_load_idx %arg13[%get3A_807] : memref<10000xf32, #tpu.memory_space<vmem>>[vector<16xi32>], vector<16xf32>,
      %sub3A_810 = arith.subf %gather3A_808, %gather3A_809 : vector<16xf32>
      %gather3A_811 = tpu.vector_load_idx %arg14[%get3A_804] : memref<10000xf32, #tpu.memory_space<vmem>>[vector<16xi32>], vector<16xf32>,
      %gather3A_812 = tpu.vector_load_idx %arg14[%get3A_807] : memref<10000xf32, #tpu.memory_space<vmem>>[vector<16xi32>], vector<16xf32>,
      %sub3A_813 = arith.subf %gather3A_811, %gather3A_812 : vector<16xf32>
      %gather3A_814 = tpu.vector_load_idx %arg15[%get3A_804] : memref<10000xf32, #tpu.memory_space<vmem>>[vector<16xi32>], vector<16xf32>,
      %gather3A_815 = tpu.vector_load_idx %arg15[%get3A_807] : memref<10000xf32, #tpu.memory_space<vmem>>[vector<16xi32>], vector<16xf32>,
      %sub3A_816 = arith.subf %gather3A_814, %gather3A_815 : vector<16xf32>
      %mul3A_817 = arith.constant 80 : i32
      %mul3A_818 = arith.muli %add3A_224, %mul3A_817 : i32
      %add3A_819 = arith.constant 48 : i32
      %add3A_820 = arith.addi %mul3A_818, %add3A_819 : i32
      %mul3A_821 = arith.mulf %sub3A_810, %sub3A_810 : vector<16xf32>
      %mul3A_822 = arith.mulf %sub3A_813, %sub3A_813 : vector<16xf32>
      %add3A_823 = arith.addf %mul3A_821, %mul3A_822 : vector<16xf32>
      %mul3A_824 = arith.mulf %sub3A_816, %sub3A_816 : vector<16xf32>
      %add3A_825 = arith.addf %add3A_823, %mul3A_824 : vector<16xf32>
      %jit3A_826 = arith.constant 2000 : i32
      %div3A_827 = arith.divsi %add3A_820, %jit3A_826 : i32
      %sign3A_828 = arith.constant 0 : i32
      %sign3A_829 = arith.cmpi sgt, %add3A_820, %sign3A_828 : i32
      %sign3A_830 = arith.extui %sign3A_829 : i1 to i32
      %sign3A_831 = arith.constant 0 : i32
      %sign3A_832 = arith.cmpi slt, %add3A_820, %sign3A_831 : i32
      %sign3A_833 = arith.extui %sign3A_832 : i1 to i32
      %sign3A_834 = arith.subi %sign3A_830, %sign3A_833 : i32
      %sign3A_835 = arith.constant 0 : i32
      %sign3A_836 = arith.cmpi sgt, %jit3A_826, %sign3A_835 : i32
      %sign3A_837 = arith.extui %sign3A_836 : i1 to i32
      %sign3A_838 = arith.constant 0 : i32
      %sign3A_839 = arith.cmpi slt, %jit3A_826, %sign3A_838 : i32
      %sign3A_840 = arith.extui %sign3A_839 : i1 to i32
      %sign3A_841 = arith.subi %sign3A_837, %sign3A_840 : i32
      %ne3A_842 = arith.cmpi ne, %sign3A_834, %sign3A_841 : i32
      %rem3A_843 = arith.remsi %add3A_820, %jit3A_826 : i32
      %ne3A_844 = arith.constant 0 : i32
      %ne3A_845 = arith.cmpi ne, %rem3A_843, %ne3A_844 : i32
      %and3A_846 = arith.andi %ne3A_842, %ne3A_845 : i1
      %sub3A_847 = arith.constant 1 : i32
      %sub3A_848 = arith.subi %div3A_827, %sub3A_847 : i32
      %select_n3A_849 = arith.select %and3A_846, %sub3A_848, %div3A_827 : i32
      %jit3A_850 = arith.constant 2000 : i32
      %eq3A_851 = arith.constant 0 : i32
      %eq3A_852 = arith.cmpi eq, %jit3A_850, %eq3A_851 : i32
      %jit3A_853 = arith.constant 1 : i32
      %select_n3A_854 = arith.select %eq3A_852, %jit3A_853, %jit3A_850 : i32
      %rem3A_855 = arith.remsi %add3A_820, %select_n3A_854 : i32
      %ne3A_856 = arith.constant 0 : i32
      %ne3A_857 = arith.cmpi ne, %rem3A_855, %ne3A_856 : i32
      %lt3A_858 = arith.constant 0 : i32
      %lt3A_859 = arith.cmpi slt, %rem3A_855, %lt3A_858 : i32
      %lt3A_860 = arith.constant 0 : i32
      %lt3A_861 = arith.cmpi slt, %select_n3A_854, %lt3A_860 : i32
      %ne3A_862 = arith.xori %lt3A_859, %lt3A_861 : i1
      %and3A_863 = arith.andi %ne3A_862, %ne3A_857 : i1
      %add3A_864 = arith.addi %rem3A_855, %select_n3A_854 : i32
      %select_n3A_865 = arith.select %and3A_863, %add3A_864, %rem3A_855 : i32
      %swap3A_866 = arith.constant 0 : i32
      %swap3A_867 = arith.index_cast %select_n3A_849 : i32 to index
      %swap3A_868 = arith.index_cast %swap3A_866 : i32 to index
      %swap3A_869 = arith.index_cast %select_n3A_865 : i32 to index
      %swap3A_870 = tpu.vector_load %arg20[%swap3A_867, %swap3A_868, %swap3A_869] {strides = array<i32>} : memref<3x1x2000xf32, #tpu.memory_space<vmem>>, vector<16xf32>,
      tpu.vector_store %arg20[%swap3A_867, %swap3A_868, %swap3A_869], %add3A_825 {strides = array<i32>} : memref<3x1x2000xf32, #tpu.memory_space<vmem>>, vector<16xf32>,
      %get3A_871 = arith.index_cast %add3A_224 : i32 to index
      %get3A_872 = arith.constant 64 : index
      %get3A_873 = tpu.vector_load %arg11[%get3A_871, %get3A_872] {strides = array<i32>} : memref<75x80xi32, #tpu.memory_space<vmem>>, vector<16xi32>,
      %get3A_874 = arith.index_cast %add3A_224 : i32 to index
      %get3A_875 = arith.constant 64 : index
      %get3A_876 = tpu.vector_load %arg12[%get3A_874, %get3A_875] {strides = array<i32>} : memref<75x80xi32, #tpu.memory_space<vmem>>, vector<16xi32>,
      %gather3A_877 = tpu.vector_load_idx %arg13[%get3A_873] : memref<10000xf32, #tpu.memory_space<vmem>>[vector<16xi32>], vector<16xf32>,
      %gather3A_878 = tpu.vector_load_idx %arg13[%get3A_876] : memref<10000xf32, #tpu.memory_space<vmem>>[vector<16xi32>], vector<16xf32>,
      %sub3A_879 = arith.subf %gather3A_877, %gather3A_878 : vector<16xf32>
      %gather3A_880 = tpu.vector_load_idx %arg14[%get3A_873] : memref<10000xf32, #tpu.memory_space<vmem>>[vector<16xi32>], vector<16xf32>,
      %gather3A_881 = tpu.vector_load_idx %arg14[%get3A_876] : memref<10000xf32, #tpu.memory_space<vmem>>[vector<16xi32>], vector<16xf32>,
      %sub3A_882 = arith.subf %gather3A_880, %gather3A_881 : vector<16xf32>
      %gather3A_883 = tpu.vector_load_idx %arg15[%get3A_873] : memref<10000xf32, #tpu.memory_space<vmem>>[vector<16xi32>], vector<16xf32>,
      %gather3A_884 = tpu.vector_load_idx %arg15[%get3A_876] : memref<10000xf32, #tpu.memory_space<vmem>>[vector<16xi32>], vector<16xf32>,
      %sub3A_885 = arith.subf %gather3A_883, %gather3A_884 : vector<16xf32>
      %mul3A_886 = arith.constant 80 : i32
      %mul3A_887 = arith.muli %add3A_224, %mul3A_886 : i32
      %add3A_888 = arith.constant 64 : i32
      %add3A_889 = arith.addi %mul3A_887, %add3A_888 : i32
      %mul3A_890 = arith.mulf %sub3A_879, %sub3A_879 : vector<16xf32>
      %mul3A_891 = arith.mulf %sub3A_882, %sub3A_882 : vector<16xf32>
      %add3A_892 = arith.addf %mul3A_890, %mul3A_891 : vector<16xf32>
      %mul3A_893 = arith.mulf %sub3A_885, %sub3A_885 : vector<16xf32>
      %add3A_894 = arith.addf %add3A_892, %mul3A_893 : vector<16xf32>
      %jit3A_895 = arith.constant 2000 : i32
      %div3A_896 = arith.divsi %add3A_889, %jit3A_895 : i32
      %sign3A_897 = arith.constant 0 : i32
      %sign3A_898 = arith.cmpi sgt, %add3A_889, %sign3A_897 : i32
      %sign3A_899 = arith.extui %sign3A_898 : i1 to i32
      %sign3A_900 = arith.constant 0 : i32
      %sign3A_901 = arith.cmpi slt, %add3A_889, %sign3A_900 : i32
      %sign3A_902 = arith.extui %sign3A_901 : i1 to i32
      %sign3A_903 = arith.subi %sign3A_899, %sign3A_902 : i32
      %sign3A_904 = arith.constant 0 : i32
      %sign3A_905 = arith.cmpi sgt, %jit3A_895, %sign3A_904 : i32
      %sign3A_906 = arith.extui %sign3A_905 : i1 to i32
      %sign3A_907 = arith.constant 0 : i32
      %sign3A_908 = arith.cmpi slt, %jit3A_895, %sign3A_907 : i32
      %sign3A_909 = arith.extui %sign3A_908 : i1 to i32
      %sign3A_910 = arith.subi %sign3A_906, %sign3A_909 : i32
      %ne3A_911 = arith.cmpi ne, %sign3A_903, %sign3A_910 : i32
      %rem3A_912 = arith.remsi %add3A_889, %jit3A_895 : i32
      %ne3A_913 = arith.constant 0 : i32
      %ne3A_914 = arith.cmpi ne, %rem3A_912, %ne3A_913 : i32
      %and3A_915 = arith.andi %ne3A_911, %ne3A_914 : i1
      %sub3A_916 = arith.constant 1 : i32
      %sub3A_917 = arith.subi %div3A_896, %sub3A_916 : i32
      %select_n3A_918 = arith.select %and3A_915, %sub3A_917, %div3A_896 : i32
      %jit3A_919 = arith.constant 2000 : i32
      %eq3A_920 = arith.constant 0 : i32
      %eq3A_921 = arith.cmpi eq, %jit3A_919, %eq3A_920 : i32
      %jit3A_922 = arith.constant 1 : i32
      %select_n3A_923 = arith.select %eq3A_921, %jit3A_922, %jit3A_919 : i32
      %rem3A_924 = arith.remsi %add3A_889, %select_n3A_923 : i32
      %ne3A_925 = arith.constant 0 : i32
      %ne3A_926 = arith.cmpi ne, %rem3A_924, %ne3A_925 : i32
      %lt3A_927 = arith.constant 0 : i32
      %lt3A_928 = arith.cmpi slt, %rem3A_924, %lt3A_927 : i32
      %lt3A_929 = arith.constant 0 : i32
      %lt3A_930 = arith.cmpi slt, %select_n3A_923, %lt3A_929 : i32
      %ne3A_931 = arith.xori %lt3A_928, %lt3A_930 : i1
      %and3A_932 = arith.andi %ne3A_931, %ne3A_926 : i1
      %add3A_933 = arith.addi %rem3A_924, %select_n3A_923 : i32
      %select_n3A_934 = arith.select %and3A_932, %add3A_933, %rem3A_924 : i32
      %swap3A_935 = arith.constant 0 : i32
      %swap3A_936 = arith.index_cast %select_n3A_918 : i32 to index
      %swap3A_937 = arith.index_cast %swap3A_935 : i32 to index
      %swap3A_938 = arith.index_cast %select_n3A_934 : i32 to index
      %swap3A_939 = tpu.vector_load %arg20[%swap3A_936, %swap3A_937, %swap3A_938] {strides = array<i32>} : memref<3x1x2000xf32, #tpu.memory_space<vmem>>, vector<16xf32>,
      tpu.vector_store %arg20[%swap3A_936, %swap3A_937, %swap3A_938], %add3A_894 {strides = array<i32>} : memref<3x1x2000xf32, #tpu.memory_space<vmem>>, vector<16xf32>,
      %dma_wait3A_940 = arith.constant 0 : i32
      %dma_wait3A_941 = tpu.memref_slice %arg12[%add3A_224, %dma_wait3A_940] : memref<75x80xi32, #tpu.memory_space<vmem>> -> memref<1x80xi32, #tpu.memory_space<vmem>>
      %dma_wait3A_942 = tpu.memref_squeeze %dma_wait3A_941 : memref<1x80xi32, #tpu.memory_space<vmem>> -> memref<80xi32, #tpu.memory_space<vmem>>
      %dma_wait3A_943 = arith.constant 0 : i32
      %dma_wait3A_944 = arith.constant 0 : i32
      %dma_wait3A_945 = tpu.memref_slice %arg2[%dma_wait3A_943, %dma_wait3A_944] : memref<10000x128xf32, #tpu.memory_space<hbm>> -> memref<10000x128xf32, #tpu.memory_space<hbm>>
      tpu.wait_indirect_dma semaphore(%arg23 : memref<!tpu.dma_semaphore, #tpu.memory_space<semaphore_mem>>) src(%dma_wait3A_945 : memref<10000x128xf32, #tpu.memory_space<hbm>>) dst(%arg18 : memref<80x128xf32, #tpu.memory_space<vmem>>)
      %dma_wait3A_946 = arith.constant 0 : i32
      %dma_wait3A_947 = tpu.memref_slice %arg11[%add3A_224, %dma_wait3A_946] : memref<75x80xi32, #tpu.memory_space<vmem>> -> memref<1x80xi32, #tpu.memory_space<vmem>>
      %dma_wait3A_948 = tpu.memref_squeeze %dma_wait3A_947 : memref<1x80xi32, #tpu.memory_space<vmem>> -> memref<80xi32, #tpu.memory_space<vmem>>
      %dma_wait3A_949 = arith.constant 0 : i32
      %dma_wait3A_950 = arith.constant 0 : i32
      %dma_wait3A_951 = tpu.memref_slice %arg3[%dma_wait3A_949, %dma_wait3A_950] : memref<10000x128xf32, #tpu.memory_space<hbm>> -> memref<10000x128xf32, #tpu.memory_space<hbm>>
      tpu.wait_indirect_dma semaphore(%arg24 : memref<!tpu.dma_semaphore, #tpu.memory_space<semaphore_mem>>) src(%dma_wait3A_951 : memref<10000x128xf32, #tpu.memory_space<hbm>>) dst(%arg19 : memref<80x128xf32, #tpu.memory_space<vmem>>)
      %scan3A_952 = arith.constant 0 : i32
      %scan3A_953 = arith.constant 0 : i32
      %scan3A_954 = arith.constant 80 : i32
      %scan3A_955 = arith.addi %scan3A_953, %scan3A_954 : i32
      %scan3A_956 = arith.constant 1 : i32
      scf.for %scan3A_1009 = %scan3A_953 to %scan3A_955 step %scan3A_956  : i32 {
        %get3A_1010 = arith.index_cast %scan3A_1009 : i32 to index
        %get3A_1011 = arith.constant 0 : index
        %get3A_1012 = tpu.vector_load %arg18[%get3A_1010, %get3A_1011] {strides = array<i32>} : memref<80x128xf32, #tpu.memory_space<vmem>>, vector<16xf32>,
        %get3A_1013 = arith.index_cast %scan3A_1009 : i32 to index
        %get3A_1014 = arith.constant 0 : index
        %get3A_1015 = tpu.vector_load %arg19[%get3A_1013, %get3A_1014] {strides = array<i32>} : memref<80x128xf32, #tpu.memory_space<vmem>>, vector<16xf32>,
        %add3A_1016 = arith.addf %get3A_1012, %get3A_1015 : vector<16xf32>
        %swap3A_1017 = arith.index_cast %scan3A_1009 : i32 to index
        %swap3A_1018 = arith.constant 0 : index
        %swap3A_1019 = tpu.vector_load %arg18[%swap3A_1017, %swap3A_1018] {strides = array<i32>} : memref<80x128xf32, #tpu.memory_space<vmem>>, vector<16xf32>,
        tpu.vector_store %arg18[%swap3A_1017, %swap3A_1018], %add3A_1016 {strides = array<i32>} : memref<80x128xf32, #tpu.memory_space<vmem>>, vector<16xf32>,
        %get3A_1020 = arith.index_cast %scan3A_1009 : i32 to index
        %get3A_1021 = arith.constant 16 : index
        %get3A_1022 = tpu.vector_load %arg18[%get3A_1020, %get3A_1021] {strides = array<i32>} : memref<80x128xf32, #tpu.memory_space<vmem>>, vector<16xf32>,
        %get3A_1023 = arith.index_cast %scan3A_1009 : i32 to index
        %get3A_1024 = arith.constant 16 : index
        %get3A_1025 = tpu.vector_load %arg19[%get3A_1023, %get3A_1024] {strides = array<i32>} : memref<80x128xf32, #tpu.memory_space<vmem>>, vector<16xf32>,
        %add3A_1026 = arith.addf %get3A_1022, %get3A_1025 : vector<16xf32>
        %swap3A_1027 = arith.index_cast %scan3A_1009 : i32 to index
        %swap3A_1028 = arith.constant 16 : index
        %swap3A_1029 = tpu.vector_load %arg18[%swap3A_1027, %swap3A_1028] {strides = array<i32>} : memref<80x128xf32, #tpu.memory_space<vmem>>, vector<16xf32>,
        tpu.vector_store %arg18[%swap3A_1027, %swap3A_1028], %add3A_1026 {strides = array<i32>} : memref<80x128xf32, #tpu.memory_space<vmem>>, vector<16xf32>,
        %get3A_1030 = arith.index_cast %scan3A_1009 : i32 to index
        %get3A_1031 = arith.constant 32 : index
        %get3A_1032 = tpu.vector_load %arg18[%get3A_1030, %get3A_1031] {strides = array<i32>} : memref<80x128xf32, #tpu.memory_space<vmem>>, vector<16xf32>,
        %get3A_1033 = arith.index_cast %scan3A_1009 : i32 to index
        %get3A_1034 = arith.constant 32 : index
        %get3A_1035 = tpu.vector_load %arg19[%get3A_1033, %get3A_1034] {strides = array<i32>} : memref<80x128xf32, #tpu.memory_space<vmem>>, vector<16xf32>,
        %add3A_1036 = arith.addf %get3A_1032, %get3A_1035 : vector<16xf32>
        %swap3A_1037 = arith.index_cast %scan3A_1009 : i32 to index
        %swap3A_1038 = arith.constant 32 : index
        %swap3A_1039 = tpu.vector_load %arg18[%swap3A_1037, %swap3A_1038] {strides = array<i32>} : memref<80x128xf32, #tpu.memory_space<vmem>>, vector<16xf32>,
        tpu.vector_store %arg18[%swap3A_1037, %swap3A_1038], %add3A_1036 {strides = array<i32>} : memref<80x128xf32, #tpu.memory_space<vmem>>, vector<16xf32>,
        %get3A_1040 = arith.index_cast %scan3A_1009 : i32 to index
        %get3A_1041 = arith.constant 48 : index
        %get3A_1042 = tpu.vector_load %arg18[%get3A_1040, %get3A_1041] {strides = array<i32>} : memref<80x128xf32, #tpu.memory_space<vmem>>, vector<16xf32>,
        %get3A_1043 = arith.index_cast %scan3A_1009 : i32 to index
        %get3A_1044 = arith.constant 48 : index
        %get3A_1045 = tpu.vector_load %arg19[%get3A_1043, %get3A_1044] {strides = array<i32>} : memref<80x128xf32, #tpu.memory_space<vmem>>, vector<16xf32>,
        %add3A_1046 = arith.addf %get3A_1042, %get3A_1045 : vector<16xf32>
        %swap3A_1047 = arith.index_cast %scan3A_1009 : i32 to index
        %swap3A_1048 = arith.constant 48 : index
        %swap3A_1049 = tpu.vector_load %arg18[%swap3A_1047, %swap3A_1048] {strides = array<i32>} : memref<80x128xf32, #tpu.memory_space<vmem>>, vector<16xf32>,
        tpu.vector_store %arg18[%swap3A_1047, %swap3A_1048], %add3A_1046 {strides = array<i32>} : memref<80x128xf32, #tpu.memory_space<vmem>>, vector<16xf32>,
        %get3A_1050 = arith.index_cast %scan3A_1009 : i32 to index
        %get3A_1051 = arith.constant 64 : index
        %get3A_1052 = tpu.vector_load %arg18[%get3A_1050, %get3A_1051] {strides = array<i32>} : memref<80x128xf32, #tpu.memory_space<vmem>>, vector<16xf32>,
        %get3A_1053 = arith.index_cast %scan3A_1009 : i32 to index
        %get3A_1054 = arith.constant 64 : index
        %get3A_1055 = tpu.vector_load %arg19[%get3A_1053, %get3A_1054] {strides = array<i32>} : memref<80x128xf32, #tpu.memory_space<vmem>>, vector<16xf32>,
        %add3A_1056 = arith.addf %get3A_1052, %get3A_1055 : vector<16xf32>
        %swap3A_1057 = arith.index_cast %scan3A_1009 : i32 to index
        %swap3A_1058 = arith.constant 64 : index
        %swap3A_1059 = tpu.vector_load %arg18[%swap3A_1057, %swap3A_1058] {strides = array<i32>} : memref<80x128xf32, #tpu.memory_space<vmem>>, vector<16xf32>,
        tpu.vector_store %arg18[%swap3A_1057, %swap3A_1058], %add3A_1056 {strides = array<i32>} : memref<80x128xf32, #tpu.memory_space<vmem>>, vector<16xf32>,
        %get3A_1060 = arith.index_cast %scan3A_1009 : i32 to index
        %get3A_1061 = arith.constant 80 : index
        %get3A_1062 = tpu.vector_load %arg18[%get3A_1060, %get3A_1061] {strides = array<i32>} : memref<80x128xf32, #tpu.memory_space<vmem>>, vector<16xf32>,
        %get3A_1063 = arith.index_cast %scan3A_1009 : i32 to index
        %get3A_1064 = arith.constant 80 : index
        %get3A_1065 = tpu.vector_load %arg19[%get3A_1063, %get3A_1064] {strides = array<i32>} : memref<80x128xf32, #tpu.memory_space<vmem>>, vector<16xf32>,
        %add3A_1066 = arith.addf %get3A_1062, %get3A_1065 : vector<16xf32>
        %swap3A_1067 = arith.index_cast %scan3A_1009 : i32 to index
        %swap3A_1068 = arith.constant 80 : index
        %swap3A_1069 = tpu.vector_load %arg18[%swap3A_1067, %swap3A_1068] {strides = array<i32>} : memref<80x128xf32, #tpu.memory_space<vmem>>, vector<16xf32>,
        tpu.vector_store %arg18[%swap3A_1067, %swap3A_1068], %add3A_1066 {strides = array<i32>} : memref<80x128xf32, #tpu.memory_space<vmem>>, vector<16xf32>,
        %get3A_1070 = arith.index_cast %scan3A_1009 : i32 to index
        %get3A_1071 = arith.constant 96 : index
        %get3A_1072 = tpu.vector_load %arg18[%get3A_1070, %get3A_1071] {strides = array<i32>} : memref<80x128xf32, #tpu.memory_space<vmem>>, vector<16xf32>,
        %get3A_1073 = arith.index_cast %scan3A_1009 : i32 to index
        %get3A_1074 = arith.constant 96 : index
        %get3A_1075 = tpu.vector_load %arg19[%get3A_1073, %get3A_1074] {strides = array<i32>} : memref<80x128xf32, #tpu.memory_space<vmem>>, vector<16xf32>,
        %add3A_1076 = arith.addf %get3A_1072, %get3A_1075 : vector<16xf32>
        %swap3A_1077 = arith.index_cast %scan3A_1009 : i32 to index
        %swap3A_1078 = arith.constant 96 : index
        %swap3A_1079 = tpu.vector_load %arg18[%swap3A_1077, %swap3A_1078] {strides = array<i32>} : memref<80x128xf32, #tpu.memory_space<vmem>>, vector<16xf32>,
        tpu.vector_store %arg18[%swap3A_1077, %swap3A_1078], %add3A_1076 {strides = array<i32>} : memref<80x128xf32, #tpu.memory_space<vmem>>, vector<16xf32>,
        %get3A_1080 = arith.index_cast %scan3A_1009 : i32 to index
        %get3A_1081 = arith.constant 112 : index
        %get3A_1082 = tpu.vector_load %arg18[%get3A_1080, %get3A_1081] {strides = array<i32>} : memref<80x128xf32, #tpu.memory_space<vmem>>, vector<16xf32>,
        %get3A_1083 = arith.index_cast %scan3A_1009 : i32 to index
        %get3A_1084 = arith.constant 112 : index
        %get3A_1085 = tpu.vector_load %arg19[%get3A_1083, %get3A_1084] {strides = array<i32>} : memref<80x128xf32, #tpu.memory_space<vmem>>, vector<16xf32>,
        %add3A_1086 = arith.addf %get3A_1082, %get3A_1085 : vector<16xf32>
        %swap3A_1087 = arith.index_cast %scan3A_1009 : i32 to index
        %swap3A_1088 = arith.constant 112 : index
        %swap3A_1089 = tpu.vector_load %arg18[%swap3A_1087, %swap3A_1088] {strides = array<i32>} : memref<80x128xf32, #tpu.memory_space<vmem>>, vector<16xf32>,
        tpu.vector_store %arg18[%swap3A_1087, %swap3A_1088], %add3A_1086 {strides = array<i32>} : memref<80x128xf32, #tpu.memory_space<vmem>>, vector<16xf32>,
      }
      %scan3A_957 = arith.constant 80 : i32
      %mul3A_958 = arith.constant 6000 : i32
      %mul3A_959 = arith.muli %add3A, %mul3A_958 : i32
      %mul3A_960 = arith.constant 80 : i32
      %mul3A_961 = arith.muli %add3A_224, %mul3A_960 : i32
      %add3A_962 = arith.addi %mul3A_959, %mul3A_961 : i32
      %dma_start3A_963 = arith.constant 0 : i32
      %dma_start3A_964 = tpu.memref_slice %arg9[%add3A_962, %dma_start3A_963] : memref<192000x128xf32, #tpu.memory_space<hbm>> -> memref<80x128xf32, #tpu.memory_space<hbm>>
      %dma_start3A_965 = arith.constant 0 : i32
      %dma_start3A_966 = tpu.memref_slice %arg9[%add3A_962, %dma_start3A_965] : memref<192000x128xf32, #tpu.memory_space<hbm>> -> memref<80x128xf32, #tpu.memory_space<hbm>>
      tpu.enqueue_dma source(%arg18 : memref<80x128xf32, #tpu.memory_space<vmem>>) target(%dma_start3A_966 : memref<80x128xf32, #tpu.memory_space<hbm>>) target_semaphore(%arg27 : memref<!tpu.dma_semaphore, #tpu.memory_space<semaphore_mem>>)
      %mul3A_967 = arith.constant 6000 : i32
      %mul3A_968 = arith.muli %add3A, %mul3A_967 : i32
      %mul3A_969 = arith.constant 80 : i32
      %mul3A_970 = arith.muli %mul3A_222, %mul3A_969 : i32
      %add3A_971 = arith.addi %mul3A_968, %mul3A_970 : i32
      %dma_wait3A_972 = arith.constant 0 : i32
      %dma_wait3A_973 = tpu.memref_slice %arg9[%add3A_971, %dma_wait3A_972] : memref<192000x128xf32, #tpu.memory_space<hbm>> -> memref<80x128xf32, #tpu.memory_space<hbm>>
      %dma_wait3A_974 = arith.constant 0 : i32
      %dma_wait3A_975 = tpu.memref_slice %arg9[%add3A_971, %dma_wait3A_974] : memref<192000x128xf32, #tpu.memory_space<hbm>> -> memref<80x128xf32, #tpu.memory_space<hbm>>
      tpu.wait_dma2 semaphore(%arg25 : memref<!tpu.dma_semaphore, #tpu.memory_space<semaphore_mem>>) src(%arg16 : memref<80x128xf32, #tpu.memory_space<vmem>>) dst(%dma_wait3A_975 : memref<80x128xf32, #tpu.memory_space<hbm>>)
      %dma_start3A_976 = arith.constant 0 : i32
      %dma_start3A_977 = tpu.memref_slice %arg12[%min3A_227, %dma_start3A_976] : memref<75x80xi32, #tpu.memory_space<vmem>> -> memref<1x80xi32, #tpu.memory_space<vmem>>
      %dma_start3A_978 = tpu.memref_squeeze %dma_start3A_977 : memref<1x80xi32, #tpu.memory_space<vmem>> -> memref<80xi32, #tpu.memory_space<vmem>>
      %dma_start3A_979 = arith.constant 0 : i32
      %dma_start3A_980 = arith.constant 0 : i32
      %dma_start3A_981 = tpu.memref_slice %arg2[%dma_start3A_979, %dma_start3A_980] : memref<10000x128xf32, #tpu.memory_space<hbm>> -> memref<10000x128xf32, #tpu.memory_space<hbm>>
      tpu.enqueue_indirect_dma source(%dma_start3A_981 : memref<10000x128xf32, #tpu.memory_space<hbm>>) target(%arg16 : memref<80x128xf32, #tpu.memory_space<vmem>>) offsets(%dma_start3A_978 : memref<80xi32, #tpu.memory_space<vmem>>) semaphore(%arg21 : memref<!tpu.dma_semaphore, #tpu.memory_space<semaphore_mem>>)
      %dma_start3A_982 = arith.constant 0 : i32
      %dma_start3A_983 = tpu.memref_slice %arg11[%min3A_227, %dma_start3A_982] : memref<75x80xi32, #tpu.memory_space<vmem>> -> memref<1x80xi32, #tpu.memory_space<vmem>>
      %dma_start3A_984 = tpu.memref_squeeze %dma_start3A_983 : memref<1x80xi32, #tpu.memory_space<vmem>> -> memref<80xi32, #tpu.memory_space<vmem>>
      %dma_start3A_985 = arith.constant 0 : i32
      %dma_start3A_986 = arith.constant 0 : i32
      %dma_start3A_987 = tpu.memref_slice %arg3[%dma_start3A_985, %dma_start3A_986] : memref<10000x128xf32, #tpu.memory_space<hbm>> -> memref<10000x128xf32, #tpu.memory_space<hbm>>
      tpu.enqueue_indirect_dma source(%dma_start3A_987 : memref<10000x128xf32, #tpu.memory_space<hbm>>) target(%arg17 : memref<80x128xf32, #tpu.memory_space<vmem>>) offsets(%dma_start3A_984 : memref<80xi32, #tpu.memory_space<vmem>>) semaphore(%arg22 : memref<!tpu.dma_semaphore, #tpu.memory_space<semaphore_mem>>)
      %mul3A_988 = arith.constant 6000 : i32
      %mul3A_989 = arith.muli %add3A, %mul3A_988 : i32
      %mul3A_990 = arith.constant 80 : i32
      %mul3A_991 = arith.muli %add3A_224, %mul3A_990 : i32
      %add3A_992 = arith.addi %mul3A_989, %mul3A_991 : i32
      %dma_wait3A_993 = arith.constant 0 : i32
      %dma_wait3A_994 = tpu.memref_slice %arg9[%add3A_992, %dma_wait3A_993] : memref<192000x128xf32, #tpu.memory_space<hbm>> -> memref<80x128xf32, #tpu.memory_space<hbm>>
      %dma_wait3A_995 = arith.constant 0 : i32
      %dma_wait3A_996 = tpu.memref_slice %arg9[%add3A_992, %dma_wait3A_995] : memref<192000x128xf32, #tpu.memory_space<hbm>> -> memref<80x128xf32, #tpu.memory_space<hbm>>
      tpu.wait_dma2 semaphore(%arg27 : memref<!tpu.dma_semaphore, #tpu.memory_space<semaphore_mem>>) src(%arg18 : memref<80x128xf32, #tpu.memory_space<vmem>>) dst(%dma_wait3A_996 : memref<80x128xf32, #tpu.memory_space<hbm>>)
      %dma_start3A_997 = arith.constant 0 : i32
      %dma_start3A_998 = tpu.memref_slice %arg12[%min3A_231, %dma_start3A_997] : memref<75x80xi32, #tpu.memory_space<vmem>> -> memref<1x80xi32, #tpu.memory_space<vmem>>
      %dma_start3A_999 = tpu.memref_squeeze %dma_start3A_998 : memref<1x80xi32, #tpu.memory_space<vmem>> -> memref<80xi32, #tpu.memory_space<vmem>>
      %dma_start3A_1000 = arith.constant 0 : i32
      %dma_start3A_1001 = arith.constant 0 : i32
      %dma_start3A_1002 = tpu.memref_slice %arg2[%dma_start3A_1000, %dma_start3A_1001] : memref<10000x128xf32, #tpu.memory_space<hbm>> -> memref<10000x128xf32, #tpu.memory_space<hbm>>
      tpu.enqueue_indirect_dma source(%dma_start3A_1002 : memref<10000x128xf32, #tpu.memory_space<hbm>>) target(%arg18 : memref<80x128xf32, #tpu.memory_space<vmem>>) offsets(%dma_start3A_999 : memref<80xi32, #tpu.memory_space<vmem>>) semaphore(%arg23 : memref<!tpu.dma_semaphore, #tpu.memory_space<semaphore_mem>>)
      %dma_start3A_1003 = arith.constant 0 : i32
      %dma_start3A_1004 = tpu.memref_slice %arg11[%min3A_231, %dma_start3A_1003] : memref<75x80xi32, #tpu.memory_space<vmem>> -> memref<1x80xi32, #tpu.memory_space<vmem>>
      %dma_start3A_1005 = tpu.memref_squeeze %dma_start3A_1004 : memref<1x80xi32, #tpu.memory_space<vmem>> -> memref<80xi32, #tpu.memory_space<vmem>>
      %dma_start3A_1006 = arith.constant 0 : i32
      %dma_start3A_1007 = arith.constant 0 : i32
      %dma_start3A_1008 = tpu.memref_slice %arg3[%dma_start3A_1006, %dma_start3A_1007] : memref<10000x128xf32, #tpu.memory_space<hbm>> -> memref<10000x128xf32, #tpu.memory_space<hbm>>
      tpu.enqueue_indirect_dma source(%dma_start3A_1008 : memref<10000x128xf32, #tpu.memory_space<hbm>>) target(%arg19 : memref<80x128xf32, #tpu.memory_space<vmem>>) offsets(%dma_start3A_1005 : memref<80xi32, #tpu.memory_space<vmem>>) semaphore(%arg24 : memref<!tpu.dma_semaphore, #tpu.memory_space<semaphore_mem>>)
    }
    %scan3A_32 = arith.constant 37 : i32
    %get3A = arith.constant 74 : i32
    %get3A_33 = arith.index_cast %get3A : i32 to index
    %get3A_34 = arith.constant 0 : index
    %get3A_35 = tpu.vector_load %arg11[%get3A_33, %get3A_34] {strides = array<i32>} : memref<75x80xi32, #tpu.memory_space<vmem>>, vector<16xi32>,
    %get3A_36 = arith.constant 74 : i32
    %get3A_37 = arith.index_cast %get3A_36 : i32 to index
    %get3A_38 = arith.constant 0 : index
    %get3A_39 = tpu.vector_load %arg12[%get3A_37, %get3A_38] {strides = array<i32>} : memref<75x80xi32, #tpu.memory_space<vmem>>, vector<16xi32>,
    %gather3A = tpu.vector_load_idx %arg13[%get3A_35] : memref<10000xf32, #tpu.memory_space<vmem>>[vector<16xi32>], vector<16xf32>,
    %gather3A_40 = tpu.vector_load_idx %arg13[%get3A_39] : memref<10000xf32, #tpu.memory_space<vmem>>[vector<16xi32>], vector<16xf32>,
    %sub3A = arith.subf %gather3A, %gather3A_40 : vector<16xf32>
    %gather3A_41 = tpu.vector_load_idx %arg14[%get3A_35] : memref<10000xf32, #tpu.memory_space<vmem>>[vector<16xi32>], vector<16xf32>,
    %gather3A_42 = tpu.vector_load_idx %arg14[%get3A_39] : memref<10000xf32, #tpu.memory_space<vmem>>[vector<16xi32>], vector<16xf32>,
    %sub3A_43 = arith.subf %gather3A_41, %gather3A_42 : vector<16xf32>
    %gather3A_44 = tpu.vector_load_idx %arg15[%get3A_35] : memref<10000xf32, #tpu.memory_space<vmem>>[vector<16xi32>], vector<16xf32>,
    %gather3A_45 = tpu.vector_load_idx %arg15[%get3A_39] : memref<10000xf32, #tpu.memory_space<vmem>>[vector<16xi32>], vector<16xf32>,
    %sub3A_46 = arith.subf %gather3A_44, %gather3A_45 : vector<16xf32>
    %mul3A_47 = arith.mulf %sub3A, %sub3A : vector<16xf32>
    %mul3A_48 = arith.mulf %sub3A_43, %sub3A_43 : vector<16xf32>
    %add3A_49 = arith.addf %mul3A_47, %mul3A_48 : vector<16xf32>
    %mul3A_50 = arith.mulf %sub3A_46, %sub3A_46 : vector<16xf32>
    %add3A_51 = arith.addf %add3A_49, %mul3A_50 : vector<16xf32>
    %swap3A = arith.constant 2 : i32
    %swap3A_52 = arith.constant 0 : i32
    %swap3A_53 = arith.index_cast %swap3A : i32 to index
    %swap3A_54 = arith.index_cast %swap3A_52 : i32 to index
    %swap3A_55 = arith.constant 1920 : index
    %swap3A_56 = tpu.vector_load %arg20[%swap3A_53, %swap3A_54, %swap3A_55] {strides = array<i32>} : memref<3x1x2000xf32, #tpu.memory_space<vmem>>, vector<16xf32>,
    tpu.vector_store %arg20[%swap3A_53, %swap3A_54, %swap3A_55], %add3A_51 {strides = array<i32>} : memref<3x1x2000xf32, #tpu.memory_space<vmem>>, vector<16xf32>,
    %get3A_57 = arith.constant 74 : i32
    %get3A_58 = arith.index_cast %get3A_57 : i32 to index
    %get3A_59 = arith.constant 16 : index
    %get3A_60 = tpu.vector_load %arg11[%get3A_58, %get3A_59] {strides = array<i32>} : memref<75x80xi32, #tpu.memory_space<vmem>>, vector<16xi32>,
    %get3A_61 = arith.constant 74 : i32
    %get3A_62 = arith.index_cast %get3A_61 : i32 to index
    %get3A_63 = arith.constant 16 : index
    %get3A_64 = tpu.vector_load %arg12[%get3A_62, %get3A_63] {strides = array<i32>} : memref<75x80xi32, #tpu.memory_space<vmem>>, vector<16xi32>,
    %gather3A_65 = tpu.vector_load_idx %arg13[%get3A_60] : memref<10000xf32, #tpu.memory_space<vmem>>[vector<16xi32>], vector<16xf32>,
    %gather3A_66 = tpu.vector_load_idx %arg13[%get3A_64] : memref<10000xf32, #tpu.memory_space<vmem>>[vector<16xi32>], vector<16xf32>,
    %sub3A_67 = arith.subf %gather3A_65, %gather3A_66 : vector<16xf32>
    %gather3A_68 = tpu.vector_load_idx %arg14[%get3A_60] : memref<10000xf32, #tpu.memory_space<vmem>>[vector<16xi32>], vector<16xf32>,
    %gather3A_69 = tpu.vector_load_idx %arg14[%get3A_64] : memref<10000xf32, #tpu.memory_space<vmem>>[vector<16xi32>], vector<16xf32>,
    %sub3A_70 = arith.subf %gather3A_68, %gather3A_69 : vector<16xf32>
    %gather3A_71 = tpu.vector_load_idx %arg15[%get3A_60] : memref<10000xf32, #tpu.memory_space<vmem>>[vector<16xi32>], vector<16xf32>,
    %gather3A_72 = tpu.vector_load_idx %arg15[%get3A_64] : memref<10000xf32, #tpu.memory_space<vmem>>[vector<16xi32>], vector<16xf32>,
    %sub3A_73 = arith.subf %gather3A_71, %gather3A_72 : vector<16xf32>
    %mul3A_74 = arith.mulf %sub3A_67, %sub3A_67 : vector<16xf32>
    %mul3A_75 = arith.mulf %sub3A_70, %sub3A_70 : vector<16xf32>
    %add3A_76 = arith.addf %mul3A_74, %mul3A_75 : vector<16xf32>
    %mul3A_77 = arith.mulf %sub3A_73, %sub3A_73 : vector<16xf32>
    %add3A_78 = arith.addf %add3A_76, %mul3A_77 : vector<16xf32>
    %swap3A_79 = arith.constant 2 : i32
    %swap3A_80 = arith.constant 0 : i32
    %swap3A_81 = arith.index_cast %swap3A_79 : i32 to index
    %swap3A_82 = arith.index_cast %swap3A_80 : i32 to index
    %swap3A_83 = arith.constant 1936 : index
    %swap3A_84 = tpu.vector_load %arg20[%swap3A_81, %swap3A_82, %swap3A_83] {strides = array<i32>} : memref<3x1x2000xf32, #tpu.memory_space<vmem>>, vector<16xf32>,
    tpu.vector_store %arg20[%swap3A_81, %swap3A_82, %swap3A_83], %add3A_78 {strides = array<i32>} : memref<3x1x2000xf32, #tpu.memory_space<vmem>>, vector<16xf32>,
    %get3A_85 = arith.constant 74 : i32
    %get3A_86 = arith.index_cast %get3A_85 : i32 to index
    %get3A_87 = arith.constant 32 : index
    %get3A_88 = tpu.vector_load %arg11[%get3A_86, %get3A_87] {strides = array<i32>} : memref<75x80xi32, #tpu.memory_space<vmem>>, vector<16xi32>,
    %get3A_89 = arith.constant 74 : i32
    %get3A_90 = arith.index_cast %get3A_89 : i32 to index
    %get3A_91 = arith.constant 32 : index
    %get3A_92 = tpu.vector_load %arg12[%get3A_90, %get3A_91] {strides = array<i32>} : memref<75x80xi32, #tpu.memory_space<vmem>>, vector<16xi32>,
    %gather3A_93 = tpu.vector_load_idx %arg13[%get3A_88] : memref<10000xf32, #tpu.memory_space<vmem>>[vector<16xi32>], vector<16xf32>,
    %gather3A_94 = tpu.vector_load_idx %arg13[%get3A_92] : memref<10000xf32, #tpu.memory_space<vmem>>[vector<16xi32>], vector<16xf32>,
    %sub3A_95 = arith.subf %gather3A_93, %gather3A_94 : vector<16xf32>
    %gather3A_96 = tpu.vector_load_idx %arg14[%get3A_88] : memref<10000xf32, #tpu.memory_space<vmem>>[vector<16xi32>], vector<16xf32>,
    %gather3A_97 = tpu.vector_load_idx %arg14[%get3A_92] : memref<10000xf32, #tpu.memory_space<vmem>>[vector<16xi32>], vector<16xf32>,
    %sub3A_98 = arith.subf %gather3A_96, %gather3A_97 : vector<16xf32>
    %gather3A_99 = tpu.vector_load_idx %arg15[%get3A_88] : memref<10000xf32, #tpu.memory_space<vmem>>[vector<16xi32>], vector<16xf32>,
    %gather3A_100 = tpu.vector_load_idx %arg15[%get3A_92] : memref<10000xf32, #tpu.memory_space<vmem>>[vector<16xi32>], vector<16xf32>,
    %sub3A_101 = arith.subf %gather3A_99, %gather3A_100 : vector<16xf32>
    %mul3A_102 = arith.mulf %sub3A_95, %sub3A_95 : vector<16xf32>
    %mul3A_103 = arith.mulf %sub3A_98, %sub3A_98 : vector<16xf32>
    %add3A_104 = arith.addf %mul3A_102, %mul3A_103 : vector<16xf32>
    %mul3A_105 = arith.mulf %sub3A_101, %sub3A_101 : vector<16xf32>
    %add3A_106 = arith.addf %add3A_104, %mul3A_105 : vector<16xf32>
    %swap3A_107 = arith.constant 2 : i32
    %swap3A_108 = arith.constant 0 : i32
    %swap3A_109 = arith.index_cast %swap3A_107 : i32 to index
    %swap3A_110 = arith.index_cast %swap3A_108 : i32 to index
    %swap3A_111 = arith.constant 1952 : index
    %swap3A_112 = tpu.vector_load %arg20[%swap3A_109, %swap3A_110, %swap3A_111] {strides = array<i32>} : memref<3x1x2000xf32, #tpu.memory_space<vmem>>, vector<16xf32>,
    tpu.vector_store %arg20[%swap3A_109, %swap3A_110, %swap3A_111], %add3A_106 {strides = array<i32>} : memref<3x1x2000xf32, #tpu.memory_space<vmem>>, vector<16xf32>,
    %get3A_113 = arith.constant 74 : i32
    %get3A_114 = arith.index_cast %get3A_113 : i32 to index
    %get3A_115 = arith.constant 48 : index
    %get3A_116 = tpu.vector_load %arg11[%get3A_114, %get3A_115] {strides = array<i32>} : memref<75x80xi32, #tpu.memory_space<vmem>>, vector<16xi32>,
    %get3A_117 = arith.constant 74 : i32
    %get3A_118 = arith.index_cast %get3A_117 : i32 to index
    %get3A_119 = arith.constant 48 : index
    %get3A_120 = tpu.vector_load %arg12[%get3A_118, %get3A_119] {strides = array<i32>} : memref<75x80xi32, #tpu.memory_space<vmem>>, vector<16xi32>,
    %gather3A_121 = tpu.vector_load_idx %arg13[%get3A_116] : memref<10000xf32, #tpu.memory_space<vmem>>[vector<16xi32>], vector<16xf32>,
    %gather3A_122 = tpu.vector_load_idx %arg13[%get3A_120] : memref<10000xf32, #tpu.memory_space<vmem>>[vector<16xi32>], vector<16xf32>,
    %sub3A_123 = arith.subf %gather3A_121, %gather3A_122 : vector<16xf32>
    %gather3A_124 = tpu.vector_load_idx %arg14[%get3A_116] : memref<10000xf32, #tpu.memory_space<vmem>>[vector<16xi32>], vector<16xf32>,
    %gather3A_125 = tpu.vector_load_idx %arg14[%get3A_120] : memref<10000xf32, #tpu.memory_space<vmem>>[vector<16xi32>], vector<16xf32>,
    %sub3A_126 = arith.subf %gather3A_124, %gather3A_125 : vector<16xf32>
    %gather3A_127 = tpu.vector_load_idx %arg15[%get3A_116] : memref<10000xf32, #tpu.memory_space<vmem>>[vector<16xi32>], vector<16xf32>,
    %gather3A_128 = tpu.vector_load_idx %arg15[%get3A_120] : memref<10000xf32, #tpu.memory_space<vmem>>[vector<16xi32>], vector<16xf32>,
    %sub3A_129 = arith.subf %gather3A_127, %gather3A_128 : vector<16xf32>
    %mul3A_130 = arith.mulf %sub3A_123, %sub3A_123 : vector<16xf32>
    %mul3A_131 = arith.mulf %sub3A_126, %sub3A_126 : vector<16xf32>
    %add3A_132 = arith.addf %mul3A_130, %mul3A_131 : vector<16xf32>
    %mul3A_133 = arith.mulf %sub3A_129, %sub3A_129 : vector<16xf32>
    %add3A_134 = arith.addf %add3A_132, %mul3A_133 : vector<16xf32>
    %swap3A_135 = arith.constant 2 : i32
    %swap3A_136 = arith.constant 0 : i32
    %swap3A_137 = arith.index_cast %swap3A_135 : i32 to index
    %swap3A_138 = arith.index_cast %swap3A_136 : i32 to index
    %swap3A_139 = arith.constant 1968 : index
    %swap3A_140 = tpu.vector_load %arg20[%swap3A_137, %swap3A_138, %swap3A_139] {strides = array<i32>} : memref<3x1x2000xf32, #tpu.memory_space<vmem>>, vector<16xf32>,
    tpu.vector_store %arg20[%swap3A_137, %swap3A_138, %swap3A_139], %add3A_134 {strides = array<i32>} : memref<3x1x2000xf32, #tpu.memory_space<vmem>>, vector<16xf32>,
    %get3A_141 = arith.constant 74 : i32
    %get3A_142 = arith.index_cast %get3A_141 : i32 to index
    %get3A_143 = arith.constant 64 : index
    %get3A_144 = tpu.vector_load %arg11[%get3A_142, %get3A_143] {strides = array<i32>} : memref<75x80xi32, #tpu.memory_space<vmem>>, vector<16xi32>,
    %get3A_145 = arith.constant 74 : i32
    %get3A_146 = arith.index_cast %get3A_145 : i32 to index
    %get3A_147 = arith.constant 64 : index
    %get3A_148 = tpu.vector_load %arg12[%get3A_146, %get3A_147] {strides = array<i32>} : memref<75x80xi32, #tpu.memory_space<vmem>>, vector<16xi32>,
    %gather3A_149 = tpu.vector_load_idx %arg13[%get3A_144] : memref<10000xf32, #tpu.memory_space<vmem>>[vector<16xi32>], vector<16xf32>,
    %gather3A_150 = tpu.vector_load_idx %arg13[%get3A_148] : memref<10000xf32, #tpu.memory_space<vmem>>[vector<16xi32>], vector<16xf32>,
    %sub3A_151 = arith.subf %gather3A_149, %gather3A_150 : vector<16xf32>
    %gather3A_152 = tpu.vector_load_idx %arg14[%get3A_144] : memref<10000xf32, #tpu.memory_space<vmem>>[vector<16xi32>], vector<16xf32>,
    %gather3A_153 = tpu.vector_load_idx %arg14[%get3A_148] : memref<10000xf32, #tpu.memory_space<vmem>>[vector<16xi32>], vector<16xf32>,
    %sub3A_154 = arith.subf %gather3A_152, %gather3A_153 : vector<16xf32>
    %gather3A_155 = tpu.vector_load_idx %arg15[%get3A_144] : memref<10000xf32, #tpu.memory_space<vmem>>[vector<16xi32>], vector<16xf32>,
    %gather3A_156 = tpu.vector_load_idx %arg15[%get3A_148] : memref<10000xf32, #tpu.memory_space<vmem>>[vector<16xi32>], vector<16xf32>,
    %sub3A_157 = arith.subf %gather3A_155, %gather3A_156 : vector<16xf32>
    %mul3A_158 = arith.mulf %sub3A_151, %sub3A_151 : vector<16xf32>
    %mul3A_159 = arith.mulf %sub3A_154, %sub3A_154 : vector<16xf32>
    %add3A_160 = arith.addf %mul3A_158, %mul3A_159 : vector<16xf32>
    %mul3A_161 = arith.mulf %sub3A_157, %sub3A_157 : vector<16xf32>
    %add3A_162 = arith.addf %add3A_160, %mul3A_161 : vector<16xf32>
    %swap3A_163 = arith.constant 2 : i32
    %swap3A_164 = arith.constant 0 : i32
    %swap3A_165 = arith.index_cast %swap3A_163 : i32 to index
    %swap3A_166 = arith.index_cast %swap3A_164 : i32 to index
    %swap3A_167 = arith.constant 1984 : index
    %swap3A_168 = tpu.vector_load %arg20[%swap3A_165, %swap3A_166, %swap3A_167] {strides = array<i32>} : memref<3x1x2000xf32, #tpu.memory_space<vmem>>, vector<16xf32>,
    tpu.vector_store %arg20[%swap3A_165, %swap3A_166, %swap3A_167], %add3A_162 {strides = array<i32>} : memref<3x1x2000xf32, #tpu.memory_space<vmem>>, vector<16xf32>,
    %dma_wait3A = arith.constant 74 : i32
    %dma_wait3A_169 = arith.constant 0 : i32
    %dma_wait3A_170 = tpu.memref_slice %arg12[%dma_wait3A, %dma_wait3A_169] : memref<75x80xi32, #tpu.memory_space<vmem>> -> memref<1x80xi32, #tpu.memory_space<vmem>>
    %dma_wait3A_171 = tpu.memref_squeeze %dma_wait3A_170 : memref<1x80xi32, #tpu.memory_space<vmem>> -> memref<80xi32, #tpu.memory_space<vmem>>
    %dma_wait3A_172 = arith.constant 0 : i32
    %dma_wait3A_173 = arith.constant 0 : i32
    %dma_wait3A_174 = tpu.memref_slice %arg2[%dma_wait3A_172, %dma_wait3A_173] : memref<10000x128xf32, #tpu.memory_space<hbm>> -> memref<10000x128xf32, #tpu.memory_space<hbm>>
    tpu.wait_indirect_dma semaphore(%arg21 : memref<!tpu.dma_semaphore, #tpu.memory_space<semaphore_mem>>) src(%dma_wait3A_174 : memref<10000x128xf32, #tpu.memory_space<hbm>>) dst(%arg16 : memref<80x128xf32, #tpu.memory_space<vmem>>)
    %dma_wait3A_175 = arith.constant 74 : i32
    %dma_wait3A_176 = arith.constant 0 : i32
    %dma_wait3A_177 = tpu.memref_slice %arg11[%dma_wait3A_175, %dma_wait3A_176] : memref<75x80xi32, #tpu.memory_space<vmem>> -> memref<1x80xi32, #tpu.memory_space<vmem>>
    %dma_wait3A_178 = tpu.memref_squeeze %dma_wait3A_177 : memref<1x80xi32, #tpu.memory_space<vmem>> -> memref<80xi32, #tpu.memory_space<vmem>>
    %dma_wait3A_179 = arith.constant 0 : i32
    %dma_wait3A_180 = arith.constant 0 : i32
    %dma_wait3A_181 = tpu.memref_slice %arg3[%dma_wait3A_179, %dma_wait3A_180] : memref<10000x128xf32, #tpu.memory_space<hbm>> -> memref<10000x128xf32, #tpu.memory_space<hbm>>
    tpu.wait_indirect_dma semaphore(%arg22 : memref<!tpu.dma_semaphore, #tpu.memory_space<semaphore_mem>>) src(%dma_wait3A_181 : memref<10000x128xf32, #tpu.memory_space<hbm>>) dst(%arg17 : memref<80x128xf32, #tpu.memory_space<vmem>>)
    %scan3A_182 = arith.constant 0 : i32
    %scan3A_183 = arith.constant 0 : i32
    %scan3A_184 = arith.constant 80 : i32
    %scan3A_185 = arith.addi %scan3A_183, %scan3A_184 : i32
    %scan3A_186 = arith.constant 1 : i32
    scf.for %scan3A_220 = %scan3A_183 to %scan3A_185 step %scan3A_186  : i32 {
      %get3A_221 = arith.index_cast %scan3A_220 : i32 to index
      %get3A_222 = arith.constant 0 : index
      %get3A_223 = tpu.vector_load %arg16[%get3A_221, %get3A_222] {strides = array<i32>} : memref<80x128xf32, #tpu.memory_space<vmem>>, vector<16xf32>,
      %get3A_224 = arith.index_cast %scan3A_220 : i32 to index
      %get3A_225 = arith.constant 0 : index
      %get3A_226 = tpu.vector_load %arg17[%get3A_224, %get3A_225] {strides = array<i32>} : memref<80x128xf32, #tpu.memory_space<vmem>>, vector<16xf32>,
      %add3A_227 = arith.addf %get3A_223, %get3A_226 : vector<16xf32>
      %swap3A_228 = arith.index_cast %scan3A_220 : i32 to index
      %swap3A_229 = arith.constant 0 : index
      %swap3A_230 = tpu.vector_load %arg16[%swap3A_228, %swap3A_229] {strides = array<i32>} : memref<80x128xf32, #tpu.memory_space<vmem>>, vector<16xf32>,
      tpu.vector_store %arg16[%swap3A_228, %swap3A_229], %add3A_227 {strides = array<i32>} : memref<80x128xf32, #tpu.memory_space<vmem>>, vector<16xf32>,
      %get3A_231 = arith.index_cast %scan3A_220 : i32 to index
      %get3A_232 = arith.constant 16 : index
      %get3A_233 = tpu.vector_load %arg16[%get3A_231, %get3A_232] {strides = array<i32>} : memref<80x128xf32, #tpu.memory_space<vmem>>, vector<16xf32>,
      %get3A_234 = arith.index_cast %scan3A_220 : i32 to index
      %get3A_235 = arith.constant 16 : index
      %get3A_236 = tpu.vector_load %arg17[%get3A_234, %get3A_235] {strides = array<i32>} : memref<80x128xf32, #tpu.memory_space<vmem>>, vector<16xf32>,
      %add3A_237 = arith.addf %get3A_233, %get3A_236 : vector<16xf32>
      %swap3A_238 = arith.index_cast %scan3A_220 : i32 to index
      %swap3A_239 = arith.constant 16 : index
      %swap3A_240 = tpu.vector_load %arg16[%swap3A_238, %swap3A_239] {strides = array<i32>} : memref<80x128xf32, #tpu.memory_space<vmem>>, vector<16xf32>,
      tpu.vector_store %arg16[%swap3A_238, %swap3A_239], %add3A_237 {strides = array<i32>} : memref<80x128xf32, #tpu.memory_space<vmem>>, vector<16xf32>,
      %get3A_241 = arith.index_cast %scan3A_220 : i32 to index
      %get3A_242 = arith.constant 32 : index
      %get3A_243 = tpu.vector_load %arg16[%get3A_241, %get3A_242] {strides = array<i32>} : memref<80x128xf32, #tpu.memory_space<vmem>>, vector<16xf32>,
      %get3A_244 = arith.index_cast %scan3A_220 : i32 to index
      %get3A_245 = arith.constant 32 : index
      %get3A_246 = tpu.vector_load %arg17[%get3A_244, %get3A_245] {strides = array<i32>} : memref<80x128xf32, #tpu.memory_space<vmem>>, vector<16xf32>,
      %add3A_247 = arith.addf %get3A_243, %get3A_246 : vector<16xf32>
      %swap3A_248 = arith.index_cast %scan3A_220 : i32 to index
      %swap3A_249 = arith.constant 32 : index
      %swap3A_250 = tpu.vector_load %arg16[%swap3A_248, %swap3A_249] {strides = array<i32>} : memref<80x128xf32, #tpu.memory_space<vmem>>, vector<16xf32>,
      tpu.vector_store %arg16[%swap3A_248, %swap3A_249], %add3A_247 {strides = array<i32>} : memref<80x128xf32, #tpu.memory_space<vmem>>, vector<16xf32>,
      %get3A_251 = arith.index_cast %scan3A_220 : i32 to index
      %get3A_252 = arith.constant 48 : index
      %get3A_253 = tpu.vector_load %arg16[%get3A_251, %get3A_252] {strides = array<i32>} : memref<80x128xf32, #tpu.memory_space<vmem>>, vector<16xf32>,
      %get3A_254 = arith.index_cast %scan3A_220 : i32 to index
      %get3A_255 = arith.constant 48 : index
      %get3A_256 = tpu.vector_load %arg17[%get3A_254, %get3A_255] {strides = array<i32>} : memref<80x128xf32, #tpu.memory_space<vmem>>, vector<16xf32>,
      %add3A_257 = arith.addf %get3A_253, %get3A_256 : vector<16xf32>
      %swap3A_258 = arith.index_cast %scan3A_220 : i32 to index
      %swap3A_259 = arith.constant 48 : index
      %swap3A_260 = tpu.vector_load %arg16[%swap3A_258, %swap3A_259] {strides = array<i32>} : memref<80x128xf32, #tpu.memory_space<vmem>>, vector<16xf32>,
      tpu.vector_store %arg16[%swap3A_258, %swap3A_259], %add3A_257 {strides = array<i32>} : memref<80x128xf32, #tpu.memory_space<vmem>>, vector<16xf32>,
      %get3A_261 = arith.index_cast %scan3A_220 : i32 to index
      %get3A_262 = arith.constant 64 : index
      %get3A_263 = tpu.vector_load %arg16[%get3A_261, %get3A_262] {strides = array<i32>} : memref<80x128xf32, #tpu.memory_space<vmem>>, vector<16xf32>,
      %get3A_264 = arith.index_cast %scan3A_220 : i32 to index
      %get3A_265 = arith.constant 64 : index
      %get3A_266 = tpu.vector_load %arg17[%get3A_264, %get3A_265] {strides = array<i32>} : memref<80x128xf32, #tpu.memory_space<vmem>>, vector<16xf32>,
      %add3A_267 = arith.addf %get3A_263, %get3A_266 : vector<16xf32>
      %swap3A_268 = arith.index_cast %scan3A_220 : i32 to index
      %swap3A_269 = arith.constant 64 : index
      %swap3A_270 = tpu.vector_load %arg16[%swap3A_268, %swap3A_269] {strides = array<i32>} : memref<80x128xf32, #tpu.memory_space<vmem>>, vector<16xf32>,
      tpu.vector_store %arg16[%swap3A_268, %swap3A_269], %add3A_267 {strides = array<i32>} : memref<80x128xf32, #tpu.memory_space<vmem>>, vector<16xf32>,
      %get3A_271 = arith.index_cast %scan3A_220 : i32 to index
      %get3A_272 = arith.constant 80 : index
      %get3A_273 = tpu.vector_load %arg16[%get3A_271, %get3A_272] {strides = array<i32>} : memref<80x128xf32, #tpu.memory_space<vmem>>, vector<16xf32>,
      %get3A_274 = arith.index_cast %scan3A_220 : i32 to index
      %get3A_275 = arith.constant 80 : index
      %get3A_276 = tpu.vector_load %arg17[%get3A_274, %get3A_275] {strides = array<i32>} : memref<80x128xf32, #tpu.memory_space<vmem>>, vector<16xf32>,
      %add3A_277 = arith.addf %get3A_273, %get3A_276 : vector<16xf32>
      %swap3A_278 = arith.index_cast %scan3A_220 : i32 to index
      %swap3A_279 = arith.constant 80 : index
      %swap3A_280 = tpu.vector_load %arg16[%swap3A_278, %swap3A_279] {strides = array<i32>} : memref<80x128xf32, #tpu.memory_space<vmem>>, vector<16xf32>,
      tpu.vector_store %arg16[%swap3A_278, %swap3A_279], %add3A_277 {strides = array<i32>} : memref<80x128xf32, #tpu.memory_space<vmem>>, vector<16xf32>,
      %get3A_281 = arith.index_cast %scan3A_220 : i32 to index
      %get3A_282 = arith.constant 96 : index
      %get3A_283 = tpu.vector_load %arg16[%get3A_281, %get3A_282] {strides = array<i32>} : memref<80x128xf32, #tpu.memory_space<vmem>>, vector<16xf32>,
      %get3A_284 = arith.index_cast %scan3A_220 : i32 to index
      %get3A_285 = arith.constant 96 : index
      %get3A_286 = tpu.vector_load %arg17[%get3A_284, %get3A_285] {strides = array<i32>} : memref<80x128xf32, #tpu.memory_space<vmem>>, vector<16xf32>,
      %add3A_287 = arith.addf %get3A_283, %get3A_286 : vector<16xf32>
      %swap3A_288 = arith.index_cast %scan3A_220 : i32 to index
      %swap3A_289 = arith.constant 96 : index
      %swap3A_290 = tpu.vector_load %arg16[%swap3A_288, %swap3A_289] {strides = array<i32>} : memref<80x128xf32, #tpu.memory_space<vmem>>, vector<16xf32>,
      tpu.vector_store %arg16[%swap3A_288, %swap3A_289], %add3A_287 {strides = array<i32>} : memref<80x128xf32, #tpu.memory_space<vmem>>, vector<16xf32>,
      %get3A_291 = arith.index_cast %scan3A_220 : i32 to index
      %get3A_292 = arith.constant 112 : index
      %get3A_293 = tpu.vector_load %arg16[%get3A_291, %get3A_292] {strides = array<i32>} : memref<80x128xf32, #tpu.memory_space<vmem>>, vector<16xf32>,
      %get3A_294 = arith.index_cast %scan3A_220 : i32 to index
      %get3A_295 = arith.constant 112 : index
      %get3A_296 = tpu.vector_load %arg17[%get3A_294, %get3A_295] {strides = array<i32>} : memref<80x128xf32, #tpu.memory_space<vmem>>, vector<16xf32>,
      %add3A_297 = arith.addf %get3A_293, %get3A_296 : vector<16xf32>
      %swap3A_298 = arith.index_cast %scan3A_220 : i32 to index
      %swap3A_299 = arith.constant 112 : index
      %swap3A_300 = tpu.vector_load %arg16[%swap3A_298, %swap3A_299] {strides = array<i32>} : memref<80x128xf32, #tpu.memory_space<vmem>>, vector<16xf32>,
      tpu.vector_store %arg16[%swap3A_298, %swap3A_299], %add3A_297 {strides = array<i32>} : memref<80x128xf32, #tpu.memory_space<vmem>>, vector<16xf32>,
    }
    %scan3A_187 = arith.constant 80 : i32
    %mul3A_188 = arith.constant 6000 : i32
    %mul3A_189 = arith.muli %add3A, %mul3A_188 : i32
    %add3A_190 = arith.constant 5920 : i32
    %add3A_191 = arith.addi %mul3A_189, %add3A_190 : i32
    %dma_start3A_192 = arith.constant 0 : i32
    %dma_start3A_193 = tpu.memref_slice %arg9[%add3A_191, %dma_start3A_192] : memref<192000x128xf32, #tpu.memory_space<hbm>> -> memref<80x128xf32, #tpu.memory_space<hbm>>
    %dma_start3A_194 = arith.constant 0 : i32
    %dma_start3A_195 = tpu.memref_slice %arg9[%add3A_191, %dma_start3A_194] : memref<192000x128xf32, #tpu.memory_space<hbm>> -> memref<80x128xf32, #tpu.memory_space<hbm>>
    tpu.enqueue_dma source(%arg16 : memref<80x128xf32, #tpu.memory_space<vmem>>) target(%dma_start3A_195 : memref<80x128xf32, #tpu.memory_space<hbm>>) target_semaphore(%arg25 : memref<!tpu.dma_semaphore, #tpu.memory_space<semaphore_mem>>)
    %dma_wait3A_196 = arith.constant 74 : i32
    %dma_wait3A_197 = arith.constant 0 : i32
    %dma_wait3A_198 = tpu.memref_slice %arg12[%dma_wait3A_196, %dma_wait3A_197] : memref<75x80xi32, #tpu.memory_space<vmem>> -> memref<1x80xi32, #tpu.memory_space<vmem>>
    %dma_wait3A_199 = tpu.memref_squeeze %dma_wait3A_198 : memref<1x80xi32, #tpu.memory_space<vmem>> -> memref<80xi32, #tpu.memory_space<vmem>>
    %dma_wait3A_200 = arith.constant 0 : i32
    %dma_wait3A_201 = arith.constant 0 : i32
    %dma_wait3A_202 = tpu.memref_slice %arg2[%dma_wait3A_200, %dma_wait3A_201] : memref<10000x128xf32, #tpu.memory_space<hbm>> -> memref<10000x128xf32, #tpu.memory_space<hbm>>
    tpu.wait_indirect_dma semaphore(%arg23 : memref<!tpu.dma_semaphore, #tpu.memory_space<semaphore_mem>>) src(%dma_wait3A_202 : memref<10000x128xf32, #tpu.memory_space<hbm>>) dst(%arg18 : memref<80x128xf32, #tpu.memory_space<vmem>>)
    %dma_wait3A_203 = arith.constant 74 : i32
    %dma_wait3A_204 = arith.constant 0 : i32
    %dma_wait3A_205 = tpu.memref_slice %arg11[%dma_wait3A_203, %dma_wait3A_204] : memref<75x80xi32, #tpu.memory_space<vmem>> -> memref<1x80xi32, #tpu.memory_space<vmem>>
    %dma_wait3A_206 = tpu.memref_squeeze %dma_wait3A_205 : memref<1x80xi32, #tpu.memory_space<vmem>> -> memref<80xi32, #tpu.memory_space<vmem>>
    %dma_wait3A_207 = arith.constant 0 : i32
    %dma_wait3A_208 = arith.constant 0 : i32
    %dma_wait3A_209 = tpu.memref_slice %arg3[%dma_wait3A_207, %dma_wait3A_208] : memref<10000x128xf32, #tpu.memory_space<hbm>> -> memref<10000x128xf32, #tpu.memory_space<hbm>>
    tpu.wait_indirect_dma semaphore(%arg24 : memref<!tpu.dma_semaphore, #tpu.memory_space<semaphore_mem>>) src(%dma_wait3A_209 : memref<10000x128xf32, #tpu.memory_space<hbm>>) dst(%arg19 : memref<80x128xf32, #tpu.memory_space<vmem>>)
    %mul3A_210 = arith.constant 6000 : i32
    %mul3A_211 = arith.muli %add3A, %mul3A_210 : i32
    %add3A_212 = arith.constant 5920 : i32
    %add3A_213 = arith.addi %mul3A_211, %add3A_212 : i32
    %dma_wait3A_214 = arith.constant 0 : i32
    %dma_wait3A_215 = tpu.memref_slice %arg9[%add3A_213, %dma_wait3A_214] : memref<192000x128xf32, #tpu.memory_space<hbm>> -> memref<80x128xf32, #tpu.memory_space<hbm>>
    %dma_wait3A_216 = arith.constant 0 : i32
    %dma_wait3A_217 = tpu.memref_slice %arg9[%add3A_213, %dma_wait3A_216] : memref<192000x128xf32, #tpu.memory_space<hbm>> -> memref<80x128xf32, #tpu.memory_space<hbm>>
    tpu.wait_dma2 semaphore(%arg25 : memref<!tpu.dma_semaphore, #tpu.memory_space<semaphore_mem>>) src(%arg16 : memref<80x128xf32, #tpu.memory_space<vmem>>) dst(%dma_wait3A_217 : memref<80x128xf32, #tpu.memory_space<hbm>>)
    %mul3A_218 = arith.constant 3 : i32
    %mul3A_219 = arith.muli %add3A, %mul3A_218 : i32
    "tpu.region"() ({
      %run_scoped3A = tpu.sem_alloc : memref<!tpu.dma_semaphore, #tpu.memory_space<semaphore_mem>>
      %dma_start3A_220 = arith.constant 0 : i32
      %dma_start3A_221 = arith.constant 0 : i32
      %dma_start3A_222 = tpu.memref_slice %arg10[%mul3A_219, %dma_start3A_220, %dma_start3A_221] : memref<96x1x2000xf32, #tpu.memory_space<hbm>> -> memref<3x1x2000xf32, #tpu.memory_space<hbm>>
      %dma_start3A_223 = arith.constant 0 : i32
      %dma_start3A_224 = arith.constant 0 : i32
      %dma_start3A_225 = tpu.memref_slice %arg10[%mul3A_219, %dma_start3A_223, %dma_start3A_224] : memref<96x1x2000xf32, #tpu.memory_space<hbm>> -> memref<3x1x2000xf32, #tpu.memory_space<hbm>>
      tpu.enqueue_dma source(%arg20 : memref<3x1x2000xf32, #tpu.memory_space<vmem>>) target(%dma_start3A_225 : memref<3x1x2000xf32, #tpu.memory_space<hbm>>) target_semaphore(%run_scoped3A : memref<!tpu.dma_semaphore, #tpu.memory_space<semaphore_mem>>)
      %dma_wait3A_226 = arith.constant 0 : i32
      %dma_wait3A_227 = arith.constant 0 : i32
      %dma_wait3A_228 = tpu.memref_slice %arg10[%mul3A_219, %dma_wait3A_226, %dma_wait3A_227] : memref<96x1x2000xf32, #tpu.memory_space<hbm>> -> memref<3x1x2000xf32, #tpu.memory_space<hbm>>
      %dma_wait3A_229 = arith.constant 0 : i32
      %dma_wait3A_230 = arith.constant 0 : i32
      %dma_wait3A_231 = tpu.memref_slice %arg10[%mul3A_219, %dma_wait3A_229, %dma_wait3A_230] : memref<96x1x2000xf32, #tpu.memory_space<hbm>> -> memref<3x1x2000xf32, #tpu.memory_space<hbm>>
      tpu.wait_dma2 semaphore(%run_scoped3A : memref<!tpu.dma_semaphore, #tpu.memory_space<semaphore_mem>>) src(%arg20 : memref<3x1x2000xf32, #tpu.memory_space<vmem>>) dst(%dma_wait3A_231 : memref<3x1x2000xf32, #tpu.memory_space<hbm>>)
      tpu.yield
    }) : () -> ()
    return
  }
}

#map = affine_map<(d0, d1) -> (0, 0)>
#map1 = affine_map<(d0, d1) -> (0)>
#map2 = affine_map<(d0, d1) -> (0, 0, 0)>
module attributes {stable_mosaic.version = 14 : i64} {
  func.func @body(%arg0: i32, %arg1: i32, %arg2: memref<10000x128xf32, #tpu.memory_space<hbm>>, %arg3: memref<10000x128xf32, #tpu.memory_space<hbm>>, %arg4: memref<10000xf32, #tpu.memory_space<hbm>>, %arg5: memref<10000xf32, #tpu.memory_space<hbm>>, %arg6: memref<10000xf32, #tpu.memory_space<hbm>>, %arg7: memref<32x50x80xi32, #tpu.memory_space<hbm>>, %arg8: memref<32x50x80xi32, #tpu.memory_space<hbm>>, %arg9: memref<128000x128xf32, #tpu.memory_space<hbm>>, %arg10: memref<64x1x2000xf32, #tpu.memory_space<hbm>>, %arg11: memref<50x80xi32, #tpu.memory_space<vmem>>, %arg12: memref<50x80xi32, #tpu.memory_space<vmem>>, %arg13: memref<10000xf32, #tpu.memory_space<vmem>>, %arg14: memref<10000xf32, #tpu.memory_space<vmem>>, %arg15: memref<10000xf32, #tpu.memory_space<vmem>>, %arg16: memref<80x128xf32, #tpu.memory_space<vmem>>, %arg17: memref<80x128xf32, #tpu.memory_space<vmem>>, %arg18: memref<80x128xf32, #tpu.memory_space<vmem>>, %arg19: memref<80x128xf32, #tpu.memory_space<vmem>>, %arg20: memref<2x1x2000xf32, #tpu.memory_space<vmem>>, %arg21: memref<!tpu.dma_semaphore, #tpu.memory_space<semaphore_mem>>, %arg22: memref<!tpu.dma_semaphore, #tpu.memory_space<semaphore_mem>>, %arg23: memref<!tpu.dma_semaphore, #tpu.memory_space<semaphore_mem>>, %arg24: memref<!tpu.dma_semaphore, #tpu.memory_space<semaphore_mem>>, %arg25: memref<!tpu.dma_semaphore, #tpu.memory_space<semaphore_mem>>, %arg26: memref<!tpu.dma_semaphore, #tpu.memory_space<semaphore_mem>>, %arg27: memref<!tpu.dma_semaphore, #tpu.memory_space<semaphore_mem>>, %arg28: memref<!tpu.dma_semaphore, #tpu.memory_space<semaphore_mem>>) attributes {dimension_semantics = [#tpu.dimension_semantics<core_parallel>, #tpu.dimension_semantics<subcore_parallel>], iteration_bounds = array<i64: 2, 16>, scalar_prefetch = 0 : i64, scratch_operands = 18 : i64, tpu.core_type = #tpu.core_type<sc_vector_subcore>, window_params = [{transform_indices = #map}, {transform_indices = #map}, {transform_indices = #map1}, {transform_indices = #map1}, {transform_indices = #map1}, {transform_indices = #map2}, {transform_indices = #map2}, {transform_indices = #map}, {transform_indices = #map2}]} {
    %mul3A = arith.constant 2 : i32
    %mul3A_0 = arith.muli %arg1, %mul3A : i32
    %add3A = arith.addi %mul3A_0, %arg0 : i32
    "tpu.region"() ({
      %run_scoped3A = tpu.sem_alloc : memref<!tpu.dma_semaphore, #tpu.memory_space<semaphore_mem>>
      %dma_start3A_382 = arith.constant 0 : i32
      %dma_start3A_383 = arith.constant 0 : i32
      %dma_start3A_384 = tpu.memref_slice %arg7[%add3A, %dma_start3A_382, %dma_start3A_383] : memref<32x50x80xi32, #tpu.memory_space<hbm>> -> memref<1x50x80xi32, #tpu.memory_space<hbm>>
      %dma_start3A_385 = tpu.memref_squeeze %dma_start3A_384 : memref<1x50x80xi32, #tpu.memory_space<hbm>> -> memref<50x80xi32, #tpu.memory_space<hbm>>
      %dma_start3A_386 = arith.constant 0 : i32
      %dma_start3A_387 = arith.constant 0 : i32
      %dma_start3A_388 = tpu.memref_slice %arg7[%add3A, %dma_start3A_386, %dma_start3A_387] : memref<32x50x80xi32, #tpu.memory_space<hbm>> -> memref<1x50x80xi32, #tpu.memory_space<hbm>>
      %dma_start3A_389 = tpu.memref_squeeze %dma_start3A_388 : memref<1x50x80xi32, #tpu.memory_space<hbm>> -> memref<50x80xi32, #tpu.memory_space<hbm>>
      tpu.enqueue_dma source(%dma_start3A_389 : memref<50x80xi32, #tpu.memory_space<hbm>>) target(%arg11 : memref<50x80xi32, #tpu.memory_space<vmem>>) target_semaphore(%run_scoped3A : memref<!tpu.dma_semaphore, #tpu.memory_space<semaphore_mem>>)
      %dma_wait3A_390 = arith.constant 0 : i32
      %dma_wait3A_391 = arith.constant 0 : i32
      %dma_wait3A_392 = tpu.memref_slice %arg7[%add3A, %dma_wait3A_390, %dma_wait3A_391] : memref<32x50x80xi32, #tpu.memory_space<hbm>> -> memref<1x50x80xi32, #tpu.memory_space<hbm>>
      %dma_wait3A_393 = tpu.memref_squeeze %dma_wait3A_392 : memref<1x50x80xi32, #tpu.memory_space<hbm>> -> memref<50x80xi32, #tpu.memory_space<hbm>>
      %dma_wait3A_394 = arith.constant 0 : i32
      %dma_wait3A_395 = arith.constant 0 : i32
      %dma_wait3A_396 = tpu.memref_slice %arg7[%add3A, %dma_wait3A_394, %dma_wait3A_395] : memref<32x50x80xi32, #tpu.memory_space<hbm>> -> memref<1x50x80xi32, #tpu.memory_space<hbm>>
      %dma_wait3A_397 = tpu.memref_squeeze %dma_wait3A_396 : memref<1x50x80xi32, #tpu.memory_space<hbm>> -> memref<50x80xi32, #tpu.memory_space<hbm>>
      tpu.wait_dma2 semaphore(%run_scoped3A : memref<!tpu.dma_semaphore, #tpu.memory_space<semaphore_mem>>) src(%dma_wait3A_397 : memref<50x80xi32, #tpu.memory_space<hbm>>) dst(%arg11 : memref<50x80xi32, #tpu.memory_space<vmem>>)
      tpu.yield
    }) : () -> ()
    "tpu.region"() ({
      %run_scoped3A = tpu.sem_alloc : memref<!tpu.dma_semaphore, #tpu.memory_space<semaphore_mem>>
      %dma_start3A_382 = arith.constant 0 : i32
      %dma_start3A_383 = arith.constant 0 : i32
      %dma_start3A_384 = tpu.memref_slice %arg8[%add3A, %dma_start3A_382, %dma_start3A_383] : memref<32x50x80xi32, #tpu.memory_space<hbm>> -> memref<1x50x80xi32, #tpu.memory_space<hbm>>
      %dma_start3A_385 = tpu.memref_squeeze %dma_start3A_384 : memref<1x50x80xi32, #tpu.memory_space<hbm>> -> memref<50x80xi32, #tpu.memory_space<hbm>>
      %dma_start3A_386 = arith.constant 0 : i32
      %dma_start3A_387 = arith.constant 0 : i32
      %dma_start3A_388 = tpu.memref_slice %arg8[%add3A, %dma_start3A_386, %dma_start3A_387] : memref<32x50x80xi32, #tpu.memory_space<hbm>> -> memref<1x50x80xi32, #tpu.memory_space<hbm>>
      %dma_start3A_389 = tpu.memref_squeeze %dma_start3A_388 : memref<1x50x80xi32, #tpu.memory_space<hbm>> -> memref<50x80xi32, #tpu.memory_space<hbm>>
      tpu.enqueue_dma source(%dma_start3A_389 : memref<50x80xi32, #tpu.memory_space<hbm>>) target(%arg12 : memref<50x80xi32, #tpu.memory_space<vmem>>) target_semaphore(%run_scoped3A : memref<!tpu.dma_semaphore, #tpu.memory_space<semaphore_mem>>)
      %dma_wait3A_390 = arith.constant 0 : i32
      %dma_wait3A_391 = arith.constant 0 : i32
      %dma_wait3A_392 = tpu.memref_slice %arg8[%add3A, %dma_wait3A_390, %dma_wait3A_391] : memref<32x50x80xi32, #tpu.memory_space<hbm>> -> memref<1x50x80xi32, #tpu.memory_space<hbm>>
      %dma_wait3A_393 = tpu.memref_squeeze %dma_wait3A_392 : memref<1x50x80xi32, #tpu.memory_space<hbm>> -> memref<50x80xi32, #tpu.memory_space<hbm>>
      %dma_wait3A_394 = arith.constant 0 : i32
      %dma_wait3A_395 = arith.constant 0 : i32
      %dma_wait3A_396 = tpu.memref_slice %arg8[%add3A, %dma_wait3A_394, %dma_wait3A_395] : memref<32x50x80xi32, #tpu.memory_space<hbm>> -> memref<1x50x80xi32, #tpu.memory_space<hbm>>
      %dma_wait3A_397 = tpu.memref_squeeze %dma_wait3A_396 : memref<1x50x80xi32, #tpu.memory_space<hbm>> -> memref<50x80xi32, #tpu.memory_space<hbm>>
      tpu.wait_dma2 semaphore(%run_scoped3A : memref<!tpu.dma_semaphore, #tpu.memory_space<semaphore_mem>>) src(%dma_wait3A_397 : memref<50x80xi32, #tpu.memory_space<hbm>>) dst(%arg12 : memref<50x80xi32, #tpu.memory_space<vmem>>)
      tpu.yield
    }) : () -> ()
    "tpu.region"() ({
      %run_scoped3A = tpu.sem_alloc : memref<!tpu.dma_semaphore, #tpu.memory_space<semaphore_mem>>
      tpu.enqueue_dma source(%arg4 : memref<10000xf32, #tpu.memory_space<hbm>>) target(%arg13 : memref<10000xf32, #tpu.memory_space<vmem>>) target_semaphore(%run_scoped3A : memref<!tpu.dma_semaphore, #tpu.memory_space<semaphore_mem>>)
      tpu.wait_dma2 semaphore(%run_scoped3A : memref<!tpu.dma_semaphore, #tpu.memory_space<semaphore_mem>>) src(%arg4 : memref<10000xf32, #tpu.memory_space<hbm>>) dst(%arg13 : memref<10000xf32, #tpu.memory_space<vmem>>)
      tpu.yield
    }) : () -> ()
    "tpu.region"() ({
      %run_scoped3A = tpu.sem_alloc : memref<!tpu.dma_semaphore, #tpu.memory_space<semaphore_mem>>
      tpu.enqueue_dma source(%arg5 : memref<10000xf32, #tpu.memory_space<hbm>>) target(%arg14 : memref<10000xf32, #tpu.memory_space<vmem>>) target_semaphore(%run_scoped3A : memref<!tpu.dma_semaphore, #tpu.memory_space<semaphore_mem>>)
      tpu.wait_dma2 semaphore(%run_scoped3A : memref<!tpu.dma_semaphore, #tpu.memory_space<semaphore_mem>>) src(%arg5 : memref<10000xf32, #tpu.memory_space<hbm>>) dst(%arg14 : memref<10000xf32, #tpu.memory_space<vmem>>)
      tpu.yield
    }) : () -> ()
    "tpu.region"() ({
      %run_scoped3A = tpu.sem_alloc : memref<!tpu.dma_semaphore, #tpu.memory_space<semaphore_mem>>
      tpu.enqueue_dma source(%arg6 : memref<10000xf32, #tpu.memory_space<hbm>>) target(%arg15 : memref<10000xf32, #tpu.memory_space<vmem>>) target_semaphore(%run_scoped3A : memref<!tpu.dma_semaphore, #tpu.memory_space<semaphore_mem>>)
      tpu.wait_dma2 semaphore(%run_scoped3A : memref<!tpu.dma_semaphore, #tpu.memory_space<semaphore_mem>>) src(%arg6 : memref<10000xf32, #tpu.memory_space<hbm>>) dst(%arg15 : memref<10000xf32, #tpu.memory_space<vmem>>)
      tpu.yield
    }) : () -> ()
    %dma_start3A = arith.constant 0 : i32
    %dma_start3A_1 = arith.constant 0 : i32
    %dma_start3A_2 = tpu.memref_slice %arg12[%dma_start3A, %dma_start3A_1] : memref<50x80xi32, #tpu.memory_space<vmem>> -> memref<1x80xi32, #tpu.memory_space<vmem>>
    %dma_start3A_3 = tpu.memref_squeeze %dma_start3A_2 : memref<1x80xi32, #tpu.memory_space<vmem>> -> memref<80xi32, #tpu.memory_space<vmem>>
    %dma_start3A_4 = arith.constant 0 : i32
    %dma_start3A_5 = arith.constant 0 : i32
    %dma_start3A_6 = tpu.memref_slice %arg2[%dma_start3A_4, %dma_start3A_5] : memref<10000x128xf32, #tpu.memory_space<hbm>> -> memref<10000x128xf32, #tpu.memory_space<hbm>>
    tpu.enqueue_indirect_dma source(%dma_start3A_6 : memref<10000x128xf32, #tpu.memory_space<hbm>>) target(%arg16 : memref<80x128xf32, #tpu.memory_space<vmem>>) offsets(%dma_start3A_3 : memref<80xi32, #tpu.memory_space<vmem>>) semaphore(%arg21 : memref<!tpu.dma_semaphore, #tpu.memory_space<semaphore_mem>>)
    %dma_start3A_7 = arith.constant 0 : i32
    %dma_start3A_8 = arith.constant 0 : i32
    %dma_start3A_9 = tpu.memref_slice %arg11[%dma_start3A_7, %dma_start3A_8] : memref<50x80xi32, #tpu.memory_space<vmem>> -> memref<1x80xi32, #tpu.memory_space<vmem>>
    %dma_start3A_10 = tpu.memref_squeeze %dma_start3A_9 : memref<1x80xi32, #tpu.memory_space<vmem>> -> memref<80xi32, #tpu.memory_space<vmem>>
    %dma_start3A_11 = arith.constant 0 : i32
    %dma_start3A_12 = arith.constant 0 : i32
    %dma_start3A_13 = tpu.memref_slice %arg3[%dma_start3A_11, %dma_start3A_12] : memref<10000x128xf32, #tpu.memory_space<hbm>> -> memref<10000x128xf32, #tpu.memory_space<hbm>>
    tpu.enqueue_indirect_dma source(%dma_start3A_13 : memref<10000x128xf32, #tpu.memory_space<hbm>>) target(%arg17 : memref<80x128xf32, #tpu.memory_space<vmem>>) offsets(%dma_start3A_10 : memref<80xi32, #tpu.memory_space<vmem>>) semaphore(%arg22 : memref<!tpu.dma_semaphore, #tpu.memory_space<semaphore_mem>>)
    %dma_start3A_14 = arith.constant 1 : i32
    %dma_start3A_15 = arith.constant 0 : i32
    %dma_start3A_16 = tpu.memref_slice %arg12[%dma_start3A_14, %dma_start3A_15] : memref<50x80xi32, #tpu.memory_space<vmem>> -> memref<1x80xi32, #tpu.memory_space<vmem>>
    %dma_start3A_17 = tpu.memref_squeeze %dma_start3A_16 : memref<1x80xi32, #tpu.memory_space<vmem>> -> memref<80xi32, #tpu.memory_space<vmem>>
    %dma_start3A_18 = arith.constant 0 : i32
    %dma_start3A_19 = arith.constant 0 : i32
    %dma_start3A_20 = tpu.memref_slice %arg2[%dma_start3A_18, %dma_start3A_19] : memref<10000x128xf32, #tpu.memory_space<hbm>> -> memref<10000x128xf32, #tpu.memory_space<hbm>>
    tpu.enqueue_indirect_dma source(%dma_start3A_20 : memref<10000x128xf32, #tpu.memory_space<hbm>>) target(%arg18 : memref<80x128xf32, #tpu.memory_space<vmem>>) offsets(%dma_start3A_17 : memref<80xi32, #tpu.memory_space<vmem>>) semaphore(%arg23 : memref<!tpu.dma_semaphore, #tpu.memory_space<semaphore_mem>>)
    %dma_start3A_21 = arith.constant 1 : i32
    %dma_start3A_22 = arith.constant 0 : i32
    %dma_start3A_23 = tpu.memref_slice %arg11[%dma_start3A_21, %dma_start3A_22] : memref<50x80xi32, #tpu.memory_space<vmem>> -> memref<1x80xi32, #tpu.memory_space<vmem>>
    %dma_start3A_24 = tpu.memref_squeeze %dma_start3A_23 : memref<1x80xi32, #tpu.memory_space<vmem>> -> memref<80xi32, #tpu.memory_space<vmem>>
    %dma_start3A_25 = arith.constant 0 : i32
    %dma_start3A_26 = arith.constant 0 : i32
    %dma_start3A_27 = tpu.memref_slice %arg3[%dma_start3A_25, %dma_start3A_26] : memref<10000x128xf32, #tpu.memory_space<hbm>> -> memref<10000x128xf32, #tpu.memory_space<hbm>>
    tpu.enqueue_indirect_dma source(%dma_start3A_27 : memref<10000x128xf32, #tpu.memory_space<hbm>>) target(%arg19 : memref<80x128xf32, #tpu.memory_space<vmem>>) offsets(%dma_start3A_24 : memref<80xi32, #tpu.memory_space<vmem>>) semaphore(%arg24 : memref<!tpu.dma_semaphore, #tpu.memory_space<semaphore_mem>>)
    %scan3A = arith.constant 0 : i32
    %scan3A_28 = arith.constant 0 : i32
    %scan3A_29 = arith.constant 24 : i32
    %scan3A_30 = arith.addi %scan3A_28, %scan3A_29 : i32
    %scan3A_31 = arith.constant 1 : i32
    scf.for %scan3A_382 = %scan3A_28 to %scan3A_30 step %scan3A_31  : i32 {
      %mul3A_383 = arith.constant 2 : i32
      %mul3A_384 = arith.muli %mul3A_383, %scan3A_382 : i32
      %add3A_385 = arith.constant 1 : i32
      %add3A_386 = arith.addi %mul3A_384, %add3A_385 : i32
      %add3A_387 = arith.constant 2 : i32
      %add3A_388 = arith.addi %mul3A_384, %add3A_387 : i32
      %min3A = arith.constant 49 : i32
      %min3A_389 = arith.minsi %add3A_388, %min3A : i32
      %add3A_390 = arith.constant 2 : i32
      %add3A_391 = arith.addi %add3A_386, %add3A_390 : i32
      %min3A_392 = arith.constant 49 : i32
      %min3A_393 = arith.minsi %add3A_391, %min3A_392 : i32
      %get3A_394 = arith.index_cast %mul3A_384 : i32 to index
      %get3A_395 = arith.constant 0 : index
      %get3A_396 = tpu.vector_load %arg11[%get3A_394, %get3A_395] {strides = array<i32>} : memref<50x80xi32, #tpu.memory_space<vmem>>, vector<16xi32>,
      %get3A_397 = arith.index_cast %mul3A_384 : i32 to index
      %get3A_398 = arith.constant 0 : index
      %get3A_399 = tpu.vector_load %arg12[%get3A_397, %get3A_398] {strides = array<i32>} : memref<50x80xi32, #tpu.memory_space<vmem>>, vector<16xi32>,
      %gather3A_400 = tpu.vector_load_idx %arg13[%get3A_396] : memref<10000xf32, #tpu.memory_space<vmem>>[vector<16xi32>], vector<16xf32>,
      %gather3A_401 = tpu.vector_load_idx %arg13[%get3A_399] : memref<10000xf32, #tpu.memory_space<vmem>>[vector<16xi32>], vector<16xf32>,
      %sub3A_402 = arith.subf %gather3A_400, %gather3A_401 : vector<16xf32>
      %gather3A_403 = tpu.vector_load_idx %arg14[%get3A_396] : memref<10000xf32, #tpu.memory_space<vmem>>[vector<16xi32>], vector<16xf32>,
      %gather3A_404 = tpu.vector_load_idx %arg14[%get3A_399] : memref<10000xf32, #tpu.memory_space<vmem>>[vector<16xi32>], vector<16xf32>,
      %sub3A_405 = arith.subf %gather3A_403, %gather3A_404 : vector<16xf32>
      %gather3A_406 = tpu.vector_load_idx %arg15[%get3A_396] : memref<10000xf32, #tpu.memory_space<vmem>>[vector<16xi32>], vector<16xf32>,
      %gather3A_407 = tpu.vector_load_idx %arg15[%get3A_399] : memref<10000xf32, #tpu.memory_space<vmem>>[vector<16xi32>], vector<16xf32>,
      %sub3A_408 = arith.subf %gather3A_406, %gather3A_407 : vector<16xf32>
      %mul3A_409 = arith.constant 80 : i32
      %mul3A_410 = arith.muli %mul3A_384, %mul3A_409 : i32
      %add3A_411 = arith.constant 0 : i32
      %add3A_412 = arith.addi %mul3A_410, %add3A_411 : i32
      %mul3A_413 = arith.mulf %sub3A_402, %sub3A_402 : vector<16xf32>
      %mul3A_414 = arith.mulf %sub3A_405, %sub3A_405 : vector<16xf32>
      %add3A_415 = arith.addf %mul3A_413, %mul3A_414 : vector<16xf32>
      %mul3A_416 = arith.mulf %sub3A_408, %sub3A_408 : vector<16xf32>
      %add3A_417 = arith.addf %add3A_415, %mul3A_416 : vector<16xf32>
      %jit3A = arith.constant 2000 : i32
      %div3A = arith.divsi %add3A_412, %jit3A : i32
      %sign3A = arith.constant 0 : i32
      %sign3A_418 = arith.cmpi sgt, %add3A_412, %sign3A : i32
      %sign3A_419 = arith.extui %sign3A_418 : i1 to i32
      %sign3A_420 = arith.constant 0 : i32
      %sign3A_421 = arith.cmpi slt, %add3A_412, %sign3A_420 : i32
      %sign3A_422 = arith.extui %sign3A_421 : i1 to i32
      %sign3A_423 = arith.subi %sign3A_419, %sign3A_422 : i32
      %sign3A_424 = arith.constant 0 : i32
      %sign3A_425 = arith.cmpi sgt, %jit3A, %sign3A_424 : i32
      %sign3A_426 = arith.extui %sign3A_425 : i1 to i32
      %sign3A_427 = arith.constant 0 : i32
      %sign3A_428 = arith.cmpi slt, %jit3A, %sign3A_427 : i32
      %sign3A_429 = arith.extui %sign3A_428 : i1 to i32
      %sign3A_430 = arith.subi %sign3A_426, %sign3A_429 : i32
      %ne3A = arith.cmpi ne, %sign3A_423, %sign3A_430 : i32
      %rem3A = arith.remsi %add3A_412, %jit3A : i32
      %ne3A_431 = arith.constant 0 : i32
      %ne3A_432 = arith.cmpi ne, %rem3A, %ne3A_431 : i32
      %and3A = arith.andi %ne3A, %ne3A_432 : i1
      %sub3A_433 = arith.constant 1 : i32
      %sub3A_434 = arith.subi %div3A, %sub3A_433 : i32
      %select_n3A = arith.select %and3A, %sub3A_434, %div3A : i32
      %jit3A_435 = arith.constant 2000 : i32
      %eq3A = arith.constant 0 : i32
      %eq3A_436 = arith.cmpi eq, %jit3A_435, %eq3A : i32
      %jit3A_437 = arith.constant 1 : i32
      %select_n3A_438 = arith.select %eq3A_436, %jit3A_437, %jit3A_435 : i32
      %rem3A_439 = arith.remsi %add3A_412, %select_n3A_438 : i32
      %ne3A_440 = arith.constant 0 : i32
      %ne3A_441 = arith.cmpi ne, %rem3A_439, %ne3A_440 : i32
      %lt3A = arith.constant 0 : i32
      %lt3A_442 = arith.cmpi slt, %rem3A_439, %lt3A : i32
      %lt3A_443 = arith.constant 0 : i32
      %lt3A_444 = arith.cmpi slt, %select_n3A_438, %lt3A_443 : i32
      %ne3A_445 = arith.xori %lt3A_442, %lt3A_444 : i1
      %and3A_446 = arith.andi %ne3A_445, %ne3A_441 : i1
      %add3A_447 = arith.addi %rem3A_439, %select_n3A_438 : i32
      %select_n3A_448 = arith.select %and3A_446, %add3A_447, %rem3A_439 : i32
      %swap3A_449 = arith.constant 0 : i32
      %swap3A_450 = arith.index_cast %select_n3A : i32 to index
      %swap3A_451 = arith.index_cast %swap3A_449 : i32 to index
      %swap3A_452 = arith.index_cast %select_n3A_448 : i32 to index
      %swap3A_453 = tpu.vector_load %arg20[%swap3A_450, %swap3A_451, %swap3A_452] {strides = array<i32>} : memref<2x1x2000xf32, #tpu.memory_space<vmem>>, vector<16xf32>,
      tpu.vector_store %arg20[%swap3A_450, %swap3A_451, %swap3A_452], %add3A_417 {strides = array<i32>} : memref<2x1x2000xf32, #tpu.memory_space<vmem>>, vector<16xf32>,
      %get3A_454 = arith.index_cast %mul3A_384 : i32 to index
      %get3A_455 = arith.constant 16 : index
      %get3A_456 = tpu.vector_load %arg11[%get3A_454, %get3A_455] {strides = array<i32>} : memref<50x80xi32, #tpu.memory_space<vmem>>, vector<16xi32>,
      %get3A_457 = arith.index_cast %mul3A_384 : i32 to index
      %get3A_458 = arith.constant 16 : index
      %get3A_459 = tpu.vector_load %arg12[%get3A_457, %get3A_458] {strides = array<i32>} : memref<50x80xi32, #tpu.memory_space<vmem>>, vector<16xi32>,
      %gather3A_460 = tpu.vector_load_idx %arg13[%get3A_456] : memref<10000xf32, #tpu.memory_space<vmem>>[vector<16xi32>], vector<16xf32>,
      %gather3A_461 = tpu.vector_load_idx %arg13[%get3A_459] : memref<10000xf32, #tpu.memory_space<vmem>>[vector<16xi32>], vector<16xf32>,
      %sub3A_462 = arith.subf %gather3A_460, %gather3A_461 : vector<16xf32>
      %gather3A_463 = tpu.vector_load_idx %arg14[%get3A_456] : memref<10000xf32, #tpu.memory_space<vmem>>[vector<16xi32>], vector<16xf32>,
      %gather3A_464 = tpu.vector_load_idx %arg14[%get3A_459] : memref<10000xf32, #tpu.memory_space<vmem>>[vector<16xi32>], vector<16xf32>,
      %sub3A_465 = arith.subf %gather3A_463, %gather3A_464 : vector<16xf32>
      %gather3A_466 = tpu.vector_load_idx %arg15[%get3A_456] : memref<10000xf32, #tpu.memory_space<vmem>>[vector<16xi32>], vector<16xf32>,
      %gather3A_467 = tpu.vector_load_idx %arg15[%get3A_459] : memref<10000xf32, #tpu.memory_space<vmem>>[vector<16xi32>], vector<16xf32>,
      %sub3A_468 = arith.subf %gather3A_466, %gather3A_467 : vector<16xf32>
      %mul3A_469 = arith.constant 80 : i32
      %mul3A_470 = arith.muli %mul3A_384, %mul3A_469 : i32
      %add3A_471 = arith.constant 16 : i32
      %add3A_472 = arith.addi %mul3A_470, %add3A_471 : i32
      %mul3A_473 = arith.mulf %sub3A_462, %sub3A_462 : vector<16xf32>
      %mul3A_474 = arith.mulf %sub3A_465, %sub3A_465 : vector<16xf32>
      %add3A_475 = arith.addf %mul3A_473, %mul3A_474 : vector<16xf32>
      %mul3A_476 = arith.mulf %sub3A_468, %sub3A_468 : vector<16xf32>
      %add3A_477 = arith.addf %add3A_475, %mul3A_476 : vector<16xf32>
      %jit3A_478 = arith.constant 2000 : i32
      %div3A_479 = arith.divsi %add3A_472, %jit3A_478 : i32
      %sign3A_480 = arith.constant 0 : i32
      %sign3A_481 = arith.cmpi sgt, %add3A_472, %sign3A_480 : i32
      %sign3A_482 = arith.extui %sign3A_481 : i1 to i32
      %sign3A_483 = arith.constant 0 : i32
      %sign3A_484 = arith.cmpi slt, %add3A_472, %sign3A_483 : i32
      %sign3A_485 = arith.extui %sign3A_484 : i1 to i32
      %sign3A_486 = arith.subi %sign3A_482, %sign3A_485 : i32
      %sign3A_487 = arith.constant 0 : i32
      %sign3A_488 = arith.cmpi sgt, %jit3A_478, %sign3A_487 : i32
      %sign3A_489 = arith.extui %sign3A_488 : i1 to i32
      %sign3A_490 = arith.constant 0 : i32
      %sign3A_491 = arith.cmpi slt, %jit3A_478, %sign3A_490 : i32
      %sign3A_492 = arith.extui %sign3A_491 : i1 to i32
      %sign3A_493 = arith.subi %sign3A_489, %sign3A_492 : i32
      %ne3A_494 = arith.cmpi ne, %sign3A_486, %sign3A_493 : i32
      %rem3A_495 = arith.remsi %add3A_472, %jit3A_478 : i32
      %ne3A_496 = arith.constant 0 : i32
      %ne3A_497 = arith.cmpi ne, %rem3A_495, %ne3A_496 : i32
      %and3A_498 = arith.andi %ne3A_494, %ne3A_497 : i1
      %sub3A_499 = arith.constant 1 : i32
      %sub3A_500 = arith.subi %div3A_479, %sub3A_499 : i32
      %select_n3A_501 = arith.select %and3A_498, %sub3A_500, %div3A_479 : i32
      %jit3A_502 = arith.constant 2000 : i32
      %eq3A_503 = arith.constant 0 : i32
      %eq3A_504 = arith.cmpi eq, %jit3A_502, %eq3A_503 : i32
      %jit3A_505 = arith.constant 1 : i32
      %select_n3A_506 = arith.select %eq3A_504, %jit3A_505, %jit3A_502 : i32
      %rem3A_507 = arith.remsi %add3A_472, %select_n3A_506 : i32
      %ne3A_508 = arith.constant 0 : i32
      %ne3A_509 = arith.cmpi ne, %rem3A_507, %ne3A_508 : i32
      %lt3A_510 = arith.constant 0 : i32
      %lt3A_511 = arith.cmpi slt, %rem3A_507, %lt3A_510 : i32
      %lt3A_512 = arith.constant 0 : i32
      %lt3A_513 = arith.cmpi slt, %select_n3A_506, %lt3A_512 : i32
      %ne3A_514 = arith.xori %lt3A_511, %lt3A_513 : i1
      %and3A_515 = arith.andi %ne3A_514, %ne3A_509 : i1
      %add3A_516 = arith.addi %rem3A_507, %select_n3A_506 : i32
      %select_n3A_517 = arith.select %and3A_515, %add3A_516, %rem3A_507 : i32
      %swap3A_518 = arith.constant 0 : i32
      %swap3A_519 = arith.index_cast %select_n3A_501 : i32 to index
      %swap3A_520 = arith.index_cast %swap3A_518 : i32 to index
      %swap3A_521 = arith.index_cast %select_n3A_517 : i32 to index
      %swap3A_522 = tpu.vector_load %arg20[%swap3A_519, %swap3A_520, %swap3A_521] {strides = array<i32>} : memref<2x1x2000xf32, #tpu.memory_space<vmem>>, vector<16xf32>,
      tpu.vector_store %arg20[%swap3A_519, %swap3A_520, %swap3A_521], %add3A_477 {strides = array<i32>} : memref<2x1x2000xf32, #tpu.memory_space<vmem>>, vector<16xf32>,
      %get3A_523 = arith.index_cast %mul3A_384 : i32 to index
      %get3A_524 = arith.constant 32 : index
      %get3A_525 = tpu.vector_load %arg11[%get3A_523, %get3A_524] {strides = array<i32>} : memref<50x80xi32, #tpu.memory_space<vmem>>, vector<16xi32>,
      %get3A_526 = arith.index_cast %mul3A_384 : i32 to index
      %get3A_527 = arith.constant 32 : index
      %get3A_528 = tpu.vector_load %arg12[%get3A_526, %get3A_527] {strides = array<i32>} : memref<50x80xi32, #tpu.memory_space<vmem>>, vector<16xi32>,
      %gather3A_529 = tpu.vector_load_idx %arg13[%get3A_525] : memref<10000xf32, #tpu.memory_space<vmem>>[vector<16xi32>], vector<16xf32>,
      %gather3A_530 = tpu.vector_load_idx %arg13[%get3A_528] : memref<10000xf32, #tpu.memory_space<vmem>>[vector<16xi32>], vector<16xf32>,
      %sub3A_531 = arith.subf %gather3A_529, %gather3A_530 : vector<16xf32>
      %gather3A_532 = tpu.vector_load_idx %arg14[%get3A_525] : memref<10000xf32, #tpu.memory_space<vmem>>[vector<16xi32>], vector<16xf32>,
      %gather3A_533 = tpu.vector_load_idx %arg14[%get3A_528] : memref<10000xf32, #tpu.memory_space<vmem>>[vector<16xi32>], vector<16xf32>,
      %sub3A_534 = arith.subf %gather3A_532, %gather3A_533 : vector<16xf32>
      %gather3A_535 = tpu.vector_load_idx %arg15[%get3A_525] : memref<10000xf32, #tpu.memory_space<vmem>>[vector<16xi32>], vector<16xf32>,
      %gather3A_536 = tpu.vector_load_idx %arg15[%get3A_528] : memref<10000xf32, #tpu.memory_space<vmem>>[vector<16xi32>], vector<16xf32>,
      %sub3A_537 = arith.subf %gather3A_535, %gather3A_536 : vector<16xf32>
      %mul3A_538 = arith.constant 80 : i32
      %mul3A_539 = arith.muli %mul3A_384, %mul3A_538 : i32
      %add3A_540 = arith.constant 32 : i32
      %add3A_541 = arith.addi %mul3A_539, %add3A_540 : i32
      %mul3A_542 = arith.mulf %sub3A_531, %sub3A_531 : vector<16xf32>
      %mul3A_543 = arith.mulf %sub3A_534, %sub3A_534 : vector<16xf32>
      %add3A_544 = arith.addf %mul3A_542, %mul3A_543 : vector<16xf32>
      %mul3A_545 = arith.mulf %sub3A_537, %sub3A_537 : vector<16xf32>
      %add3A_546 = arith.addf %add3A_544, %mul3A_545 : vector<16xf32>
      %jit3A_547 = arith.constant 2000 : i32
      %div3A_548 = arith.divsi %add3A_541, %jit3A_547 : i32
      %sign3A_549 = arith.constant 0 : i32
      %sign3A_550 = arith.cmpi sgt, %add3A_541, %sign3A_549 : i32
      %sign3A_551 = arith.extui %sign3A_550 : i1 to i32
      %sign3A_552 = arith.constant 0 : i32
      %sign3A_553 = arith.cmpi slt, %add3A_541, %sign3A_552 : i32
      %sign3A_554 = arith.extui %sign3A_553 : i1 to i32
      %sign3A_555 = arith.subi %sign3A_551, %sign3A_554 : i32
      %sign3A_556 = arith.constant 0 : i32
      %sign3A_557 = arith.cmpi sgt, %jit3A_547, %sign3A_556 : i32
      %sign3A_558 = arith.extui %sign3A_557 : i1 to i32
      %sign3A_559 = arith.constant 0 : i32
      %sign3A_560 = arith.cmpi slt, %jit3A_547, %sign3A_559 : i32
      %sign3A_561 = arith.extui %sign3A_560 : i1 to i32
      %sign3A_562 = arith.subi %sign3A_558, %sign3A_561 : i32
      %ne3A_563 = arith.cmpi ne, %sign3A_555, %sign3A_562 : i32
      %rem3A_564 = arith.remsi %add3A_541, %jit3A_547 : i32
      %ne3A_565 = arith.constant 0 : i32
      %ne3A_566 = arith.cmpi ne, %rem3A_564, %ne3A_565 : i32
      %and3A_567 = arith.andi %ne3A_563, %ne3A_566 : i1
      %sub3A_568 = arith.constant 1 : i32
      %sub3A_569 = arith.subi %div3A_548, %sub3A_568 : i32
      %select_n3A_570 = arith.select %and3A_567, %sub3A_569, %div3A_548 : i32
      %jit3A_571 = arith.constant 2000 : i32
      %eq3A_572 = arith.constant 0 : i32
      %eq3A_573 = arith.cmpi eq, %jit3A_571, %eq3A_572 : i32
      %jit3A_574 = arith.constant 1 : i32
      %select_n3A_575 = arith.select %eq3A_573, %jit3A_574, %jit3A_571 : i32
      %rem3A_576 = arith.remsi %add3A_541, %select_n3A_575 : i32
      %ne3A_577 = arith.constant 0 : i32
      %ne3A_578 = arith.cmpi ne, %rem3A_576, %ne3A_577 : i32
      %lt3A_579 = arith.constant 0 : i32
      %lt3A_580 = arith.cmpi slt, %rem3A_576, %lt3A_579 : i32
      %lt3A_581 = arith.constant 0 : i32
      %lt3A_582 = arith.cmpi slt, %select_n3A_575, %lt3A_581 : i32
      %ne3A_583 = arith.xori %lt3A_580, %lt3A_582 : i1
      %and3A_584 = arith.andi %ne3A_583, %ne3A_578 : i1
      %add3A_585 = arith.addi %rem3A_576, %select_n3A_575 : i32
      %select_n3A_586 = arith.select %and3A_584, %add3A_585, %rem3A_576 : i32
      %swap3A_587 = arith.constant 0 : i32
      %swap3A_588 = arith.index_cast %select_n3A_570 : i32 to index
      %swap3A_589 = arith.index_cast %swap3A_587 : i32 to index
      %swap3A_590 = arith.index_cast %select_n3A_586 : i32 to index
      %swap3A_591 = tpu.vector_load %arg20[%swap3A_588, %swap3A_589, %swap3A_590] {strides = array<i32>} : memref<2x1x2000xf32, #tpu.memory_space<vmem>>, vector<16xf32>,
      tpu.vector_store %arg20[%swap3A_588, %swap3A_589, %swap3A_590], %add3A_546 {strides = array<i32>} : memref<2x1x2000xf32, #tpu.memory_space<vmem>>, vector<16xf32>,
      %get3A_592 = arith.index_cast %mul3A_384 : i32 to index
      %get3A_593 = arith.constant 48 : index
      %get3A_594 = tpu.vector_load %arg11[%get3A_592, %get3A_593] {strides = array<i32>} : memref<50x80xi32, #tpu.memory_space<vmem>>, vector<16xi32>,
      %get3A_595 = arith.index_cast %mul3A_384 : i32 to index
      %get3A_596 = arith.constant 48 : index
      %get3A_597 = tpu.vector_load %arg12[%get3A_595, %get3A_596] {strides = array<i32>} : memref<50x80xi32, #tpu.memory_space<vmem>>, vector<16xi32>,
      %gather3A_598 = tpu.vector_load_idx %arg13[%get3A_594] : memref<10000xf32, #tpu.memory_space<vmem>>[vector<16xi32>], vector<16xf32>,
      %gather3A_599 = tpu.vector_load_idx %arg13[%get3A_597] : memref<10000xf32, #tpu.memory_space<vmem>>[vector<16xi32>], vector<16xf32>,
      %sub3A_600 = arith.subf %gather3A_598, %gather3A_599 : vector<16xf32>
      %gather3A_601 = tpu.vector_load_idx %arg14[%get3A_594] : memref<10000xf32, #tpu.memory_space<vmem>>[vector<16xi32>], vector<16xf32>,
      %gather3A_602 = tpu.vector_load_idx %arg14[%get3A_597] : memref<10000xf32, #tpu.memory_space<vmem>>[vector<16xi32>], vector<16xf32>,
      %sub3A_603 = arith.subf %gather3A_601, %gather3A_602 : vector<16xf32>
      %gather3A_604 = tpu.vector_load_idx %arg15[%get3A_594] : memref<10000xf32, #tpu.memory_space<vmem>>[vector<16xi32>], vector<16xf32>,
      %gather3A_605 = tpu.vector_load_idx %arg15[%get3A_597] : memref<10000xf32, #tpu.memory_space<vmem>>[vector<16xi32>], vector<16xf32>,
      %sub3A_606 = arith.subf %gather3A_604, %gather3A_605 : vector<16xf32>
      %mul3A_607 = arith.constant 80 : i32
      %mul3A_608 = arith.muli %mul3A_384, %mul3A_607 : i32
      %add3A_609 = arith.constant 48 : i32
      %add3A_610 = arith.addi %mul3A_608, %add3A_609 : i32
      %mul3A_611 = arith.mulf %sub3A_600, %sub3A_600 : vector<16xf32>
      %mul3A_612 = arith.mulf %sub3A_603, %sub3A_603 : vector<16xf32>
      %add3A_613 = arith.addf %mul3A_611, %mul3A_612 : vector<16xf32>
      %mul3A_614 = arith.mulf %sub3A_606, %sub3A_606 : vector<16xf32>
      %add3A_615 = arith.addf %add3A_613, %mul3A_614 : vector<16xf32>
      %jit3A_616 = arith.constant 2000 : i32
      %div3A_617 = arith.divsi %add3A_610, %jit3A_616 : i32
      %sign3A_618 = arith.constant 0 : i32
      %sign3A_619 = arith.cmpi sgt, %add3A_610, %sign3A_618 : i32
      %sign3A_620 = arith.extui %sign3A_619 : i1 to i32
      %sign3A_621 = arith.constant 0 : i32
      %sign3A_622 = arith.cmpi slt, %add3A_610, %sign3A_621 : i32
      %sign3A_623 = arith.extui %sign3A_622 : i1 to i32
      %sign3A_624 = arith.subi %sign3A_620, %sign3A_623 : i32
      %sign3A_625 = arith.constant 0 : i32
      %sign3A_626 = arith.cmpi sgt, %jit3A_616, %sign3A_625 : i32
      %sign3A_627 = arith.extui %sign3A_626 : i1 to i32
      %sign3A_628 = arith.constant 0 : i32
      %sign3A_629 = arith.cmpi slt, %jit3A_616, %sign3A_628 : i32
      %sign3A_630 = arith.extui %sign3A_629 : i1 to i32
      %sign3A_631 = arith.subi %sign3A_627, %sign3A_630 : i32
      %ne3A_632 = arith.cmpi ne, %sign3A_624, %sign3A_631 : i32
      %rem3A_633 = arith.remsi %add3A_610, %jit3A_616 : i32
      %ne3A_634 = arith.constant 0 : i32
      %ne3A_635 = arith.cmpi ne, %rem3A_633, %ne3A_634 : i32
      %and3A_636 = arith.andi %ne3A_632, %ne3A_635 : i1
      %sub3A_637 = arith.constant 1 : i32
      %sub3A_638 = arith.subi %div3A_617, %sub3A_637 : i32
      %select_n3A_639 = arith.select %and3A_636, %sub3A_638, %div3A_617 : i32
      %jit3A_640 = arith.constant 2000 : i32
      %eq3A_641 = arith.constant 0 : i32
      %eq3A_642 = arith.cmpi eq, %jit3A_640, %eq3A_641 : i32
      %jit3A_643 = arith.constant 1 : i32
      %select_n3A_644 = arith.select %eq3A_642, %jit3A_643, %jit3A_640 : i32
      %rem3A_645 = arith.remsi %add3A_610, %select_n3A_644 : i32
      %ne3A_646 = arith.constant 0 : i32
      %ne3A_647 = arith.cmpi ne, %rem3A_645, %ne3A_646 : i32
      %lt3A_648 = arith.constant 0 : i32
      %lt3A_649 = arith.cmpi slt, %rem3A_645, %lt3A_648 : i32
      %lt3A_650 = arith.constant 0 : i32
      %lt3A_651 = arith.cmpi slt, %select_n3A_644, %lt3A_650 : i32
      %ne3A_652 = arith.xori %lt3A_649, %lt3A_651 : i1
      %and3A_653 = arith.andi %ne3A_652, %ne3A_647 : i1
      %add3A_654 = arith.addi %rem3A_645, %select_n3A_644 : i32
      %select_n3A_655 = arith.select %and3A_653, %add3A_654, %rem3A_645 : i32
      %swap3A_656 = arith.constant 0 : i32
      %swap3A_657 = arith.index_cast %select_n3A_639 : i32 to index
      %swap3A_658 = arith.index_cast %swap3A_656 : i32 to index
      %swap3A_659 = arith.index_cast %select_n3A_655 : i32 to index
      %swap3A_660 = tpu.vector_load %arg20[%swap3A_657, %swap3A_658, %swap3A_659] {strides = array<i32>} : memref<2x1x2000xf32, #tpu.memory_space<vmem>>, vector<16xf32>,
      tpu.vector_store %arg20[%swap3A_657, %swap3A_658, %swap3A_659], %add3A_615 {strides = array<i32>} : memref<2x1x2000xf32, #tpu.memory_space<vmem>>, vector<16xf32>,
      %get3A_661 = arith.index_cast %mul3A_384 : i32 to index
      %get3A_662 = arith.constant 64 : index
      %get3A_663 = tpu.vector_load %arg11[%get3A_661, %get3A_662] {strides = array<i32>} : memref<50x80xi32, #tpu.memory_space<vmem>>, vector<16xi32>,
      %get3A_664 = arith.index_cast %mul3A_384 : i32 to index
      %get3A_665 = arith.constant 64 : index
      %get3A_666 = tpu.vector_load %arg12[%get3A_664, %get3A_665] {strides = array<i32>} : memref<50x80xi32, #tpu.memory_space<vmem>>, vector<16xi32>,
      %gather3A_667 = tpu.vector_load_idx %arg13[%get3A_663] : memref<10000xf32, #tpu.memory_space<vmem>>[vector<16xi32>], vector<16xf32>,
      %gather3A_668 = tpu.vector_load_idx %arg13[%get3A_666] : memref<10000xf32, #tpu.memory_space<vmem>>[vector<16xi32>], vector<16xf32>,
      %sub3A_669 = arith.subf %gather3A_667, %gather3A_668 : vector<16xf32>
      %gather3A_670 = tpu.vector_load_idx %arg14[%get3A_663] : memref<10000xf32, #tpu.memory_space<vmem>>[vector<16xi32>], vector<16xf32>,
      %gather3A_671 = tpu.vector_load_idx %arg14[%get3A_666] : memref<10000xf32, #tpu.memory_space<vmem>>[vector<16xi32>], vector<16xf32>,
      %sub3A_672 = arith.subf %gather3A_670, %gather3A_671 : vector<16xf32>
      %gather3A_673 = tpu.vector_load_idx %arg15[%get3A_663] : memref<10000xf32, #tpu.memory_space<vmem>>[vector<16xi32>], vector<16xf32>,
      %gather3A_674 = tpu.vector_load_idx %arg15[%get3A_666] : memref<10000xf32, #tpu.memory_space<vmem>>[vector<16xi32>], vector<16xf32>,
      %sub3A_675 = arith.subf %gather3A_673, %gather3A_674 : vector<16xf32>
      %mul3A_676 = arith.constant 80 : i32
      %mul3A_677 = arith.muli %mul3A_384, %mul3A_676 : i32
      %add3A_678 = arith.constant 64 : i32
      %add3A_679 = arith.addi %mul3A_677, %add3A_678 : i32
      %mul3A_680 = arith.mulf %sub3A_669, %sub3A_669 : vector<16xf32>
      %mul3A_681 = arith.mulf %sub3A_672, %sub3A_672 : vector<16xf32>
      %add3A_682 = arith.addf %mul3A_680, %mul3A_681 : vector<16xf32>
      %mul3A_683 = arith.mulf %sub3A_675, %sub3A_675 : vector<16xf32>
      %add3A_684 = arith.addf %add3A_682, %mul3A_683 : vector<16xf32>
      %jit3A_685 = arith.constant 2000 : i32
      %div3A_686 = arith.divsi %add3A_679, %jit3A_685 : i32
      %sign3A_687 = arith.constant 0 : i32
      %sign3A_688 = arith.cmpi sgt, %add3A_679, %sign3A_687 : i32
      %sign3A_689 = arith.extui %sign3A_688 : i1 to i32
      %sign3A_690 = arith.constant 0 : i32
      %sign3A_691 = arith.cmpi slt, %add3A_679, %sign3A_690 : i32
      %sign3A_692 = arith.extui %sign3A_691 : i1 to i32
      %sign3A_693 = arith.subi %sign3A_689, %sign3A_692 : i32
      %sign3A_694 = arith.constant 0 : i32
      %sign3A_695 = arith.cmpi sgt, %jit3A_685, %sign3A_694 : i32
      %sign3A_696 = arith.extui %sign3A_695 : i1 to i32
      %sign3A_697 = arith.constant 0 : i32
      %sign3A_698 = arith.cmpi slt, %jit3A_685, %sign3A_697 : i32
      %sign3A_699 = arith.extui %sign3A_698 : i1 to i32
      %sign3A_700 = arith.subi %sign3A_696, %sign3A_699 : i32
      %ne3A_701 = arith.cmpi ne, %sign3A_693, %sign3A_700 : i32
      %rem3A_702 = arith.remsi %add3A_679, %jit3A_685 : i32
      %ne3A_703 = arith.constant 0 : i32
      %ne3A_704 = arith.cmpi ne, %rem3A_702, %ne3A_703 : i32
      %and3A_705 = arith.andi %ne3A_701, %ne3A_704 : i1
      %sub3A_706 = arith.constant 1 : i32
      %sub3A_707 = arith.subi %div3A_686, %sub3A_706 : i32
      %select_n3A_708 = arith.select %and3A_705, %sub3A_707, %div3A_686 : i32
      %jit3A_709 = arith.constant 2000 : i32
      %eq3A_710 = arith.constant 0 : i32
      %eq3A_711 = arith.cmpi eq, %jit3A_709, %eq3A_710 : i32
      %jit3A_712 = arith.constant 1 : i32
      %select_n3A_713 = arith.select %eq3A_711, %jit3A_712, %jit3A_709 : i32
      %rem3A_714 = arith.remsi %add3A_679, %select_n3A_713 : i32
      %ne3A_715 = arith.constant 0 : i32
      %ne3A_716 = arith.cmpi ne, %rem3A_714, %ne3A_715 : i32
      %lt3A_717 = arith.constant 0 : i32
      %lt3A_718 = arith.cmpi slt, %rem3A_714, %lt3A_717 : i32
      %lt3A_719 = arith.constant 0 : i32
      %lt3A_720 = arith.cmpi slt, %select_n3A_713, %lt3A_719 : i32
      %ne3A_721 = arith.xori %lt3A_718, %lt3A_720 : i1
      %and3A_722 = arith.andi %ne3A_721, %ne3A_716 : i1
      %add3A_723 = arith.addi %rem3A_714, %select_n3A_713 : i32
      %select_n3A_724 = arith.select %and3A_722, %add3A_723, %rem3A_714 : i32
      %swap3A_725 = arith.constant 0 : i32
      %swap3A_726 = arith.index_cast %select_n3A_708 : i32 to index
      %swap3A_727 = arith.index_cast %swap3A_725 : i32 to index
      %swap3A_728 = arith.index_cast %select_n3A_724 : i32 to index
      %swap3A_729 = tpu.vector_load %arg20[%swap3A_726, %swap3A_727, %swap3A_728] {strides = array<i32>} : memref<2x1x2000xf32, #tpu.memory_space<vmem>>, vector<16xf32>,
      tpu.vector_store %arg20[%swap3A_726, %swap3A_727, %swap3A_728], %add3A_684 {strides = array<i32>} : memref<2x1x2000xf32, #tpu.memory_space<vmem>>, vector<16xf32>,
      %dma_wait3A_730 = arith.constant 0 : i32
      %dma_wait3A_731 = tpu.memref_slice %arg12[%mul3A_384, %dma_wait3A_730] : memref<50x80xi32, #tpu.memory_space<vmem>> -> memref<1x80xi32, #tpu.memory_space<vmem>>
      %dma_wait3A_732 = tpu.memref_squeeze %dma_wait3A_731 : memref<1x80xi32, #tpu.memory_space<vmem>> -> memref<80xi32, #tpu.memory_space<vmem>>
      %dma_wait3A_733 = arith.constant 0 : i32
      %dma_wait3A_734 = arith.constant 0 : i32
      %dma_wait3A_735 = tpu.memref_slice %arg2[%dma_wait3A_733, %dma_wait3A_734] : memref<10000x128xf32, #tpu.memory_space<hbm>> -> memref<10000x128xf32, #tpu.memory_space<hbm>>
      tpu.wait_indirect_dma semaphore(%arg21 : memref<!tpu.dma_semaphore, #tpu.memory_space<semaphore_mem>>) src(%dma_wait3A_735 : memref<10000x128xf32, #tpu.memory_space<hbm>>) dst(%arg16 : memref<80x128xf32, #tpu.memory_space<vmem>>)
      %dma_wait3A_736 = arith.constant 0 : i32
      %dma_wait3A_737 = tpu.memref_slice %arg11[%mul3A_384, %dma_wait3A_736] : memref<50x80xi32, #tpu.memory_space<vmem>> -> memref<1x80xi32, #tpu.memory_space<vmem>>
      %dma_wait3A_738 = tpu.memref_squeeze %dma_wait3A_737 : memref<1x80xi32, #tpu.memory_space<vmem>> -> memref<80xi32, #tpu.memory_space<vmem>>
      %dma_wait3A_739 = arith.constant 0 : i32
      %dma_wait3A_740 = arith.constant 0 : i32
      %dma_wait3A_741 = tpu.memref_slice %arg3[%dma_wait3A_739, %dma_wait3A_740] : memref<10000x128xf32, #tpu.memory_space<hbm>> -> memref<10000x128xf32, #tpu.memory_space<hbm>>
      tpu.wait_indirect_dma semaphore(%arg22 : memref<!tpu.dma_semaphore, #tpu.memory_space<semaphore_mem>>) src(%dma_wait3A_741 : memref<10000x128xf32, #tpu.memory_space<hbm>>) dst(%arg17 : memref<80x128xf32, #tpu.memory_space<vmem>>)
      %scan3A_742 = arith.constant 0 : i32
      %scan3A_743 = arith.constant 0 : i32
      %scan3A_744 = arith.constant 80 : i32
      %scan3A_745 = arith.addi %scan3A_743, %scan3A_744 : i32
      %scan3A_746 = arith.constant 1 : i32
      scf.for %scan3A_1171 = %scan3A_743 to %scan3A_745 step %scan3A_746  : i32 {
        %get3A_1172 = arith.index_cast %scan3A_1171 : i32 to index
        %get3A_1173 = arith.constant 0 : index
        %get3A_1174 = tpu.vector_load %arg16[%get3A_1172, %get3A_1173] {strides = array<i32>} : memref<80x128xf32, #tpu.memory_space<vmem>>, vector<16xf32>,
        %get3A_1175 = arith.index_cast %scan3A_1171 : i32 to index
        %get3A_1176 = arith.constant 0 : index
        %get3A_1177 = tpu.vector_load %arg17[%get3A_1175, %get3A_1176] {strides = array<i32>} : memref<80x128xf32, #tpu.memory_space<vmem>>, vector<16xf32>,
        %add3A_1178 = arith.addf %get3A_1174, %get3A_1177 : vector<16xf32>
        %swap3A_1179 = arith.index_cast %scan3A_1171 : i32 to index
        %swap3A_1180 = arith.constant 0 : index
        %swap3A_1181 = tpu.vector_load %arg16[%swap3A_1179, %swap3A_1180] {strides = array<i32>} : memref<80x128xf32, #tpu.memory_space<vmem>>, vector<16xf32>,
        tpu.vector_store %arg16[%swap3A_1179, %swap3A_1180], %add3A_1178 {strides = array<i32>} : memref<80x128xf32, #tpu.memory_space<vmem>>, vector<16xf32>,
        %get3A_1182 = arith.index_cast %scan3A_1171 : i32 to index
        %get3A_1183 = arith.constant 16 : index
        %get3A_1184 = tpu.vector_load %arg16[%get3A_1182, %get3A_1183] {strides = array<i32>} : memref<80x128xf32, #tpu.memory_space<vmem>>, vector<16xf32>,
        %get3A_1185 = arith.index_cast %scan3A_1171 : i32 to index
        %get3A_1186 = arith.constant 16 : index
        %get3A_1187 = tpu.vector_load %arg17[%get3A_1185, %get3A_1186] {strides = array<i32>} : memref<80x128xf32, #tpu.memory_space<vmem>>, vector<16xf32>,
        %add3A_1188 = arith.addf %get3A_1184, %get3A_1187 : vector<16xf32>
        %swap3A_1189 = arith.index_cast %scan3A_1171 : i32 to index
        %swap3A_1190 = arith.constant 16 : index
        %swap3A_1191 = tpu.vector_load %arg16[%swap3A_1189, %swap3A_1190] {strides = array<i32>} : memref<80x128xf32, #tpu.memory_space<vmem>>, vector<16xf32>,
        tpu.vector_store %arg16[%swap3A_1189, %swap3A_1190], %add3A_1188 {strides = array<i32>} : memref<80x128xf32, #tpu.memory_space<vmem>>, vector<16xf32>,
        %get3A_1192 = arith.index_cast %scan3A_1171 : i32 to index
        %get3A_1193 = arith.constant 32 : index
        %get3A_1194 = tpu.vector_load %arg16[%get3A_1192, %get3A_1193] {strides = array<i32>} : memref<80x128xf32, #tpu.memory_space<vmem>>, vector<16xf32>,
        %get3A_1195 = arith.index_cast %scan3A_1171 : i32 to index
        %get3A_1196 = arith.constant 32 : index
        %get3A_1197 = tpu.vector_load %arg17[%get3A_1195, %get3A_1196] {strides = array<i32>} : memref<80x128xf32, #tpu.memory_space<vmem>>, vector<16xf32>,
        %add3A_1198 = arith.addf %get3A_1194, %get3A_1197 : vector<16xf32>
        %swap3A_1199 = arith.index_cast %scan3A_1171 : i32 to index
        %swap3A_1200 = arith.constant 32 : index
        %swap3A_1201 = tpu.vector_load %arg16[%swap3A_1199, %swap3A_1200] {strides = array<i32>} : memref<80x128xf32, #tpu.memory_space<vmem>>, vector<16xf32>,
        tpu.vector_store %arg16[%swap3A_1199, %swap3A_1200], %add3A_1198 {strides = array<i32>} : memref<80x128xf32, #tpu.memory_space<vmem>>, vector<16xf32>,
        %get3A_1202 = arith.index_cast %scan3A_1171 : i32 to index
        %get3A_1203 = arith.constant 48 : index
        %get3A_1204 = tpu.vector_load %arg16[%get3A_1202, %get3A_1203] {strides = array<i32>} : memref<80x128xf32, #tpu.memory_space<vmem>>, vector<16xf32>,
        %get3A_1205 = arith.index_cast %scan3A_1171 : i32 to index
        %get3A_1206 = arith.constant 48 : index
        %get3A_1207 = tpu.vector_load %arg17[%get3A_1205, %get3A_1206] {strides = array<i32>} : memref<80x128xf32, #tpu.memory_space<vmem>>, vector<16xf32>,
        %add3A_1208 = arith.addf %get3A_1204, %get3A_1207 : vector<16xf32>
        %swap3A_1209 = arith.index_cast %scan3A_1171 : i32 to index
        %swap3A_1210 = arith.constant 48 : index
        %swap3A_1211 = tpu.vector_load %arg16[%swap3A_1209, %swap3A_1210] {strides = array<i32>} : memref<80x128xf32, #tpu.memory_space<vmem>>, vector<16xf32>,
        tpu.vector_store %arg16[%swap3A_1209, %swap3A_1210], %add3A_1208 {strides = array<i32>} : memref<80x128xf32, #tpu.memory_space<vmem>>, vector<16xf32>,
        %get3A_1212 = arith.index_cast %scan3A_1171 : i32 to index
        %get3A_1213 = arith.constant 64 : index
        %get3A_1214 = tpu.vector_load %arg16[%get3A_1212, %get3A_1213] {strides = array<i32>} : memref<80x128xf32, #tpu.memory_space<vmem>>, vector<16xf32>,
        %get3A_1215 = arith.index_cast %scan3A_1171 : i32 to index
        %get3A_1216 = arith.constant 64 : index
        %get3A_1217 = tpu.vector_load %arg17[%get3A_1215, %get3A_1216] {strides = array<i32>} : memref<80x128xf32, #tpu.memory_space<vmem>>, vector<16xf32>,
        %add3A_1218 = arith.addf %get3A_1214, %get3A_1217 : vector<16xf32>
        %swap3A_1219 = arith.index_cast %scan3A_1171 : i32 to index
        %swap3A_1220 = arith.constant 64 : index
        %swap3A_1221 = tpu.vector_load %arg16[%swap3A_1219, %swap3A_1220] {strides = array<i32>} : memref<80x128xf32, #tpu.memory_space<vmem>>, vector<16xf32>,
        tpu.vector_store %arg16[%swap3A_1219, %swap3A_1220], %add3A_1218 {strides = array<i32>} : memref<80x128xf32, #tpu.memory_space<vmem>>, vector<16xf32>,
        %get3A_1222 = arith.index_cast %scan3A_1171 : i32 to index
        %get3A_1223 = arith.constant 80 : index
        %get3A_1224 = tpu.vector_load %arg16[%get3A_1222, %get3A_1223] {strides = array<i32>} : memref<80x128xf32, #tpu.memory_space<vmem>>, vector<16xf32>,
        %get3A_1225 = arith.index_cast %scan3A_1171 : i32 to index
        %get3A_1226 = arith.constant 80 : index
        %get3A_1227 = tpu.vector_load %arg17[%get3A_1225, %get3A_1226] {strides = array<i32>} : memref<80x128xf32, #tpu.memory_space<vmem>>, vector<16xf32>,
        %add3A_1228 = arith.addf %get3A_1224, %get3A_1227 : vector<16xf32>
        %swap3A_1229 = arith.index_cast %scan3A_1171 : i32 to index
        %swap3A_1230 = arith.constant 80 : index
        %swap3A_1231 = tpu.vector_load %arg16[%swap3A_1229, %swap3A_1230] {strides = array<i32>} : memref<80x128xf32, #tpu.memory_space<vmem>>, vector<16xf32>,
        tpu.vector_store %arg16[%swap3A_1229, %swap3A_1230], %add3A_1228 {strides = array<i32>} : memref<80x128xf32, #tpu.memory_space<vmem>>, vector<16xf32>,
        %get3A_1232 = arith.index_cast %scan3A_1171 : i32 to index
        %get3A_1233 = arith.constant 96 : index
        %get3A_1234 = tpu.vector_load %arg16[%get3A_1232, %get3A_1233] {strides = array<i32>} : memref<80x128xf32, #tpu.memory_space<vmem>>, vector<16xf32>,
        %get3A_1235 = arith.index_cast %scan3A_1171 : i32 to index
        %get3A_1236 = arith.constant 96 : index
        %get3A_1237 = tpu.vector_load %arg17[%get3A_1235, %get3A_1236] {strides = array<i32>} : memref<80x128xf32, #tpu.memory_space<vmem>>, vector<16xf32>,
        %add3A_1238 = arith.addf %get3A_1234, %get3A_1237 : vector<16xf32>
        %swap3A_1239 = arith.index_cast %scan3A_1171 : i32 to index
        %swap3A_1240 = arith.constant 96 : index
        %swap3A_1241 = tpu.vector_load %arg16[%swap3A_1239, %swap3A_1240] {strides = array<i32>} : memref<80x128xf32, #tpu.memory_space<vmem>>, vector<16xf32>,
        tpu.vector_store %arg16[%swap3A_1239, %swap3A_1240], %add3A_1238 {strides = array<i32>} : memref<80x128xf32, #tpu.memory_space<vmem>>, vector<16xf32>,
        %get3A_1242 = arith.index_cast %scan3A_1171 : i32 to index
        %get3A_1243 = arith.constant 112 : index
        %get3A_1244 = tpu.vector_load %arg16[%get3A_1242, %get3A_1243] {strides = array<i32>} : memref<80x128xf32, #tpu.memory_space<vmem>>, vector<16xf32>,
        %get3A_1245 = arith.index_cast %scan3A_1171 : i32 to index
        %get3A_1246 = arith.constant 112 : index
        %get3A_1247 = tpu.vector_load %arg17[%get3A_1245, %get3A_1246] {strides = array<i32>} : memref<80x128xf32, #tpu.memory_space<vmem>>, vector<16xf32>,
        %add3A_1248 = arith.addf %get3A_1244, %get3A_1247 : vector<16xf32>
        %swap3A_1249 = arith.index_cast %scan3A_1171 : i32 to index
        %swap3A_1250 = arith.constant 112 : index
        %swap3A_1251 = tpu.vector_load %arg16[%swap3A_1249, %swap3A_1250] {strides = array<i32>} : memref<80x128xf32, #tpu.memory_space<vmem>>, vector<16xf32>,
        tpu.vector_store %arg16[%swap3A_1249, %swap3A_1250], %add3A_1248 {strides = array<i32>} : memref<80x128xf32, #tpu.memory_space<vmem>>, vector<16xf32>,
      }
      %scan3A_747 = arith.constant 80 : i32
      %mul3A_748 = arith.constant 4000 : i32
      %mul3A_749 = arith.muli %add3A, %mul3A_748 : i32
      %mul3A_750 = arith.constant 80 : i32
      %mul3A_751 = arith.muli %mul3A_384, %mul3A_750 : i32
      %add3A_752 = arith.addi %mul3A_749, %mul3A_751 : i32
      %dma_start3A_753 = arith.constant 0 : i32
      %dma_start3A_754 = tpu.memref_slice %arg9[%add3A_752, %dma_start3A_753] : memref<128000x128xf32, #tpu.memory_space<hbm>> -> memref<80x128xf32, #tpu.memory_space<hbm>>
      %dma_start3A_755 = arith.constant 0 : i32
      %dma_start3A_756 = tpu.memref_slice %arg9[%add3A_752, %dma_start3A_755] : memref<128000x128xf32, #tpu.memory_space<hbm>> -> memref<80x128xf32, #tpu.memory_space<hbm>>
      tpu.enqueue_dma source(%arg16 : memref<80x128xf32, #tpu.memory_space<vmem>>) target(%dma_start3A_756 : memref<80x128xf32, #tpu.memory_space<hbm>>) target_semaphore(%arg25 : memref<!tpu.dma_semaphore, #tpu.memory_space<semaphore_mem>>)
      %get3A_757 = arith.index_cast %add3A_386 : i32 to index
      %get3A_758 = arith.constant 0 : index
      %get3A_759 = tpu.vector_load %arg11[%get3A_757, %get3A_758] {strides = array<i32>} : memref<50x80xi32, #tpu.memory_space<vmem>>, vector<16xi32>,
      %get3A_760 = arith.index_cast %add3A_386 : i32 to index
      %get3A_761 = arith.constant 0 : index
      %get3A_762 = tpu.vector_load %arg12[%get3A_760, %get3A_761] {strides = array<i32>} : memref<50x80xi32, #tpu.memory_space<vmem>>, vector<16xi32>,
      %gather3A_763 = tpu.vector_load_idx %arg13[%get3A_759] : memref<10000xf32, #tpu.memory_space<vmem>>[vector<16xi32>], vector<16xf32>,
      %gather3A_764 = tpu.vector_load_idx %arg13[%get3A_762] : memref<10000xf32, #tpu.memory_space<vmem>>[vector<16xi32>], vector<16xf32>,
      %sub3A_765 = arith.subf %gather3A_763, %gather3A_764 : vector<16xf32>
      %gather3A_766 = tpu.vector_load_idx %arg14[%get3A_759] : memref<10000xf32, #tpu.memory_space<vmem>>[vector<16xi32>], vector<16xf32>,
      %gather3A_767 = tpu.vector_load_idx %arg14[%get3A_762] : memref<10000xf32, #tpu.memory_space<vmem>>[vector<16xi32>], vector<16xf32>,
      %sub3A_768 = arith.subf %gather3A_766, %gather3A_767 : vector<16xf32>
      %gather3A_769 = tpu.vector_load_idx %arg15[%get3A_759] : memref<10000xf32, #tpu.memory_space<vmem>>[vector<16xi32>], vector<16xf32>,
      %gather3A_770 = tpu.vector_load_idx %arg15[%get3A_762] : memref<10000xf32, #tpu.memory_space<vmem>>[vector<16xi32>], vector<16xf32>,
      %sub3A_771 = arith.subf %gather3A_769, %gather3A_770 : vector<16xf32>
      %mul3A_772 = arith.constant 80 : i32
      %mul3A_773 = arith.muli %add3A_386, %mul3A_772 : i32
      %add3A_774 = arith.constant 0 : i32
      %add3A_775 = arith.addi %mul3A_773, %add3A_774 : i32
      %mul3A_776 = arith.mulf %sub3A_765, %sub3A_765 : vector<16xf32>
      %mul3A_777 = arith.mulf %sub3A_768, %sub3A_768 : vector<16xf32>
      %add3A_778 = arith.addf %mul3A_776, %mul3A_777 : vector<16xf32>
      %mul3A_779 = arith.mulf %sub3A_771, %sub3A_771 : vector<16xf32>
      %add3A_780 = arith.addf %add3A_778, %mul3A_779 : vector<16xf32>
      %jit3A_781 = arith.constant 2000 : i32
      %div3A_782 = arith.divsi %add3A_775, %jit3A_781 : i32
      %sign3A_783 = arith.constant 0 : i32
      %sign3A_784 = arith.cmpi sgt, %add3A_775, %sign3A_783 : i32
      %sign3A_785 = arith.extui %sign3A_784 : i1 to i32
      %sign3A_786 = arith.constant 0 : i32
      %sign3A_787 = arith.cmpi slt, %add3A_775, %sign3A_786 : i32
      %sign3A_788 = arith.extui %sign3A_787 : i1 to i32
      %sign3A_789 = arith.subi %sign3A_785, %sign3A_788 : i32
      %sign3A_790 = arith.constant 0 : i32
      %sign3A_791 = arith.cmpi sgt, %jit3A_781, %sign3A_790 : i32
      %sign3A_792 = arith.extui %sign3A_791 : i1 to i32
      %sign3A_793 = arith.constant 0 : i32
      %sign3A_794 = arith.cmpi slt, %jit3A_781, %sign3A_793 : i32
      %sign3A_795 = arith.extui %sign3A_794 : i1 to i32
      %sign3A_796 = arith.subi %sign3A_792, %sign3A_795 : i32
      %ne3A_797 = arith.cmpi ne, %sign3A_789, %sign3A_796 : i32
      %rem3A_798 = arith.remsi %add3A_775, %jit3A_781 : i32
      %ne3A_799 = arith.constant 0 : i32
      %ne3A_800 = arith.cmpi ne, %rem3A_798, %ne3A_799 : i32
      %and3A_801 = arith.andi %ne3A_797, %ne3A_800 : i1
      %sub3A_802 = arith.constant 1 : i32
      %sub3A_803 = arith.subi %div3A_782, %sub3A_802 : i32
      %select_n3A_804 = arith.select %and3A_801, %sub3A_803, %div3A_782 : i32
      %jit3A_805 = arith.constant 2000 : i32
      %eq3A_806 = arith.constant 0 : i32
      %eq3A_807 = arith.cmpi eq, %jit3A_805, %eq3A_806 : i32
      %jit3A_808 = arith.constant 1 : i32
      %select_n3A_809 = arith.select %eq3A_807, %jit3A_808, %jit3A_805 : i32
      %rem3A_810 = arith.remsi %add3A_775, %select_n3A_809 : i32
      %ne3A_811 = arith.constant 0 : i32
      %ne3A_812 = arith.cmpi ne, %rem3A_810, %ne3A_811 : i32
      %lt3A_813 = arith.constant 0 : i32
      %lt3A_814 = arith.cmpi slt, %rem3A_810, %lt3A_813 : i32
      %lt3A_815 = arith.constant 0 : i32
      %lt3A_816 = arith.cmpi slt, %select_n3A_809, %lt3A_815 : i32
      %ne3A_817 = arith.xori %lt3A_814, %lt3A_816 : i1
      %and3A_818 = arith.andi %ne3A_817, %ne3A_812 : i1
      %add3A_819 = arith.addi %rem3A_810, %select_n3A_809 : i32
      %select_n3A_820 = arith.select %and3A_818, %add3A_819, %rem3A_810 : i32
      %swap3A_821 = arith.constant 0 : i32
      %swap3A_822 = arith.index_cast %select_n3A_804 : i32 to index
      %swap3A_823 = arith.index_cast %swap3A_821 : i32 to index
      %swap3A_824 = arith.index_cast %select_n3A_820 : i32 to index
      %swap3A_825 = tpu.vector_load %arg20[%swap3A_822, %swap3A_823, %swap3A_824] {strides = array<i32>} : memref<2x1x2000xf32, #tpu.memory_space<vmem>>, vector<16xf32>,
      tpu.vector_store %arg20[%swap3A_822, %swap3A_823, %swap3A_824], %add3A_780 {strides = array<i32>} : memref<2x1x2000xf32, #tpu.memory_space<vmem>>, vector<16xf32>,
      %get3A_826 = arith.index_cast %add3A_386 : i32 to index
      %get3A_827 = arith.constant 16 : index
      %get3A_828 = tpu.vector_load %arg11[%get3A_826, %get3A_827] {strides = array<i32>} : memref<50x80xi32, #tpu.memory_space<vmem>>, vector<16xi32>,
      %get3A_829 = arith.index_cast %add3A_386 : i32 to index
      %get3A_830 = arith.constant 16 : index
      %get3A_831 = tpu.vector_load %arg12[%get3A_829, %get3A_830] {strides = array<i32>} : memref<50x80xi32, #tpu.memory_space<vmem>>, vector<16xi32>,
      %gather3A_832 = tpu.vector_load_idx %arg13[%get3A_828] : memref<10000xf32, #tpu.memory_space<vmem>>[vector<16xi32>], vector<16xf32>,
      %gather3A_833 = tpu.vector_load_idx %arg13[%get3A_831] : memref<10000xf32, #tpu.memory_space<vmem>>[vector<16xi32>], vector<16xf32>,
      %sub3A_834 = arith.subf %gather3A_832, %gather3A_833 : vector<16xf32>
      %gather3A_835 = tpu.vector_load_idx %arg14[%get3A_828] : memref<10000xf32, #tpu.memory_space<vmem>>[vector<16xi32>], vector<16xf32>,
      %gather3A_836 = tpu.vector_load_idx %arg14[%get3A_831] : memref<10000xf32, #tpu.memory_space<vmem>>[vector<16xi32>], vector<16xf32>,
      %sub3A_837 = arith.subf %gather3A_835, %gather3A_836 : vector<16xf32>
      %gather3A_838 = tpu.vector_load_idx %arg15[%get3A_828] : memref<10000xf32, #tpu.memory_space<vmem>>[vector<16xi32>], vector<16xf32>,
      %gather3A_839 = tpu.vector_load_idx %arg15[%get3A_831] : memref<10000xf32, #tpu.memory_space<vmem>>[vector<16xi32>], vector<16xf32>,
      %sub3A_840 = arith.subf %gather3A_838, %gather3A_839 : vector<16xf32>
      %mul3A_841 = arith.constant 80 : i32
      %mul3A_842 = arith.muli %add3A_386, %mul3A_841 : i32
      %add3A_843 = arith.constant 16 : i32
      %add3A_844 = arith.addi %mul3A_842, %add3A_843 : i32
      %mul3A_845 = arith.mulf %sub3A_834, %sub3A_834 : vector<16xf32>
      %mul3A_846 = arith.mulf %sub3A_837, %sub3A_837 : vector<16xf32>
      %add3A_847 = arith.addf %mul3A_845, %mul3A_846 : vector<16xf32>
      %mul3A_848 = arith.mulf %sub3A_840, %sub3A_840 : vector<16xf32>
      %add3A_849 = arith.addf %add3A_847, %mul3A_848 : vector<16xf32>
      %jit3A_850 = arith.constant 2000 : i32
      %div3A_851 = arith.divsi %add3A_844, %jit3A_850 : i32
      %sign3A_852 = arith.constant 0 : i32
      %sign3A_853 = arith.cmpi sgt, %add3A_844, %sign3A_852 : i32
      %sign3A_854 = arith.extui %sign3A_853 : i1 to i32
      %sign3A_855 = arith.constant 0 : i32
      %sign3A_856 = arith.cmpi slt, %add3A_844, %sign3A_855 : i32
      %sign3A_857 = arith.extui %sign3A_856 : i1 to i32
      %sign3A_858 = arith.subi %sign3A_854, %sign3A_857 : i32
      %sign3A_859 = arith.constant 0 : i32
      %sign3A_860 = arith.cmpi sgt, %jit3A_850, %sign3A_859 : i32
      %sign3A_861 = arith.extui %sign3A_860 : i1 to i32
      %sign3A_862 = arith.constant 0 : i32
      %sign3A_863 = arith.cmpi slt, %jit3A_850, %sign3A_862 : i32
      %sign3A_864 = arith.extui %sign3A_863 : i1 to i32
      %sign3A_865 = arith.subi %sign3A_861, %sign3A_864 : i32
      %ne3A_866 = arith.cmpi ne, %sign3A_858, %sign3A_865 : i32
      %rem3A_867 = arith.remsi %add3A_844, %jit3A_850 : i32
      %ne3A_868 = arith.constant 0 : i32
      %ne3A_869 = arith.cmpi ne, %rem3A_867, %ne3A_868 : i32
      %and3A_870 = arith.andi %ne3A_866, %ne3A_869 : i1
      %sub3A_871 = arith.constant 1 : i32
      %sub3A_872 = arith.subi %div3A_851, %sub3A_871 : i32
      %select_n3A_873 = arith.select %and3A_870, %sub3A_872, %div3A_851 : i32
      %jit3A_874 = arith.constant 2000 : i32
      %eq3A_875 = arith.constant 0 : i32
      %eq3A_876 = arith.cmpi eq, %jit3A_874, %eq3A_875 : i32
      %jit3A_877 = arith.constant 1 : i32
      %select_n3A_878 = arith.select %eq3A_876, %jit3A_877, %jit3A_874 : i32
      %rem3A_879 = arith.remsi %add3A_844, %select_n3A_878 : i32
      %ne3A_880 = arith.constant 0 : i32
      %ne3A_881 = arith.cmpi ne, %rem3A_879, %ne3A_880 : i32
      %lt3A_882 = arith.constant 0 : i32
      %lt3A_883 = arith.cmpi slt, %rem3A_879, %lt3A_882 : i32
      %lt3A_884 = arith.constant 0 : i32
      %lt3A_885 = arith.cmpi slt, %select_n3A_878, %lt3A_884 : i32
      %ne3A_886 = arith.xori %lt3A_883, %lt3A_885 : i1
      %and3A_887 = arith.andi %ne3A_886, %ne3A_881 : i1
      %add3A_888 = arith.addi %rem3A_879, %select_n3A_878 : i32
      %select_n3A_889 = arith.select %and3A_887, %add3A_888, %rem3A_879 : i32
      %swap3A_890 = arith.constant 0 : i32
      %swap3A_891 = arith.index_cast %select_n3A_873 : i32 to index
      %swap3A_892 = arith.index_cast %swap3A_890 : i32 to index
      %swap3A_893 = arith.index_cast %select_n3A_889 : i32 to index
      %swap3A_894 = tpu.vector_load %arg20[%swap3A_891, %swap3A_892, %swap3A_893] {strides = array<i32>} : memref<2x1x2000xf32, #tpu.memory_space<vmem>>, vector<16xf32>,
      tpu.vector_store %arg20[%swap3A_891, %swap3A_892, %swap3A_893], %add3A_849 {strides = array<i32>} : memref<2x1x2000xf32, #tpu.memory_space<vmem>>, vector<16xf32>,
      %get3A_895 = arith.index_cast %add3A_386 : i32 to index
      %get3A_896 = arith.constant 32 : index
      %get3A_897 = tpu.vector_load %arg11[%get3A_895, %get3A_896] {strides = array<i32>} : memref<50x80xi32, #tpu.memory_space<vmem>>, vector<16xi32>,
      %get3A_898 = arith.index_cast %add3A_386 : i32 to index
      %get3A_899 = arith.constant 32 : index
      %get3A_900 = tpu.vector_load %arg12[%get3A_898, %get3A_899] {strides = array<i32>} : memref<50x80xi32, #tpu.memory_space<vmem>>, vector<16xi32>,
      %gather3A_901 = tpu.vector_load_idx %arg13[%get3A_897] : memref<10000xf32, #tpu.memory_space<vmem>>[vector<16xi32>], vector<16xf32>,
      %gather3A_902 = tpu.vector_load_idx %arg13[%get3A_900] : memref<10000xf32, #tpu.memory_space<vmem>>[vector<16xi32>], vector<16xf32>,
      %sub3A_903 = arith.subf %gather3A_901, %gather3A_902 : vector<16xf32>
      %gather3A_904 = tpu.vector_load_idx %arg14[%get3A_897] : memref<10000xf32, #tpu.memory_space<vmem>>[vector<16xi32>], vector<16xf32>,
      %gather3A_905 = tpu.vector_load_idx %arg14[%get3A_900] : memref<10000xf32, #tpu.memory_space<vmem>>[vector<16xi32>], vector<16xf32>,
      %sub3A_906 = arith.subf %gather3A_904, %gather3A_905 : vector<16xf32>
      %gather3A_907 = tpu.vector_load_idx %arg15[%get3A_897] : memref<10000xf32, #tpu.memory_space<vmem>>[vector<16xi32>], vector<16xf32>,
      %gather3A_908 = tpu.vector_load_idx %arg15[%get3A_900] : memref<10000xf32, #tpu.memory_space<vmem>>[vector<16xi32>], vector<16xf32>,
      %sub3A_909 = arith.subf %gather3A_907, %gather3A_908 : vector<16xf32>
      %mul3A_910 = arith.constant 80 : i32
      %mul3A_911 = arith.muli %add3A_386, %mul3A_910 : i32
      %add3A_912 = arith.constant 32 : i32
      %add3A_913 = arith.addi %mul3A_911, %add3A_912 : i32
      %mul3A_914 = arith.mulf %sub3A_903, %sub3A_903 : vector<16xf32>
      %mul3A_915 = arith.mulf %sub3A_906, %sub3A_906 : vector<16xf32>
      %add3A_916 = arith.addf %mul3A_914, %mul3A_915 : vector<16xf32>
      %mul3A_917 = arith.mulf %sub3A_909, %sub3A_909 : vector<16xf32>
      %add3A_918 = arith.addf %add3A_916, %mul3A_917 : vector<16xf32>
      %jit3A_919 = arith.constant 2000 : i32
      %div3A_920 = arith.divsi %add3A_913, %jit3A_919 : i32
      %sign3A_921 = arith.constant 0 : i32
      %sign3A_922 = arith.cmpi sgt, %add3A_913, %sign3A_921 : i32
      %sign3A_923 = arith.extui %sign3A_922 : i1 to i32
      %sign3A_924 = arith.constant 0 : i32
      %sign3A_925 = arith.cmpi slt, %add3A_913, %sign3A_924 : i32
      %sign3A_926 = arith.extui %sign3A_925 : i1 to i32
      %sign3A_927 = arith.subi %sign3A_923, %sign3A_926 : i32
      %sign3A_928 = arith.constant 0 : i32
      %sign3A_929 = arith.cmpi sgt, %jit3A_919, %sign3A_928 : i32
      %sign3A_930 = arith.extui %sign3A_929 : i1 to i32
      %sign3A_931 = arith.constant 0 : i32
      %sign3A_932 = arith.cmpi slt, %jit3A_919, %sign3A_931 : i32
      %sign3A_933 = arith.extui %sign3A_932 : i1 to i32
      %sign3A_934 = arith.subi %sign3A_930, %sign3A_933 : i32
      %ne3A_935 = arith.cmpi ne, %sign3A_927, %sign3A_934 : i32
      %rem3A_936 = arith.remsi %add3A_913, %jit3A_919 : i32
      %ne3A_937 = arith.constant 0 : i32
      %ne3A_938 = arith.cmpi ne, %rem3A_936, %ne3A_937 : i32
      %and3A_939 = arith.andi %ne3A_935, %ne3A_938 : i1
      %sub3A_940 = arith.constant 1 : i32
      %sub3A_941 = arith.subi %div3A_920, %sub3A_940 : i32
      %select_n3A_942 = arith.select %and3A_939, %sub3A_941, %div3A_920 : i32
      %jit3A_943 = arith.constant 2000 : i32
      %eq3A_944 = arith.constant 0 : i32
      %eq3A_945 = arith.cmpi eq, %jit3A_943, %eq3A_944 : i32
      %jit3A_946 = arith.constant 1 : i32
      %select_n3A_947 = arith.select %eq3A_945, %jit3A_946, %jit3A_943 : i32
      %rem3A_948 = arith.remsi %add3A_913, %select_n3A_947 : i32
      %ne3A_949 = arith.constant 0 : i32
      %ne3A_950 = arith.cmpi ne, %rem3A_948, %ne3A_949 : i32
      %lt3A_951 = arith.constant 0 : i32
      %lt3A_952 = arith.cmpi slt, %rem3A_948, %lt3A_951 : i32
      %lt3A_953 = arith.constant 0 : i32
      %lt3A_954 = arith.cmpi slt, %select_n3A_947, %lt3A_953 : i32
      %ne3A_955 = arith.xori %lt3A_952, %lt3A_954 : i1
      %and3A_956 = arith.andi %ne3A_955, %ne3A_950 : i1
      %add3A_957 = arith.addi %rem3A_948, %select_n3A_947 : i32
      %select_n3A_958 = arith.select %and3A_956, %add3A_957, %rem3A_948 : i32
      %swap3A_959 = arith.constant 0 : i32
      %swap3A_960 = arith.index_cast %select_n3A_942 : i32 to index
      %swap3A_961 = arith.index_cast %swap3A_959 : i32 to index
      %swap3A_962 = arith.index_cast %select_n3A_958 : i32 to index
      %swap3A_963 = tpu.vector_load %arg20[%swap3A_960, %swap3A_961, %swap3A_962] {strides = array<i32>} : memref<2x1x2000xf32, #tpu.memory_space<vmem>>, vector<16xf32>,
      tpu.vector_store %arg20[%swap3A_960, %swap3A_961, %swap3A_962], %add3A_918 {strides = array<i32>} : memref<2x1x2000xf32, #tpu.memory_space<vmem>>, vector<16xf32>,
      %get3A_964 = arith.index_cast %add3A_386 : i32 to index
      %get3A_965 = arith.constant 48 : index
      %get3A_966 = tpu.vector_load %arg11[%get3A_964, %get3A_965] {strides = array<i32>} : memref<50x80xi32, #tpu.memory_space<vmem>>, vector<16xi32>,
      %get3A_967 = arith.index_cast %add3A_386 : i32 to index
      %get3A_968 = arith.constant 48 : index
      %get3A_969 = tpu.vector_load %arg12[%get3A_967, %get3A_968] {strides = array<i32>} : memref<50x80xi32, #tpu.memory_space<vmem>>, vector<16xi32>,
      %gather3A_970 = tpu.vector_load_idx %arg13[%get3A_966] : memref<10000xf32, #tpu.memory_space<vmem>>[vector<16xi32>], vector<16xf32>,
      %gather3A_971 = tpu.vector_load_idx %arg13[%get3A_969] : memref<10000xf32, #tpu.memory_space<vmem>>[vector<16xi32>], vector<16xf32>,
      %sub3A_972 = arith.subf %gather3A_970, %gather3A_971 : vector<16xf32>
      %gather3A_973 = tpu.vector_load_idx %arg14[%get3A_966] : memref<10000xf32, #tpu.memory_space<vmem>>[vector<16xi32>], vector<16xf32>,
      %gather3A_974 = tpu.vector_load_idx %arg14[%get3A_969] : memref<10000xf32, #tpu.memory_space<vmem>>[vector<16xi32>], vector<16xf32>,
      %sub3A_975 = arith.subf %gather3A_973, %gather3A_974 : vector<16xf32>
      %gather3A_976 = tpu.vector_load_idx %arg15[%get3A_966] : memref<10000xf32, #tpu.memory_space<vmem>>[vector<16xi32>], vector<16xf32>,
      %gather3A_977 = tpu.vector_load_idx %arg15[%get3A_969] : memref<10000xf32, #tpu.memory_space<vmem>>[vector<16xi32>], vector<16xf32>,
      %sub3A_978 = arith.subf %gather3A_976, %gather3A_977 : vector<16xf32>
      %mul3A_979 = arith.constant 80 : i32
      %mul3A_980 = arith.muli %add3A_386, %mul3A_979 : i32
      %add3A_981 = arith.constant 48 : i32
      %add3A_982 = arith.addi %mul3A_980, %add3A_981 : i32
      %mul3A_983 = arith.mulf %sub3A_972, %sub3A_972 : vector<16xf32>
      %mul3A_984 = arith.mulf %sub3A_975, %sub3A_975 : vector<16xf32>
      %add3A_985 = arith.addf %mul3A_983, %mul3A_984 : vector<16xf32>
      %mul3A_986 = arith.mulf %sub3A_978, %sub3A_978 : vector<16xf32>
      %add3A_987 = arith.addf %add3A_985, %mul3A_986 : vector<16xf32>
      %jit3A_988 = arith.constant 2000 : i32
      %div3A_989 = arith.divsi %add3A_982, %jit3A_988 : i32
      %sign3A_990 = arith.constant 0 : i32
      %sign3A_991 = arith.cmpi sgt, %add3A_982, %sign3A_990 : i32
      %sign3A_992 = arith.extui %sign3A_991 : i1 to i32
      %sign3A_993 = arith.constant 0 : i32
      %sign3A_994 = arith.cmpi slt, %add3A_982, %sign3A_993 : i32
      %sign3A_995 = arith.extui %sign3A_994 : i1 to i32
      %sign3A_996 = arith.subi %sign3A_992, %sign3A_995 : i32
      %sign3A_997 = arith.constant 0 : i32
      %sign3A_998 = arith.cmpi sgt, %jit3A_988, %sign3A_997 : i32
      %sign3A_999 = arith.extui %sign3A_998 : i1 to i32
      %sign3A_1000 = arith.constant 0 : i32
      %sign3A_1001 = arith.cmpi slt, %jit3A_988, %sign3A_1000 : i32
      %sign3A_1002 = arith.extui %sign3A_1001 : i1 to i32
      %sign3A_1003 = arith.subi %sign3A_999, %sign3A_1002 : i32
      %ne3A_1004 = arith.cmpi ne, %sign3A_996, %sign3A_1003 : i32
      %rem3A_1005 = arith.remsi %add3A_982, %jit3A_988 : i32
      %ne3A_1006 = arith.constant 0 : i32
      %ne3A_1007 = arith.cmpi ne, %rem3A_1005, %ne3A_1006 : i32
      %and3A_1008 = arith.andi %ne3A_1004, %ne3A_1007 : i1
      %sub3A_1009 = arith.constant 1 : i32
      %sub3A_1010 = arith.subi %div3A_989, %sub3A_1009 : i32
      %select_n3A_1011 = arith.select %and3A_1008, %sub3A_1010, %div3A_989 : i32
      %jit3A_1012 = arith.constant 2000 : i32
      %eq3A_1013 = arith.constant 0 : i32
      %eq3A_1014 = arith.cmpi eq, %jit3A_1012, %eq3A_1013 : i32
      %jit3A_1015 = arith.constant 1 : i32
      %select_n3A_1016 = arith.select %eq3A_1014, %jit3A_1015, %jit3A_1012 : i32
      %rem3A_1017 = arith.remsi %add3A_982, %select_n3A_1016 : i32
      %ne3A_1018 = arith.constant 0 : i32
      %ne3A_1019 = arith.cmpi ne, %rem3A_1017, %ne3A_1018 : i32
      %lt3A_1020 = arith.constant 0 : i32
      %lt3A_1021 = arith.cmpi slt, %rem3A_1017, %lt3A_1020 : i32
      %lt3A_1022 = arith.constant 0 : i32
      %lt3A_1023 = arith.cmpi slt, %select_n3A_1016, %lt3A_1022 : i32
      %ne3A_1024 = arith.xori %lt3A_1021, %lt3A_1023 : i1
      %and3A_1025 = arith.andi %ne3A_1024, %ne3A_1019 : i1
      %add3A_1026 = arith.addi %rem3A_1017, %select_n3A_1016 : i32
      %select_n3A_1027 = arith.select %and3A_1025, %add3A_1026, %rem3A_1017 : i32
      %swap3A_1028 = arith.constant 0 : i32
      %swap3A_1029 = arith.index_cast %select_n3A_1011 : i32 to index
      %swap3A_1030 = arith.index_cast %swap3A_1028 : i32 to index
      %swap3A_1031 = arith.index_cast %select_n3A_1027 : i32 to index
      %swap3A_1032 = tpu.vector_load %arg20[%swap3A_1029, %swap3A_1030, %swap3A_1031] {strides = array<i32>} : memref<2x1x2000xf32, #tpu.memory_space<vmem>>, vector<16xf32>,
      tpu.vector_store %arg20[%swap3A_1029, %swap3A_1030, %swap3A_1031], %add3A_987 {strides = array<i32>} : memref<2x1x2000xf32, #tpu.memory_space<vmem>>, vector<16xf32>,
      %get3A_1033 = arith.index_cast %add3A_386 : i32 to index
      %get3A_1034 = arith.constant 64 : index
      %get3A_1035 = tpu.vector_load %arg11[%get3A_1033, %get3A_1034] {strides = array<i32>} : memref<50x80xi32, #tpu.memory_space<vmem>>, vector<16xi32>,
      %get3A_1036 = arith.index_cast %add3A_386 : i32 to index
      %get3A_1037 = arith.constant 64 : index
      %get3A_1038 = tpu.vector_load %arg12[%get3A_1036, %get3A_1037] {strides = array<i32>} : memref<50x80xi32, #tpu.memory_space<vmem>>, vector<16xi32>,
      %gather3A_1039 = tpu.vector_load_idx %arg13[%get3A_1035] : memref<10000xf32, #tpu.memory_space<vmem>>[vector<16xi32>], vector<16xf32>,
      %gather3A_1040 = tpu.vector_load_idx %arg13[%get3A_1038] : memref<10000xf32, #tpu.memory_space<vmem>>[vector<16xi32>], vector<16xf32>,
      %sub3A_1041 = arith.subf %gather3A_1039, %gather3A_1040 : vector<16xf32>
      %gather3A_1042 = tpu.vector_load_idx %arg14[%get3A_1035] : memref<10000xf32, #tpu.memory_space<vmem>>[vector<16xi32>], vector<16xf32>,
      %gather3A_1043 = tpu.vector_load_idx %arg14[%get3A_1038] : memref<10000xf32, #tpu.memory_space<vmem>>[vector<16xi32>], vector<16xf32>,
      %sub3A_1044 = arith.subf %gather3A_1042, %gather3A_1043 : vector<16xf32>
      %gather3A_1045 = tpu.vector_load_idx %arg15[%get3A_1035] : memref<10000xf32, #tpu.memory_space<vmem>>[vector<16xi32>], vector<16xf32>,
      %gather3A_1046 = tpu.vector_load_idx %arg15[%get3A_1038] : memref<10000xf32, #tpu.memory_space<vmem>>[vector<16xi32>], vector<16xf32>,
      %sub3A_1047 = arith.subf %gather3A_1045, %gather3A_1046 : vector<16xf32>
      %mul3A_1048 = arith.constant 80 : i32
      %mul3A_1049 = arith.muli %add3A_386, %mul3A_1048 : i32
      %add3A_1050 = arith.constant 64 : i32
      %add3A_1051 = arith.addi %mul3A_1049, %add3A_1050 : i32
      %mul3A_1052 = arith.mulf %sub3A_1041, %sub3A_1041 : vector<16xf32>
      %mul3A_1053 = arith.mulf %sub3A_1044, %sub3A_1044 : vector<16xf32>
      %add3A_1054 = arith.addf %mul3A_1052, %mul3A_1053 : vector<16xf32>
      %mul3A_1055 = arith.mulf %sub3A_1047, %sub3A_1047 : vector<16xf32>
      %add3A_1056 = arith.addf %add3A_1054, %mul3A_1055 : vector<16xf32>
      %jit3A_1057 = arith.constant 2000 : i32
      %div3A_1058 = arith.divsi %add3A_1051, %jit3A_1057 : i32
      %sign3A_1059 = arith.constant 0 : i32
      %sign3A_1060 = arith.cmpi sgt, %add3A_1051, %sign3A_1059 : i32
      %sign3A_1061 = arith.extui %sign3A_1060 : i1 to i32
      %sign3A_1062 = arith.constant 0 : i32
      %sign3A_1063 = arith.cmpi slt, %add3A_1051, %sign3A_1062 : i32
      %sign3A_1064 = arith.extui %sign3A_1063 : i1 to i32
      %sign3A_1065 = arith.subi %sign3A_1061, %sign3A_1064 : i32
      %sign3A_1066 = arith.constant 0 : i32
      %sign3A_1067 = arith.cmpi sgt, %jit3A_1057, %sign3A_1066 : i32
      %sign3A_1068 = arith.extui %sign3A_1067 : i1 to i32
      %sign3A_1069 = arith.constant 0 : i32
      %sign3A_1070 = arith.cmpi slt, %jit3A_1057, %sign3A_1069 : i32
      %sign3A_1071 = arith.extui %sign3A_1070 : i1 to i32
      %sign3A_1072 = arith.subi %sign3A_1068, %sign3A_1071 : i32
      %ne3A_1073 = arith.cmpi ne, %sign3A_1065, %sign3A_1072 : i32
      %rem3A_1074 = arith.remsi %add3A_1051, %jit3A_1057 : i32
      %ne3A_1075 = arith.constant 0 : i32
      %ne3A_1076 = arith.cmpi ne, %rem3A_1074, %ne3A_1075 : i32
      %and3A_1077 = arith.andi %ne3A_1073, %ne3A_1076 : i1
      %sub3A_1078 = arith.constant 1 : i32
      %sub3A_1079 = arith.subi %div3A_1058, %sub3A_1078 : i32
      %select_n3A_1080 = arith.select %and3A_1077, %sub3A_1079, %div3A_1058 : i32
      %jit3A_1081 = arith.constant 2000 : i32
      %eq3A_1082 = arith.constant 0 : i32
      %eq3A_1083 = arith.cmpi eq, %jit3A_1081, %eq3A_1082 : i32
      %jit3A_1084 = arith.constant 1 : i32
      %select_n3A_1085 = arith.select %eq3A_1083, %jit3A_1084, %jit3A_1081 : i32
      %rem3A_1086 = arith.remsi %add3A_1051, %select_n3A_1085 : i32
      %ne3A_1087 = arith.constant 0 : i32
      %ne3A_1088 = arith.cmpi ne, %rem3A_1086, %ne3A_1087 : i32
      %lt3A_1089 = arith.constant 0 : i32
      %lt3A_1090 = arith.cmpi slt, %rem3A_1086, %lt3A_1089 : i32
      %lt3A_1091 = arith.constant 0 : i32
      %lt3A_1092 = arith.cmpi slt, %select_n3A_1085, %lt3A_1091 : i32
      %ne3A_1093 = arith.xori %lt3A_1090, %lt3A_1092 : i1
      %and3A_1094 = arith.andi %ne3A_1093, %ne3A_1088 : i1
      %add3A_1095 = arith.addi %rem3A_1086, %select_n3A_1085 : i32
      %select_n3A_1096 = arith.select %and3A_1094, %add3A_1095, %rem3A_1086 : i32
      %swap3A_1097 = arith.constant 0 : i32
      %swap3A_1098 = arith.index_cast %select_n3A_1080 : i32 to index
      %swap3A_1099 = arith.index_cast %swap3A_1097 : i32 to index
      %swap3A_1100 = arith.index_cast %select_n3A_1096 : i32 to index
      %swap3A_1101 = tpu.vector_load %arg20[%swap3A_1098, %swap3A_1099, %swap3A_1100] {strides = array<i32>} : memref<2x1x2000xf32, #tpu.memory_space<vmem>>, vector<16xf32>,
      tpu.vector_store %arg20[%swap3A_1098, %swap3A_1099, %swap3A_1100], %add3A_1056 {strides = array<i32>} : memref<2x1x2000xf32, #tpu.memory_space<vmem>>, vector<16xf32>,
      %dma_wait3A_1102 = arith.constant 0 : i32
      %dma_wait3A_1103 = tpu.memref_slice %arg12[%add3A_386, %dma_wait3A_1102] : memref<50x80xi32, #tpu.memory_space<vmem>> -> memref<1x80xi32, #tpu.memory_space<vmem>>
      %dma_wait3A_1104 = tpu.memref_squeeze %dma_wait3A_1103 : memref<1x80xi32, #tpu.memory_space<vmem>> -> memref<80xi32, #tpu.memory_space<vmem>>
      %dma_wait3A_1105 = arith.constant 0 : i32
      %dma_wait3A_1106 = arith.constant 0 : i32
      %dma_wait3A_1107 = tpu.memref_slice %arg2[%dma_wait3A_1105, %dma_wait3A_1106] : memref<10000x128xf32, #tpu.memory_space<hbm>> -> memref<10000x128xf32, #tpu.memory_space<hbm>>
      tpu.wait_indirect_dma semaphore(%arg23 : memref<!tpu.dma_semaphore, #tpu.memory_space<semaphore_mem>>) src(%dma_wait3A_1107 : memref<10000x128xf32, #tpu.memory_space<hbm>>) dst(%arg18 : memref<80x128xf32, #tpu.memory_space<vmem>>)
      %dma_wait3A_1108 = arith.constant 0 : i32
      %dma_wait3A_1109 = tpu.memref_slice %arg11[%add3A_386, %dma_wait3A_1108] : memref<50x80xi32, #tpu.memory_space<vmem>> -> memref<1x80xi32, #tpu.memory_space<vmem>>
      %dma_wait3A_1110 = tpu.memref_squeeze %dma_wait3A_1109 : memref<1x80xi32, #tpu.memory_space<vmem>> -> memref<80xi32, #tpu.memory_space<vmem>>
      %dma_wait3A_1111 = arith.constant 0 : i32
      %dma_wait3A_1112 = arith.constant 0 : i32
      %dma_wait3A_1113 = tpu.memref_slice %arg3[%dma_wait3A_1111, %dma_wait3A_1112] : memref<10000x128xf32, #tpu.memory_space<hbm>> -> memref<10000x128xf32, #tpu.memory_space<hbm>>
      tpu.wait_indirect_dma semaphore(%arg24 : memref<!tpu.dma_semaphore, #tpu.memory_space<semaphore_mem>>) src(%dma_wait3A_1113 : memref<10000x128xf32, #tpu.memory_space<hbm>>) dst(%arg19 : memref<80x128xf32, #tpu.memory_space<vmem>>)
      %scan3A_1114 = arith.constant 0 : i32
      %scan3A_1115 = arith.constant 0 : i32
      %scan3A_1116 = arith.constant 80 : i32
      %scan3A_1117 = arith.addi %scan3A_1115, %scan3A_1116 : i32
      %scan3A_1118 = arith.constant 1 : i32
      scf.for %scan3A_1171 = %scan3A_1115 to %scan3A_1117 step %scan3A_1118  : i32 {
        %get3A_1172 = arith.index_cast %scan3A_1171 : i32 to index
        %get3A_1173 = arith.constant 0 : index
        %get3A_1174 = tpu.vector_load %arg18[%get3A_1172, %get3A_1173] {strides = array<i32>} : memref<80x128xf32, #tpu.memory_space<vmem>>, vector<16xf32>,
        %get3A_1175 = arith.index_cast %scan3A_1171 : i32 to index
        %get3A_1176 = arith.constant 0 : index
        %get3A_1177 = tpu.vector_load %arg19[%get3A_1175, %get3A_1176] {strides = array<i32>} : memref<80x128xf32, #tpu.memory_space<vmem>>, vector<16xf32>,
        %add3A_1178 = arith.addf %get3A_1174, %get3A_1177 : vector<16xf32>
        %swap3A_1179 = arith.index_cast %scan3A_1171 : i32 to index
        %swap3A_1180 = arith.constant 0 : index
        %swap3A_1181 = tpu.vector_load %arg18[%swap3A_1179, %swap3A_1180] {strides = array<i32>} : memref<80x128xf32, #tpu.memory_space<vmem>>, vector<16xf32>,
        tpu.vector_store %arg18[%swap3A_1179, %swap3A_1180], %add3A_1178 {strides = array<i32>} : memref<80x128xf32, #tpu.memory_space<vmem>>, vector<16xf32>,
        %get3A_1182 = arith.index_cast %scan3A_1171 : i32 to index
        %get3A_1183 = arith.constant 16 : index
        %get3A_1184 = tpu.vector_load %arg18[%get3A_1182, %get3A_1183] {strides = array<i32>} : memref<80x128xf32, #tpu.memory_space<vmem>>, vector<16xf32>,
        %get3A_1185 = arith.index_cast %scan3A_1171 : i32 to index
        %get3A_1186 = arith.constant 16 : index
        %get3A_1187 = tpu.vector_load %arg19[%get3A_1185, %get3A_1186] {strides = array<i32>} : memref<80x128xf32, #tpu.memory_space<vmem>>, vector<16xf32>,
        %add3A_1188 = arith.addf %get3A_1184, %get3A_1187 : vector<16xf32>
        %swap3A_1189 = arith.index_cast %scan3A_1171 : i32 to index
        %swap3A_1190 = arith.constant 16 : index
        %swap3A_1191 = tpu.vector_load %arg18[%swap3A_1189, %swap3A_1190] {strides = array<i32>} : memref<80x128xf32, #tpu.memory_space<vmem>>, vector<16xf32>,
        tpu.vector_store %arg18[%swap3A_1189, %swap3A_1190], %add3A_1188 {strides = array<i32>} : memref<80x128xf32, #tpu.memory_space<vmem>>, vector<16xf32>,
        %get3A_1192 = arith.index_cast %scan3A_1171 : i32 to index
        %get3A_1193 = arith.constant 32 : index
        %get3A_1194 = tpu.vector_load %arg18[%get3A_1192, %get3A_1193] {strides = array<i32>} : memref<80x128xf32, #tpu.memory_space<vmem>>, vector<16xf32>,
        %get3A_1195 = arith.index_cast %scan3A_1171 : i32 to index
        %get3A_1196 = arith.constant 32 : index
        %get3A_1197 = tpu.vector_load %arg19[%get3A_1195, %get3A_1196] {strides = array<i32>} : memref<80x128xf32, #tpu.memory_space<vmem>>, vector<16xf32>,
        %add3A_1198 = arith.addf %get3A_1194, %get3A_1197 : vector<16xf32>
        %swap3A_1199 = arith.index_cast %scan3A_1171 : i32 to index
        %swap3A_1200 = arith.constant 32 : index
        %swap3A_1201 = tpu.vector_load %arg18[%swap3A_1199, %swap3A_1200] {strides = array<i32>} : memref<80x128xf32, #tpu.memory_space<vmem>>, vector<16xf32>,
        tpu.vector_store %arg18[%swap3A_1199, %swap3A_1200], %add3A_1198 {strides = array<i32>} : memref<80x128xf32, #tpu.memory_space<vmem>>, vector<16xf32>,
        %get3A_1202 = arith.index_cast %scan3A_1171 : i32 to index
        %get3A_1203 = arith.constant 48 : index
        %get3A_1204 = tpu.vector_load %arg18[%get3A_1202, %get3A_1203] {strides = array<i32>} : memref<80x128xf32, #tpu.memory_space<vmem>>, vector<16xf32>,
        %get3A_1205 = arith.index_cast %scan3A_1171 : i32 to index
        %get3A_1206 = arith.constant 48 : index
        %get3A_1207 = tpu.vector_load %arg19[%get3A_1205, %get3A_1206] {strides = array<i32>} : memref<80x128xf32, #tpu.memory_space<vmem>>, vector<16xf32>,
        %add3A_1208 = arith.addf %get3A_1204, %get3A_1207 : vector<16xf32>
        %swap3A_1209 = arith.index_cast %scan3A_1171 : i32 to index
        %swap3A_1210 = arith.constant 48 : index
        %swap3A_1211 = tpu.vector_load %arg18[%swap3A_1209, %swap3A_1210] {strides = array<i32>} : memref<80x128xf32, #tpu.memory_space<vmem>>, vector<16xf32>,
        tpu.vector_store %arg18[%swap3A_1209, %swap3A_1210], %add3A_1208 {strides = array<i32>} : memref<80x128xf32, #tpu.memory_space<vmem>>, vector<16xf32>,
        %get3A_1212 = arith.index_cast %scan3A_1171 : i32 to index
        %get3A_1213 = arith.constant 64 : index
        %get3A_1214 = tpu.vector_load %arg18[%get3A_1212, %get3A_1213] {strides = array<i32>} : memref<80x128xf32, #tpu.memory_space<vmem>>, vector<16xf32>,
        %get3A_1215 = arith.index_cast %scan3A_1171 : i32 to index
        %get3A_1216 = arith.constant 64 : index
        %get3A_1217 = tpu.vector_load %arg19[%get3A_1215, %get3A_1216] {strides = array<i32>} : memref<80x128xf32, #tpu.memory_space<vmem>>, vector<16xf32>,
        %add3A_1218 = arith.addf %get3A_1214, %get3A_1217 : vector<16xf32>
        %swap3A_1219 = arith.index_cast %scan3A_1171 : i32 to index
        %swap3A_1220 = arith.constant 64 : index
        %swap3A_1221 = tpu.vector_load %arg18[%swap3A_1219, %swap3A_1220] {strides = array<i32>} : memref<80x128xf32, #tpu.memory_space<vmem>>, vector<16xf32>,
        tpu.vector_store %arg18[%swap3A_1219, %swap3A_1220], %add3A_1218 {strides = array<i32>} : memref<80x128xf32, #tpu.memory_space<vmem>>, vector<16xf32>,
        %get3A_1222 = arith.index_cast %scan3A_1171 : i32 to index
        %get3A_1223 = arith.constant 80 : index
        %get3A_1224 = tpu.vector_load %arg18[%get3A_1222, %get3A_1223] {strides = array<i32>} : memref<80x128xf32, #tpu.memory_space<vmem>>, vector<16xf32>,
        %get3A_1225 = arith.index_cast %scan3A_1171 : i32 to index
        %get3A_1226 = arith.constant 80 : index
        %get3A_1227 = tpu.vector_load %arg19[%get3A_1225, %get3A_1226] {strides = array<i32>} : memref<80x128xf32, #tpu.memory_space<vmem>>, vector<16xf32>,
        %add3A_1228 = arith.addf %get3A_1224, %get3A_1227 : vector<16xf32>
        %swap3A_1229 = arith.index_cast %scan3A_1171 : i32 to index
        %swap3A_1230 = arith.constant 80 : index
        %swap3A_1231 = tpu.vector_load %arg18[%swap3A_1229, %swap3A_1230] {strides = array<i32>} : memref<80x128xf32, #tpu.memory_space<vmem>>, vector<16xf32>,
        tpu.vector_store %arg18[%swap3A_1229, %swap3A_1230], %add3A_1228 {strides = array<i32>} : memref<80x128xf32, #tpu.memory_space<vmem>>, vector<16xf32>,
        %get3A_1232 = arith.index_cast %scan3A_1171 : i32 to index
        %get3A_1233 = arith.constant 96 : index
        %get3A_1234 = tpu.vector_load %arg18[%get3A_1232, %get3A_1233] {strides = array<i32>} : memref<80x128xf32, #tpu.memory_space<vmem>>, vector<16xf32>,
        %get3A_1235 = arith.index_cast %scan3A_1171 : i32 to index
        %get3A_1236 = arith.constant 96 : index
        %get3A_1237 = tpu.vector_load %arg19[%get3A_1235, %get3A_1236] {strides = array<i32>} : memref<80x128xf32, #tpu.memory_space<vmem>>, vector<16xf32>,
        %add3A_1238 = arith.addf %get3A_1234, %get3A_1237 : vector<16xf32>
        %swap3A_1239 = arith.index_cast %scan3A_1171 : i32 to index
        %swap3A_1240 = arith.constant 96 : index
        %swap3A_1241 = tpu.vector_load %arg18[%swap3A_1239, %swap3A_1240] {strides = array<i32>} : memref<80x128xf32, #tpu.memory_space<vmem>>, vector<16xf32>,
        tpu.vector_store %arg18[%swap3A_1239, %swap3A_1240], %add3A_1238 {strides = array<i32>} : memref<80x128xf32, #tpu.memory_space<vmem>>, vector<16xf32>,
        %get3A_1242 = arith.index_cast %scan3A_1171 : i32 to index
        %get3A_1243 = arith.constant 112 : index
        %get3A_1244 = tpu.vector_load %arg18[%get3A_1242, %get3A_1243] {strides = array<i32>} : memref<80x128xf32, #tpu.memory_space<vmem>>, vector<16xf32>,
        %get3A_1245 = arith.index_cast %scan3A_1171 : i32 to index
        %get3A_1246 = arith.constant 112 : index
        %get3A_1247 = tpu.vector_load %arg19[%get3A_1245, %get3A_1246] {strides = array<i32>} : memref<80x128xf32, #tpu.memory_space<vmem>>, vector<16xf32>,
        %add3A_1248 = arith.addf %get3A_1244, %get3A_1247 : vector<16xf32>
        %swap3A_1249 = arith.index_cast %scan3A_1171 : i32 to index
        %swap3A_1250 = arith.constant 112 : index
        %swap3A_1251 = tpu.vector_load %arg18[%swap3A_1249, %swap3A_1250] {strides = array<i32>} : memref<80x128xf32, #tpu.memory_space<vmem>>, vector<16xf32>,
        tpu.vector_store %arg18[%swap3A_1249, %swap3A_1250], %add3A_1248 {strides = array<i32>} : memref<80x128xf32, #tpu.memory_space<vmem>>, vector<16xf32>,
      }
      %scan3A_1119 = arith.constant 80 : i32
      %mul3A_1120 = arith.constant 4000 : i32
      %mul3A_1121 = arith.muli %add3A, %mul3A_1120 : i32
      %mul3A_1122 = arith.constant 80 : i32
      %mul3A_1123 = arith.muli %add3A_386, %mul3A_1122 : i32
      %add3A_1124 = arith.addi %mul3A_1121, %mul3A_1123 : i32
      %dma_start3A_1125 = arith.constant 0 : i32
      %dma_start3A_1126 = tpu.memref_slice %arg9[%add3A_1124, %dma_start3A_1125] : memref<128000x128xf32, #tpu.memory_space<hbm>> -> memref<80x128xf32, #tpu.memory_space<hbm>>
      %dma_start3A_1127 = arith.constant 0 : i32
      %dma_start3A_1128 = tpu.memref_slice %arg9[%add3A_1124, %dma_start3A_1127] : memref<128000x128xf32, #tpu.memory_space<hbm>> -> memref<80x128xf32, #tpu.memory_space<hbm>>
      tpu.enqueue_dma source(%arg18 : memref<80x128xf32, #tpu.memory_space<vmem>>) target(%dma_start3A_1128 : memref<80x128xf32, #tpu.memory_space<hbm>>) target_semaphore(%arg27 : memref<!tpu.dma_semaphore, #tpu.memory_space<semaphore_mem>>)
      %mul3A_1129 = arith.constant 4000 : i32
      %mul3A_1130 = arith.muli %add3A, %mul3A_1129 : i32
      %mul3A_1131 = arith.constant 80 : i32
      %mul3A_1132 = arith.muli %mul3A_384, %mul3A_1131 : i32
      %add3A_1133 = arith.addi %mul3A_1130, %mul3A_1132 : i32
      %dma_wait3A_1134 = arith.constant 0 : i32
      %dma_wait3A_1135 = tpu.memref_slice %arg9[%add3A_1133, %dma_wait3A_1134] : memref<128000x128xf32, #tpu.memory_space<hbm>> -> memref<80x128xf32, #tpu.memory_space<hbm>>
      %dma_wait3A_1136 = arith.constant 0 : i32
      %dma_wait3A_1137 = tpu.memref_slice %arg9[%add3A_1133, %dma_wait3A_1136] : memref<128000x128xf32, #tpu.memory_space<hbm>> -> memref<80x128xf32, #tpu.memory_space<hbm>>
      tpu.wait_dma2 semaphore(%arg25 : memref<!tpu.dma_semaphore, #tpu.memory_space<semaphore_mem>>) src(%arg16 : memref<80x128xf32, #tpu.memory_space<vmem>>) dst(%dma_wait3A_1137 : memref<80x128xf32, #tpu.memory_space<hbm>>)
      %dma_start3A_1138 = arith.constant 0 : i32
      %dma_start3A_1139 = tpu.memref_slice %arg12[%min3A_389, %dma_start3A_1138] : memref<50x80xi32, #tpu.memory_space<vmem>> -> memref<1x80xi32, #tpu.memory_space<vmem>>
      %dma_start3A_1140 = tpu.memref_squeeze %dma_start3A_1139 : memref<1x80xi32, #tpu.memory_space<vmem>> -> memref<80xi32, #tpu.memory_space<vmem>>
      %dma_start3A_1141 = arith.constant 0 : i32
      %dma_start3A_1142 = arith.constant 0 : i32
      %dma_start3A_1143 = tpu.memref_slice %arg2[%dma_start3A_1141, %dma_start3A_1142] : memref<10000x128xf32, #tpu.memory_space<hbm>> -> memref<10000x128xf32, #tpu.memory_space<hbm>>
      tpu.enqueue_indirect_dma source(%dma_start3A_1143 : memref<10000x128xf32, #tpu.memory_space<hbm>>) target(%arg16 : memref<80x128xf32, #tpu.memory_space<vmem>>) offsets(%dma_start3A_1140 : memref<80xi32, #tpu.memory_space<vmem>>) semaphore(%arg21 : memref<!tpu.dma_semaphore, #tpu.memory_space<semaphore_mem>>)
      %dma_start3A_1144 = arith.constant 0 : i32
      %dma_start3A_1145 = tpu.memref_slice %arg11[%min3A_389, %dma_start3A_1144] : memref<50x80xi32, #tpu.memory_space<vmem>> -> memref<1x80xi32, #tpu.memory_space<vmem>>
      %dma_start3A_1146 = tpu.memref_squeeze %dma_start3A_1145 : memref<1x80xi32, #tpu.memory_space<vmem>> -> memref<80xi32, #tpu.memory_space<vmem>>
      %dma_start3A_1147 = arith.constant 0 : i32
      %dma_start3A_1148 = arith.constant 0 : i32
      %dma_start3A_1149 = tpu.memref_slice %arg3[%dma_start3A_1147, %dma_start3A_1148] : memref<10000x128xf32, #tpu.memory_space<hbm>> -> memref<10000x128xf32, #tpu.memory_space<hbm>>
      tpu.enqueue_indirect_dma source(%dma_start3A_1149 : memref<10000x128xf32, #tpu.memory_space<hbm>>) target(%arg17 : memref<80x128xf32, #tpu.memory_space<vmem>>) offsets(%dma_start3A_1146 : memref<80xi32, #tpu.memory_space<vmem>>) semaphore(%arg22 : memref<!tpu.dma_semaphore, #tpu.memory_space<semaphore_mem>>)
      %mul3A_1150 = arith.constant 4000 : i32
      %mul3A_1151 = arith.muli %add3A, %mul3A_1150 : i32
      %mul3A_1152 = arith.constant 80 : i32
      %mul3A_1153 = arith.muli %add3A_386, %mul3A_1152 : i32
      %add3A_1154 = arith.addi %mul3A_1151, %mul3A_1153 : i32
      %dma_wait3A_1155 = arith.constant 0 : i32
      %dma_wait3A_1156 = tpu.memref_slice %arg9[%add3A_1154, %dma_wait3A_1155] : memref<128000x128xf32, #tpu.memory_space<hbm>> -> memref<80x128xf32, #tpu.memory_space<hbm>>
      %dma_wait3A_1157 = arith.constant 0 : i32
      %dma_wait3A_1158 = tpu.memref_slice %arg9[%add3A_1154, %dma_wait3A_1157] : memref<128000x128xf32, #tpu.memory_space<hbm>> -> memref<80x128xf32, #tpu.memory_space<hbm>>
      tpu.wait_dma2 semaphore(%arg27 : memref<!tpu.dma_semaphore, #tpu.memory_space<semaphore_mem>>) src(%arg18 : memref<80x128xf32, #tpu.memory_space<vmem>>) dst(%dma_wait3A_1158 : memref<80x128xf32, #tpu.memory_space<hbm>>)
      %dma_start3A_1159 = arith.constant 0 : i32
      %dma_start3A_1160 = tpu.memref_slice %arg12[%min3A_393, %dma_start3A_1159] : memref<50x80xi32, #tpu.memory_space<vmem>> -> memref<1x80xi32, #tpu.memory_space<vmem>>
      %dma_start3A_1161 = tpu.memref_squeeze %dma_start3A_1160 : memref<1x80xi32, #tpu.memory_space<vmem>> -> memref<80xi32, #tpu.memory_space<vmem>>
      %dma_start3A_1162 = arith.constant 0 : i32
      %dma_start3A_1163 = arith.constant 0 : i32
      %dma_start3A_1164 = tpu.memref_slice %arg2[%dma_start3A_1162, %dma_start3A_1163] : memref<10000x128xf32, #tpu.memory_space<hbm>> -> memref<10000x128xf32, #tpu.memory_space<hbm>>
      tpu.enqueue_indirect_dma source(%dma_start3A_1164 : memref<10000x128xf32, #tpu.memory_space<hbm>>) target(%arg18 : memref<80x128xf32, #tpu.memory_space<vmem>>) offsets(%dma_start3A_1161 : memref<80xi32, #tpu.memory_space<vmem>>) semaphore(%arg23 : memref<!tpu.dma_semaphore, #tpu.memory_space<semaphore_mem>>)
      %dma_start3A_1165 = arith.constant 0 : i32
      %dma_start3A_1166 = tpu.memref_slice %arg11[%min3A_393, %dma_start3A_1165] : memref<50x80xi32, #tpu.memory_space<vmem>> -> memref<1x80xi32, #tpu.memory_space<vmem>>
      %dma_start3A_1167 = tpu.memref_squeeze %dma_start3A_1166 : memref<1x80xi32, #tpu.memory_space<vmem>> -> memref<80xi32, #tpu.memory_space<vmem>>
      %dma_start3A_1168 = arith.constant 0 : i32
      %dma_start3A_1169 = arith.constant 0 : i32
      %dma_start3A_1170 = tpu.memref_slice %arg3[%dma_start3A_1168, %dma_start3A_1169] : memref<10000x128xf32, #tpu.memory_space<hbm>> -> memref<10000x128xf32, #tpu.memory_space<hbm>>
      tpu.enqueue_indirect_dma source(%dma_start3A_1170 : memref<10000x128xf32, #tpu.memory_space<hbm>>) target(%arg19 : memref<80x128xf32, #tpu.memory_space<vmem>>) offsets(%dma_start3A_1167 : memref<80xi32, #tpu.memory_space<vmem>>) semaphore(%arg24 : memref<!tpu.dma_semaphore, #tpu.memory_space<semaphore_mem>>)
    }
    %scan3A_32 = arith.constant 24 : i32
    %get3A = arith.constant 48 : i32
    %get3A_33 = arith.index_cast %get3A : i32 to index
    %get3A_34 = arith.constant 0 : index
    %get3A_35 = tpu.vector_load %arg11[%get3A_33, %get3A_34] {strides = array<i32>} : memref<50x80xi32, #tpu.memory_space<vmem>>, vector<16xi32>,
    %get3A_36 = arith.constant 48 : i32
    %get3A_37 = arith.index_cast %get3A_36 : i32 to index
    %get3A_38 = arith.constant 0 : index
    %get3A_39 = tpu.vector_load %arg12[%get3A_37, %get3A_38] {strides = array<i32>} : memref<50x80xi32, #tpu.memory_space<vmem>>, vector<16xi32>,
    %gather3A = tpu.vector_load_idx %arg13[%get3A_35] : memref<10000xf32, #tpu.memory_space<vmem>>[vector<16xi32>], vector<16xf32>,
    %gather3A_40 = tpu.vector_load_idx %arg13[%get3A_39] : memref<10000xf32, #tpu.memory_space<vmem>>[vector<16xi32>], vector<16xf32>,
    %sub3A = arith.subf %gather3A, %gather3A_40 : vector<16xf32>
    %gather3A_41 = tpu.vector_load_idx %arg14[%get3A_35] : memref<10000xf32, #tpu.memory_space<vmem>>[vector<16xi32>], vector<16xf32>,
    %gather3A_42 = tpu.vector_load_idx %arg14[%get3A_39] : memref<10000xf32, #tpu.memory_space<vmem>>[vector<16xi32>], vector<16xf32>,
    %sub3A_43 = arith.subf %gather3A_41, %gather3A_42 : vector<16xf32>
    %gather3A_44 = tpu.vector_load_idx %arg15[%get3A_35] : memref<10000xf32, #tpu.memory_space<vmem>>[vector<16xi32>], vector<16xf32>,
    %gather3A_45 = tpu.vector_load_idx %arg15[%get3A_39] : memref<10000xf32, #tpu.memory_space<vmem>>[vector<16xi32>], vector<16xf32>,
    %sub3A_46 = arith.subf %gather3A_44, %gather3A_45 : vector<16xf32>
    %mul3A_47 = arith.mulf %sub3A, %sub3A : vector<16xf32>
    %mul3A_48 = arith.mulf %sub3A_43, %sub3A_43 : vector<16xf32>
    %add3A_49 = arith.addf %mul3A_47, %mul3A_48 : vector<16xf32>
    %mul3A_50 = arith.mulf %sub3A_46, %sub3A_46 : vector<16xf32>
    %add3A_51 = arith.addf %add3A_49, %mul3A_50 : vector<16xf32>
    %swap3A = arith.constant 1 : i32
    %swap3A_52 = arith.constant 0 : i32
    %swap3A_53 = arith.index_cast %swap3A : i32 to index
    %swap3A_54 = arith.index_cast %swap3A_52 : i32 to index
    %swap3A_55 = arith.constant 1840 : index
    %swap3A_56 = tpu.vector_load %arg20[%swap3A_53, %swap3A_54, %swap3A_55] {strides = array<i32>} : memref<2x1x2000xf32, #tpu.memory_space<vmem>>, vector<16xf32>,
    tpu.vector_store %arg20[%swap3A_53, %swap3A_54, %swap3A_55], %add3A_51 {strides = array<i32>} : memref<2x1x2000xf32, #tpu.memory_space<vmem>>, vector<16xf32>,
    %get3A_57 = arith.constant 48 : i32
    %get3A_58 = arith.index_cast %get3A_57 : i32 to index
    %get3A_59 = arith.constant 16 : index
    %get3A_60 = tpu.vector_load %arg11[%get3A_58, %get3A_59] {strides = array<i32>} : memref<50x80xi32, #tpu.memory_space<vmem>>, vector<16xi32>,
    %get3A_61 = arith.constant 48 : i32
    %get3A_62 = arith.index_cast %get3A_61 : i32 to index
    %get3A_63 = arith.constant 16 : index
    %get3A_64 = tpu.vector_load %arg12[%get3A_62, %get3A_63] {strides = array<i32>} : memref<50x80xi32, #tpu.memory_space<vmem>>, vector<16xi32>,
    %gather3A_65 = tpu.vector_load_idx %arg13[%get3A_60] : memref<10000xf32, #tpu.memory_space<vmem>>[vector<16xi32>], vector<16xf32>,
    %gather3A_66 = tpu.vector_load_idx %arg13[%get3A_64] : memref<10000xf32, #tpu.memory_space<vmem>>[vector<16xi32>], vector<16xf32>,
    %sub3A_67 = arith.subf %gather3A_65, %gather3A_66 : vector<16xf32>
    %gather3A_68 = tpu.vector_load_idx %arg14[%get3A_60] : memref<10000xf32, #tpu.memory_space<vmem>>[vector<16xi32>], vector<16xf32>,
    %gather3A_69 = tpu.vector_load_idx %arg14[%get3A_64] : memref<10000xf32, #tpu.memory_space<vmem>>[vector<16xi32>], vector<16xf32>,
    %sub3A_70 = arith.subf %gather3A_68, %gather3A_69 : vector<16xf32>
    %gather3A_71 = tpu.vector_load_idx %arg15[%get3A_60] : memref<10000xf32, #tpu.memory_space<vmem>>[vector<16xi32>], vector<16xf32>,
    %gather3A_72 = tpu.vector_load_idx %arg15[%get3A_64] : memref<10000xf32, #tpu.memory_space<vmem>>[vector<16xi32>], vector<16xf32>,
    %sub3A_73 = arith.subf %gather3A_71, %gather3A_72 : vector<16xf32>
    %mul3A_74 = arith.mulf %sub3A_67, %sub3A_67 : vector<16xf32>
    %mul3A_75 = arith.mulf %sub3A_70, %sub3A_70 : vector<16xf32>
    %add3A_76 = arith.addf %mul3A_74, %mul3A_75 : vector<16xf32>
    %mul3A_77 = arith.mulf %sub3A_73, %sub3A_73 : vector<16xf32>
    %add3A_78 = arith.addf %add3A_76, %mul3A_77 : vector<16xf32>
    %swap3A_79 = arith.constant 1 : i32
    %swap3A_80 = arith.constant 0 : i32
    %swap3A_81 = arith.index_cast %swap3A_79 : i32 to index
    %swap3A_82 = arith.index_cast %swap3A_80 : i32 to index
    %swap3A_83 = arith.constant 1856 : index
    %swap3A_84 = tpu.vector_load %arg20[%swap3A_81, %swap3A_82, %swap3A_83] {strides = array<i32>} : memref<2x1x2000xf32, #tpu.memory_space<vmem>>, vector<16xf32>,
    tpu.vector_store %arg20[%swap3A_81, %swap3A_82, %swap3A_83], %add3A_78 {strides = array<i32>} : memref<2x1x2000xf32, #tpu.memory_space<vmem>>, vector<16xf32>,
    %get3A_85 = arith.constant 48 : i32
    %get3A_86 = arith.index_cast %get3A_85 : i32 to index
    %get3A_87 = arith.constant 32 : index
    %get3A_88 = tpu.vector_load %arg11[%get3A_86, %get3A_87] {strides = array<i32>} : memref<50x80xi32, #tpu.memory_space<vmem>>, vector<16xi32>,
    %get3A_89 = arith.constant 48 : i32
    %get3A_90 = arith.index_cast %get3A_89 : i32 to index
    %get3A_91 = arith.constant 32 : index
    %get3A_92 = tpu.vector_load %arg12[%get3A_90, %get3A_91] {strides = array<i32>} : memref<50x80xi32, #tpu.memory_space<vmem>>, vector<16xi32>,
    %gather3A_93 = tpu.vector_load_idx %arg13[%get3A_88] : memref<10000xf32, #tpu.memory_space<vmem>>[vector<16xi32>], vector<16xf32>,
    %gather3A_94 = tpu.vector_load_idx %arg13[%get3A_92] : memref<10000xf32, #tpu.memory_space<vmem>>[vector<16xi32>], vector<16xf32>,
    %sub3A_95 = arith.subf %gather3A_93, %gather3A_94 : vector<16xf32>
    %gather3A_96 = tpu.vector_load_idx %arg14[%get3A_88] : memref<10000xf32, #tpu.memory_space<vmem>>[vector<16xi32>], vector<16xf32>,
    %gather3A_97 = tpu.vector_load_idx %arg14[%get3A_92] : memref<10000xf32, #tpu.memory_space<vmem>>[vector<16xi32>], vector<16xf32>,
    %sub3A_98 = arith.subf %gather3A_96, %gather3A_97 : vector<16xf32>
    %gather3A_99 = tpu.vector_load_idx %arg15[%get3A_88] : memref<10000xf32, #tpu.memory_space<vmem>>[vector<16xi32>], vector<16xf32>,
    %gather3A_100 = tpu.vector_load_idx %arg15[%get3A_92] : memref<10000xf32, #tpu.memory_space<vmem>>[vector<16xi32>], vector<16xf32>,
    %sub3A_101 = arith.subf %gather3A_99, %gather3A_100 : vector<16xf32>
    %mul3A_102 = arith.mulf %sub3A_95, %sub3A_95 : vector<16xf32>
    %mul3A_103 = arith.mulf %sub3A_98, %sub3A_98 : vector<16xf32>
    %add3A_104 = arith.addf %mul3A_102, %mul3A_103 : vector<16xf32>
    %mul3A_105 = arith.mulf %sub3A_101, %sub3A_101 : vector<16xf32>
    %add3A_106 = arith.addf %add3A_104, %mul3A_105 : vector<16xf32>
    %swap3A_107 = arith.constant 1 : i32
    %swap3A_108 = arith.constant 0 : i32
    %swap3A_109 = arith.index_cast %swap3A_107 : i32 to index
    %swap3A_110 = arith.index_cast %swap3A_108 : i32 to index
    %swap3A_111 = arith.constant 1872 : index
    %swap3A_112 = tpu.vector_load %arg20[%swap3A_109, %swap3A_110, %swap3A_111] {strides = array<i32>} : memref<2x1x2000xf32, #tpu.memory_space<vmem>>, vector<16xf32>,
    tpu.vector_store %arg20[%swap3A_109, %swap3A_110, %swap3A_111], %add3A_106 {strides = array<i32>} : memref<2x1x2000xf32, #tpu.memory_space<vmem>>, vector<16xf32>,
    %get3A_113 = arith.constant 48 : i32
    %get3A_114 = arith.index_cast %get3A_113 : i32 to index
    %get3A_115 = arith.constant 48 : index
    %get3A_116 = tpu.vector_load %arg11[%get3A_114, %get3A_115] {strides = array<i32>} : memref<50x80xi32, #tpu.memory_space<vmem>>, vector<16xi32>,
    %get3A_117 = arith.constant 48 : i32
    %get3A_118 = arith.index_cast %get3A_117 : i32 to index
    %get3A_119 = arith.constant 48 : index
    %get3A_120 = tpu.vector_load %arg12[%get3A_118, %get3A_119] {strides = array<i32>} : memref<50x80xi32, #tpu.memory_space<vmem>>, vector<16xi32>,
    %gather3A_121 = tpu.vector_load_idx %arg13[%get3A_116] : memref<10000xf32, #tpu.memory_space<vmem>>[vector<16xi32>], vector<16xf32>,
    %gather3A_122 = tpu.vector_load_idx %arg13[%get3A_120] : memref<10000xf32, #tpu.memory_space<vmem>>[vector<16xi32>], vector<16xf32>,
    %sub3A_123 = arith.subf %gather3A_121, %gather3A_122 : vector<16xf32>
    %gather3A_124 = tpu.vector_load_idx %arg14[%get3A_116] : memref<10000xf32, #tpu.memory_space<vmem>>[vector<16xi32>], vector<16xf32>,
    %gather3A_125 = tpu.vector_load_idx %arg14[%get3A_120] : memref<10000xf32, #tpu.memory_space<vmem>>[vector<16xi32>], vector<16xf32>,
    %sub3A_126 = arith.subf %gather3A_124, %gather3A_125 : vector<16xf32>
    %gather3A_127 = tpu.vector_load_idx %arg15[%get3A_116] : memref<10000xf32, #tpu.memory_space<vmem>>[vector<16xi32>], vector<16xf32>,
    %gather3A_128 = tpu.vector_load_idx %arg15[%get3A_120] : memref<10000xf32, #tpu.memory_space<vmem>>[vector<16xi32>], vector<16xf32>,
    %sub3A_129 = arith.subf %gather3A_127, %gather3A_128 : vector<16xf32>
    %mul3A_130 = arith.mulf %sub3A_123, %sub3A_123 : vector<16xf32>
    %mul3A_131 = arith.mulf %sub3A_126, %sub3A_126 : vector<16xf32>
    %add3A_132 = arith.addf %mul3A_130, %mul3A_131 : vector<16xf32>
    %mul3A_133 = arith.mulf %sub3A_129, %sub3A_129 : vector<16xf32>
    %add3A_134 = arith.addf %add3A_132, %mul3A_133 : vector<16xf32>
    %swap3A_135 = arith.constant 1 : i32
    %swap3A_136 = arith.constant 0 : i32
    %swap3A_137 = arith.index_cast %swap3A_135 : i32 to index
    %swap3A_138 = arith.index_cast %swap3A_136 : i32 to index
    %swap3A_139 = arith.constant 1888 : index
    %swap3A_140 = tpu.vector_load %arg20[%swap3A_137, %swap3A_138, %swap3A_139] {strides = array<i32>} : memref<2x1x2000xf32, #tpu.memory_space<vmem>>, vector<16xf32>,
    tpu.vector_store %arg20[%swap3A_137, %swap3A_138, %swap3A_139], %add3A_134 {strides = array<i32>} : memref<2x1x2000xf32, #tpu.memory_space<vmem>>, vector<16xf32>,
    %get3A_141 = arith.constant 48 : i32
    %get3A_142 = arith.index_cast %get3A_141 : i32 to index
    %get3A_143 = arith.constant 64 : index
    %get3A_144 = tpu.vector_load %arg11[%get3A_142, %get3A_143] {strides = array<i32>} : memref<50x80xi32, #tpu.memory_space<vmem>>, vector<16xi32>,
    %get3A_145 = arith.constant 48 : i32
    %get3A_146 = arith.index_cast %get3A_145 : i32 to index
    %get3A_147 = arith.constant 64 : index
    %get3A_148 = tpu.vector_load %arg12[%get3A_146, %get3A_147] {strides = array<i32>} : memref<50x80xi32, #tpu.memory_space<vmem>>, vector<16xi32>,
    %gather3A_149 = tpu.vector_load_idx %arg13[%get3A_144] : memref<10000xf32, #tpu.memory_space<vmem>>[vector<16xi32>], vector<16xf32>,
    %gather3A_150 = tpu.vector_load_idx %arg13[%get3A_148] : memref<10000xf32, #tpu.memory_space<vmem>>[vector<16xi32>], vector<16xf32>,
    %sub3A_151 = arith.subf %gather3A_149, %gather3A_150 : vector<16xf32>
    %gather3A_152 = tpu.vector_load_idx %arg14[%get3A_144] : memref<10000xf32, #tpu.memory_space<vmem>>[vector<16xi32>], vector<16xf32>,
    %gather3A_153 = tpu.vector_load_idx %arg14[%get3A_148] : memref<10000xf32, #tpu.memory_space<vmem>>[vector<16xi32>], vector<16xf32>,
    %sub3A_154 = arith.subf %gather3A_152, %gather3A_153 : vector<16xf32>
    %gather3A_155 = tpu.vector_load_idx %arg15[%get3A_144] : memref<10000xf32, #tpu.memory_space<vmem>>[vector<16xi32>], vector<16xf32>,
    %gather3A_156 = tpu.vector_load_idx %arg15[%get3A_148] : memref<10000xf32, #tpu.memory_space<vmem>>[vector<16xi32>], vector<16xf32>,
    %sub3A_157 = arith.subf %gather3A_155, %gather3A_156 : vector<16xf32>
    %mul3A_158 = arith.mulf %sub3A_151, %sub3A_151 : vector<16xf32>
    %mul3A_159 = arith.mulf %sub3A_154, %sub3A_154 : vector<16xf32>
    %add3A_160 = arith.addf %mul3A_158, %mul3A_159 : vector<16xf32>
    %mul3A_161 = arith.mulf %sub3A_157, %sub3A_157 : vector<16xf32>
    %add3A_162 = arith.addf %add3A_160, %mul3A_161 : vector<16xf32>
    %swap3A_163 = arith.constant 1 : i32
    %swap3A_164 = arith.constant 0 : i32
    %swap3A_165 = arith.index_cast %swap3A_163 : i32 to index
    %swap3A_166 = arith.index_cast %swap3A_164 : i32 to index
    %swap3A_167 = arith.constant 1904 : index
    %swap3A_168 = tpu.vector_load %arg20[%swap3A_165, %swap3A_166, %swap3A_167] {strides = array<i32>} : memref<2x1x2000xf32, #tpu.memory_space<vmem>>, vector<16xf32>,
    tpu.vector_store %arg20[%swap3A_165, %swap3A_166, %swap3A_167], %add3A_162 {strides = array<i32>} : memref<2x1x2000xf32, #tpu.memory_space<vmem>>, vector<16xf32>,
    %dma_wait3A = arith.constant 48 : i32
    %dma_wait3A_169 = arith.constant 0 : i32
    %dma_wait3A_170 = tpu.memref_slice %arg12[%dma_wait3A, %dma_wait3A_169] : memref<50x80xi32, #tpu.memory_space<vmem>> -> memref<1x80xi32, #tpu.memory_space<vmem>>
    %dma_wait3A_171 = tpu.memref_squeeze %dma_wait3A_170 : memref<1x80xi32, #tpu.memory_space<vmem>> -> memref<80xi32, #tpu.memory_space<vmem>>
    %dma_wait3A_172 = arith.constant 0 : i32
    %dma_wait3A_173 = arith.constant 0 : i32
    %dma_wait3A_174 = tpu.memref_slice %arg2[%dma_wait3A_172, %dma_wait3A_173] : memref<10000x128xf32, #tpu.memory_space<hbm>> -> memref<10000x128xf32, #tpu.memory_space<hbm>>
    tpu.wait_indirect_dma semaphore(%arg21 : memref<!tpu.dma_semaphore, #tpu.memory_space<semaphore_mem>>) src(%dma_wait3A_174 : memref<10000x128xf32, #tpu.memory_space<hbm>>) dst(%arg16 : memref<80x128xf32, #tpu.memory_space<vmem>>)
    %dma_wait3A_175 = arith.constant 48 : i32
    %dma_wait3A_176 = arith.constant 0 : i32
    %dma_wait3A_177 = tpu.memref_slice %arg11[%dma_wait3A_175, %dma_wait3A_176] : memref<50x80xi32, #tpu.memory_space<vmem>> -> memref<1x80xi32, #tpu.memory_space<vmem>>
    %dma_wait3A_178 = tpu.memref_squeeze %dma_wait3A_177 : memref<1x80xi32, #tpu.memory_space<vmem>> -> memref<80xi32, #tpu.memory_space<vmem>>
    %dma_wait3A_179 = arith.constant 0 : i32
    %dma_wait3A_180 = arith.constant 0 : i32
    %dma_wait3A_181 = tpu.memref_slice %arg3[%dma_wait3A_179, %dma_wait3A_180] : memref<10000x128xf32, #tpu.memory_space<hbm>> -> memref<10000x128xf32, #tpu.memory_space<hbm>>
    tpu.wait_indirect_dma semaphore(%arg22 : memref<!tpu.dma_semaphore, #tpu.memory_space<semaphore_mem>>) src(%dma_wait3A_181 : memref<10000x128xf32, #tpu.memory_space<hbm>>) dst(%arg17 : memref<80x128xf32, #tpu.memory_space<vmem>>)
    %scan3A_182 = arith.constant 0 : i32
    %scan3A_183 = arith.constant 0 : i32
    %scan3A_184 = arith.constant 80 : i32
    %scan3A_185 = arith.addi %scan3A_183, %scan3A_184 : i32
    %scan3A_186 = arith.constant 1 : i32
    scf.for %scan3A_382 = %scan3A_183 to %scan3A_185 step %scan3A_186  : i32 {
      %get3A_383 = arith.index_cast %scan3A_382 : i32 to index
      %get3A_384 = arith.constant 0 : index
      %get3A_385 = tpu.vector_load %arg16[%get3A_383, %get3A_384] {strides = array<i32>} : memref<80x128xf32, #tpu.memory_space<vmem>>, vector<16xf32>,
      %get3A_386 = arith.index_cast %scan3A_382 : i32 to index
      %get3A_387 = arith.constant 0 : index
      %get3A_388 = tpu.vector_load %arg17[%get3A_386, %get3A_387] {strides = array<i32>} : memref<80x128xf32, #tpu.memory_space<vmem>>, vector<16xf32>,
      %add3A_389 = arith.addf %get3A_385, %get3A_388 : vector<16xf32>
      %swap3A_390 = arith.index_cast %scan3A_382 : i32 to index
      %swap3A_391 = arith.constant 0 : index
      %swap3A_392 = tpu.vector_load %arg16[%swap3A_390, %swap3A_391] {strides = array<i32>} : memref<80x128xf32, #tpu.memory_space<vmem>>, vector<16xf32>,
      tpu.vector_store %arg16[%swap3A_390, %swap3A_391], %add3A_389 {strides = array<i32>} : memref<80x128xf32, #tpu.memory_space<vmem>>, vector<16xf32>,
      %get3A_393 = arith.index_cast %scan3A_382 : i32 to index
      %get3A_394 = arith.constant 16 : index
      %get3A_395 = tpu.vector_load %arg16[%get3A_393, %get3A_394] {strides = array<i32>} : memref<80x128xf32, #tpu.memory_space<vmem>>, vector<16xf32>,
      %get3A_396 = arith.index_cast %scan3A_382 : i32 to index
      %get3A_397 = arith.constant 16 : index
      %get3A_398 = tpu.vector_load %arg17[%get3A_396, %get3A_397] {strides = array<i32>} : memref<80x128xf32, #tpu.memory_space<vmem>>, vector<16xf32>,
      %add3A_399 = arith.addf %get3A_395, %get3A_398 : vector<16xf32>
      %swap3A_400 = arith.index_cast %scan3A_382 : i32 to index
      %swap3A_401 = arith.constant 16 : index
      %swap3A_402 = tpu.vector_load %arg16[%swap3A_400, %swap3A_401] {strides = array<i32>} : memref<80x128xf32, #tpu.memory_space<vmem>>, vector<16xf32>,
      tpu.vector_store %arg16[%swap3A_400, %swap3A_401], %add3A_399 {strides = array<i32>} : memref<80x128xf32, #tpu.memory_space<vmem>>, vector<16xf32>,
      %get3A_403 = arith.index_cast %scan3A_382 : i32 to index
      %get3A_404 = arith.constant 32 : index
      %get3A_405 = tpu.vector_load %arg16[%get3A_403, %get3A_404] {strides = array<i32>} : memref<80x128xf32, #tpu.memory_space<vmem>>, vector<16xf32>,
      %get3A_406 = arith.index_cast %scan3A_382 : i32 to index
      %get3A_407 = arith.constant 32 : index
      %get3A_408 = tpu.vector_load %arg17[%get3A_406, %get3A_407] {strides = array<i32>} : memref<80x128xf32, #tpu.memory_space<vmem>>, vector<16xf32>,
      %add3A_409 = arith.addf %get3A_405, %get3A_408 : vector<16xf32>
      %swap3A_410 = arith.index_cast %scan3A_382 : i32 to index
      %swap3A_411 = arith.constant 32 : index
      %swap3A_412 = tpu.vector_load %arg16[%swap3A_410, %swap3A_411] {strides = array<i32>} : memref<80x128xf32, #tpu.memory_space<vmem>>, vector<16xf32>,
      tpu.vector_store %arg16[%swap3A_410, %swap3A_411], %add3A_409 {strides = array<i32>} : memref<80x128xf32, #tpu.memory_space<vmem>>, vector<16xf32>,
      %get3A_413 = arith.index_cast %scan3A_382 : i32 to index
      %get3A_414 = arith.constant 48 : index
      %get3A_415 = tpu.vector_load %arg16[%get3A_413, %get3A_414] {strides = array<i32>} : memref<80x128xf32, #tpu.memory_space<vmem>>, vector<16xf32>,
      %get3A_416 = arith.index_cast %scan3A_382 : i32 to index
      %get3A_417 = arith.constant 48 : index
      %get3A_418 = tpu.vector_load %arg17[%get3A_416, %get3A_417] {strides = array<i32>} : memref<80x128xf32, #tpu.memory_space<vmem>>, vector<16xf32>,
      %add3A_419 = arith.addf %get3A_415, %get3A_418 : vector<16xf32>
      %swap3A_420 = arith.index_cast %scan3A_382 : i32 to index
      %swap3A_421 = arith.constant 48 : index
      %swap3A_422 = tpu.vector_load %arg16[%swap3A_420, %swap3A_421] {strides = array<i32>} : memref<80x128xf32, #tpu.memory_space<vmem>>, vector<16xf32>,
      tpu.vector_store %arg16[%swap3A_420, %swap3A_421], %add3A_419 {strides = array<i32>} : memref<80x128xf32, #tpu.memory_space<vmem>>, vector<16xf32>,
      %get3A_423 = arith.index_cast %scan3A_382 : i32 to index
      %get3A_424 = arith.constant 64 : index
      %get3A_425 = tpu.vector_load %arg16[%get3A_423, %get3A_424] {strides = array<i32>} : memref<80x128xf32, #tpu.memory_space<vmem>>, vector<16xf32>,
      %get3A_426 = arith.index_cast %scan3A_382 : i32 to index
      %get3A_427 = arith.constant 64 : index
      %get3A_428 = tpu.vector_load %arg17[%get3A_426, %get3A_427] {strides = array<i32>} : memref<80x128xf32, #tpu.memory_space<vmem>>, vector<16xf32>,
      %add3A_429 = arith.addf %get3A_425, %get3A_428 : vector<16xf32>
      %swap3A_430 = arith.index_cast %scan3A_382 : i32 to index
      %swap3A_431 = arith.constant 64 : index
      %swap3A_432 = tpu.vector_load %arg16[%swap3A_430, %swap3A_431] {strides = array<i32>} : memref<80x128xf32, #tpu.memory_space<vmem>>, vector<16xf32>,
      tpu.vector_store %arg16[%swap3A_430, %swap3A_431], %add3A_429 {strides = array<i32>} : memref<80x128xf32, #tpu.memory_space<vmem>>, vector<16xf32>,
      %get3A_433 = arith.index_cast %scan3A_382 : i32 to index
      %get3A_434 = arith.constant 80 : index
      %get3A_435 = tpu.vector_load %arg16[%get3A_433, %get3A_434] {strides = array<i32>} : memref<80x128xf32, #tpu.memory_space<vmem>>, vector<16xf32>,
      %get3A_436 = arith.index_cast %scan3A_382 : i32 to index
      %get3A_437 = arith.constant 80 : index
      %get3A_438 = tpu.vector_load %arg17[%get3A_436, %get3A_437] {strides = array<i32>} : memref<80x128xf32, #tpu.memory_space<vmem>>, vector<16xf32>,
      %add3A_439 = arith.addf %get3A_435, %get3A_438 : vector<16xf32>
      %swap3A_440 = arith.index_cast %scan3A_382 : i32 to index
      %swap3A_441 = arith.constant 80 : index
      %swap3A_442 = tpu.vector_load %arg16[%swap3A_440, %swap3A_441] {strides = array<i32>} : memref<80x128xf32, #tpu.memory_space<vmem>>, vector<16xf32>,
      tpu.vector_store %arg16[%swap3A_440, %swap3A_441], %add3A_439 {strides = array<i32>} : memref<80x128xf32, #tpu.memory_space<vmem>>, vector<16xf32>,
      %get3A_443 = arith.index_cast %scan3A_382 : i32 to index
      %get3A_444 = arith.constant 96 : index
      %get3A_445 = tpu.vector_load %arg16[%get3A_443, %get3A_444] {strides = array<i32>} : memref<80x128xf32, #tpu.memory_space<vmem>>, vector<16xf32>,
      %get3A_446 = arith.index_cast %scan3A_382 : i32 to index
      %get3A_447 = arith.constant 96 : index
      %get3A_448 = tpu.vector_load %arg17[%get3A_446, %get3A_447] {strides = array<i32>} : memref<80x128xf32, #tpu.memory_space<vmem>>, vector<16xf32>,
      %add3A_449 = arith.addf %get3A_445, %get3A_448 : vector<16xf32>
      %swap3A_450 = arith.index_cast %scan3A_382 : i32 to index
      %swap3A_451 = arith.constant 96 : index
      %swap3A_452 = tpu.vector_load %arg16[%swap3A_450, %swap3A_451] {strides = array<i32>} : memref<80x128xf32, #tpu.memory_space<vmem>>, vector<16xf32>,
      tpu.vector_store %arg16[%swap3A_450, %swap3A_451], %add3A_449 {strides = array<i32>} : memref<80x128xf32, #tpu.memory_space<vmem>>, vector<16xf32>,
      %get3A_453 = arith.index_cast %scan3A_382 : i32 to index
      %get3A_454 = arith.constant 112 : index
      %get3A_455 = tpu.vector_load %arg16[%get3A_453, %get3A_454] {strides = array<i32>} : memref<80x128xf32, #tpu.memory_space<vmem>>, vector<16xf32>,
      %get3A_456 = arith.index_cast %scan3A_382 : i32 to index
      %get3A_457 = arith.constant 112 : index
      %get3A_458 = tpu.vector_load %arg17[%get3A_456, %get3A_457] {strides = array<i32>} : memref<80x128xf32, #tpu.memory_space<vmem>>, vector<16xf32>,
      %add3A_459 = arith.addf %get3A_455, %get3A_458 : vector<16xf32>
      %swap3A_460 = arith.index_cast %scan3A_382 : i32 to index
      %swap3A_461 = arith.constant 112 : index
      %swap3A_462 = tpu.vector_load %arg16[%swap3A_460, %swap3A_461] {strides = array<i32>} : memref<80x128xf32, #tpu.memory_space<vmem>>, vector<16xf32>,
      tpu.vector_store %arg16[%swap3A_460, %swap3A_461], %add3A_459 {strides = array<i32>} : memref<80x128xf32, #tpu.memory_space<vmem>>, vector<16xf32>,
    }
    %scan3A_187 = arith.constant 80 : i32
    %mul3A_188 = arith.constant 4000 : i32
    %mul3A_189 = arith.muli %add3A, %mul3A_188 : i32
    %add3A_190 = arith.constant 3840 : i32
    %add3A_191 = arith.addi %mul3A_189, %add3A_190 : i32
    %dma_start3A_192 = arith.constant 0 : i32
    %dma_start3A_193 = tpu.memref_slice %arg9[%add3A_191, %dma_start3A_192] : memref<128000x128xf32, #tpu.memory_space<hbm>> -> memref<80x128xf32, #tpu.memory_space<hbm>>
    %dma_start3A_194 = arith.constant 0 : i32
    %dma_start3A_195 = tpu.memref_slice %arg9[%add3A_191, %dma_start3A_194] : memref<128000x128xf32, #tpu.memory_space<hbm>> -> memref<80x128xf32, #tpu.memory_space<hbm>>
    tpu.enqueue_dma source(%arg16 : memref<80x128xf32, #tpu.memory_space<vmem>>) target(%dma_start3A_195 : memref<80x128xf32, #tpu.memory_space<hbm>>) target_semaphore(%arg25 : memref<!tpu.dma_semaphore, #tpu.memory_space<semaphore_mem>>)
    %get3A_196 = arith.constant 49 : i32
    %get3A_197 = arith.index_cast %get3A_196 : i32 to index
    %get3A_198 = arith.constant 0 : index
    %get3A_199 = tpu.vector_load %arg11[%get3A_197, %get3A_198] {strides = array<i32>} : memref<50x80xi32, #tpu.memory_space<vmem>>, vector<16xi32>,
    %get3A_200 = arith.constant 49 : i32
    %get3A_201 = arith.index_cast %get3A_200 : i32 to index
    %get3A_202 = arith.constant 0 : index
    %get3A_203 = tpu.vector_load %arg12[%get3A_201, %get3A_202] {strides = array<i32>} : memref<50x80xi32, #tpu.memory_space<vmem>>, vector<16xi32>,
    %gather3A_204 = tpu.vector_load_idx %arg13[%get3A_199] : memref<10000xf32, #tpu.memory_space<vmem>>[vector<16xi32>], vector<16xf32>,
    %gather3A_205 = tpu.vector_load_idx %arg13[%get3A_203] : memref<10000xf32, #tpu.memory_space<vmem>>[vector<16xi32>], vector<16xf32>,
    %sub3A_206 = arith.subf %gather3A_204, %gather3A_205 : vector<16xf32>
    %gather3A_207 = tpu.vector_load_idx %arg14[%get3A_199] : memref<10000xf32, #tpu.memory_space<vmem>>[vector<16xi32>], vector<16xf32>,
    %gather3A_208 = tpu.vector_load_idx %arg14[%get3A_203] : memref<10000xf32, #tpu.memory_space<vmem>>[vector<16xi32>], vector<16xf32>,
    %sub3A_209 = arith.subf %gather3A_207, %gather3A_208 : vector<16xf32>
    %gather3A_210 = tpu.vector_load_idx %arg15[%get3A_199] : memref<10000xf32, #tpu.memory_space<vmem>>[vector<16xi32>], vector<16xf32>,
    %gather3A_211 = tpu.vector_load_idx %arg15[%get3A_203] : memref<10000xf32, #tpu.memory_space<vmem>>[vector<16xi32>], vector<16xf32>,
    %sub3A_212 = arith.subf %gather3A_210, %gather3A_211 : vector<16xf32>
    %mul3A_213 = arith.mulf %sub3A_206, %sub3A_206 : vector<16xf32>
    %mul3A_214 = arith.mulf %sub3A_209, %sub3A_209 : vector<16xf32>
    %add3A_215 = arith.addf %mul3A_213, %mul3A_214 : vector<16xf32>
    %mul3A_216 = arith.mulf %sub3A_212, %sub3A_212 : vector<16xf32>
    %add3A_217 = arith.addf %add3A_215, %mul3A_216 : vector<16xf32>
    %swap3A_218 = arith.constant 1 : i32
    %swap3A_219 = arith.constant 0 : i32
    %swap3A_220 = arith.index_cast %swap3A_218 : i32 to index
    %swap3A_221 = arith.index_cast %swap3A_219 : i32 to index
    %swap3A_222 = arith.constant 1920 : index
    %swap3A_223 = tpu.vector_load %arg20[%swap3A_220, %swap3A_221, %swap3A_222] {strides = array<i32>} : memref<2x1x2000xf32, #tpu.memory_space<vmem>>, vector<16xf32>,
    tpu.vector_store %arg20[%swap3A_220, %swap3A_221, %swap3A_222], %add3A_217 {strides = array<i32>} : memref<2x1x2000xf32, #tpu.memory_space<vmem>>, vector<16xf32>,
    %get3A_224 = arith.constant 49 : i32
    %get3A_225 = arith.index_cast %get3A_224 : i32 to index
    %get3A_226 = arith.constant 16 : index
    %get3A_227 = tpu.vector_load %arg11[%get3A_225, %get3A_226] {strides = array<i32>} : memref<50x80xi32, #tpu.memory_space<vmem>>, vector<16xi32>,
    %get3A_228 = arith.constant 49 : i32
    %get3A_229 = arith.index_cast %get3A_228 : i32 to index
    %get3A_230 = arith.constant 16 : index
    %get3A_231 = tpu.vector_load %arg12[%get3A_229, %get3A_230] {strides = array<i32>} : memref<50x80xi32, #tpu.memory_space<vmem>>, vector<16xi32>,
    %gather3A_232 = tpu.vector_load_idx %arg13[%get3A_227] : memref<10000xf32, #tpu.memory_space<vmem>>[vector<16xi32>], vector<16xf32>,
    %gather3A_233 = tpu.vector_load_idx %arg13[%get3A_231] : memref<10000xf32, #tpu.memory_space<vmem>>[vector<16xi32>], vector<16xf32>,
    %sub3A_234 = arith.subf %gather3A_232, %gather3A_233 : vector<16xf32>
    %gather3A_235 = tpu.vector_load_idx %arg14[%get3A_227] : memref<10000xf32, #tpu.memory_space<vmem>>[vector<16xi32>], vector<16xf32>,
    %gather3A_236 = tpu.vector_load_idx %arg14[%get3A_231] : memref<10000xf32, #tpu.memory_space<vmem>>[vector<16xi32>], vector<16xf32>,
    %sub3A_237 = arith.subf %gather3A_235, %gather3A_236 : vector<16xf32>
    %gather3A_238 = tpu.vector_load_idx %arg15[%get3A_227] : memref<10000xf32, #tpu.memory_space<vmem>>[vector<16xi32>], vector<16xf32>,
    %gather3A_239 = tpu.vector_load_idx %arg15[%get3A_231] : memref<10000xf32, #tpu.memory_space<vmem>>[vector<16xi32>], vector<16xf32>,
    %sub3A_240 = arith.subf %gather3A_238, %gather3A_239 : vector<16xf32>
    %mul3A_241 = arith.mulf %sub3A_234, %sub3A_234 : vector<16xf32>
    %mul3A_242 = arith.mulf %sub3A_237, %sub3A_237 : vector<16xf32>
    %add3A_243 = arith.addf %mul3A_241, %mul3A_242 : vector<16xf32>
    %mul3A_244 = arith.mulf %sub3A_240, %sub3A_240 : vector<16xf32>
    %add3A_245 = arith.addf %add3A_243, %mul3A_244 : vector<16xf32>
    %swap3A_246 = arith.constant 1 : i32
    %swap3A_247 = arith.constant 0 : i32
    %swap3A_248 = arith.index_cast %swap3A_246 : i32 to index
    %swap3A_249 = arith.index_cast %swap3A_247 : i32 to index
    %swap3A_250 = arith.constant 1936 : index
    %swap3A_251 = tpu.vector_load %arg20[%swap3A_248, %swap3A_249, %swap3A_250] {strides = array<i32>} : memref<2x1x2000xf32, #tpu.memory_space<vmem>>, vector<16xf32>,
    tpu.vector_store %arg20[%swap3A_248, %swap3A_249, %swap3A_250], %add3A_245 {strides = array<i32>} : memref<2x1x2000xf32, #tpu.memory_space<vmem>>, vector<16xf32>,
    %get3A_252 = arith.constant 49 : i32
    %get3A_253 = arith.index_cast %get3A_252 : i32 to index
    %get3A_254 = arith.constant 32 : index
    %get3A_255 = tpu.vector_load %arg11[%get3A_253, %get3A_254] {strides = array<i32>} : memref<50x80xi32, #tpu.memory_space<vmem>>, vector<16xi32>,
    %get3A_256 = arith.constant 49 : i32
    %get3A_257 = arith.index_cast %get3A_256 : i32 to index
    %get3A_258 = arith.constant 32 : index
    %get3A_259 = tpu.vector_load %arg12[%get3A_257, %get3A_258] {strides = array<i32>} : memref<50x80xi32, #tpu.memory_space<vmem>>, vector<16xi32>,
    %gather3A_260 = tpu.vector_load_idx %arg13[%get3A_255] : memref<10000xf32, #tpu.memory_space<vmem>>[vector<16xi32>], vector<16xf32>,
    %gather3A_261 = tpu.vector_load_idx %arg13[%get3A_259] : memref<10000xf32, #tpu.memory_space<vmem>>[vector<16xi32>], vector<16xf32>,
    %sub3A_262 = arith.subf %gather3A_260, %gather3A_261 : vector<16xf32>
    %gather3A_263 = tpu.vector_load_idx %arg14[%get3A_255] : memref<10000xf32, #tpu.memory_space<vmem>>[vector<16xi32>], vector<16xf32>,
    %gather3A_264 = tpu.vector_load_idx %arg14[%get3A_259] : memref<10000xf32, #tpu.memory_space<vmem>>[vector<16xi32>], vector<16xf32>,
    %sub3A_265 = arith.subf %gather3A_263, %gather3A_264 : vector<16xf32>
    %gather3A_266 = tpu.vector_load_idx %arg15[%get3A_255] : memref<10000xf32, #tpu.memory_space<vmem>>[vector<16xi32>], vector<16xf32>,
    %gather3A_267 = tpu.vector_load_idx %arg15[%get3A_259] : memref<10000xf32, #tpu.memory_space<vmem>>[vector<16xi32>], vector<16xf32>,
    %sub3A_268 = arith.subf %gather3A_266, %gather3A_267 : vector<16xf32>
    %mul3A_269 = arith.mulf %sub3A_262, %sub3A_262 : vector<16xf32>
    %mul3A_270 = arith.mulf %sub3A_265, %sub3A_265 : vector<16xf32>
    %add3A_271 = arith.addf %mul3A_269, %mul3A_270 : vector<16xf32>
    %mul3A_272 = arith.mulf %sub3A_268, %sub3A_268 : vector<16xf32>
    %add3A_273 = arith.addf %add3A_271, %mul3A_272 : vector<16xf32>
    %swap3A_274 = arith.constant 1 : i32
    %swap3A_275 = arith.constant 0 : i32
    %swap3A_276 = arith.index_cast %swap3A_274 : i32 to index
    %swap3A_277 = arith.index_cast %swap3A_275 : i32 to index
    %swap3A_278 = arith.constant 1952 : index
    %swap3A_279 = tpu.vector_load %arg20[%swap3A_276, %swap3A_277, %swap3A_278] {strides = array<i32>} : memref<2x1x2000xf32, #tpu.memory_space<vmem>>, vector<16xf32>,
    tpu.vector_store %arg20[%swap3A_276, %swap3A_277, %swap3A_278], %add3A_273 {strides = array<i32>} : memref<2x1x2000xf32, #tpu.memory_space<vmem>>, vector<16xf32>,
    %get3A_280 = arith.constant 49 : i32
    %get3A_281 = arith.index_cast %get3A_280 : i32 to index
    %get3A_282 = arith.constant 48 : index
    %get3A_283 = tpu.vector_load %arg11[%get3A_281, %get3A_282] {strides = array<i32>} : memref<50x80xi32, #tpu.memory_space<vmem>>, vector<16xi32>,
    %get3A_284 = arith.constant 49 : i32
    %get3A_285 = arith.index_cast %get3A_284 : i32 to index
    %get3A_286 = arith.constant 48 : index
    %get3A_287 = tpu.vector_load %arg12[%get3A_285, %get3A_286] {strides = array<i32>} : memref<50x80xi32, #tpu.memory_space<vmem>>, vector<16xi32>,
    %gather3A_288 = tpu.vector_load_idx %arg13[%get3A_283] : memref<10000xf32, #tpu.memory_space<vmem>>[vector<16xi32>], vector<16xf32>,
    %gather3A_289 = tpu.vector_load_idx %arg13[%get3A_287] : memref<10000xf32, #tpu.memory_space<vmem>>[vector<16xi32>], vector<16xf32>,
    %sub3A_290 = arith.subf %gather3A_288, %gather3A_289 : vector<16xf32>
    %gather3A_291 = tpu.vector_load_idx %arg14[%get3A_283] : memref<10000xf32, #tpu.memory_space<vmem>>[vector<16xi32>], vector<16xf32>,
    %gather3A_292 = tpu.vector_load_idx %arg14[%get3A_287] : memref<10000xf32, #tpu.memory_space<vmem>>[vector<16xi32>], vector<16xf32>,
    %sub3A_293 = arith.subf %gather3A_291, %gather3A_292 : vector<16xf32>
    %gather3A_294 = tpu.vector_load_idx %arg15[%get3A_283] : memref<10000xf32, #tpu.memory_space<vmem>>[vector<16xi32>], vector<16xf32>,
    %gather3A_295 = tpu.vector_load_idx %arg15[%get3A_287] : memref<10000xf32, #tpu.memory_space<vmem>>[vector<16xi32>], vector<16xf32>,
    %sub3A_296 = arith.subf %gather3A_294, %gather3A_295 : vector<16xf32>
    %mul3A_297 = arith.mulf %sub3A_290, %sub3A_290 : vector<16xf32>
    %mul3A_298 = arith.mulf %sub3A_293, %sub3A_293 : vector<16xf32>
    %add3A_299 = arith.addf %mul3A_297, %mul3A_298 : vector<16xf32>
    %mul3A_300 = arith.mulf %sub3A_296, %sub3A_296 : vector<16xf32>
    %add3A_301 = arith.addf %add3A_299, %mul3A_300 : vector<16xf32>
    %swap3A_302 = arith.constant 1 : i32
    %swap3A_303 = arith.constant 0 : i32
    %swap3A_304 = arith.index_cast %swap3A_302 : i32 to index
    %swap3A_305 = arith.index_cast %swap3A_303 : i32 to index
    %swap3A_306 = arith.constant 1968 : index
    %swap3A_307 = tpu.vector_load %arg20[%swap3A_304, %swap3A_305, %swap3A_306] {strides = array<i32>} : memref<2x1x2000xf32, #tpu.memory_space<vmem>>, vector<16xf32>,
    tpu.vector_store %arg20[%swap3A_304, %swap3A_305, %swap3A_306], %add3A_301 {strides = array<i32>} : memref<2x1x2000xf32, #tpu.memory_space<vmem>>, vector<16xf32>,
    %get3A_308 = arith.constant 49 : i32
    %get3A_309 = arith.index_cast %get3A_308 : i32 to index
    %get3A_310 = arith.constant 64 : index
    %get3A_311 = tpu.vector_load %arg11[%get3A_309, %get3A_310] {strides = array<i32>} : memref<50x80xi32, #tpu.memory_space<vmem>>, vector<16xi32>,
    %get3A_312 = arith.constant 49 : i32
    %get3A_313 = arith.index_cast %get3A_312 : i32 to index
    %get3A_314 = arith.constant 64 : index
    %get3A_315 = tpu.vector_load %arg12[%get3A_313, %get3A_314] {strides = array<i32>} : memref<50x80xi32, #tpu.memory_space<vmem>>, vector<16xi32>,
    %gather3A_316 = tpu.vector_load_idx %arg13[%get3A_311] : memref<10000xf32, #tpu.memory_space<vmem>>[vector<16xi32>], vector<16xf32>,
    %gather3A_317 = tpu.vector_load_idx %arg13[%get3A_315] : memref<10000xf32, #tpu.memory_space<vmem>>[vector<16xi32>], vector<16xf32>,
    %sub3A_318 = arith.subf %gather3A_316, %gather3A_317 : vector<16xf32>
    %gather3A_319 = tpu.vector_load_idx %arg14[%get3A_311] : memref<10000xf32, #tpu.memory_space<vmem>>[vector<16xi32>], vector<16xf32>,
    %gather3A_320 = tpu.vector_load_idx %arg14[%get3A_315] : memref<10000xf32, #tpu.memory_space<vmem>>[vector<16xi32>], vector<16xf32>,
    %sub3A_321 = arith.subf %gather3A_319, %gather3A_320 : vector<16xf32>
    %gather3A_322 = tpu.vector_load_idx %arg15[%get3A_311] : memref<10000xf32, #tpu.memory_space<vmem>>[vector<16xi32>], vector<16xf32>,
    %gather3A_323 = tpu.vector_load_idx %arg15[%get3A_315] : memref<10000xf32, #tpu.memory_space<vmem>>[vector<16xi32>], vector<16xf32>,
    %sub3A_324 = arith.subf %gather3A_322, %gather3A_323 : vector<16xf32>
    %mul3A_325 = arith.mulf %sub3A_318, %sub3A_318 : vector<16xf32>
    %mul3A_326 = arith.mulf %sub3A_321, %sub3A_321 : vector<16xf32>
    %add3A_327 = arith.addf %mul3A_325, %mul3A_326 : vector<16xf32>
    %mul3A_328 = arith.mulf %sub3A_324, %sub3A_324 : vector<16xf32>
    %add3A_329 = arith.addf %add3A_327, %mul3A_328 : vector<16xf32>
    %swap3A_330 = arith.constant 1 : i32
    %swap3A_331 = arith.constant 0 : i32
    %swap3A_332 = arith.index_cast %swap3A_330 : i32 to index
    %swap3A_333 = arith.index_cast %swap3A_331 : i32 to index
    %swap3A_334 = arith.constant 1984 : index
    %swap3A_335 = tpu.vector_load %arg20[%swap3A_332, %swap3A_333, %swap3A_334] {strides = array<i32>} : memref<2x1x2000xf32, #tpu.memory_space<vmem>>, vector<16xf32>,
    tpu.vector_store %arg20[%swap3A_332, %swap3A_333, %swap3A_334], %add3A_329 {strides = array<i32>} : memref<2x1x2000xf32, #tpu.memory_space<vmem>>, vector<16xf32>,
    %dma_wait3A_336 = arith.constant 49 : i32
    %dma_wait3A_337 = arith.constant 0 : i32
    %dma_wait3A_338 = tpu.memref_slice %arg12[%dma_wait3A_336, %dma_wait3A_337] : memref<50x80xi32, #tpu.memory_space<vmem>> -> memref<1x80xi32, #tpu.memory_space<vmem>>
    %dma_wait3A_339 = tpu.memref_squeeze %dma_wait3A_338 : memref<1x80xi32, #tpu.memory_space<vmem>> -> memref<80xi32, #tpu.memory_space<vmem>>
    %dma_wait3A_340 = arith.constant 0 : i32
    %dma_wait3A_341 = arith.constant 0 : i32
    %dma_wait3A_342 = tpu.memref_slice %arg2[%dma_wait3A_340, %dma_wait3A_341] : memref<10000x128xf32, #tpu.memory_space<hbm>> -> memref<10000x128xf32, #tpu.memory_space<hbm>>
    tpu.wait_indirect_dma semaphore(%arg23 : memref<!tpu.dma_semaphore, #tpu.memory_space<semaphore_mem>>) src(%dma_wait3A_342 : memref<10000x128xf32, #tpu.memory_space<hbm>>) dst(%arg18 : memref<80x128xf32, #tpu.memory_space<vmem>>)
    %dma_wait3A_343 = arith.constant 49 : i32
    %dma_wait3A_344 = arith.constant 0 : i32
    %dma_wait3A_345 = tpu.memref_slice %arg11[%dma_wait3A_343, %dma_wait3A_344] : memref<50x80xi32, #tpu.memory_space<vmem>> -> memref<1x80xi32, #tpu.memory_space<vmem>>
    %dma_wait3A_346 = tpu.memref_squeeze %dma_wait3A_345 : memref<1x80xi32, #tpu.memory_space<vmem>> -> memref<80xi32, #tpu.memory_space<vmem>>
    %dma_wait3A_347 = arith.constant 0 : i32
    %dma_wait3A_348 = arith.constant 0 : i32
    %dma_wait3A_349 = tpu.memref_slice %arg3[%dma_wait3A_347, %dma_wait3A_348] : memref<10000x128xf32, #tpu.memory_space<hbm>> -> memref<10000x128xf32, #tpu.memory_space<hbm>>
    tpu.wait_indirect_dma semaphore(%arg24 : memref<!tpu.dma_semaphore, #tpu.memory_space<semaphore_mem>>) src(%dma_wait3A_349 : memref<10000x128xf32, #tpu.memory_space<hbm>>) dst(%arg19 : memref<80x128xf32, #tpu.memory_space<vmem>>)
    %scan3A_350 = arith.constant 0 : i32
    %scan3A_351 = arith.constant 0 : i32
    %scan3A_352 = arith.constant 80 : i32
    %scan3A_353 = arith.addi %scan3A_351, %scan3A_352 : i32
    %scan3A_354 = arith.constant 1 : i32
    scf.for %scan3A_382 = %scan3A_351 to %scan3A_353 step %scan3A_354  : i32 {
      %get3A_383 = arith.index_cast %scan3A_382 : i32 to index
      %get3A_384 = arith.constant 0 : index
      %get3A_385 = tpu.vector_load %arg18[%get3A_383, %get3A_384] {strides = array<i32>} : memref<80x128xf32, #tpu.memory_space<vmem>>, vector<16xf32>,
      %get3A_386 = arith.index_cast %scan3A_382 : i32 to index
      %get3A_387 = arith.constant 0 : index
      %get3A_388 = tpu.vector_load %arg19[%get3A_386, %get3A_387] {strides = array<i32>} : memref<80x128xf32, #tpu.memory_space<vmem>>, vector<16xf32>,
      %add3A_389 = arith.addf %get3A_385, %get3A_388 : vector<16xf32>
      %swap3A_390 = arith.index_cast %scan3A_382 : i32 to index
      %swap3A_391 = arith.constant 0 : index
      %swap3A_392 = tpu.vector_load %arg18[%swap3A_390, %swap3A_391] {strides = array<i32>} : memref<80x128xf32, #tpu.memory_space<vmem>>, vector<16xf32>,
      tpu.vector_store %arg18[%swap3A_390, %swap3A_391], %add3A_389 {strides = array<i32>} : memref<80x128xf32, #tpu.memory_space<vmem>>, vector<16xf32>,
      %get3A_393 = arith.index_cast %scan3A_382 : i32 to index
      %get3A_394 = arith.constant 16 : index
      %get3A_395 = tpu.vector_load %arg18[%get3A_393, %get3A_394] {strides = array<i32>} : memref<80x128xf32, #tpu.memory_space<vmem>>, vector<16xf32>,
      %get3A_396 = arith.index_cast %scan3A_382 : i32 to index
      %get3A_397 = arith.constant 16 : index
      %get3A_398 = tpu.vector_load %arg19[%get3A_396, %get3A_397] {strides = array<i32>} : memref<80x128xf32, #tpu.memory_space<vmem>>, vector<16xf32>,
      %add3A_399 = arith.addf %get3A_395, %get3A_398 : vector<16xf32>
      %swap3A_400 = arith.index_cast %scan3A_382 : i32 to index
      %swap3A_401 = arith.constant 16 : index
      %swap3A_402 = tpu.vector_load %arg18[%swap3A_400, %swap3A_401] {strides = array<i32>} : memref<80x128xf32, #tpu.memory_space<vmem>>, vector<16xf32>,
      tpu.vector_store %arg18[%swap3A_400, %swap3A_401], %add3A_399 {strides = array<i32>} : memref<80x128xf32, #tpu.memory_space<vmem>>, vector<16xf32>,
      %get3A_403 = arith.index_cast %scan3A_382 : i32 to index
      %get3A_404 = arith.constant 32 : index
      %get3A_405 = tpu.vector_load %arg18[%get3A_403, %get3A_404] {strides = array<i32>} : memref<80x128xf32, #tpu.memory_space<vmem>>, vector<16xf32>,
      %get3A_406 = arith.index_cast %scan3A_382 : i32 to index
      %get3A_407 = arith.constant 32 : index
      %get3A_408 = tpu.vector_load %arg19[%get3A_406, %get3A_407] {strides = array<i32>} : memref<80x128xf32, #tpu.memory_space<vmem>>, vector<16xf32>,
      %add3A_409 = arith.addf %get3A_405, %get3A_408 : vector<16xf32>
      %swap3A_410 = arith.index_cast %scan3A_382 : i32 to index
      %swap3A_411 = arith.constant 32 : index
      %swap3A_412 = tpu.vector_load %arg18[%swap3A_410, %swap3A_411] {strides = array<i32>} : memref<80x128xf32, #tpu.memory_space<vmem>>, vector<16xf32>,
      tpu.vector_store %arg18[%swap3A_410, %swap3A_411], %add3A_409 {strides = array<i32>} : memref<80x128xf32, #tpu.memory_space<vmem>>, vector<16xf32>,
      %get3A_413 = arith.index_cast %scan3A_382 : i32 to index
      %get3A_414 = arith.constant 48 : index
      %get3A_415 = tpu.vector_load %arg18[%get3A_413, %get3A_414] {strides = array<i32>} : memref<80x128xf32, #tpu.memory_space<vmem>>, vector<16xf32>,
      %get3A_416 = arith.index_cast %scan3A_382 : i32 to index
      %get3A_417 = arith.constant 48 : index
      %get3A_418 = tpu.vector_load %arg19[%get3A_416, %get3A_417] {strides = array<i32>} : memref<80x128xf32, #tpu.memory_space<vmem>>, vector<16xf32>,
      %add3A_419 = arith.addf %get3A_415, %get3A_418 : vector<16xf32>
      %swap3A_420 = arith.index_cast %scan3A_382 : i32 to index
      %swap3A_421 = arith.constant 48 : index
      %swap3A_422 = tpu.vector_load %arg18[%swap3A_420, %swap3A_421] {strides = array<i32>} : memref<80x128xf32, #tpu.memory_space<vmem>>, vector<16xf32>,
      tpu.vector_store %arg18[%swap3A_420, %swap3A_421], %add3A_419 {strides = array<i32>} : memref<80x128xf32, #tpu.memory_space<vmem>>, vector<16xf32>,
      %get3A_423 = arith.index_cast %scan3A_382 : i32 to index
      %get3A_424 = arith.constant 64 : index
      %get3A_425 = tpu.vector_load %arg18[%get3A_423, %get3A_424] {strides = array<i32>} : memref<80x128xf32, #tpu.memory_space<vmem>>, vector<16xf32>,
      %get3A_426 = arith.index_cast %scan3A_382 : i32 to index
      %get3A_427 = arith.constant 64 : index
      %get3A_428 = tpu.vector_load %arg19[%get3A_426, %get3A_427] {strides = array<i32>} : memref<80x128xf32, #tpu.memory_space<vmem>>, vector<16xf32>,
      %add3A_429 = arith.addf %get3A_425, %get3A_428 : vector<16xf32>
      %swap3A_430 = arith.index_cast %scan3A_382 : i32 to index
      %swap3A_431 = arith.constant 64 : index
      %swap3A_432 = tpu.vector_load %arg18[%swap3A_430, %swap3A_431] {strides = array<i32>} : memref<80x128xf32, #tpu.memory_space<vmem>>, vector<16xf32>,
      tpu.vector_store %arg18[%swap3A_430, %swap3A_431], %add3A_429 {strides = array<i32>} : memref<80x128xf32, #tpu.memory_space<vmem>>, vector<16xf32>,
      %get3A_433 = arith.index_cast %scan3A_382 : i32 to index
      %get3A_434 = arith.constant 80 : index
      %get3A_435 = tpu.vector_load %arg18[%get3A_433, %get3A_434] {strides = array<i32>} : memref<80x128xf32, #tpu.memory_space<vmem>>, vector<16xf32>,
      %get3A_436 = arith.index_cast %scan3A_382 : i32 to index
      %get3A_437 = arith.constant 80 : index
      %get3A_438 = tpu.vector_load %arg19[%get3A_436, %get3A_437] {strides = array<i32>} : memref<80x128xf32, #tpu.memory_space<vmem>>, vector<16xf32>,
      %add3A_439 = arith.addf %get3A_435, %get3A_438 : vector<16xf32>
      %swap3A_440 = arith.index_cast %scan3A_382 : i32 to index
      %swap3A_441 = arith.constant 80 : index
      %swap3A_442 = tpu.vector_load %arg18[%swap3A_440, %swap3A_441] {strides = array<i32>} : memref<80x128xf32, #tpu.memory_space<vmem>>, vector<16xf32>,
      tpu.vector_store %arg18[%swap3A_440, %swap3A_441], %add3A_439 {strides = array<i32>} : memref<80x128xf32, #tpu.memory_space<vmem>>, vector<16xf32>,
      %get3A_443 = arith.index_cast %scan3A_382 : i32 to index
      %get3A_444 = arith.constant 96 : index
      %get3A_445 = tpu.vector_load %arg18[%get3A_443, %get3A_444] {strides = array<i32>} : memref<80x128xf32, #tpu.memory_space<vmem>>, vector<16xf32>,
      %get3A_446 = arith.index_cast %scan3A_382 : i32 to index
      %get3A_447 = arith.constant 96 : index
      %get3A_448 = tpu.vector_load %arg19[%get3A_446, %get3A_447] {strides = array<i32>} : memref<80x128xf32, #tpu.memory_space<vmem>>, vector<16xf32>,
      %add3A_449 = arith.addf %get3A_445, %get3A_448 : vector<16xf32>
      %swap3A_450 = arith.index_cast %scan3A_382 : i32 to index
      %swap3A_451 = arith.constant 96 : index
      %swap3A_452 = tpu.vector_load %arg18[%swap3A_450, %swap3A_451] {strides = array<i32>} : memref<80x128xf32, #tpu.memory_space<vmem>>, vector<16xf32>,
      tpu.vector_store %arg18[%swap3A_450, %swap3A_451], %add3A_449 {strides = array<i32>} : memref<80x128xf32, #tpu.memory_space<vmem>>, vector<16xf32>,
      %get3A_453 = arith.index_cast %scan3A_382 : i32 to index
      %get3A_454 = arith.constant 112 : index
      %get3A_455 = tpu.vector_load %arg18[%get3A_453, %get3A_454] {strides = array<i32>} : memref<80x128xf32, #tpu.memory_space<vmem>>, vector<16xf32>,
      %get3A_456 = arith.index_cast %scan3A_382 : i32 to index
      %get3A_457 = arith.constant 112 : index
      %get3A_458 = tpu.vector_load %arg19[%get3A_456, %get3A_457] {strides = array<i32>} : memref<80x128xf32, #tpu.memory_space<vmem>>, vector<16xf32>,
      %add3A_459 = arith.addf %get3A_455, %get3A_458 : vector<16xf32>
      %swap3A_460 = arith.index_cast %scan3A_382 : i32 to index
      %swap3A_461 = arith.constant 112 : index
      %swap3A_462 = tpu.vector_load %arg18[%swap3A_460, %swap3A_461] {strides = array<i32>} : memref<80x128xf32, #tpu.memory_space<vmem>>, vector<16xf32>,
      tpu.vector_store %arg18[%swap3A_460, %swap3A_461], %add3A_459 {strides = array<i32>} : memref<80x128xf32, #tpu.memory_space<vmem>>, vector<16xf32>,
    }
    %scan3A_355 = arith.constant 80 : i32
    %mul3A_356 = arith.constant 4000 : i32
    %mul3A_357 = arith.muli %add3A, %mul3A_356 : i32
    %add3A_358 = arith.constant 3920 : i32
    %add3A_359 = arith.addi %mul3A_357, %add3A_358 : i32
    %dma_start3A_360 = arith.constant 0 : i32
    %dma_start3A_361 = tpu.memref_slice %arg9[%add3A_359, %dma_start3A_360] : memref<128000x128xf32, #tpu.memory_space<hbm>> -> memref<80x128xf32, #tpu.memory_space<hbm>>
    %dma_start3A_362 = arith.constant 0 : i32
    %dma_start3A_363 = tpu.memref_slice %arg9[%add3A_359, %dma_start3A_362] : memref<128000x128xf32, #tpu.memory_space<hbm>> -> memref<80x128xf32, #tpu.memory_space<hbm>>
    tpu.enqueue_dma source(%arg18 : memref<80x128xf32, #tpu.memory_space<vmem>>) target(%dma_start3A_363 : memref<80x128xf32, #tpu.memory_space<hbm>>) target_semaphore(%arg27 : memref<!tpu.dma_semaphore, #tpu.memory_space<semaphore_mem>>)
    %mul3A_364 = arith.constant 4000 : i32
    %mul3A_365 = arith.muli %add3A, %mul3A_364 : i32
    %add3A_366 = arith.constant 3840 : i32
    %add3A_367 = arith.addi %mul3A_365, %add3A_366 : i32
    %dma_wait3A_368 = arith.constant 0 : i32
    %dma_wait3A_369 = tpu.memref_slice %arg9[%add3A_367, %dma_wait3A_368] : memref<128000x128xf32, #tpu.memory_space<hbm>> -> memref<80x128xf32, #tpu.memory_space<hbm>>
    %dma_wait3A_370 = arith.constant 0 : i32
    %dma_wait3A_371 = tpu.memref_slice %arg9[%add3A_367, %dma_wait3A_370] : memref<128000x128xf32, #tpu.memory_space<hbm>> -> memref<80x128xf32, #tpu.memory_space<hbm>>
    tpu.wait_dma2 semaphore(%arg25 : memref<!tpu.dma_semaphore, #tpu.memory_space<semaphore_mem>>) src(%arg16 : memref<80x128xf32, #tpu.memory_space<vmem>>) dst(%dma_wait3A_371 : memref<80x128xf32, #tpu.memory_space<hbm>>)
    %mul3A_372 = arith.constant 4000 : i32
    %mul3A_373 = arith.muli %add3A, %mul3A_372 : i32
    %add3A_374 = arith.constant 3920 : i32
    %add3A_375 = arith.addi %mul3A_373, %add3A_374 : i32
    %dma_wait3A_376 = arith.constant 0 : i32
    %dma_wait3A_377 = tpu.memref_slice %arg9[%add3A_375, %dma_wait3A_376] : memref<128000x128xf32, #tpu.memory_space<hbm>> -> memref<80x128xf32, #tpu.memory_space<hbm>>
    %dma_wait3A_378 = arith.constant 0 : i32
    %dma_wait3A_379 = tpu.memref_slice %arg9[%add3A_375, %dma_wait3A_378] : memref<128000x128xf32, #tpu.memory_space<hbm>> -> memref<80x128xf32, #tpu.memory_space<hbm>>
    tpu.wait_dma2 semaphore(%arg27 : memref<!tpu.dma_semaphore, #tpu.memory_space<semaphore_mem>>) src(%arg18 : memref<80x128xf32, #tpu.memory_space<vmem>>) dst(%dma_wait3A_379 : memref<80x128xf32, #tpu.memory_space<hbm>>)
    %mul3A_380 = arith.constant 2 : i32
    %mul3A_381 = arith.muli %add3A, %mul3A_380 : i32
    "tpu.region"() ({
      %run_scoped3A = tpu.sem_alloc : memref<!tpu.dma_semaphore, #tpu.memory_space<semaphore_mem>>
      %dma_start3A_382 = arith.constant 0 : i32
      %dma_start3A_383 = arith.constant 0 : i32
      %dma_start3A_384 = tpu.memref_slice %arg10[%mul3A_381, %dma_start3A_382, %dma_start3A_383] : memref<64x1x2000xf32, #tpu.memory_space<hbm>> -> memref<2x1x2000xf32, #tpu.memory_space<hbm>>
      %dma_start3A_385 = arith.constant 0 : i32
      %dma_start3A_386 = arith.constant 0 : i32
      %dma_start3A_387 = tpu.memref_slice %arg10[%mul3A_381, %dma_start3A_385, %dma_start3A_386] : memref<64x1x2000xf32, #tpu.memory_space<hbm>> -> memref<2x1x2000xf32, #tpu.memory_space<hbm>>
      tpu.enqueue_dma source(%arg20 : memref<2x1x2000xf32, #tpu.memory_space<vmem>>) target(%dma_start3A_387 : memref<2x1x2000xf32, #tpu.memory_space<hbm>>) target_semaphore(%run_scoped3A : memref<!tpu.dma_semaphore, #tpu.memory_space<semaphore_mem>>)
      %dma_wait3A_388 = arith.constant 0 : i32
      %dma_wait3A_389 = arith.constant 0 : i32
      %dma_wait3A_390 = tpu.memref_slice %arg10[%mul3A_381, %dma_wait3A_388, %dma_wait3A_389] : memref<64x1x2000xf32, #tpu.memory_space<hbm>> -> memref<2x1x2000xf32, #tpu.memory_space<hbm>>
      %dma_wait3A_391 = arith.constant 0 : i32
      %dma_wait3A_392 = arith.constant 0 : i32
      %dma_wait3A_393 = tpu.memref_slice %arg10[%mul3A_381, %dma_wait3A_391, %dma_wait3A_392] : memref<64x1x2000xf32, #tpu.memory_space<hbm>> -> memref<2x1x2000xf32, #tpu.memory_space<hbm>>
      tpu.wait_dma2 semaphore(%run_scoped3A : memref<!tpu.dma_semaphore, #tpu.memory_space<semaphore_mem>>) src(%arg20 : memref<2x1x2000xf32, #tpu.memory_space<vmem>>) dst(%dma_wait3A_393 : memref<2x1x2000xf32, #tpu.memory_space<hbm>>)
      tpu.yield
    }) : () -> ()
    return
  }
}

module attributes {stable_mosaic.version = 14 : i64} {
  func.func @_prep_body(%arg0: i32, %arg1: memref<2000x128xf32, #tpu.memory_space<vmem>>, %arg2: memref<128x128xf32, #tpu.memory_space<vmem>>, %arg3: memref<128x128xf32, #tpu.memory_space<vmem>>, %arg4: memref<128x128xf32, #tpu.memory_space<vmem>>, %arg5: memref<1x128xf32, #tpu.memory_space<vmem>>, %arg6: memref<2000x128xf32, #tpu.memory_space<vmem>>, %arg7: memref<2000x128xf32, #tpu.memory_space<vmem>>, %arg8: memref<2000x128xf32, #tpu.memory_space<vmem>>) attributes {dimension_semantics = [#tpu.dimension_semantics<arbitrary>], iteration_bounds = array<i64: 5>, scalar_prefetch = 0 : i64, scratch_operands = 0 : i64, tpu.core_type = #tpu.core_type<tc>, window_params = [{transform_indices = @transform_0, window_bounds = array<i64: 2000, 128>}, {pipeline_mode = #tpu.pipeline_mode<synchronous>, transform_indices = @transform_1, window_bounds = array<i64: 128, 128>}, {pipeline_mode = #tpu.pipeline_mode<synchronous>, transform_indices = @transform_2, window_bounds = array<i64: 128, 128>}, {pipeline_mode = #tpu.pipeline_mode<synchronous>, transform_indices = @transform_3, window_bounds = array<i64: 128, 128>}, {pipeline_mode = #tpu.pipeline_mode<synchronous>, transform_indices = @transform_4, window_bounds = array<i64: 1, 128>}, {transform_indices = @transform_5, window_bounds = array<i64: 2000, 128>}, {transform_indices = @transform_6, window_bounds = array<i64: 2000, 128>}, {transform_indices = @transform_7, window_bounds = array<i64: 2000, 128>}]} {
    %get3A = arith.constant 0 : index
    %get3A_0 = arith.constant 0 : index
    %get3A_1 = vector.load %arg1[%get3A, %get3A_0] : memref<2000x128xf32, #tpu.memory_space<vmem>>, vector<2000x128xf32>
    %get3A_2 = arith.constant 0 : index
    %get3A_3 = arith.constant 0 : index
    %get3A_4 = vector.load %arg2[%get3A_2, %get3A_3] : memref<128x128xf32, #tpu.memory_space<vmem>>, vector<128x128xf32>
    %dot_general3A = arith.constant dense<0.000000e+00> : vector<2000x128xf32>
    %dot_general3A_5 = tpu.matmul %get3A_1, %get3A_4, %dot_general3A {dimension_numbers = #tpu.dot_dimension_numbers<[1], [0], [0], [1], [0, 0, 1, 1], [], []>, transpose_lhs_hint = false} : vector<2000x128xf32>, vector<128x128xf32>, vector<2000x128xf32> -> vector<2000x128xf32>
    %swap3A = arith.constant 0 : index
    %swap3A_6 = arith.constant 0 : index
    %swap3A_7 = vector.load %arg6[%swap3A, %swap3A_6] : memref<2000x128xf32, #tpu.memory_space<vmem>>, vector<2000x128xf32>
    tpu.vector_store %arg6[%swap3A, %swap3A_6], %dot_general3A_5 {strides = array<i32>} : memref<2000x128xf32, #tpu.memory_space<vmem>>, vector<2000x128xf32>,
    %get3A_8 = arith.constant 0 : index
    %get3A_9 = arith.constant 0 : index
    %get3A_10 = vector.load %arg3[%get3A_8, %get3A_9] : memref<128x128xf32, #tpu.memory_space<vmem>>, vector<128x128xf32>
    %dot_general3A_11 = arith.constant dense<0.000000e+00> : vector<2000x128xf32>
    %dot_general3A_12 = tpu.matmul %dot_general3A_5, %get3A_10, %dot_general3A_11 {dimension_numbers = #tpu.dot_dimension_numbers<[1], [0], [0], [1], [0, 0, 1, 1], [], []>, transpose_lhs_hint = false} : vector<2000x128xf32>, vector<128x128xf32>, vector<2000x128xf32> -> vector<2000x128xf32>
    %get3A_13 = arith.constant 0 : index
    %get3A_14 = arith.constant 0 : index
    %get3A_15 = vector.load %arg5[%get3A_13, %get3A_14] : memref<1x128xf32, #tpu.memory_space<vmem>>, vector<1x128xf32>
    %add3A = vector.broadcast %get3A_15 : vector<1x128xf32> to vector<2000x128xf32>
    %add3A_16 = arith.addf %dot_general3A_12, %add3A : vector<2000x128xf32>
    %swap3A_17 = arith.constant 0 : index
    %swap3A_18 = arith.constant 0 : index
    %swap3A_19 = vector.load %arg7[%swap3A_17, %swap3A_18] : memref<2000x128xf32, #tpu.memory_space<vmem>>, vector<2000x128xf32>
    tpu.vector_store %arg7[%swap3A_17, %swap3A_18], %add3A_16 {strides = array<i32>} : memref<2000x128xf32, #tpu.memory_space<vmem>>, vector<2000x128xf32>,
    %get3A_20 = arith.constant 0 : index
    %get3A_21 = arith.constant 0 : index
    %get3A_22 = vector.load %arg4[%get3A_20, %get3A_21] : memref<128x128xf32, #tpu.memory_space<vmem>>, vector<128x128xf32>
    %dot_general3A_23 = arith.constant dense<0.000000e+00> : vector<2000x128xf32>
    %dot_general3A_24 = tpu.matmul %dot_general3A_5, %get3A_22, %dot_general3A_23 {dimension_numbers = #tpu.dot_dimension_numbers<[1], [0], [0], [1], [0, 0, 1, 1], [], []>, transpose_lhs_hint = false} : vector<2000x128xf32>, vector<128x128xf32>, vector<2000x128xf32> -> vector<2000x128xf32>
    %swap3A_25 = arith.constant 0 : index
    %swap3A_26 = arith.constant 0 : index
    %swap3A_27 = vector.load %arg8[%swap3A_25, %swap3A_26] : memref<2000x128xf32, #tpu.memory_space<vmem>>, vector<2000x128xf32>
    tpu.vector_store %arg8[%swap3A_25, %swap3A_26], %dot_general3A_24 {strides = array<i32>} : memref<2000x128xf32, #tpu.memory_space<vmem>>, vector<2000x128xf32>,
    return
  }
  func.func @transform_0(%arg0: i32) -> (i32, i32) {
    %c0_i32 = arith.constant 0 : i32
    %c0_i32_0 = arith.constant 0 : i32
    return %arg0, %c0_i32 : i32, i32
  }
  func.func @transform_1(%arg0: i32) -> (i32, i32) {
    %c0_i32 = arith.constant 0 : i32
    %c0_i32_0 = arith.constant 0 : i32
    %c0_i32_1 = arith.constant 0 : i32
    return %c0_i32, %c0_i32_0 : i32, i32
  }
  func.func @transform_2(%arg0: i32) -> (i32, i32) {
    %c0_i32 = arith.constant 0 : i32
    %c0_i32_0 = arith.constant 0 : i32
    %c0_i32_1 = arith.constant 0 : i32
    return %c0_i32, %c0_i32_0 : i32, i32
  }
  func.func @transform_3(%arg0: i32) -> (i32, i32) {
    %c0_i32 = arith.constant 0 : i32
    %c0_i32_0 = arith.constant 0 : i32
    %c0_i32_1 = arith.constant 0 : i32
    return %c0_i32, %c0_i32_0 : i32, i32
  }
  func.func @transform_4(%arg0: i32) -> (i32, i32) {
    %c0_i32 = arith.constant 0 : i32
    %c0_i32_0 = arith.constant 0 : i32
    %c0_i32_1 = arith.constant 0 : i32
    return %c0_i32, %c0_i32_0 : i32, i32
  }
  func.func @transform_5(%arg0: i32) -> (i32, i32) {
    %c0_i32 = arith.constant 0 : i32
    %c0_i32_0 = arith.constant 0 : i32
    return %arg0, %c0_i32 : i32, i32
  }
  func.func @transform_6(%arg0: i32) -> (i32, i32) {
    %c0_i32 = arith.constant 0 : i32
    %c0_i32_0 = arith.constant 0 : i32
    return %arg0, %c0_i32 : i32, i32
  }
  func.func @transform_7(%arg0: i32) -> (i32, i32) {
    %c0_i32 = arith.constant 0 : i32
    %c0_i32_0 = arith.constant 0 : i32
    return %arg0, %c0_i32 : i32, i32
  }
}

module attributes {stable_mosaic.version = 14 : i64} {
  func.func @_edge_body(%arg0: i32, %arg1: memref<2000x128xf32, #tpu.memory_space<vmem>>, %arg2: memref<1x1x2000xf32, #tpu.memory_space<vmem>>, %arg3: memref<1x128xf32, #tpu.memory_space<vmem>>, %arg4: memref<128x128xf32, #tpu.memory_space<vmem>>, %arg5: memref<1x128xf32, #tpu.memory_space<vmem>>, %arg6: memref<2000x128xf32, #tpu.memory_space<vmem>>) attributes {dimension_semantics = [#tpu.dimension_semantics<arbitrary>], iteration_bounds = array<i64: 64>, scalar_prefetch = 0 : i64, scratch_operands = 0 : i64, tpu.core_type = #tpu.core_type<tc>, window_params = [{transform_indices = @transform_0, window_bounds = array<i64: 2000, 128>}, {transform_indices = @transform_1, window_bounds = array<i64: 1, 1, 2000>}, {pipeline_mode = #tpu.pipeline_mode<synchronous>, transform_indices = @transform_2, window_bounds = array<i64: 1, 128>}, {pipeline_mode = #tpu.pipeline_mode<synchronous>, transform_indices = @transform_3, window_bounds = array<i64: 128, 128>}, {pipeline_mode = #tpu.pipeline_mode<synchronous>, transform_indices = @transform_4, window_bounds = array<i64: 1, 128>}, {transform_indices = @transform_5, window_bounds = array<i64: 2000, 128>}]} {
    %get3A = arith.constant 0 : index
    %get3A_0 = arith.constant 0 : index
    %get3A_1 = arith.constant 0 : index
    %get3A_2 = vector.load %arg2[%get3A, %get3A_0, %get3A_1] : memref<1x1x2000xf32, #tpu.memory_space<vmem>>, vector<1x1x2000xf32>
    %get3A_3 = vector.shape_cast %get3A_2 : vector<1x1x2000xf32> to vector<1x2000xf32>
    %get3A_4 = arith.constant 0 : index
    %get3A_5 = arith.constant 0 : index
    %get3A_6 = vector.load %arg3[%get3A_4, %get3A_5] : memref<1x128xf32, #tpu.memory_space<vmem>>, vector<1x128xf32>
    %dot_general3A = arith.constant dense<0.000000e+00> : vector<2000x128xf32>
    %dot_general3A_7 = tpu.matmul %get3A_3, %get3A_6, %dot_general3A {dimension_numbers = #tpu.dot_dimension_numbers<[0], [0], [1], [1], [0, 1, 1, 1], [], []>, transpose_lhs_hint = false} : vector<1x2000xf32>, vector<1x128xf32>, vector<2000x128xf32> -> vector<2000x128xf32>
    %get3A_8 = arith.constant 0 : index
    %get3A_9 = arith.constant 0 : index
    %get3A_10 = vector.load %arg1[%get3A_8, %get3A_9] : memref<2000x128xf32, #tpu.memory_space<vmem>>, vector<2000x128xf32>
    %add3A = arith.addf %get3A_10, %dot_general3A_7 : vector<2000x128xf32>
    %logistic3A = arith.negf %add3A : vector<2000x128xf32>
    %logistic3A_11 = math.exp %logistic3A : vector<2000x128xf32>
    %logistic3A_12 = arith.constant 1.000000e+00 : f32
    %logistic3A_13 = vector.broadcast %logistic3A_12 : f32 to vector<2000x128xf32>
    %logistic3A_14 = arith.addf %logistic3A_13, %logistic3A_11 : vector<2000x128xf32>
    %logistic3A_15 = arith.divf %logistic3A_13, %logistic3A_14 : vector<2000x128xf32>
    %mul3A = arith.mulf %add3A, %logistic3A_15 : vector<2000x128xf32>
    %get3A_16 = arith.constant 0 : index
    %get3A_17 = arith.constant 0 : index
    %get3A_18 = vector.load %arg4[%get3A_16, %get3A_17] : memref<128x128xf32, #tpu.memory_space<vmem>>, vector<128x128xf32>
    %dot_general3A_19 = arith.constant dense<0.000000e+00> : vector<2000x128xf32>
    %dot_general3A_20 = tpu.matmul %mul3A, %get3A_18, %dot_general3A_19 {dimension_numbers = #tpu.dot_dimension_numbers<[1], [0], [0], [1], [0, 0, 1, 1], [], []>, transpose_lhs_hint = false} : vector<2000x128xf32>, vector<128x128xf32>, vector<2000x128xf32> -> vector<2000x128xf32>
    %get3A_21 = arith.constant 0 : index
    %get3A_22 = arith.constant 0 : index
    %get3A_23 = vector.load %arg5[%get3A_21, %get3A_22] : memref<1x128xf32, #tpu.memory_space<vmem>>, vector<1x128xf32>
    %add3A_24 = vector.broadcast %get3A_23 : vector<1x128xf32> to vector<2000x128xf32>
    %add3A_25 = arith.addf %dot_general3A_20, %add3A_24 : vector<2000x128xf32>
    %logistic3A_26 = arith.negf %add3A_25 : vector<2000x128xf32>
    %logistic3A_27 = math.exp %logistic3A_26 : vector<2000x128xf32>
    %logistic3A_28 = arith.constant 1.000000e+00 : f32
    %logistic3A_29 = vector.broadcast %logistic3A_28 : f32 to vector<2000x128xf32>
    %logistic3A_30 = arith.addf %logistic3A_29, %logistic3A_27 : vector<2000x128xf32>
    %logistic3A_31 = arith.divf %logistic3A_29, %logistic3A_30 : vector<2000x128xf32>
    %mul3A_32 = arith.mulf %add3A_25, %logistic3A_31 : vector<2000x128xf32>
    %swap3A = arith.constant 0 : index
    %swap3A_33 = arith.constant 0 : index
    %swap3A_34 = vector.load %arg6[%swap3A, %swap3A_33] : memref<2000x128xf32, #tpu.memory_space<vmem>>, vector<2000x128xf32>
    tpu.vector_store %arg6[%swap3A, %swap3A_33], %mul3A_32 {strides = array<i32>} : memref<2000x128xf32, #tpu.memory_space<vmem>>, vector<2000x128xf32>,
    return
  }
  func.func @transform_0(%arg0: i32) -> (i32, i32) {
    %c0_i32 = arith.constant 0 : i32
    %c0_i32_0 = arith.constant 0 : i32
    return %arg0, %c0_i32 : i32, i32
  }
  func.func @transform_1(%arg0: i32) -> (i32, i32, i32) {
    %c0_i32 = arith.constant 0 : i32
    %c0_i32_0 = arith.constant 0 : i32
    %c0_i32_1 = arith.constant 0 : i32
    return %arg0, %c0_i32, %c0_i32_0 : i32, i32, i32
  }
  func.func @transform_2(%arg0: i32) -> (i32, i32) {
    %c0_i32 = arith.constant 0 : i32
    %c0_i32_0 = arith.constant 0 : i32
    %c0_i32_1 = arith.constant 0 : i32
    return %c0_i32, %c0_i32_0 : i32, i32
  }
  func.func @transform_3(%arg0: i32) -> (i32, i32) {
    %c0_i32 = arith.constant 0 : i32
    %c0_i32_0 = arith.constant 0 : i32
    %c0_i32_1 = arith.constant 0 : i32
    return %c0_i32, %c0_i32_0 : i32, i32
  }
  func.func @transform_4(%arg0: i32) -> (i32, i32) {
    %c0_i32 = arith.constant 0 : i32
    %c0_i32_0 = arith.constant 0 : i32
    %c0_i32_1 = arith.constant 0 : i32
    return %c0_i32, %c0_i32_0 : i32, i32
  }
  func.func @transform_5(%arg0: i32) -> (i32, i32) {
    %c0_i32 = arith.constant 0 : i32
    %c0_i32_0 = arith.constant 0 : i32
    return %arg0, %c0_i32 : i32, i32
  }
}

module attributes {stable_mosaic.version = 14 : i64} {
  func.func @_edge_body(%arg0: i32, %arg1: memref<2000x128xf32, #tpu.memory_space<vmem>>, %arg2: memref<1x1x2000xf32, #tpu.memory_space<vmem>>, %arg3: memref<1x128xf32, #tpu.memory_space<vmem>>, %arg4: memref<128x128xf32, #tpu.memory_space<vmem>>, %arg5: memref<1x128xf32, #tpu.memory_space<vmem>>, %arg6: memref<2000x128xf32, #tpu.memory_space<vmem>>) attributes {dimension_semantics = [#tpu.dimension_semantics<arbitrary>], iteration_bounds = array<i64: 96>, scalar_prefetch = 0 : i64, scratch_operands = 0 : i64, tpu.core_type = #tpu.core_type<tc>, window_params = [{transform_indices = @transform_0, window_bounds = array<i64: 2000, 128>}, {transform_indices = @transform_1, window_bounds = array<i64: 1, 1, 2000>}, {pipeline_mode = #tpu.pipeline_mode<synchronous>, transform_indices = @transform_2, window_bounds = array<i64: 1, 128>}, {pipeline_mode = #tpu.pipeline_mode<synchronous>, transform_indices = @transform_3, window_bounds = array<i64: 128, 128>}, {pipeline_mode = #tpu.pipeline_mode<synchronous>, transform_indices = @transform_4, window_bounds = array<i64: 1, 128>}, {transform_indices = @transform_5, window_bounds = array<i64: 2000, 128>}]} {
    %get3A = arith.constant 0 : index
    %get3A_0 = arith.constant 0 : index
    %get3A_1 = arith.constant 0 : index
    %get3A_2 = vector.load %arg2[%get3A, %get3A_0, %get3A_1] : memref<1x1x2000xf32, #tpu.memory_space<vmem>>, vector<1x1x2000xf32>
    %get3A_3 = vector.shape_cast %get3A_2 : vector<1x1x2000xf32> to vector<1x2000xf32>
    %get3A_4 = arith.constant 0 : index
    %get3A_5 = arith.constant 0 : index
    %get3A_6 = vector.load %arg3[%get3A_4, %get3A_5] : memref<1x128xf32, #tpu.memory_space<vmem>>, vector<1x128xf32>
    %dot_general3A = arith.constant dense<0.000000e+00> : vector<2000x128xf32>
    %dot_general3A_7 = tpu.matmul %get3A_3, %get3A_6, %dot_general3A {dimension_numbers = #tpu.dot_dimension_numbers<[0], [0], [1], [1], [0, 1, 1, 1], [], []>, transpose_lhs_hint = false} : vector<1x2000xf32>, vector<1x128xf32>, vector<2000x128xf32> -> vector<2000x128xf32>
    %get3A_8 = arith.constant 0 : index
    %get3A_9 = arith.constant 0 : index
    %get3A_10 = vector.load %arg1[%get3A_8, %get3A_9] : memref<2000x128xf32, #tpu.memory_space<vmem>>, vector<2000x128xf32>
    %add3A = arith.addf %get3A_10, %dot_general3A_7 : vector<2000x128xf32>
    %logistic3A = arith.negf %add3A : vector<2000x128xf32>
    %logistic3A_11 = math.exp %logistic3A : vector<2000x128xf32>
    %logistic3A_12 = arith.constant 1.000000e+00 : f32
    %logistic3A_13 = vector.broadcast %logistic3A_12 : f32 to vector<2000x128xf32>
    %logistic3A_14 = arith.addf %logistic3A_13, %logistic3A_11 : vector<2000x128xf32>
    %logistic3A_15 = arith.divf %logistic3A_13, %logistic3A_14 : vector<2000x128xf32>
    %mul3A = arith.mulf %add3A, %logistic3A_15 : vector<2000x128xf32>
    %get3A_16 = arith.constant 0 : index
    %get3A_17 = arith.constant 0 : index
    %get3A_18 = vector.load %arg4[%get3A_16, %get3A_17] : memref<128x128xf32, #tpu.memory_space<vmem>>, vector<128x128xf32>
    %dot_general3A_19 = arith.constant dense<0.000000e+00> : vector<2000x128xf32>
    %dot_general3A_20 = tpu.matmul %mul3A, %get3A_18, %dot_general3A_19 {dimension_numbers = #tpu.dot_dimension_numbers<[1], [0], [0], [1], [0, 0, 1, 1], [], []>, transpose_lhs_hint = false} : vector<2000x128xf32>, vector<128x128xf32>, vector<2000x128xf32> -> vector<2000x128xf32>
    %get3A_21 = arith.constant 0 : index
    %get3A_22 = arith.constant 0 : index
    %get3A_23 = vector.load %arg5[%get3A_21, %get3A_22] : memref<1x128xf32, #tpu.memory_space<vmem>>, vector<1x128xf32>
    %add3A_24 = vector.broadcast %get3A_23 : vector<1x128xf32> to vector<2000x128xf32>
    %add3A_25 = arith.addf %dot_general3A_20, %add3A_24 : vector<2000x128xf32>
    %logistic3A_26 = arith.negf %add3A_25 : vector<2000x128xf32>
    %logistic3A_27 = math.exp %logistic3A_26 : vector<2000x128xf32>
    %logistic3A_28 = arith.constant 1.000000e+00 : f32
    %logistic3A_29 = vector.broadcast %logistic3A_28 : f32 to vector<2000x128xf32>
    %logistic3A_30 = arith.addf %logistic3A_29, %logistic3A_27 : vector<2000x128xf32>
    %logistic3A_31 = arith.divf %logistic3A_29, %logistic3A_30 : vector<2000x128xf32>
    %mul3A_32 = arith.mulf %add3A_25, %logistic3A_31 : vector<2000x128xf32>
    %swap3A = arith.constant 0 : index
    %swap3A_33 = arith.constant 0 : index
    %swap3A_34 = vector.load %arg6[%swap3A, %swap3A_33] : memref<2000x128xf32, #tpu.memory_space<vmem>>, vector<2000x128xf32>
    tpu.vector_store %arg6[%swap3A, %swap3A_33], %mul3A_32 {strides = array<i32>} : memref<2000x128xf32, #tpu.memory_space<vmem>>, vector<2000x128xf32>,
    return
  }
  func.func @transform_0(%arg0: i32) -> (i32, i32) {
    %c0_i32 = arith.constant 0 : i32
    %c0_i32_0 = arith.constant 0 : i32
    return %arg0, %c0_i32 : i32, i32
  }
  func.func @transform_1(%arg0: i32) -> (i32, i32, i32) {
    %c0_i32 = arith.constant 0 : i32
    %c0_i32_0 = arith.constant 0 : i32
    %c0_i32_1 = arith.constant 0 : i32
    return %arg0, %c0_i32, %c0_i32_0 : i32, i32, i32
  }
  func.func @transform_2(%arg0: i32) -> (i32, i32) {
    %c0_i32 = arith.constant 0 : i32
    %c0_i32_0 = arith.constant 0 : i32
    %c0_i32_1 = arith.constant 0 : i32
    return %c0_i32, %c0_i32_0 : i32, i32
  }
  func.func @transform_3(%arg0: i32) -> (i32, i32) {
    %c0_i32 = arith.constant 0 : i32
    %c0_i32_0 = arith.constant 0 : i32
    %c0_i32_1 = arith.constant 0 : i32
    return %c0_i32, %c0_i32_0 : i32, i32
  }
  func.func @transform_4(%arg0: i32) -> (i32, i32) {
    %c0_i32 = arith.constant 0 : i32
    %c0_i32_0 = arith.constant 0 : i32
    %c0_i32_1 = arith.constant 0 : i32
    return %c0_i32, %c0_i32_0 : i32, i32
  }
  func.func @transform_5(%arg0: i32) -> (i32, i32) {
    %c0_i32 = arith.constant 0 : i32
    %c0_i32_0 = arith.constant 0 : i32
    return %arg0, %c0_i32 : i32, i32
  }
}

module attributes {stable_mosaic.version = 14 : i64} {
  func.func @_node_body(%arg0: i32, %arg1: memref<2000x128xf32, #tpu.memory_space<vmem>>, %arg2: memref<2x2000x128xf32, #tpu.memory_space<vmem>>, %arg3: memref<2x2000x128xf32, #tpu.memory_space<vmem>>, %arg4: memref<128x128xf32, #tpu.memory_space<vmem>>, %arg5: memref<128x128xf32, #tpu.memory_space<vmem>>, %arg6: memref<1x128xf32, #tpu.memory_space<vmem>>, %arg7: memref<128x128xf32, #tpu.memory_space<vmem>>, %arg8: memref<2000x128xf32, #tpu.memory_space<vmem>>) attributes {dimension_semantics = [#tpu.dimension_semantics<arbitrary>], iteration_bounds = array<i64: 5>, scalar_prefetch = 0 : i64, scratch_operands = 0 : i64, tpu.core_type = #tpu.core_type<tc>, window_params = [{transform_indices = @transform_0, window_bounds = array<i64: 2000, 128>}, {transform_indices = @transform_1, window_bounds = array<i64: 2, 2000, 128>}, {transform_indices = @transform_2, window_bounds = array<i64: 2, 2000, 128>}, {pipeline_mode = #tpu.pipeline_mode<synchronous>, transform_indices = @transform_3, window_bounds = array<i64: 128, 128>}, {pipeline_mode = #tpu.pipeline_mode<synchronous>, transform_indices = @transform_4, window_bounds = array<i64: 128, 128>}, {pipeline_mode = #tpu.pipeline_mode<synchronous>, transform_indices = @transform_5, window_bounds = array<i64: 1, 128>}, {pipeline_mode = #tpu.pipeline_mode<synchronous>, transform_indices = @transform_6, window_bounds = array<i64: 128, 128>}, {transform_indices = @transform_7, window_bounds = array<i64: 2000, 128>}]} {
    %get3A = arith.constant 0 : index
    %get3A_0 = arith.constant 0 : index
    %get3A_1 = arith.constant 0 : index
    %get3A_2 = vector.load %arg2[%get3A, %get3A_0, %get3A_1] : memref<2x2000x128xf32, #tpu.memory_space<vmem>>, vector<1x2000x128xf32>
    %get3A_3 = vector.shape_cast %get3A_2 : vector<1x2000x128xf32> to vector<2000x128xf32>
    %get3A_4 = arith.constant 1 : index
    %get3A_5 = arith.constant 0 : index
    %get3A_6 = arith.constant 0 : index
    %get3A_7 = vector.load %arg2[%get3A_4, %get3A_5, %get3A_6] : memref<2x2000x128xf32, #tpu.memory_space<vmem>>, vector<1x2000x128xf32>
    %get3A_8 = vector.shape_cast %get3A_7 : vector<1x2000x128xf32> to vector<2000x128xf32>
    %add3A = arith.addf %get3A_3, %get3A_8 : vector<2000x128xf32>
    %get3A_9 = arith.constant 0 : index
    %get3A_10 = arith.constant 0 : index
    %get3A_11 = arith.constant 0 : index
    %get3A_12 = vector.load %arg3[%get3A_9, %get3A_10, %get3A_11] : memref<2x2000x128xf32, #tpu.memory_space<vmem>>, vector<1x2000x128xf32>
    %get3A_13 = vector.shape_cast %get3A_12 : vector<1x2000x128xf32> to vector<2000x128xf32>
    %add3A_14 = arith.addf %add3A, %get3A_13 : vector<2000x128xf32>
    %get3A_15 = arith.constant 1 : index
    %get3A_16 = arith.constant 0 : index
    %get3A_17 = arith.constant 0 : index
    %get3A_18 = vector.load %arg3[%get3A_15, %get3A_16, %get3A_17] : memref<2x2000x128xf32, #tpu.memory_space<vmem>>, vector<1x2000x128xf32>
    %get3A_19 = vector.shape_cast %get3A_18 : vector<1x2000x128xf32> to vector<2000x128xf32>
    %add3A_20 = arith.addf %add3A_14, %get3A_19 : vector<2000x128xf32>
    %get3A_21 = arith.constant 0 : index
    %get3A_22 = arith.constant 0 : index
    %get3A_23 = vector.load %arg1[%get3A_21, %get3A_22] : memref<2000x128xf32, #tpu.memory_space<vmem>>, vector<2000x128xf32>
    %get3A_24 = arith.constant 0 : index
    %get3A_25 = arith.constant 0 : index
    %get3A_26 = vector.load %arg4[%get3A_24, %get3A_25] : memref<128x128xf32, #tpu.memory_space<vmem>>, vector<128x128xf32>
    %dot_general3A = arith.constant dense<0.000000e+00> : vector<2000x128xf32>
    %dot_general3A_27 = tpu.matmul %get3A_23, %get3A_26, %dot_general3A {dimension_numbers = #tpu.dot_dimension_numbers<[1], [0], [0], [1], [0, 0, 1, 1], [], []>, transpose_lhs_hint = false} : vector<2000x128xf32>, vector<128x128xf32>, vector<2000x128xf32> -> vector<2000x128xf32>
    %get3A_28 = arith.constant 0 : index
    %get3A_29 = arith.constant 0 : index
    %get3A_30 = vector.load %arg5[%get3A_28, %get3A_29] : memref<128x128xf32, #tpu.memory_space<vmem>>, vector<128x128xf32>
    %dot_general3A_31 = arith.constant dense<0.000000e+00> : vector<2000x128xf32>
    %dot_general3A_32 = tpu.matmul %add3A_20, %get3A_30, %dot_general3A_31 {dimension_numbers = #tpu.dot_dimension_numbers<[1], [0], [0], [1], [0, 0, 1, 1], [], []>, transpose_lhs_hint = false} : vector<2000x128xf32>, vector<128x128xf32>, vector<2000x128xf32> -> vector<2000x128xf32>
    %add3A_33 = arith.addf %dot_general3A_27, %dot_general3A_32 : vector<2000x128xf32>
    %get3A_34 = arith.constant 0 : index
    %get3A_35 = arith.constant 0 : index
    %get3A_36 = vector.load %arg6[%get3A_34, %get3A_35] : memref<1x128xf32, #tpu.memory_space<vmem>>, vector<1x128xf32>
    %add3A_37 = vector.broadcast %get3A_36 : vector<1x128xf32> to vector<2000x128xf32>
    %add3A_38 = arith.addf %add3A_33, %add3A_37 : vector<2000x128xf32>
    %get3A_39 = arith.constant 0 : index
    %get3A_40 = arith.constant 0 : index
    %get3A_41 = vector.load %arg7[%get3A_39, %get3A_40] : memref<128x128xf32, #tpu.memory_space<vmem>>, vector<128x128xf32>
    %dot_general3A_42 = arith.constant dense<0.000000e+00> : vector<2000x128xf32>
    %dot_general3A_43 = tpu.matmul %add3A_38, %get3A_41, %dot_general3A_42 {dimension_numbers = #tpu.dot_dimension_numbers<[1], [0], [0], [1], [0, 0, 1, 1], [], []>, transpose_lhs_hint = false} : vector<2000x128xf32>, vector<128x128xf32>, vector<2000x128xf32> -> vector<2000x128xf32>
    %swap3A = arith.constant 0 : index
    %swap3A_44 = arith.constant 0 : index
    %swap3A_45 = vector.load %arg8[%swap3A, %swap3A_44] : memref<2000x128xf32, #tpu.memory_space<vmem>>, vector<2000x128xf32>
    tpu.vector_store %arg8[%swap3A, %swap3A_44], %dot_general3A_43 {strides = array<i32>} : memref<2000x128xf32, #tpu.memory_space<vmem>>, vector<2000x128xf32>,
    return
  }
  func.func @transform_0(%arg0: i32) -> (i32, i32) {
    %c0_i32 = arith.constant 0 : i32
    %c0_i32_0 = arith.constant 0 : i32
    return %arg0, %c0_i32 : i32, i32
  }
  func.func @transform_1(%arg0: i32) -> (i32, i32, i32) {
    %c0_i32 = arith.constant 0 : i32
    %c0_i32_0 = arith.constant 0 : i32
    %c0_i32_1 = arith.constant 0 : i32
    return %c0_i32, %arg0, %c0_i32_0 : i32, i32, i32
  }
  func.func @transform_2(%arg0: i32) -> (i32, i32, i32) {
    %c0_i32 = arith.constant 0 : i32
    %c0_i32_0 = arith.constant 0 : i32
    %c0_i32_1 = arith.constant 0 : i32
    return %c0_i32, %arg0, %c0_i32_0 : i32, i32, i32
  }
  func.func @transform_3(%arg0: i32) -> (i32, i32) {
    %c0_i32 = arith.constant 0 : i32
    %c0_i32_0 = arith.constant 0 : i32
    %c0_i32_1 = arith.constant 0 : i32
    return %c0_i32, %c0_i32_0 : i32, i32
  }
  func.func @transform_4(%arg0: i32) -> (i32, i32) {
    %c0_i32 = arith.constant 0 : i32
    %c0_i32_0 = arith.constant 0 : i32
    %c0_i32_1 = arith.constant 0 : i32
    return %c0_i32, %c0_i32_0 : i32, i32
  }
  func.func @transform_5(%arg0: i32) -> (i32, i32) {
    %c0_i32 = arith.constant 0 : i32
    %c0_i32_0 = arith.constant 0 : i32
    %c0_i32_1 = arith.constant 0 : i32
    return %c0_i32, %c0_i32_0 : i32, i32
  }
  func.func @transform_6(%arg0: i32) -> (i32, i32) {
    %c0_i32 = arith.constant 0 : i32
    %c0_i32_0 = arith.constant 0 : i32
    %c0_i32_1 = arith.constant 0 : i32
    return %c0_i32, %c0_i32_0 : i32, i32
  }
  func.func @transform_7(%arg0: i32) -> (i32, i32) {
    %c0_i32 = arith.constant 0 : i32
    %c0_i32_0 = arith.constant 0 : i32
    return %arg0, %c0_i32 : i32, i32
  }
}

</mosaic_0001>

<sc_bundles>
// kernel: kernel.10.cloned.1.call-start
scs
__scs_entry_jumppad:
0x0: {  	(pc) =	sbr.rel $0x88, $3  }
0x1: {  	(tag) =	ssettag $0x0;
	lr =	simm.s32 $0x1  }
0x2: {  	[smem:$0x3F96] =	sst lr;
	_ =	strace $0xD0000000  }
0x3: {  	_ = 	snop  }
0x4: {  	_ = 	snop  }
0x5: {  	_ = 	snop  }
0x6: {  	_ = 	snop  }
0x7: {  	_ = 	snop  }
__scs_overlays_trampoline_lowered:
0x8: {  	[smem:$0x3FA5] =	sst s0  }
0x9: {  	[smem:$0x3FA6] =	sst s1  }
0xa: {  	[smem:$0x3FA7] =	sst s2  }
0xb: {  	[smem:$0x3FA8] =	sst s3  }
0xc: {  	[smem:$0x3FA9] =	sst s4  }
0xd: {  	[smem:$0x3FAA] =	sst s5  }
0xe: {  	[smem:$0x3FAB] =	sst s6  }
0xf: {  	[smem:$0x3FAC] =	sst s7  }
0x10: {  	[smem:$0x3FAD] =	sst s8  }
0x11: {  	[smem:$0x3FAE] =	sst s9;
	s0 =	simm.s32 @!p0 $0x0  }
0x12: {  	s1 =	sld [smem:$0x3F94];
	s0 =	simm.s32 @p0 $0x1  }
0x13: {  	[smem:$0x3FAF] =	sst s0;
	s0 =	simm.s32 @!p1 $0x0  }
0x14: {  	s2 =	sld [smem:$0x3F93];
	s0 =	simm.s32 @p1 $0x1  }
0x15: {  	[smem:$0x3FB0] =	sst s0;
	s0 =	simm.s32 @!p2 $0x0  }
0x16: {  	s3 =	sld [smem:$0x3FDB];
	s0 =	simm.s32 @p2 $0x1  }
0x17: {  	s4 =	simm.s32 $0x1BF5;
	[smem:$0x3FB2] =	sst s0  }
0x18: {  	s0 =	sld [smem:$0x3F95];
	_ =	swait.ge [sflag:s4], $0x0  }
0x19: {  	s7 =	sld [smem:$0x3F96]  }
0x1a: {  	s8 =	sadd.s32 $0xFFFFE003, lr  }
0x1b: {  	s9 =	sadd.s32 $0xFFFFFEF7, lr;
	s5 =	simm.s32 $0xFFFFFFFF;
	p2 =	slt.u32 s8, $0xFFFFF086  }
0x1c: {  	p1 =	slt.u32 s9, $0xF7A;
	s5 =	simm.s32 @!p2 $0x0  }
0x1d: {  	s5 =	simm.s32 @p1 $0x1;
	p0 =	seq.s32 s7, s2  }
0x1e: {  	s7 =	smul.u32 @!p0 $0xF7A, s2;
	p2 =	seq.s32 @!p0 s5, $0x0  }
0x1f: {  	s9 =	smul.u32 $0xF7A, s1;
	s8 =	simm.s32 @!p0 $0x1BF5;
	p2 =	por !p2, p0  }
0x20: {  	[sflag:s8] =	ssyncset.s32 @!p0 $0xFFFFF086;
	s6 =	sadd.s32 @!p0 s3, s7;
	s7 =	simm.s32 @!p0 $0x108  }
0x21: {  	s3 =	sadd.s32 s3, s9;
	s6 =	sadd.s32 @!p0 $0x88, s6;
	s7 =	simm.s32 @p2 $0x1082  }
0x22: {  	[simem:s7], [sflag:s8] =	dma.local @!p0 [hbm:s6], $0xF7A  }
0x23: {  	s9 =	sor.u32 $0xD0000000, s2;
	s6 =	simm.s32 $0x108;
	_ =	swait.ge @!p0 [sflag:s8], $0x0  }
0x24: {  	s3 =	sadd.s32 $0x88, s3;
	s6 =	simm.s32 @!p1 $0x1082;
	[sflag:s4] =	ssyncset.s32 $0xFFFFF086  }
0x25: {  	[simem:s6], [sflag:s4] =	dma.local [hbm:s3], $0xF7A  }
0x26: {  	[smem:$0x3F96] =	sst s1;
	(tag) =	ssettag s2;
	_ =	strace s9  }
0x27: {  	s1 =	sld [smem:$0x3FA6]  }
0x28: {  	s2 =	sld [smem:$0x3FA7]  }
0x29: {  	s4 =	sld [smem:$0x3FA9]  }
0x2a: {  	p0 =	seq.s32 s5, $0x0;
	s5 =	sld [smem:$0x3FAA]  }
0x2b: {  	s6 =	sld [smem:$0x3FAB]  }
0x2c: {  	s7 =	sld [smem:$0x3FAC]  }
0x2d: {  	s3 =	simm.s32 $0x108;
	s8 =	sld [smem:$0x3FAD]  }
0x2e: {  	s3 =	simm.s32 @!p0 $0x1082;
	s9 =	sld [smem:$0x3FAE]  }
0x2f: {  	lr =	sadd.s32 s0, s3;
	s0 =	sld [smem:$0x3FA5]  }
0x30: {  	s3 =	sld [smem:$0x3FA8]  }
0x31: {  	[smem:$0x3FB1] =	sst s10  }
0x32: {  	s10 =	sld [smem:$0x3FAF];
	_ =	sdelay $0x3  }
0x33: {  	p0 =	seq.s32 s10, $0x1;
	s10 =	sld [smem:$0x3FB1];
	_ =	sdelay $0x3  }
0x34: {  	[smem:$0x3FB1] =	sst s10  }
0x35: {  	s10 =	sld [smem:$0x3FB0];
	_ =	sdelay $0x3  }
0x36: {  	p1 =	seq.s32 s10, $0x1;
	s10 =	sld [smem:$0x3FB1];
	_ =	sdelay $0x3  }
0x37: {  	[smem:$0x3FB1] =	sst s10  }
0x38: {  	s10 =	sld [smem:$0x3FB2]  }
0x39: {  	_ = 	snop;
	(pc) =	sbr.ind lr, $3  }
0x3a: {  	_ = 	snop  }
0x3b: {  	_ = 	snop  }
0x3c: {  	p2 =	seq.s32 s10, $0x1;
	s10 =	sld [smem:$0x3FB1]  }
0x3d: {  	_ =	shalt  }
0x3e: {  	_ =	shalt  }
0x3f: {  	_ =	shalt  }
0x40: {  	_ =	shalt  }
0x41: {  	_ =	shalt  }
0x42: {  	_ =	shalt  }
0x43: {  	_ =	shalt  }
0x44: {  	_ =	shalt  }
0x45: {  	_ =	shalt  }
0x46: {  	_ =	shalt  }
0x47: {  	_ =	shalt  }
0x48: {  	_ =	shalt  }
0x49: {  	_ =	shalt  }
0x4a: {  	_ =	shalt  }
0x4b: {  	_ =	shalt  }
0x4c: {  	_ =	shalt  }
0x4d: {  	_ =	shalt  }
0x4e: {  	_ =	shalt  }
0x4f: {  	_ =	shalt  }
0x50: {  	_ =	shalt  }
0x51: {  	_ =	shalt  }
0x52: {  	_ =	shalt  }
0x53: {  	_ =	shalt  }
0x54: {  	_ =	shalt  }
0x55: {  	_ =	shalt  }
0x56: {  	_ =	shalt  }
0x57: {  	_ =	shalt  }
0x58: {  	_ =	shalt  }
0x59: {  	_ =	shalt  }
0x5a: {  	_ =	shalt  }
0x5b: {  	_ =	shalt  }
0x5c: {  	_ =	shalt  }
0x5d: {  	_ =	shalt  }
0x5e: {  	_ =	shalt  }
0x5f: {  	_ =	shalt  }
0x60: {  	_ =	shalt  }
0x61: {  	_ =	shalt  }
0x62: {  	_ =	shalt  }
0x63: {  	_ =	shalt  }
0x64: {  	_ =	shalt  }
0x65: {  	_ =	shalt  }
0x66: {  	_ =	shalt  }
0x67: {  	_ =	shalt  }
0x68: {  	_ =	shalt  }
0x69: {  	_ =	shalt  }
0x6a: {  	_ =	shalt  }
0x6b: {  	_ =	shalt  }
0x6c: {  	_ =	shalt  }
0x6d: {  	_ =	shalt  }
0x6e: {  	_ =	shalt  }
0x6f: {  	_ =	shalt  }
0x70: {  	_ =	shalt  }
0x71: {  	_ =	shalt  }
0x72: {  	_ =	shalt  }
0x73: {  	_ =	shalt  }
0x74: {  	_ =	shalt  }
0x75: {  	_ =	shalt  }
0x76: {  	_ =	shalt  }
0x77: {  	_ =	shalt  }
0x78: {  	_ =	shalt  }
0x79: {  	_ =	shalt  }
0x7a: {  	_ =	shalt  }
0x7b: {  	_ =	shalt  }
0x7c: {  	_ =	shalt  }
0x7d: {  	_ =	shalt  }
0x7e: {  	_ =	shalt  }
0x7f: {  	_ =	shalt  }
0x80: {  	_ =	shalt  }
0x81: {  	_ =	shalt  }
0x82: {  	_ =	shalt  }
0x83: {  	_ =	shalt  }
0x84: {  	_ =	shalt  }
0x85: {  	_ =	shalt  }
0x86: {  	_ =	shalt  }
0x87: {  	_ =	shalt  }
.Lfunc_end0:
.L_simem_size_0:
called_computation_lowered:
.L_overlay_start_0:
0x88: {  	s2 =	sld [smem:$0x3FD9]  }
0x89: {  	s3 =	sld [smem:$0x3FFE];
	_ =	sdelay $0x1  }
0x8a: {  	s1 =	srdreg.scid  }
0x8b: {  	s0 =	sand.u32 $0x1, s1  }
0x8c: {  	s14 =	sshll.u32 s0, $0xA;
	s2 =	sadd.s32 s3, s2  }
0x8d: {  	s2 =	sadd.s32 s2, s14  }
0x8e: {  	[smem:$0x3FBD] =	sst s2  }
0x8f: {  	_ = 	snop  }
0x90: {  	s2 =	sld [smem:$0x3FD0];
	_ =	sdelay $0x2  }
0x91: {  	s15 =	simm.s32 $0xB;
	s4 =	simm.s32 $0x10  }
0x92: {  	[smem:s4], [sflag:s15] =	dma.local [hbm:s2], $0x1  }
0x93: {  	_ =	swait.eq [sflag:s15], $0x1  }
0x94: {  	[sflag:s15] =	ssyncset.done $0x0  }
0x95: {  	[sflag:s15] =	ssyncadd.s32 $0xFFFFFFFF  }
0x96: {  	s16 =	sld [smem:$0x11];
	(tm) =	ssettm $0x1  }
0x97: {  	s17 =	sld [smem:$0x3FFB];
	_ =	sdelay $0x3  }
0x98: {  	_ =	strace s17  }
0x99: {  	s3 =	sld [smem:$0x3FFC];
	_ =	sdelay $0x3  }
0x9a: {  	_ =	strace s3  }
0x9b: {  	s3 =	sld [smem:$0x3FFD];
	_ =	sdelay $0x3  }
0x9c: {  	_ =	strace s3  }
0x9d: {  	_ =	strace $0x8FFFFFFF  }
0x9e: {  	s18 =	sld [smem:$0x3FDB];
	_ =	sdelay $0x1  }
0x9f: {  	s19 =	simm.s32 $_scs_section_size  }
0xa0: {  	s5 =	simm.s32 $_size__tile_overlayer_lowered;
	s6 =	simm.s32 $_tile_overlayer_lowered  }
0xa1: {  	s22 =	simm.s32 $0x1BFF;
	s21 =	sshll.u32 s6, $0x1;
	s3 =	sadd.s32 s19, s18  }
0xa2: {  	s7 =	simm.s32 $0x0;
	s20 =	sshll.u32 s5, $0x1;
	s5 =	sadd.s32 s21, s3  }
0xa3: {  	[timem:s7], [sflag:s22] =	dma.local [hbm:s5], s20  }
0xa4: {  	_ =	swait.ge [sflag:s22], s20  }
0xa5: {  	s4 =	ssub.s32 $0x0, s20;
	[sflag:s22] =	ssyncset.done $0x0  }
0xa6: {  	[sflag:s22] =	ssyncadd.s32 s4;
	_ =	sdelay $0x1  }
0xa7: {  	s23 =	simm.s32 $0x1B8B  }
0xa8: {  	_ =	swait.ge [sflag:s23], $0x1  }
0xa9: {  	[sflag:s23] =	ssyncset.done $0x0  }
0xaa: {  	s25 =	simm.s32 $0x1B8E;
	s24 =	sld [smem:$0x3FFE];
	[sflag:s23] =	ssyncadd.s32 $0xFFFFFFFF  }
0xab: {  	s26 =	simm.s32 $execute0_lowered;
	[smem:$0x3FD2] =	sst s25  }
0xac: {  	s5 =	sshll.u32 s26, $0x1;
	_ =	strace $0x80000046;
	[dreg:$0x1] =	wrdreg $0xFFFFFFFF  }
0xad: {  	s28 =	simm.s32 $_size_execute0_lowered;
	s3 =	sadd.s32 s3, s5;
	[dreg:$0x0] =	wrdreg $0x0  }
0xae: {  	s5 =	sshll.u32 s28, $0x1;
	[dreg:$0x2] =	wrdreg s3  }
0xaf: {  	[dreg:$0x3] =	wrdreg s5  }
0xb0: {  	[dreg:$0x4] =	wrdreg $0xC0  }
0xb1: {  	_ =	task [dreg:s7], $0x5FFFF  }
0xb2: {  	[dreg:$0x1] =	wrdreg $0xFFFFFFFF  }
0xb3: {  	[dreg:$0x0] =	wrdreg $0x60  }
0xb4: {  	[dreg:$0x2] =	wrdreg s24  }
0xb5: {  	[dreg:$0x3] =	wrdreg s16  }
0xb6: {  	[dreg:$0x4] =	wrdreg $0xA  }
0xb7: {  	_ =	task.clear_ibuf [dreg:s7], $0x5FFFF;
	_ =	strace $0x90000046  }
0xb8: {  	s29 =	simm.s32 $0xA;
	_ =	strace $0x80000048  }
0xb9: {  	_ =	swait.ge [sflag:s29], $0x1  }
0xba: {  	[sflag:s29] =	ssyncadd.s32 $0xFFFFFFFF  }
0xbb: {  	_ =	strace $0x90000048  }
0xbc: {  	_ =	sfence  }
0xbd: {  	s30 =	sld [smem:$0x0];
	_ =	sdelay $0x2  }
0xbe: {  	s31 =	sshll.u32 s1, $0xD;
	s1 =	sshrl.u32 s1, $0x2  }
0xbf: {  	s3 =	sand.u32 $0x4000, s31;
	s1 =	sadd.s32 s1, s30  }
0xc0: {  	s0 =	sor.u32 s3, s0;
	s1 =	sshll.u32 s1, $0x11  }
0xc1: {  	s0 =	sor.u32 s1, s0  }
0xc2: {  	s0 =	sadd.s32 $0x8F2B, s0  }
0xc3: {  	[sflag:s0] =	ssyncadd.remote.s32 $0x1  }
0xc4: {  	_ =	sfence.sel $0xFFFF  }
0xc5: {  	[dreg:$0x0] =	wrdreg $0xFFFFFFFF;
	(pc) =	sbr.abs _section_cstart, $3  }
0xc6: {  	[dreg:$0x1] =	wrdreg $0xFFFFFFFF  }
0xc7: {  	_ =	task.clear_ibuf [dreg:s7], $0x2FFFF;
	_ =	strace $0x9FFFFFFF  }
0xc8: {  	(tm) =	ssettm $0x7FFFFFFF  }
0xc9: {  	_ =	shalt  }
tec
execute0_lowered:
.L_overlay_start_1:
0x0: {  	(tag) =	ssettag $0x1  }
0x1: {  	s0 =	rddreg [dreg:$0x0];
	s1 =	srdreg.scid  }
0x2: {  	s2 =	stileid.u32;
	s3 =	simm.s32 $0x0;
	s15 =	simm.s32 $0x7  }
0x3: {  	s17 =	simm.s32 $0x5000;
	s18 =	simm.s32 $0x7780;
	s19 =	simm.s32 $0x9F00  }
0x4: {  	s20 =	simm.s32 $0x50;
	s21 =	simm.s32 $0xC680;
	s22 =	simm.s32 $0xEE80  }
0x5: {  	s28 =	simm.s32 $0x1;
	s29 =	simm.s32 $0x2;
	s30 =	simm.s32 $0x3  }
0x6: {  	s31 =	simm.s32 $0x4;
	s1 =	sand.u32 $0x1, s1;
	s2 =	sshll.u32 s2, $0x1  }
0x7: {  	[smem:$0x7FF] =	sst s3;
	s4 =	sadd.s32 $0x16C00, s0;
	s5 =	sadd.s32 $0x3DE00, s0  }
0x8: {  	s7 =	sadd.s32 $0x2600, s0;
	s8 =	sadd.s32 $0x2000, s0;
	s2 =	sor.u32 s1, s2  }
0x9: {  	_ =	strace $0x80000047;
	[dreg:$0x3] =	wrdreg s7;
	s6 =	smul.u32 $0x500, s2  }
0xa: {  	[dreg:$0x4] =	wrdreg s8;
	s1 =	ssub.s32 $0x2, s1;
	s23 =	smul.u32 $0x300, s2  }
0xb: {  	s8 =	sadd.s32 $0x6B000, s0;
	s9 =	smul.u32 $0xBB800, s2;
	s10 =	sshrl.u32 s1, $0x1  }
0xc: {  	s11 =	smul.u32 $0x1770, s2;
	s1 =	ssub.s32 s1, s10;
	s6 =	sadd.s32 s6, s0  }
0xd: {  	s0 =	sadd.s32 s23, s0;
	s24 =	sshrl.u32 s9, $0x3;
	s14 =	smax.u32 s1, $0x1  }
0xe: {  	s1 =	simm.s32 $0x6;
	s23 =	simm.s32 $0x0;
	s25 =	sadd.s32 $0x2C00, s6  }
0xf: {  	s6 =	sadd.s32 $0xCC00, s6;
	s26 =	sadd.s32 s8, s24;
	s13 =	sadd.s32 $0x65000, s0  }
0x10: {  	s24 =	simm.s32 $0x11680;
	s0 =	simm.s32 $0x5;
	[dreg:$0x5] =	wrdreg s25  }
0x11: {  	[dreg:$0x6] =	wrdreg s6;
	s12 =	sadd.s32 $0x17200, s26;
	s26 =	simm.s32 $0x13E80  }
.LBB2_1:
0x12: {  	s2 =	rddreg [dreg:$0x5]  }
0x13: {  	[tilespmem:s3], [sflag:$0x7] =	stream.linear.gather [hbm4b:s2+s3], $0x2580, $0x38;
	[tilespmem:$0x17E80] =	vst v63  }
0x14: {  	_ =	swait.ge [sflag:s15], $0x2580  }
0x15: {  	[sflag:s15] =	ssyncset.done $0x0  }
0x16: {  	s6 =	simm.s32 $0x2800;
	s25 =	rddreg [dreg:$0x6];
	[sflag:s15] =	ssyncadd.s32 $0xFFFFDA80  }
0x17: {  	[tilespmem:s6], [sflag:$0x7] =	stream.linear.gather [hbm4b:s25+s3], $0x2580, $0x38;
	[tilespmem:$0x17E80] =	vst v63  }
0x18: {  	_ =	swait.ge [sflag:s15], $0x2580  }
0x19: {  	[sflag:s15] =	ssyncset.done $0x0  }
0x1a: {  	s7 =	rddreg [dreg:$0x3];
	[sflag:s15] =	ssyncadd.s32 $0xFFFFDA80  }
0x1b: {  	[tilespmem:s17], [sflag:$0x7] =	stream.linear.gather [hbm4b:s7+s3], $0x2780, $0x38;
	[tilespmem:$0x17E80] =	vst v63  }
0x1c: {  	_ =	swait.ge [sflag:s15], $0x2780  }
0x1d: {  	[sflag:s15] =	ssyncset.done $0x0  }
0x1e: {  	s9 =	rddreg [dreg:$0x4];
	[sflag:s15] =	ssyncadd.s32 $0xFFFFD880  }
0x1f: {  	[tilespmem:s18], [sflag:$0x7] =	stream.linear.gather [hbm4b:s9+s3], $0x2780, $0x38;
	[tilespmem:$0x17E80] =	vst v63  }
0x20: {  	_ =	swait.ge [sflag:s15], $0x2780  }
0x21: {  	[sflag:s15] =	ssyncset.done $0x0  }
0x22: {  	[sflag:s15] =	ssyncadd.s32 $0xFFFFD880  }
0x23: {  	s10 =	rddreg [dreg:$0x1]  }
0x24: {  	[tilespmem:s19], [sflag:$0x7] =	stream.linear.gather [hbm4b:s10+s3], $0x2780, $0x38;
	[tilespmem:$0x17E80] =	vst v63  }
0x25: {  	_ =	swait.ge [sflag:s15], $0x2780  }
0x26: {  	[sflag:s15] =	ssyncset.done $0x0  }
0x27: {  	[sflag:s15] =	ssyncadd.s32 $0xFFFFD880  }
0x28: {  	[tilespmem:s21], [sflag:$0x1] =	stream.indirect.gather [hbm4b:s4+s20], $0x80, s6, s20, $0xb8;
	[tilespmem:$0x17E80] =	vst v63  }
0x29: {  	_ = 	snop  }
0x2a: {  	[tilespmem:s22], [sflag:$0x2] =	stream.indirect.gather [hbm4b:s5+s20], $0x80, s3, s20, $0xb8;
	[tilespmem:$0x17E80] =	vst v63  }
0x2b: {  	s16 =	simm.s32 $0x2880  }
0x2c: {  	[tilespmem:s24], [sflag:$0x3] =	stream.indirect.gather [hbm4b:s4+s20], $0x80, s16, s20, $0xb8;
	[tilespmem:$0x17E80] =	vst v63  }
0x2d: {  	s25 =	simm.s32 $0x80  }
0x2e: {  	[tilespmem:s26], [sflag:$0x4] =	stream.indirect.gather [hbm4b:s5+s20], $0x80, s25, s20, $0xb8;
	[tilespmem:$0x17E80] =	vst v63  }
0x2f: {  	s25 =	simm.s32 $0x0  }
.LBB2_2:
0x30: {  	s2 =	sshll.u32 s25, $0x8  }
0x31: {  	v0 =	vld [tilespmem:s2+$0x0]  }
0x32: {  	v1 =	vld [tilespmem:s2+$0x2800];
	_ =	sdelay $0x6  }
0x33: {  	v2 =	vld.idx.msk [tilespmem:v0+s17+$0x0], $0xffff  }
0x34: {  	v3 =	vld.idx.msk [tilespmem:v1+s17+$0x0], $0xffff  }
0x35: {  	v4 =	vld.idx.msk [tilespmem:v0+s18+$0x0], $0xffff  }
0x36: {  	s6 =	smul.u32 $0xA0, s25;
	v5 =	vld.idx.msk [tilespmem:v1+s18+$0x0], $0xffff  }
0x37: {  	v0 =	vld.idx.msk [tilespmem:v0+s19+$0x0], $0xffff  }
0x38: {  	s7 =	sand.u32 $0xFFE0, s6;
	v1 =	vld.idx.msk [tilespmem:v1+s19+$0x0], $0xffff  }
0x39: {  	s7 =	sshrl.u32 s7, $0x4  }
0x3a: {  	s7 =	smul.u32 $0x1063, s7  }
0x3b: {  	v2 =	vsub.f32 v2, v3;
	v3 =	vsub.f32 v4, v5  }
0x3c: {  	s7 =	sshrl.u32 s7, $0x13  }
0x3d: {  	s9 =	smul.u32 $0x7D0, s7;
	v0 =	vsub.f32 v0, v1;
	v1 =	vmul.f32 v2, v2;
	v2 =	vmul.f32 v3, v3;
	_ =	sdelay $0x1  }
0x3e: {  	s9 =	ssub.s32 s6, s9;
	v0 =	vmul.f32 v0, v0;
	v1 =	vadd.f32 v2, v1  }
0x3f: {  	s7 =	sshll.u32 s7, $0xB;
	s16 =	sand.u32 $0x780, s9  }
0x40: {  	s9 =	sand.u32 $0x70, s9;
	s7 =	sor.u32 s16, s7;
	v0 =	vadd.f32 v0, v1  }
0x41: {  	s7 =	sor.u32 s9, s7  }
0x42: {  	[tilespmem:s7+$0x16680] =	vst v0  }
0x43: {  	v0 =	vld [tilespmem:s2+$0x10]  }
0x44: {  	v1 =	vld [tilespmem:s2+$0x2810];
	_ =	sdelay $0x6  }
0x45: {  	v2 =	vld.idx.msk [tilespmem:v0+s17+$0x0], $0xffff  }
0x46: {  	v3 =	vld.idx.msk [tilespmem:v1+s17+$0x0], $0xffff  }
0x47: {  	v4 =	vld.idx.msk [tilespmem:v0+s18+$0x0], $0xffff  }
0x48: {  	v5 =	vld.idx.msk [tilespmem:v1+s18+$0x0], $0xffff  }
0x49: {  	s7 =	sor.u32 $0x10, s6;
	v0 =	vld.idx.msk [tilespmem:v0+s19+$0x0], $0xffff  }
0x4a: {  	s16 =	sand.u32 $0xFFF0, s7;
	v1 =	vld.idx.msk [tilespmem:v1+s19+$0x0], $0xffff  }
0x4b: {  	s9 =	sshrl.u32 s16, $0x4  }
0x4c: {  	s9 =	smul.u32 $0x1063, s9  }
0x4d: {  	v2 =	vsub.f32 v2, v3;
	v3 =	vsub.f32 v4, v5  }
0x4e: {  	s9 =	sshrl.u32 s9, $0x13  }
0x4f: {  	s10 =	smul.u32 $0x7D0, s9;
	v0 =	vsub.f32 v0, v1;
	v1 =	vmul.f32 v2, v2;
	v2 =	vmul.f32 v3, v3;
	_ =	sdelay $0x1  }
0x50: {  	s7 =	ssub.s32 s7, s10;
	v0 =	vmul.f32 v0, v0;
	v1 =	vadd.f32 v2, v1  }
0x51: {  	s9 =	sshll.u32 s9, $0xB;
	s16 =	sand.u32 $0x780, s7  }
0x52: {  	s7 =	sand.u32 $0x70, s7;
	s9 =	sor.u32 s16, s9;
	v0 =	vadd.f32 v0, v1  }
0x53: {  	s7 =	sor.u32 s7, s9  }
0x54: {  	[tilespmem:s7+$0x16680] =	vst v0  }
0x55: {  	v0 =	vld [tilespmem:s2+$0x20]  }
0x56: {  	v1 =	vld [tilespmem:s2+$0x2820];
	_ =	sdelay $0x6  }
0x57: {  	v2 =	vld.idx.msk [tilespmem:v0+s17+$0x0], $0xffff  }
0x58: {  	v3 =	vld.idx.msk [tilespmem:v1+s17+$0x0], $0xffff  }
0x59: {  	v4 =	vld.idx.msk [tilespmem:v0+s18+$0x0], $0xffff  }
0x5a: {  	v5 =	vld.idx.msk [tilespmem:v1+s18+$0x0], $0xffff  }
0x5b: {  	s7 =	sadd.s32 $0x20, s6;
	v0 =	vld.idx.msk [tilespmem:v0+s19+$0x0], $0xffff  }
0x5c: {  	s16 =	sand.u32 $0xFFE0, s7;
	v1 =	vld.idx.msk [tilespmem:v1+s19+$0x0], $0xffff  }
0x5d: {  	s9 =	sshrl.u32 s16, $0x4  }
0x5e: {  	s9 =	smul.u32 $0x1063, s9  }
0x5f: {  	v2 =	vsub.f32 v2, v3;
	v3 =	vsub.f32 v4, v5  }
0x60: {  	s9 =	sshrl.u32 s9, $0x13  }
0x61: {  	s10 =	smul.u32 $0x7D0, s9;
	v0 =	vsub.f32 v0, v1;
	v1 =	vmul.f32 v2, v2;
	v2 =	vmul.f32 v3, v3;
	_ =	sdelay $0x1  }
0x62: {  	s7 =	ssub.s32 s7, s10;
	v0 =	vmul.f32 v0, v0;
	v1 =	vadd.f32 v2, v1  }
0x63: {  	s9 =	sshll.u32 s9, $0xB;
	s16 =	sand.u32 $0x780, s7  }
0x64: {  	s7 =	sand.u32 $0x70, s7;
	s9 =	sor.u32 s16, s9;
	v0 =	vadd.f32 v0, v1  }
0x65: {  	s7 =	sor.u32 s7, s9  }
0x66: {  	[tilespmem:s7+$0x16680] =	vst v0  }
0x67: {  	v0 =	vld [tilespmem:s2+$0x30]  }
0x68: {  	v1 =	vld [tilespmem:s2+$0x2830];
	_ =	sdelay $0x6  }
0x69: {  	v2 =	vld.idx.msk [tilespmem:v0+s17+$0x0], $0xffff  }
0x6a: {  	v3 =	vld.idx.msk [tilespmem:v1+s17+$0x0], $0xffff  }
0x6b: {  	v4 =	vld.idx.msk [tilespmem:v0+s18+$0x0], $0xffff  }
0x6c: {  	v5 =	vld.idx.msk [tilespmem:v1+s18+$0x0], $0xffff  }
0x6d: {  	s7 =	sadd.s32 $0x30, s6;
	v0 =	vld.idx.msk [tilespmem:v0+s19+$0x0], $0xffff  }
0x6e: {  	s16 =	sand.u32 $0xFFF0, s7;
	v1 =	vld.idx.msk [tilespmem:v1+s19+$0x0], $0xffff  }
0x6f: {  	s9 =	sshrl.u32 s16, $0x4  }
0x70: {  	s9 =	smul.u32 $0x1063, s9  }
0x71: {  	v2 =	vsub.f32 v2, v3;
	v3 =	vsub.f32 v4, v5  }
0x72: {  	s9 =	sshrl.u32 s9, $0x13  }
0x73: {  	s10 =	smul.u32 $0x7D0, s9;
	v0 =	vsub.f32 v0, v1;
	v1 =	vmul.f32 v2, v2;
	v2 =	vmul.f32 v3, v3;
	_ =	sdelay $0x1  }
0x74: {  	s7 =	ssub.s32 s7, s10;
	v0 =	vmul.f32 v0, v0;
	v1 =	vadd.f32 v2, v1  }
0x75: {  	s9 =	sshll.u32 s9, $0xB;
	s16 =	sand.u32 $0x780, s7  }
0x76: {  	s7 =	sand.u32 $0x70, s7;
	s9 =	sor.u32 s16, s9;
	v0 =	vadd.f32 v0, v1  }
0x77: {  	s7 =	sor.u32 s7, s9  }
0x78: {  	[tilespmem:s7+$0x16680] =	vst v0  }
0x79: {  	v0 =	vld [tilespmem:s2+$0x40]  }
0x7a: {  	v1 =	vld [tilespmem:s2+$0x2840];
	_ =	sdelay $0x6  }
0x7b: {  	v2 =	vld.idx.msk [tilespmem:v0+s17+$0x0], $0xffff  }
0x7c: {  	v3 =	vld.idx.msk [tilespmem:v1+s17+$0x0], $0xffff  }
0x7d: {  	v4 =	vld.idx.msk [tilespmem:v0+s18+$0x0], $0xffff  }
0x7e: {  	v5 =	vld.idx.msk [tilespmem:v1+s18+$0x0], $0xffff  }
0x7f: {  	s7 =	sadd.s32 $0x40, s6;
	v0 =	vld.idx.msk [tilespmem:v0+s19+$0x0], $0xffff  }
0x80: {  	s16 =	sand.u32 $0xFFE0, s7;
	v1 =	vld.idx.msk [tilespmem:v1+s19+$0x0], $0xffff  }
0x81: {  	s9 =	sshrl.u32 s16, $0x4  }
0x82: {  	s9 =	smul.u32 $0x1063, s9  }
0x83: {  	v2 =	vsub.f32 v2, v3;
	v3 =	vsub.f32 v4, v5  }
0x84: {  	s9 =	sshrl.u32 s9, $0x13  }
0x85: {  	s10 =	smul.u32 $0x7D0, s9;
	v0 =	vsub.f32 v0, v1;
	v1 =	vmul.f32 v2, v2;
	v2 =	vmul.f32 v3, v3;
	_ =	sdelay $0x1  }
0x86: {  	s7 =	ssub.s32 s7, s10;
	v0 =	vmul.f32 v0, v0;
	v1 =	vadd.f32 v2, v1  }
0x87: {  	s9 =	sshll.u32 s9, $0xB;
	s16 =	sand.u32 $0x780, s7  }
0x88: {  	s7 =	sand.u32 $0x70, s7;
	s9 =	sor.u32 s16, s9;
	v0 =	vadd.f32 v0, v1  }
0x89: {  	s7 =	sor.u32 s7, s9  }
0x8a: {  	[tilespmem:s7+$0x16680] =	vst v0  }
0x8b: {  	_ =	swait.ge [sflag:s28], $0x2800  }
0x8c: {  	[sflag:s28] =	ssyncset.done $0x0  }
0x8d: {  	[sflag:s28] =	ssyncadd.s32 $0xFFFFD800  }
0x8e: {  	_ =	swait.ge [sflag:s29], $0x2800  }
0x8f: {  	[sflag:s29] =	ssyncset.done $0x0  }
0x90: {  	s7 =	simm.s32 $0x0;
	[sflag:s29] =	ssyncadd.s32 $0xFFFFD800  }
0x91: {  	v7 =	vld [tilespmem:s7+$0xEE80]  }
0x92: {  	v11 =	vld [tilespmem:s7+$0xEE90]  }
0x93: {  	v5 =	vld [tilespmem:s7+$0xEEA0]  }
0x94: {  	v4 =	vld [tilespmem:s7+$0xEEB0]  }
0x95: {  	v3 =	vld [tilespmem:s7+$0xEEC0]  }
0x96: {  	v2 =	vld [tilespmem:s7+$0xEED0]  }
0x97: {  	v1 =	vld [tilespmem:s7+$0xEEE0]  }
0x98: {  	v0 =	vld [tilespmem:s7+$0xEEF0]  }
0x99: {  	v12 =	vld [tilespmem:s7+$0xC680]  }
0x9a: {  	v13 =	vld [tilespmem:s7+$0xC690]  }
0x9b: {  	v10 =	vld [tilespmem:s7+$0xC6A0]  }
0x9c: {  	v9 =	vld [tilespmem:s7+$0xC6B0]  }
0x9d: {  	v8 =	vld [tilespmem:s7+$0xC6C0]  }
0x9e: {  	v6 =	vld [tilespmem:s7+$0xC6D0];
	v12 =	vadd.f32 v7, v12  }
0x9f: {  	s16 =	simm.s32 $0x200;
	v11 =	vadd.f32 v11, v13;
	v7 =	vld [tilespmem:s7+$0xC6E0]  }
.LBB2_3:
0xa0: {  	s9 =	sshra.s32 s16, $0x2;
	p0 =	sne.s32 s16, $0x9E00;
	[tilespmem:s7+$0xC680] =	vst v12;
	v5 =	vadd.f32 v5, v10;
	v10 =	vld [tilespmem:s7+$0xC6F0]  }
0xa1: {  	v12 =	vld [tilespmem:s9+$0xEE80];
	[tilespmem:s7+$0xC690] =	vst v11;
	v4 =	vadd.f32 v4, v9  }
0xa2: {  	v11 =	vld [tilespmem:s9+$0xEE90];
	[tilespmem:s7+$0xC6A0] =	vst v5;
	v3 =	vadd.f32 v3, v8  }
0xa3: {  	v5 =	vld [tilespmem:s9+$0xEEA0];
	[tilespmem:s7+$0xC6B0] =	vst v4;
	v2 =	vadd.f32 v2, v6  }
0xa4: {  	v4 =	vld [tilespmem:s9+$0xEEB0];
	[tilespmem:s7+$0xC6C0] =	vst v3;
	v1 =	vadd.f32 v1, v7  }
0xa5: {  	v3 =	vld [tilespmem:s9+$0xEEC0];
	[tilespmem:s7+$0xC6D0] =	vst v2;
	v0 =	vadd.f32 v0, v10  }
0xa6: {  	v2 =	vld [tilespmem:s9+$0xEED0];
	[tilespmem:s7+$0xC6E0] =	vst v1  }
0xa7: {  	v1 =	vld [tilespmem:s9+$0xEEE0];
	[tilespmem:s7+$0xC6F0] =	vst v0;
	s7 =	smov.u32 s9  }
0xa8: {  	v0 =	vld [tilespmem:s7+$0xEEF0]  }
0xa9: {  	v6 =	vld [tilespmem:s7+$0xC680]  }
0xaa: {  	v7 =	vld [tilespmem:s7+$0xC690]  }
.Ltmp0:
0xab: {  	v10 =	vld [tilespmem:s7+$0xC6A0];
	(pc) =	sbr.rel @p0 .LBB2_3-.Ltmp0, $4  }
0xac: {  	v9 =	vld [tilespmem:s7+$0xC6B0]  }
0xad: {  	v8 =	vld [tilespmem:s7+$0xC6C0]  }
0xae: {  	v12 =	vadd.f32 v12, v6;
	v6 =	vld [tilespmem:s7+$0xC6D0]  }
0xaf: {  	s16 =	sadd.s32 $0x200, s16;
	v11 =	vadd.f32 v11, v7;
	v7 =	vld [tilespmem:s7+$0xC6E0]  }
0xb0: {  	[tilespmem:s7+$0xC680] =	vst v12;
	v5 =	vadd.f32 v5, v10;
	v10 =	vld [tilespmem:s7+$0xC6F0]  }
0xb1: {  	[tilespmem:s7+$0xC690] =	vst v11;
	v4 =	vadd.f32 v4, v9  }
0xb2: {  	[tilespmem:s7+$0xC6A0] =	vst v5;
	v3 =	vadd.f32 v3, v8  }
0xb3: {  	[tilespmem:s7+$0xC6B0] =	vst v4;
	v2 =	vadd.f32 v2, v6  }
0xb4: {  	[tilespmem:s7+$0xC6C0] =	vst v3;
	v1 =	vadd.f32 v1, v7  }
0xb5: {  	s6 =	sadd.s32 s11, s6;
	[tilespmem:s7+$0xC6D0] =	vst v2;
	v0 =	vadd.f32 v0, v10  }
0xb6: {  	s9 =	sshllo.u32 s25, $0x1;
	s6 =	sshll.u32 s6, $0x4;
	[tilespmem:s7+$0xC6E0] =	vst v1  }
0xb7: {  	s16 =	simm.s32 $0x0;
	s6 =	sadd.s32 s8, s6;
	[tilespmem:s7+$0xC6F0] =	vst v0;
	s7 =	sshll.u32 s9, $0x7  }
0xb8: {  	[hbm4b:s6+s16] =	stream.linear.scatter [tilespmem:s21], [sflag:$0x5], $0x2800, $0x38;
	[tilespmem:$0x17E80] =	vst v63  }
0xb9: {  	v0 =	vld [tilespmem:s7+$0x0]  }
0xba: {  	v1 =	vld [tilespmem:s7+$0x2800];
	_ =	sdelay $0x6  }
0xbb: {  	v2 =	vld.idx.msk [tilespmem:v0+s17+$0x0], $0xffff  }
0xbc: {  	v3 =	vld.idx.msk [tilespmem:v1+s17+$0x0], $0xffff  }
0xbd: {  	v4 =	vld.idx.msk [tilespmem:v0+s18+$0x0], $0xffff  }
0xbe: {  	v5 =	vld.idx.msk [tilespmem:v1+s18+$0x0], $0xffff  }
0xbf: {  	v0 =	vld.idx.msk [tilespmem:v0+s19+$0x0], $0xffff  }
0xc0: {  	v1 =	vld.idx.msk [tilespmem:v1+s19+$0x0], $0xffff  }
0xc1: {  	s6 =	smul.u32 $0x50, s9;
	_ =	sdelay $0x1  }
0xc2: {  	s16 =	smulhi.u32 $0x10624DD3, s6;
	v2 =	vsub.f32 v2, v3;
	v3 =	vsub.f32 v4, v5;
	_ =	sdelay $0x1  }
0xc3: {  	s9 =	smulhi.u32 $0x51EB851F, s9;
	s16 =	sshrl.u32 s16, $0x7;
	v0 =	vsub.f32 v0, v1;
	v1 =	vmul.f32 v2, v2;
	v2 =	vmul.f32 v3, v3  }
0xc4: {  	s16 =	smul.u32 $0x7D0, s16  }
0xc5: {  	s9 =	sshll.u32 s9, $0x8;
	v0 =	vmul.f32 v0, v0;
	v1 =	vadd.f32 v2, v1  }
0xc6: {  	s9 =	sand.u32 $0x3FFFF800, s9;
	s16 =	ssub.s32 s6, s16  }
0xc7: {  	s9 =	sor.u32 s9, s16;
	v0 =	vadd.f32 v0, v1  }
0xc8: {  	s9 =	sand.u32 $0x3FFFFFF0, s9  }
0xc9: {  	[tilespmem:s9+$0x16680] =	vst v0  }
0xca: {  	v0 =	vld [tilespmem:s7+$0x10]  }
0xcb: {  	v1 =	vld [tilespmem:s7+$0x2810];
	_ =	sdelay $0x6  }
0xcc: {  	v2 =	vld.idx.msk [tilespmem:v0+s17+$0x0], $0xffff  }
0xcd: {  	v3 =	vld.idx.msk [tilespmem:v1+s17+$0x0], $0xffff  }
0xce: {  	v4 =	vld.idx.msk [tilespmem:v0+s18+$0x0], $0xffff  }
0xcf: {  	v5 =	vld.idx.msk [tilespmem:v1+s18+$0x0], $0xffff  }
0xd0: {  	v0 =	vld.idx.msk [tilespmem:v0+s19+$0x0], $0xffff  }
0xd1: {  	v1 =	vld.idx.msk [tilespmem:v1+s19+$0x0], $0xffff;
	_ =	sdelay $0x1  }
0xd2: {  	s9 =	sadd.s32 $0x10, s6  }
0xd3: {  	s10 =	smulhi.u32 $0x10624DD3, s9;
	v2 =	vsub.f32 v2, v3;
	v3 =	vsub.f32 v4, v5;
	_ =	sdelay $0x1  }
0xd4: {  	s16 =	sshrl.u32 s10, $0x7;
	v0 =	vsub.f32 v0, v1;
	v1 =	vmul.f32 v2, v2;
	v2 =	vmul.f32 v3, v3  }
0xd5: {  	s10 =	smul.u32 $0x7D0, s16  }
0xd6: {  	v0 =	vmul.f32 v0, v0;
	v1 =	vadd.f32 v2, v1  }
0xd7: {  	s16 =	sshll.u32 s16, $0xB;
	s9 =	ssub.s32 s9, s10  }
0xd8: {  	s9 =	sor.u32 s16, s9;
	v0 =	vadd.f32 v0, v1  }
0xd9: {  	s9 =	sand.u32 $0x3FFFFFF0, s9  }
0xda: {  	[tilespmem:s9+$0x16680] =	vst v0  }
0xdb: {  	v0 =	vld [tilespmem:s7+$0x20]  }
0xdc: {  	v1 =	vld [tilespmem:s7+$0x2820];
	_ =	sdelay $0x6  }
0xdd: {  	v2 =	vld.idx.msk [tilespmem:v0+s17+$0x0], $0xffff  }
0xde: {  	v3 =	vld.idx.msk [tilespmem:v1+s17+$0x0], $0xffff  }
0xdf: {  	v4 =	vld.idx.msk [tilespmem:v0+s18+$0x0], $0xffff  }
0xe0: {  	v5 =	vld.idx.msk [tilespmem:v1+s18+$0x0], $0xffff  }
0xe1: {  	v0 =	vld.idx.msk [tilespmem:v0+s19+$0x0], $0xffff  }
0xe2: {  	v1 =	vld.idx.msk [tilespmem:v1+s19+$0x0], $0xffff;
	_ =	sdelay $0x1  }
0xe3: {  	s9 =	sadd.s32 $0x20, s6  }
0xe4: {  	s16 =	smulhi.u32 $0x10624DD3, s9;
	v2 =	vsub.f32 v2, v3;
	v3 =	vsub.f32 v4, v5;
	_ =	sdelay $0x1  }
0xe5: {  	s10 =	sshrl.u32 s16, $0x7;
	v0 =	vsub.f32 v0, v1;
	v1 =	vmul.f32 v2, v2;
	v2 =	vmul.f32 v3, v3  }
0xe6: {  	s16 =	smul.u32 $0x7D0, s10  }
0xe7: {  	v0 =	vmul.f32 v0, v0;
	v1 =	vadd.f32 v2, v1  }
0xe8: {  	s10 =	sshll.u32 s10, $0xB;
	s9 =	ssub.s32 s9, s16  }
0xe9: {  	s9 =	sor.u32 s10, s9;
	v0 =	vadd.f32 v0, v1  }
0xea: {  	s9 =	sand.u32 $0x3FFFFFF0, s9  }
0xeb: {  	[tilespmem:s9+$0x16680] =	vst v0  }
0xec: {  	v0 =	vld [tilespmem:s7+$0x30]  }
0xed: {  	v1 =	vld [tilespmem:s7+$0x2830];
	_ =	sdelay $0x6  }
0xee: {  	v2 =	vld.idx.msk [tilespmem:v0+s17+$0x0], $0xffff  }
0xef: {  	v3 =	vld.idx.msk [tilespmem:v1+s17+$0x0], $0xffff  }
0xf0: {  	v4 =	vld.idx.msk [tilespmem:v0+s18+$0x0], $0xffff  }
0xf1: {  	v5 =	vld.idx.msk [tilespmem:v1+s18+$0x0], $0xffff  }
0xf2: {  	v0 =	vld.idx.msk [tilespmem:v0+s19+$0x0], $0xffff  }
0xf3: {  	v1 =	vld.idx.msk [tilespmem:v1+s19+$0x0], $0xffff;
	_ =	sdelay $0x1  }
0xf4: {  	s9 =	sadd.s32 $0x30, s6  }
0xf5: {  	s16 =	smulhi.u32 $0x10624DD3, s9;
	v2 =	vsub.f32 v2, v3;
	v3 =	vsub.f32 v4, v5;
	_ =	sdelay $0x1  }
0xf6: {  	s10 =	sshrl.u32 s16, $0x7;
	v0 =	vsub.f32 v0, v1;
	v1 =	vmul.f32 v2, v2;
	v2 =	vmul.f32 v3, v3  }
0xf7: {  	s16 =	smul.u32 $0x7D0, s10  }
0xf8: {  	v0 =	vmul.f32 v0, v0;
	v1 =	vadd.f32 v2, v1  }
0xf9: {  	s10 =	sshll.u32 s10, $0xB;
	s9 =	ssub.s32 s9, s16  }
0xfa: {  	s9 =	sor.u32 s10, s9;
	v0 =	vadd.f32 v0, v1  }
0xfb: {  	s9 =	sand.u32 $0x3FFFFFF0, s9  }
0xfc: {  	[tilespmem:s9+$0x16680] =	vst v0  }
0xfd: {  	v0 =	vld [tilespmem:s7+$0x40]  }
0xfe: {  	v1 =	vld [tilespmem:s7+$0x2840];
	_ =	sdelay $0x6  }
0xff: {  	v2 =	vld.idx.msk [tilespmem:v0+s17+$0x0], $0xffff  }
0x100: {  	v3 =	vld.idx.msk [tilespmem:v1+s17+$0x0], $0xffff  }
0x101: {  	v4 =	vld.idx.msk [tilespmem:v0+s18+$0x0], $0xffff  }
0x102: {  	v5 =	vld.idx.msk [tilespmem:v1+s18+$0x0], $0xffff  }
0x103: {  	v0 =	vld.idx.msk [tilespmem:v0+s19+$0x0], $0xffff  }
0x104: {  	v1 =	vld.idx.msk [tilespmem:v1+s19+$0x0], $0xffff;
	_ =	sdelay $0x1  }
0x105: {  	s7 =	sadd.s32 $0x40, s6  }
0x106: {  	s10 =	smulhi.u32 $0x10624DD3, s7;
	v2 =	vsub.f32 v2, v3;
	v3 =	vsub.f32 v4, v5;
	_ =	sdelay $0x1  }
0x107: {  	s9 =	sshrl.u32 s10, $0x7;
	v0 =	vsub.f32 v0, v1;
	v1 =	vmul.f32 v2, v2;
	v2 =	vmul.f32 v3, v3  }
0x108: {  	s16 =	smul.u32 $0x7D0, s9  }
0x109: {  	v0 =	vmul.f32 v0, v0;
	v1 =	vadd.f32 v2, v1  }
0x10a: {  	s9 =	sshll.u32 s9, $0xB;
	s7 =	ssub.s32 s7, s16  }
0x10b: {  	s7 =	sor.u32 s9, s7;
	v0 =	vadd.f32 v0, v1  }
0x10c: {  	s7 =	sand.u32 $0x3FFFFFF0, s7  }
0x10d: {  	[tilespmem:s7+$0x16680] =	vst v0  }
0x10e: {  	_ =	swait.ge [sflag:s30], $0x2800  }
0x10f: {  	[sflag:s30] =	ssyncset.done $0x0  }
0x110: {  	[sflag:s30] =	ssyncadd.s32 $0xFFFFD800  }
0x111: {  	_ =	swait.ge [sflag:s31], $0x2800  }
0x112: {  	[sflag:s31] =	ssyncset.done $0x0  }
0x113: {  	s7 =	simm.s32 $0x0;
	[sflag:s31] =	ssyncadd.s32 $0xFFFFD800  }
0x114: {  	v7 =	vld [tilespmem:s7+$0x13E80]  }
0x115: {  	v11 =	vld [tilespmem:s7+$0x13E90]  }
0x116: {  	v5 =	vld [tilespmem:s7+$0x13EA0]  }
0x117: {  	v4 =	vld [tilespmem:s7+$0x13EB0]  }
0x118: {  	v3 =	vld [tilespmem:s7+$0x13EC0]  }
0x119: {  	v2 =	vld [tilespmem:s7+$0x13ED0]  }
0x11a: {  	v1 =	vld [tilespmem:s7+$0x13EE0]  }
0x11b: {  	v0 =	vld [tilespmem:s7+$0x13EF0]  }
0x11c: {  	v12 =	vld [tilespmem:s7+$0x11680]  }
0x11d: {  	v13 =	vld [tilespmem:s7+$0x11690]  }
0x11e: {  	v10 =	vld [tilespmem:s7+$0x116A0]  }
0x11f: {  	v9 =	vld [tilespmem:s7+$0x116B0]  }
0x120: {  	v8 =	vld [tilespmem:s7+$0x116C0]  }
0x121: {  	v6 =	vld [tilespmem:s7+$0x116D0];
	v12 =	vadd.f32 v7, v12  }
0x122: {  	s16 =	sshll.u32 s25, $0x1;
	s9 =	simm.s32 $0x200;
	v11 =	vadd.f32 v11, v13;
	v7 =	vld [tilespmem:s7+$0x116E0]  }
.LBB2_5:
0x123: {  	s10 =	sshra.s32 s9, $0x2;
	p0 =	sne.s32 s9, $0x9E00;
	[tilespmem:s7+$0x11680] =	vst v12;
	v5 =	vadd.f32 v5, v10;
	v10 =	vld [tilespmem:s7+$0x116F0]  }
0x124: {  	v12 =	vld [tilespmem:s10+$0x13E80];
	[tilespmem:s7+$0x11690] =	vst v11;
	v4 =	vadd.f32 v4, v9  }
0x125: {  	v11 =	vld [tilespmem:s10+$0x13E90];
	[tilespmem:s7+$0x116A0] =	vst v5;
	v3 =	vadd.f32 v3, v8  }
0x126: {  	v5 =	vld [tilespmem:s10+$0x13EA0];
	[tilespmem:s7+$0x116B0] =	vst v4;
	v2 =	vadd.f32 v2, v6  }
0x127: {  	v4 =	vld [tilespmem:s10+$0x13EB0];
	[tilespmem:s7+$0x116C0] =	vst v3;
	v1 =	vadd.f32 v1, v7  }
0x128: {  	v3 =	vld [tilespmem:s10+$0x13EC0];
	[tilespmem:s7+$0x116D0] =	vst v2;
	v0 =	vadd.f32 v0, v10  }
0x129: {  	v2 =	vld [tilespmem:s10+$0x13ED0];
	[tilespmem:s7+$0x116E0] =	vst v1  }
0x12a: {  	v1 =	vld [tilespmem:s10+$0x13EE0];
	[tilespmem:s7+$0x116F0] =	vst v0;
	s7 =	smov.u32 s10  }
0x12b: {  	v0 =	vld [tilespmem:s7+$0x13EF0]  }
0x12c: {  	v6 =	vld [tilespmem:s7+$0x11680]  }
0x12d: {  	v7 =	vld [tilespmem:s7+$0x11690]  }
.Ltmp1:
0x12e: {  	v10 =	vld [tilespmem:s7+$0x116A0];
	(pc) =	sbr.rel @p0 .LBB2_5-.Ltmp1, $4  }
0x12f: {  	v9 =	vld [tilespmem:s7+$0x116B0]  }
0x130: {  	v8 =	vld [tilespmem:s7+$0x116C0]  }
0x131: {  	v12 =	vadd.f32 v12, v6;
	v6 =	vld [tilespmem:s7+$0x116D0]  }
0x132: {  	s9 =	sadd.s32 $0x200, s9;
	v11 =	vadd.f32 v11, v7;
	v7 =	vld [tilespmem:s7+$0x116E0]  }
0x133: {  	[tilespmem:s7+$0x11680] =	vst v12;
	v5 =	vadd.f32 v5, v10;
	v63 =	vld [tilespmem:s7+$0x116F0]  }
0x134: {  	[tilespmem:s7+$0x11690] =	vst v11;
	v4 =	vadd.f32 v4, v9  }
0x135: {  	[tilespmem:s7+$0x116A0] =	vst v5;
	v3 =	vadd.f32 v3, v8  }
0x136: {  	[tilespmem:s7+$0x116B0] =	vst v4;
	v2 =	vadd.f32 v2, v6  }
0x137: {  	[tilespmem:s7+$0x116C0] =	vst v3;
	v1 =	vadd.f32 v1, v7  }
0x138: {  	s6 =	sadd.s32 s11, s6;
	[tilespmem:s7+$0x116D0] =	vst v2;
	v0 =	vadd.f32 v0, v63  }
0x139: {  	s6 =	sshll.u32 s6, $0x4;
	[tilespmem:s7+$0x116E0] =	vst v1  }
0x13a: {  	s6 =	sadd.s32 s8, s6;
	[tilespmem:s7+$0x116F0] =	vst v0  }
0x13b: {  	[hbm4b:s6+s3] =	stream.linear.scatter [tilespmem:s24], [sflag:$0x6], $0x2800, $0x38;
	[tilespmem:$0x17E80] =	vst v63  }
0x13c: {  	_ =	swait.ge [sflag:s0], $0x2800  }
0x13d: {  	[sflag:s0] =	ssyncset.done $0x0  }
0x13e: {  	s7 =	sadd.s32 $0x2900, s2;
	[sflag:s0] =	ssyncadd.s32 $0xFFFFD800  }
0x13f: {  	[tilespmem:s21], [sflag:$0x1] =	stream.indirect.gather [hbm4b:s4+s20], $0x80, s7, s20, $0xb8;
	[tilespmem:$0x17E80] =	vst v63  }
0x140: {  	s9 =	sadd.s32 $0x100, s2;
	s25 =	sadd.s32 $0x1, s25  }
0x141: {  	[tilespmem:s22], [sflag:$0x2] =	stream.indirect.gather [hbm4b:s5+s20], $0x80, s9, s20, $0xb8;
	[tilespmem:$0x17E80] =	vst v63  }
0x142: {  	s10 =	smin.u32 s16, $0x47;
	p0 =	sne.s32 s25, $0x25;
	_ =	swait.ge [sflag:s1], $0x2800  }
.Ltmp2:
0x143: {  	s2 =	sshll.u32 s10, $0x7;
	[sflag:s1] =	ssyncset.done $0x0;
	(pc) =	sbr.rel @p0 .LBB2_2-.Ltmp2, $4  }
0x144: {  	s16 =	sadd.s32 $0x2980, s2;
	[sflag:s1] =	ssyncadd.s32 $0xFFFFD800  }
0x145: {  	[tilespmem:s24], [sflag:$0x3] =	stream.indirect.gather [hbm4b:s4+s20], $0x80, s16, s20, $0xb8;
	[tilespmem:$0x17E80] =	vst v63  }
0x146: {  	s2 =	sadd.s32 $0x180, s2  }
0x147: {  	[tilespmem:s26], [sflag:$0x4] =	stream.indirect.gather [hbm4b:s5+s20], $0x80, s2, s20, $0xb8;
	[tilespmem:$0x17E80] =	vst v63  }
0x148: {  	v0 =	vld [tilespmem:$0x2500]  }
0x149: {  	v1 =	vld [tilespmem:$0x4D00];
	_ =	sdelay $0x6  }
0x14a: {  	v2 =	vld.idx.msk [tilespmem:v0+s17+$0x0], $0xffff  }
0x14b: {  	v3 =	vld.idx.msk [tilespmem:v1+s17+$0x0], $0xffff  }
0x14c: {  	v4 =	vld.idx.msk [tilespmem:v0+s18+$0x0], $0xffff  }
0x14d: {  	v5 =	vld.idx.msk [tilespmem:v1+s18+$0x0], $0xffff  }
0x14e: {  	v0 =	vld.idx.msk [tilespmem:v0+s19+$0x0], $0xffff  }
0x14f: {  	v1 =	vld.idx.msk [tilespmem:v1+s19+$0x0], $0xffff;
	_ =	sdelay $0x2  }
0x150: {  	v2 =	vsub.f32 v2, v3;
	v3 =	vsub.f32 v4, v5  }
0x151: {  	v4 =	vld [tilespmem:$0x2510]  }
0x152: {  	v0 =	vsub.f32 v0, v1;
	v1 =	vmul.f32 v2, v2;
	v2 =	vmul.f32 v3, v3  }
0x153: {  	v3 =	vld [tilespmem:$0x4D10]  }
0x154: {  	v0 =	vmul.f32 v0, v0;
	v1 =	vadd.f32 v2, v1;
	_ =	sdelay $0x1  }
0x155: {  	v0 =	vadd.f32 v0, v1;
	_ =	sdelay $0x1  }
0x156: {  	[tilespmem:$0x17E00] =	vst v0  }
0x157: {  	v0 =	vld.idx.msk [tilespmem:v4+s17+$0x0], $0xffff  }
0x158: {  	v2 =	vld.idx.msk [tilespmem:v4+s18+$0x0], $0xffff  }
0x159: {  	v1 =	vld.idx.msk [tilespmem:v3+s17+$0x0], $0xffff  }
0x15a: {  	v5 =	vld.idx.msk [tilespmem:v3+s18+$0x0], $0xffff  }
0x15b: {  	v4 =	vld.idx.msk [tilespmem:v4+s19+$0x0], $0xffff  }
0x15c: {  	v3 =	vld.idx.msk [tilespmem:v3+s19+$0x0], $0xffff;
	_ =	sdelay $0x2  }
0x15d: {  	v0 =	vsub.f32 v0, v1;
	v1 =	vsub.f32 v2, v5  }
0x15e: {  	v2 =	vld [tilespmem:$0x2520]  }
0x15f: {  	v3 =	vsub.f32 v4, v3;
	v4 =	vld [tilespmem:$0x4D20];
	v0 =	vmul.f32 v0, v0;
	v1 =	vmul.f32 v1, v1;
	_ =	sdelay $0x1  }
0x160: {  	v0 =	vadd.f32 v1, v0;
	v1 =	vmul.f32 v3, v3;
	_ =	sdelay $0x1  }
0x161: {  	v0 =	vadd.f32 v1, v0;
	_ =	sdelay $0x1  }
0x162: {  	[tilespmem:$0x17E10] =	vst v0  }
0x163: {  	v0 =	vld.idx.msk [tilespmem:v2+s17+$0x0], $0xffff  }
0x164: {  	v1 =	vld.idx.msk [tilespmem:v4+s17+$0x0], $0xffff  }
0x165: {  	v3 =	vld.idx.msk [tilespmem:v2+s18+$0x0], $0xffff  }
0x166: {  	v5 =	vld.idx.msk [tilespmem:v4+s18+$0x0], $0xffff  }
0x167: {  	v2 =	vld.idx.msk [tilespmem:v2+s19+$0x0], $0xffff  }
0x168: {  	v4 =	vld.idx.msk [tilespmem:v4+s19+$0x0], $0xffff;
	_ =	sdelay $0x2  }
0x169: {  	v0 =	vsub.f32 v0, v1;
	v1 =	vsub.f32 v3, v5  }
0x16a: {  	v3 =	vld [tilespmem:$0x2530]  }
0x16b: {  	v2 =	vsub.f32 v2, v4;
	v4 =	vld [tilespmem:$0x4D30];
	v0 =	vmul.f32 v0, v0;
	v1 =	vmul.f32 v1, v1;
	_ =	sdelay $0x1  }
0x16c: {  	v0 =	vadd.f32 v1, v0;
	v1 =	vmul.f32 v2, v2;
	_ =	sdelay $0x1  }
0x16d: {  	v0 =	vadd.f32 v1, v0;
	_ =	sdelay $0x1  }
0x16e: {  	[tilespmem:$0x17E20] =	vst v0  }
0x16f: {  	v0 =	vld.idx.msk [tilespmem:v3+s17+$0x0], $0xffff  }
0x170: {  	v1 =	vld.idx.msk [tilespmem:v4+s17+$0x0], $0xffff  }
0x171: {  	v2 =	vld.idx.msk [tilespmem:v3+s18+$0x0], $0xffff  }
0x172: {  	v5 =	vld.idx.msk [tilespmem:v4+s18+$0x0], $0xffff  }
0x173: {  	v3 =	vld.idx.msk [tilespmem:v3+s19+$0x0], $0xffff  }
0x174: {  	v4 =	vld.idx.msk [tilespmem:v4+s19+$0x0], $0xffff;
	_ =	sdelay $0x2  }
0x175: {  	v0 =	vsub.f32 v0, v1;
	v1 =	vsub.f32 v2, v5  }
0x176: {  	v2 =	vld [tilespmem:$0x2540]  }
0x177: {  	v3 =	vsub.f32 v3, v4;
	v4 =	vld [tilespmem:$0x4D40];
	v0 =	vmul.f32 v0, v0;
	v1 =	vmul.f32 v1, v1;
	_ =	sdelay $0x1  }
0x178: {  	v0 =	vadd.f32 v1, v0;
	v1 =	vmul.f32 v3, v3;
	_ =	sdelay $0x1  }
0x179: {  	v0 =	vadd.f32 v1, v0;
	_ =	sdelay $0x1  }
0x17a: {  	[tilespmem:$0x17E30] =	vst v0  }
0x17b: {  	v0 =	vld.idx.msk [tilespmem:v2+s17+$0x0], $0xffff  }
0x17c: {  	v1 =	vld.idx.msk [tilespmem:v4+s17+$0x0], $0xffff  }
0x17d: {  	v3 =	vld.idx.msk [tilespmem:v2+s18+$0x0], $0xffff  }
0x17e: {  	v5 =	vld.idx.msk [tilespmem:v4+s18+$0x0], $0xffff  }
0x17f: {  	v2 =	vld.idx.msk [tilespmem:v2+s19+$0x0], $0xffff  }
0x180: {  	v4 =	vld.idx.msk [tilespmem:v4+s19+$0x0], $0xffff;
	_ =	sdelay $0x2  }
0x181: {  	v0 =	vsub.f32 v0, v1;
	v1 =	vsub.f32 v3, v5;
	_ =	sdelay $0x1  }
0x182: {  	v2 =	vsub.f32 v2, v4;
	v0 =	vmul.f32 v0, v0;
	v1 =	vmul.f32 v1, v1;
	_ =	sdelay $0x1  }
0x183: {  	v0 =	vadd.f32 v1, v0;
	v1 =	vmul.f32 v2, v2;
	_ =	sdelay $0x1  }
0x184: {  	v0 =	vadd.f32 v1, v0;
	_ =	sdelay $0x1  }
0x185: {  	[tilespmem:$0x17E40] =	vst v0  }
0x186: {  	_ =	swait.ge [sflag:s28], $0x2800  }
0x187: {  	[sflag:s28] =	ssyncset.done $0x0  }
0x188: {  	[sflag:s28] =	ssyncadd.s32 $0xFFFFD800  }
0x189: {  	_ =	swait.ge [sflag:s29], $0x2800  }
0x18a: {  	[sflag:s29] =	ssyncset.done $0x0  }
0x18b: {  	s2 =	simm.s32 $0x0;
	[sflag:s29] =	ssyncadd.s32 $0xFFFFD800  }
0x18c: {  	v7 =	vld [tilespmem:s2+$0xEE80]  }
0x18d: {  	v11 =	vld [tilespmem:s2+$0xEE90]  }
0x18e: {  	v5 =	vld [tilespmem:s2+$0xEEA0]  }
0x18f: {  	v4 =	vld [tilespmem:s2+$0xEEB0]  }
0x190: {  	v3 =	vld [tilespmem:s2+$0xEEC0]  }
0x191: {  	v2 =	vld [tilespmem:s2+$0xEED0]  }
0x192: {  	v1 =	vld [tilespmem:s2+$0xEEE0]  }
0x193: {  	v0 =	vld [tilespmem:s2+$0xEEF0]  }
0x194: {  	v12 =	vld [tilespmem:s2+$0xC680]  }
0x195: {  	v13 =	vld [tilespmem:s2+$0xC690]  }
0x196: {  	v10 =	vld [tilespmem:s2+$0xC6A0]  }
0x197: {  	v9 =	vld [tilespmem:s2+$0xC6B0]  }
0x198: {  	v8 =	vld [tilespmem:s2+$0xC6C0]  }
0x199: {  	v6 =	vld [tilespmem:s2+$0xC6D0];
	v12 =	vadd.f32 v7, v12  }
0x19a: {  	s6 =	simm.s32 $0x200;
	v11 =	vadd.f32 v11, v13;
	v7 =	vld [tilespmem:s2+$0xC6E0]  }
.LBB2_8:
0x19b: {  	s7 =	sshra.s32 s6, $0x2;
	p0 =	sne.s32 s6, $0x9E00;
	[tilespmem:s2+$0xC680] =	vst v12;
	v5 =	vadd.f32 v5, v10;
	v10 =	vld [tilespmem:s2+$0xC6F0]  }
0x19c: {  	v12 =	vld [tilespmem:s7+$0xEE80];
	[tilespmem:s2+$0xC690] =	vst v11;
	v4 =	vadd.f32 v4, v9  }
0x19d: {  	v11 =	vld [tilespmem:s7+$0xEE90];
	[tilespmem:s2+$0xC6A0] =	vst v5;
	v3 =	vadd.f32 v3, v8  }
0x19e: {  	v5 =	vld [tilespmem:s7+$0xEEA0];
	[tilespmem:s2+$0xC6B0] =	vst v4;
	v2 =	vadd.f32 v2, v6  }
0x19f: {  	v4 =	vld [tilespmem:s7+$0xEEB0];
	[tilespmem:s2+$0xC6C0] =	vst v3;
	v1 =	vadd.f32 v1, v7  }
0x1a0: {  	v3 =	vld [tilespmem:s7+$0xEEC0];
	[tilespmem:s2+$0xC6D0] =	vst v2;
	v0 =	vadd.f32 v0, v10  }
0x1a1: {  	v2 =	vld [tilespmem:s7+$0xEED0];
	[tilespmem:s2+$0xC6E0] =	vst v1  }
0x1a2: {  	v1 =	vld [tilespmem:s7+$0xEEE0];
	[tilespmem:s2+$0xC6F0] =	vst v0;
	s2 =	smov.u32 s7  }
0x1a3: {  	v0 =	vld [tilespmem:s2+$0xEEF0]  }
0x1a4: {  	v6 =	vld [tilespmem:s2+$0xC680]  }
0x1a5: {  	v7 =	vld [tilespmem:s2+$0xC690]  }
.Ltmp3:
0x1a6: {  	v10 =	vld [tilespmem:s2+$0xC6A0];
	(pc) =	sbr.rel @p0 .LBB2_8-.Ltmp3, $4  }
0x1a7: {  	v9 =	vld [tilespmem:s2+$0xC6B0]  }
0x1a8: {  	v8 =	vld [tilespmem:s2+$0xC6C0]  }
0x1a9: {  	v12 =	vadd.f32 v12, v6;
	v6 =	vld [tilespmem:s2+$0xC6D0]  }
0x1aa: {  	s6 =	sadd.s32 $0x200, s6;
	v11 =	vadd.f32 v11, v7;
	v7 =	vld [tilespmem:s2+$0xC6E0]  }
0x1ab: {  	[tilespmem:s2+$0xC680] =	vst v12;
	v5 =	vadd.f32 v5, v10;
	v63 =	vld [tilespmem:s2+$0xC6F0]  }
0x1ac: {  	[tilespmem:s2+$0xC690] =	vst v11;
	v4 =	vadd.f32 v4, v9  }
0x1ad: {  	[tilespmem:s2+$0xC6A0] =	vst v5;
	v3 =	vadd.f32 v3, v8  }
0x1ae: {  	[tilespmem:s2+$0xC6B0] =	vst v4;
	v2 =	vadd.f32 v2, v6  }
0x1af: {  	[tilespmem:s2+$0xC6C0] =	vst v3;
	v1 =	vadd.f32 v1, v7  }
0x1b0: {  	[tilespmem:s2+$0xC6D0] =	vst v2;
	v0 =	vadd.f32 v0, v63  }
0x1b1: {  	[tilespmem:s2+$0xC6E0] =	vst v1  }
0x1b2: {  	[tilespmem:s2+$0xC6F0] =	vst v0  }
0x1b3: {  	[hbm4b:s12+s3] =	stream.linear.scatter [tilespmem:s21], [sflag:$0x5], $0x2800, $0x38;
	[tilespmem:$0x17E80] =	vst v63  }
0x1b4: {  	_ =	swait.ge [sflag:s30], $0x2800  }
0x1b5: {  	[sflag:s30] =	ssyncset.done $0x0  }
0x1b6: {  	[sflag:s30] =	ssyncadd.s32 $0xFFFFD800  }
0x1b7: {  	_ =	swait.ge [sflag:s31], $0x2800  }
0x1b8: {  	[sflag:s31] =	ssyncset.done $0x0  }
0x1b9: {  	[sflag:s31] =	ssyncadd.s32 $0xFFFFD800  }
0x1ba: {  	s23 =	sadd.s32 $0x1, s23;
	_ =	swait.ge [sflag:s0], $0x2800  }
0x1bb: {  	p0 =	sne.s32 s23, s14;
	[sflag:s0] =	ssyncset.done $0x0  }
.Ltmp4:
0x1bc: {  	s25 =	simm.s32 $0x16680;
	[sflag:s0] =	ssyncadd.s32 $0xFFFFD800;
	(pc) =	sbr.rel @p0 .LBB2_1-.Ltmp4, $4  }
0x1bd: {  	[hbm4b:s13+s3] =	stream.linear.scatter [tilespmem:s25], [sflag:$0x7], $0x1800, $0x38;
	[tilespmem:$0x17E80] =	vst v63  }
0x1be: {  	_ =	swait.ge [sflag:s15], $0x1800  }
0x1bf: {  	[sflag:s15] =	ssyncset.done $0x0  }
0x1c0: {  	[sflag:s15] =	ssyncadd.s32 $0xFFFFE800  }
0x1c1: {  	_ =	sfence.sel $0x180000  }
0x1c2: {  	[bflag:$0x0] =	sbarrier.arrive $0xFFFF  }
0x1c3: {  	_ =	strace $0x90000047  }
0x1c4: {  	s0 =	stileid.u32;
	[bflag:$0x2] =	sbarrier.arrive $0xFFFF  }
0x1c5: {  	p0 =	sne.s32 s0, $0x0;
	s0 =	rddreg [dreg:$0x2]  }
0x1c6: {  	s0 =	sadd.s32 @!p0 $0x100000, s0  }
0x1c7: {  	[sflag:s0] =	ssyncadd.tile.s32 @!p0 $0x1;
	_ =	shalt  }
.Lfunc_end2:
_tile_overlayer_lowered:
.L_overlay_start_2:
0x1c8: {  	(tag) =	ssettag $0x2  }
0x1c9: {  	s0 =	rddreg [dreg:$0x0];
	s2 =	stileid.u32  }
0x1ca: {  	s1 =	rddreg [dreg:$0x1];
	p0 =	sne.s32 s2, $0x0  }
0x1cb: {  	s3 =	rddreg [dreg:$0x2];
	[bflag:$0x3] =	sbarrier.arrive $0xFFFF;
	s2 =	simm.s32 @!p0 $0x1C07  }
0x1cc: {  	[timem:s3], [sflag:s2] =	dma.local @!p0 [hbm:s0], s1  }
0x1cd: {  	s0 =	simm.s32 @!p0 $0x7  }
0x1ce: {  	_ =	swait.ge @!p0 [sflag:s0], s1  }
0x1cf: {  	s1 =	ssub.s32 @!p0 $0x0, s1;
	[sflag:s0] =	ssyncset.done @!p0 $0x0  }
0x1d0: {  	[sflag:s0] =	ssyncadd.s32 @!p0 s1  }
0x1d1: {  	[bflag:$0x3] =	sbarrier.arrive $0xFFFF  }
0x1d2: {  	_ =	shalt  }

// kernel: kernel.13.cloned.1.call-start
scs
__scs_entry_jumppad:
0x0: {  	(pc) =	sbr.rel $0x88, $3  }
0x1: {  	(tag) =	ssettag $0x0;
	lr =	simm.s32 $0x1  }
0x2: {  	[smem:$0x3F96] =	sst lr;
	_ =	strace $0xD0000000  }
0x3: {  	_ = 	snop  }
0x4: {  	_ = 	snop  }
0x5: {  	_ = 	snop  }
0x6: {  	_ = 	snop  }
0x7: {  	_ = 	snop  }
__scs_overlays_trampoline_lowered:
0x8: {  	[smem:$0x3FA5] =	sst s0  }
0x9: {  	[smem:$0x3FA6] =	sst s1  }
0xa: {  	[smem:$0x3FA7] =	sst s2  }
0xb: {  	[smem:$0x3FA8] =	sst s3  }
0xc: {  	[smem:$0x3FA9] =	sst s4  }
0xd: {  	[smem:$0x3FAA] =	sst s5  }
0xe: {  	[smem:$0x3FAB] =	sst s6  }
0xf: {  	[smem:$0x3FAC] =	sst s7  }
0x10: {  	[smem:$0x3FAD] =	sst s8  }
0x11: {  	[smem:$0x3FAE] =	sst s9;
	s0 =	simm.s32 @!p0 $0x0  }
0x12: {  	s1 =	sld [smem:$0x3F94];
	s0 =	simm.s32 @p0 $0x1  }
0x13: {  	[smem:$0x3FAF] =	sst s0;
	s0 =	simm.s32 @!p1 $0x0  }
0x14: {  	s2 =	sld [smem:$0x3F93];
	s0 =	simm.s32 @p1 $0x1  }
0x15: {  	[smem:$0x3FB0] =	sst s0;
	s0 =	simm.s32 @!p2 $0x0  }
0x16: {  	s3 =	sld [smem:$0x3FDB];
	s0 =	simm.s32 @p2 $0x1  }
0x17: {  	s4 =	simm.s32 $0x1BF5;
	[smem:$0x3FB2] =	sst s0  }
0x18: {  	s0 =	sld [smem:$0x3F95];
	_ =	swait.ge [sflag:s4], $0x0  }
0x19: {  	s7 =	sld [smem:$0x3F96]  }
0x1a: {  	s8 =	sadd.s32 $0xFFFFE003, lr  }
0x1b: {  	s9 =	sadd.s32 $0xFFFFFEF7, lr;
	s5 =	simm.s32 $0xFFFFFFFF;
	p2 =	slt.u32 s8, $0xFFFFF086  }
0x1c: {  	p1 =	slt.u32 s9, $0xF7A;
	s5 =	simm.s32 @!p2 $0x0  }
0x1d: {  	s5 =	simm.s32 @p1 $0x1;
	p0 =	seq.s32 s7, s2  }
0x1e: {  	s7 =	smul.u32 @!p0 $0xF7A, s2;
	p2 =	seq.s32 @!p0 s5, $0x0  }
0x1f: {  	s9 =	smul.u32 $0xF7A, s1;
	s8 =	simm.s32 @!p0 $0x1BF5;
	p2 =	por !p2, p0  }
0x20: {  	[sflag:s8] =	ssyncset.s32 @!p0 $0xFFFFF086;
	s6 =	sadd.s32 @!p0 s3, s7;
	s7 =	simm.s32 @!p0 $0x108  }
0x21: {  	s3 =	sadd.s32 s3, s9;
	s6 =	sadd.s32 @!p0 $0x88, s6;
	s7 =	simm.s32 @p2 $0x1082  }
0x22: {  	[simem:s7], [sflag:s8] =	dma.local @!p0 [hbm:s6], $0xF7A  }
0x23: {  	s9 =	sor.u32 $0xD0000000, s2;
	s6 =	simm.s32 $0x108;
	_ =	swait.ge @!p0 [sflag:s8], $0x0  }
0x24: {  	s3 =	sadd.s32 $0x88, s3;
	s6 =	simm.s32 @!p1 $0x1082;
	[sflag:s4] =	ssyncset.s32 $0xFFFFF086  }
0x25: {  	[simem:s6], [sflag:s4] =	dma.local [hbm:s3], $0xF7A  }
0x26: {  	[smem:$0x3F96] =	sst s1;
	(tag) =	ssettag s2;
	_ =	strace s9  }
0x27: {  	s1 =	sld [smem:$0x3FA6]  }
0x28: {  	s2 =	sld [smem:$0x3FA7]  }
0x29: {  	s4 =	sld [smem:$0x3FA9]  }
0x2a: {  	p0 =	seq.s32 s5, $0x0;
	s5 =	sld [smem:$0x3FAA]  }
0x2b: {  	s6 =	sld [smem:$0x3FAB]  }
0x2c: {  	s7 =	sld [smem:$0x3FAC]  }
0x2d: {  	s3 =	simm.s32 $0x108;
	s8 =	sld [smem:$0x3FAD]  }
0x2e: {  	s3 =	simm.s32 @!p0 $0x1082;
	s9 =	sld [smem:$0x3FAE]  }
0x2f: {  	lr =	sadd.s32 s0, s3;
	s0 =	sld [smem:$0x3FA5]  }
0x30: {  	s3 =	sld [smem:$0x3FA8]  }
0x31: {  	[smem:$0x3FB1] =	sst s10  }
0x32: {  	s10 =	sld [smem:$0x3FAF];
	_ =	sdelay $0x3  }
0x33: {  	p0 =	seq.s32 s10, $0x1;
	s10 =	sld [smem:$0x3FB1];
	_ =	sdelay $0x3  }
0x34: {  	[smem:$0x3FB1] =	sst s10  }
0x35: {  	s10 =	sld [smem:$0x3FB0];
	_ =	sdelay $0x3  }
0x36: {  	p1 =	seq.s32 s10, $0x1;
	s10 =	sld [smem:$0x3FB1];
	_ =	sdelay $0x3  }
0x37: {  	[smem:$0x3FB1] =	sst s10  }
0x38: {  	s10 =	sld [smem:$0x3FB2]  }
0x39: {  	_ = 	snop;
	(pc) =	sbr.ind lr, $3  }
0x3a: {  	_ = 	snop  }
0x3b: {  	_ = 	snop  }
0x3c: {  	p2 =	seq.s32 s10, $0x1;
	s10 =	sld [smem:$0x3FB1]  }
0x3d: {  	_ =	shalt  }
0x3e: {  	_ =	shalt  }
0x3f: {  	_ =	shalt  }
0x40: {  	_ =	shalt  }
0x41: {  	_ =	shalt  }
0x42: {  	_ =	shalt  }
0x43: {  	_ =	shalt  }
0x44: {  	_ =	shalt  }
0x45: {  	_ =	shalt  }
0x46: {  	_ =	shalt  }
0x47: {  	_ =	shalt  }
0x48: {  	_ =	shalt  }
0x49: {  	_ =	shalt  }
0x4a: {  	_ =	shalt  }
0x4b: {  	_ =	shalt  }
0x4c: {  	_ =	shalt  }
0x4d: {  	_ =	shalt  }
0x4e: {  	_ =	shalt  }
0x4f: {  	_ =	shalt  }
0x50: {  	_ =	shalt  }
0x51: {  	_ =	shalt  }
0x52: {  	_ =	shalt  }
0x53: {  	_ =	shalt  }
0x54: {  	_ =	shalt  }
0x55: {  	_ =	shalt  }
0x56: {  	_ =	shalt  }
0x57: {  	_ =	shalt  }
0x58: {  	_ =	shalt  }
0x59: {  	_ =	shalt  }
0x5a: {  	_ =	shalt  }
0x5b: {  	_ =	shalt  }
0x5c: {  	_ =	shalt  }
0x5d: {  	_ =	shalt  }
0x5e: {  	_ =	shalt  }
0x5f: {  	_ =	shalt  }
0x60: {  	_ =	shalt  }
0x61: {  	_ =	shalt  }
0x62: {  	_ =	shalt  }
0x63: {  	_ =	shalt  }
0x64: {  	_ =	shalt  }
0x65: {  	_ =	shalt  }
0x66: {  	_ =	shalt  }
0x67: {  	_ =	shalt  }
0x68: {  	_ =	shalt  }
0x69: {  	_ =	shalt  }
0x6a: {  	_ =	shalt  }
0x6b: {  	_ =	shalt  }
0x6c: {  	_ =	shalt  }
0x6d: {  	_ =	shalt  }
0x6e: {  	_ =	shalt  }
0x6f: {  	_ =	shalt  }
0x70: {  	_ =	shalt  }
0x71: {  	_ =	shalt  }
0x72: {  	_ =	shalt  }
0x73: {  	_ =	shalt  }
0x74: {  	_ =	shalt  }
0x75: {  	_ =	shalt  }
0x76: {  	_ =	shalt  }
0x77: {  	_ =	shalt  }
0x78: {  	_ =	shalt  }
0x79: {  	_ =	shalt  }
0x7a: {  	_ =	shalt  }
0x7b: {  	_ =	shalt  }
0x7c: {  	_ =	shalt  }
0x7d: {  	_ =	shalt  }
0x7e: {  	_ =	shalt  }
0x7f: {  	_ =	shalt  }
0x80: {  	_ =	shalt  }
0x81: {  	_ =	shalt  }
0x82: {  	_ =	shalt  }
0x83: {  	_ =	shalt  }
0x84: {  	_ =	shalt  }
0x85: {  	_ =	shalt  }
0x86: {  	_ =	shalt  }
0x87: {  	_ =	shalt  }
.Lfunc_end0:
.L_simem_size_0:
called_computation.1_lowered:
.L_overlay_start_0:
0x88: {  	s2 =	sld [smem:$0x3FD9]  }
0x89: {  	s3 =	sld [smem:$0x3FFE];
	_ =	sdelay $0x1  }
0x8a: {  	s1 =	srdreg.scid  }
0x8b: {  	s0 =	sand.u32 $0x1, s1  }
0x8c: {  	s15 =	sshll.u32 s0, $0xA;
	s2 =	sadd.s32 s3, s2  }
0x8d: {  	s2 =	sadd.s32 s2, s15  }
0x8e: {  	[smem:$0x3FBD] =	sst s2  }
0x8f: {  	_ = 	snop  }
0x90: {  	s2 =	sld [smem:$0x3FD0];
	_ =	sdelay $0x2  }
0x91: {  	s16 =	simm.s32 $0xB;
	s4 =	simm.s32 $0x10  }
0x92: {  	[smem:s4], [sflag:s16] =	dma.local [hbm:s2], $0x1  }
0x93: {  	_ =	swait.eq [sflag:s16], $0x1  }
0x94: {  	[sflag:s16] =	ssyncset.done $0x0  }
0x95: {  	[sflag:s16] =	ssyncadd.s32 $0xFFFFFFFF  }
0x96: {  	s17 =	sld [smem:$0x11];
	(tm) =	ssettm $0x1  }
0x97: {  	s18 =	sld [smem:$0x3FFB];
	_ =	sdelay $0x3  }
0x98: {  	_ =	strace s18  }
0x99: {  	s2 =	sld [smem:$0x3FFC];
	_ =	sdelay $0x3  }
0x9a: {  	_ =	strace s2  }
0x9b: {  	s2 =	sld [smem:$0x3FFD];
	_ =	sdelay $0x3  }
0x9c: {  	_ =	strace s2  }
0x9d: {  	_ =	strace $0x8FFFFFFF  }
0x9e: {  	s19 =	sld [smem:$0x3FDB];
	_ =	sdelay $0x1  }
0x9f: {  	s20 =	simm.s32 $_scs_section_size  }
0xa0: {  	s5 =	simm.s32 $_size__tile_overlayer_lowered;
	s6 =	simm.s32 $_tile_overlayer_lowered  }
0xa1: {  	s7 =	simm.s32 $0x1BFF;
	s21 =	sshll.u32 s6, $0x1;
	s4 =	sadd.s32 s20, s19  }
0xa2: {  	s22 =	simm.s32 $0x0;
	s5 =	sshll.u32 s5, $0x1;
	s6 =	sadd.s32 s21, s4  }
0xa3: {  	[timem:s22], [sflag:s7] =	dma.local [hbm:s6], s5  }
0xa4: {  	_ =	swait.ge [sflag:s7], s5  }
0xa5: {  	s5 =	ssub.s32 $0x0, s5;
	[sflag:s7] =	ssyncset.done $0x0  }
0xa6: {  	[sflag:s7] =	ssyncadd.s32 s5;
	_ =	sdelay $0x1  }
0xa7: {  	s23 =	simm.s32 $0x1B8B  }
0xa8: {  	_ =	swait.ge [sflag:s23], $0x1  }
0xa9: {  	[sflag:s23] =	ssyncset.done $0x0  }
0xaa: {  	[sflag:s23] =	ssyncadd.s32 $0xFFFFFFFF  }
0xab: {  	s5 =	sld [smem:$0x0]  }
0xac: {  	s6 =	sand.u32 $0xFFFFFFFE, s1  }
0xad: {  	p0 =	sne.s32 s1, s6  }
0xae: {  	s6 =	sshll.u32 @p0 s6, $0xE  }
0xaf: {  	s6 =	sadd.s32 @p0 $0x11B8D, s6;
	s7 =	sshll.u32 @p0 s5, $0x11  }
0xb0: {  	s6 =	sor.u32 @p0 s7, s6  }
0xb1: {  	[sflag:s6] =	ssyncadd.remote.s32 @p0 $0x1;
	_ =	sdelay $0x1  }
0xb2: {  	s6 =	simm.s32 @p0 $0x1B8D  }
0xb3: {  	_ =	swait.eq @p0 [sflag:s6], $0x1  }
0xb4: {  	[sflag:s6] =	ssyncadd.s32 @p0 $0xFFFFFFFF  }
0xb5: {  	s7 =	sshll.u32 @!p0 s1, $0xE  }
0xb6: {  	s7 =	sor.u32 @!p0 $0x4000, s7;
	s6 =	simm.s32 @!p0 $0x1B8D  }
0xb7: {  	s5 =	sshll.u32 @!p0 s5, $0x11;
	s7 =	sadd.s32 @!p0 $0x11B8D, s7;
	_ =	swait.eq @!p0 [sflag:s6], $0x1  }
0xb8: {  	s5 =	sor.u32 @!p0 s5, s7;
	[sflag:s6] =	ssyncadd.s32 @!p0 $0xFFFFFFFF  }
0xb9: {  	s25 =	simm.s32 $0x1B8E;
	s24 =	sld [smem:$0x3FFE];
	[sflag:s5] =	ssyncadd.remote.s32 @!p0 $0x1  }
0xba: {  	s26 =	simm.s32 $execute0_lowered;
	[smem:$0x3FD2] =	sst s25  }
0xbb: {  	s6 =	sshll.u32 s26, $0x1;
	_ =	strace $0x80000049;
	[dreg:$0x1] =	wrdreg $0xFFFFFFFF  }
0xbc: {  	s28 =	simm.s32 $_size_execute0_lowered;
	s4 =	sadd.s32 s4, s6;
	[dreg:$0x0] =	wrdreg $0x0  }
0xbd: {  	s6 =	sshll.u32 s28, $0x1;
	[dreg:$0x2] =	wrdreg s4  }
0xbe: {  	[dreg:$0x3] =	wrdreg s6  }
0xbf: {  	[dreg:$0x4] =	wrdreg $0xC0  }
0xc0: {  	_ =	task [dreg:s22], $0x5FFFF  }
0xc1: {  	[dreg:$0x1] =	wrdreg $0xFFFFFFFF  }
0xc2: {  	[dreg:$0x0] =	wrdreg $0x60  }
0xc3: {  	[dreg:$0x2] =	wrdreg s24  }
0xc4: {  	[dreg:$0x3] =	wrdreg s17  }
0xc5: {  	[dreg:$0x4] =	wrdreg $0x9  }
0xc6: {  	_ =	task.clear_ibuf [dreg:s22], $0x5FFFF;
	_ =	strace $0x90000049  }
0xc7: {  	s29 =	simm.s32 $0x9;
	_ =	strace $0x8000004B  }
0xc8: {  	_ =	swait.ge [sflag:s29], $0x1  }
0xc9: {  	[sflag:s29] =	ssyncadd.s32 $0xFFFFFFFF  }
0xca: {  	_ =	strace $0x9000004B  }
0xcb: {  	_ =	sfence  }
0xcc: {  	s30 =	sld [smem:$0x0];
	_ =	sdelay $0x2  }
0xcd: {  	s31 =	sshll.u32 s1, $0xD;
	s1 =	sshrl.u32 s1, $0x2  }
0xce: {  	s4 =	sand.u32 $0x4000, s31;
	s1 =	sadd.s32 s1, s30  }
0xcf: {  	s0 =	sor.u32 s4, s0;
	s1 =	sshll.u32 s1, $0x11  }
0xd0: {  	s0 =	sor.u32 s1, s0  }
0xd1: {  	s0 =	sadd.s32 $0x8F2B, s0  }
0xd2: {  	[sflag:s0] =	ssyncadd.remote.s32 $0x1  }
0xd3: {  	_ =	sfence.sel $0xFFFF  }
0xd4: {  	[dreg:$0x0] =	wrdreg $0xFFFFFFFF;
	(pc) =	sbr.abs _section_cstart, $3  }
0xd5: {  	[dreg:$0x1] =	wrdreg $0xFFFFFFFF  }
0xd6: {  	_ =	task.clear_ibuf [dreg:s22], $0x2FFFF;
	_ =	strace $0x9FFFFFFF  }
0xd7: {  	(tm) =	ssettm $0x7FFFFFFF  }
tec
execute0_lowered:
.L_overlay_start_1:
0x0: {  	(tag) =	ssettag $0x1  }
0x1: {  	s0 =	rddreg [dreg:$0x0]  }
0x2: {  	s1 =	srdreg.scid;
	s2 =	stileid.u32;
	s3 =	simm.s32 $0x0  }
0x3: {  	s16 =	simm.s32 $0x7;
	s18 =	simm.s32 $0x3800;
	s19 =	simm.s32 $0x5F80  }
0x4: {  	s28 =	simm.s32 $0x12680;
	s29 =	simm.s32 $0x1;
	s30 =	simm.s32 $0x2  }
0x5: {  	s31 =	simm.s32 $0x3;
	s1 =	sand.u32 $0x1, s1;
	s2 =	sshll.u32 s2, $0x1  }
0x6: {  	[smem:$0x7FF] =	sst s3;
	s4 =	sadd.s32 $0x16C00, s0;
	s5 =	sadd.s32 $0x3DE00, s0  }
0x7: {  	s7 =	sadd.s32 $0x2600, s0;
	s20 =	sadd.s32 $0x2000, s0;
	s8 =	sadd.s32 $0x36B000, s0  }
0x8: {  	s2 =	sor.u32 s1, s2;
	_ =	strace $0x8000004A;
	[dreg:$0x3] =	wrdreg s7  }
0x9: {  	[dreg:$0x4] =	wrdreg s20;
	s1 =	ssub.s32 $0x2, s1;
	s6 =	smul.u32 $0x380, s2  }
0xa: {  	s20 =	simm.s32 $0x8700;
	s21 =	sshll.u32 s2, $0x9;
	s9 =	smul.u32 $0x7D000, s2  }
0xb: {  	s22 =	sshrl.u32 s1, $0x1;
	s11 =	smul.u32 $0xFA0, s2;
	s2 =	simm.s32 $0x6  }
0xc: {  	s1 =	ssub.s32 s1, s22;
	s22 =	simm.s32 $0xAE80;
	s6 =	sadd.s32 s6, s0  }
0xd: {  	s0 =	sadd.s32 s21, s0;
	s24 =	sshrl.u32 s9, $0x3;
	s15 =	smax.u32 s1, $0x1  }
0xe: {  	s21 =	simm.s32 $0x50;
	s1 =	simm.s32 $0x4;
	s23 =	sadd.s32 $0x359000, s6  }
0xf: {  	s6 =	sadd.s32 $0x360000, s6;
	s25 =	sadd.s32 s8, s24;
	[dreg:$0x5] =	wrdreg s23  }
0x10: {  	s14 =	sadd.s32 $0x367000, s0;
	s0 =	simm.s32 $0x5;
	[dreg:$0x6] =	wrdreg s6  }
0x11: {  	s26 =	sadd.s32 $0xF000, s25;
	s13 =	sadd.s32 $0xF500, s25;
	s23 =	simm.s32 $0xD680  }
0x12: {  	s25 =	simm.s32 $0xFE80;
	[dreg:$0x7] =	wrdreg s26;
	s26 =	simm.s32 $0x0  }
.LBB2_1:
0x13: {  	s6 =	rddreg [dreg:$0x5]  }
0x14: {  	[tilespmem:s3], [sflag:$0x7] =	stream.linear.gather [hbm4b:s6+s3], $0x1900, $0x38;
	[tilespmem:$0x15E80] =	vst v63  }
0x15: {  	_ =	swait.ge [sflag:s16], $0x1900  }
0x16: {  	[sflag:s16] =	ssyncset.done $0x0  }
0x17: {  	s7 =	simm.s32 $0x1C00;
	s24 =	rddreg [dreg:$0x6];
	[sflag:s16] =	ssyncadd.s32 $0xFFFFE700  }
0x18: {  	[tilespmem:s7], [sflag:$0x7] =	stream.linear.gather [hbm4b:s24+s3], $0x1900, $0x38;
	[tilespmem:$0x15E80] =	vst v63  }
0x19: {  	_ =	swait.ge [sflag:s16], $0x1900  }
0x1a: {  	[sflag:s16] =	ssyncset.done $0x0  }
0x1b: {  	s9 =	rddreg [dreg:$0x3];
	[sflag:s16] =	ssyncadd.s32 $0xFFFFE700  }
0x1c: {  	[tilespmem:s18], [sflag:$0x7] =	stream.linear.gather [hbm4b:s9+s3], $0x2780, $0x38;
	[tilespmem:$0x15E80] =	vst v63  }
0x1d: {  	_ =	swait.ge [sflag:s16], $0x2780  }
0x1e: {  	[sflag:s16] =	ssyncset.done $0x0  }
0x1f: {  	s10 =	rddreg [dreg:$0x4];
	[sflag:s16] =	ssyncadd.s32 $0xFFFFD880  }
0x20: {  	[tilespmem:s19], [sflag:$0x7] =	stream.linear.gather [hbm4b:s10+s3], $0x2780, $0x38;
	[tilespmem:$0x15E80] =	vst v63  }
0x21: {  	_ =	swait.ge [sflag:s16], $0x2780  }
0x22: {  	[sflag:s16] =	ssyncset.done $0x0  }
0x23: {  	[sflag:s16] =	ssyncadd.s32 $0xFFFFD880  }
0x24: {  	s12 =	rddreg [dreg:$0x1]  }
0x25: {  	[tilespmem:s20], [sflag:$0x7] =	stream.linear.gather [hbm4b:s12+s3], $0x2780, $0x38;
	[tilespmem:$0x15E80] =	vst v63  }
0x26: {  	_ =	swait.ge [sflag:s16], $0x2780  }
0x27: {  	[sflag:s16] =	ssyncset.done $0x0  }
0x28: {  	[sflag:s16] =	ssyncadd.s32 $0xFFFFD880  }
0x29: {  	[tilespmem:s22], [sflag:$0x1] =	stream.indirect.gather [hbm4b:s4+s21], $0x80, s7, s21, $0xb8;
	[tilespmem:$0x15E80] =	vst v63  }
0x2a: {  	_ = 	snop  }
0x2b: {  	[tilespmem:s23], [sflag:$0x2] =	stream.indirect.gather [hbm4b:s5+s21], $0x80, s3, s21, $0xb8;
	[tilespmem:$0x15E80] =	vst v63  }
0x2c: {  	s17 =	simm.s32 $0x1C80  }
0x2d: {  	[tilespmem:s25], [sflag:$0x3] =	stream.indirect.gather [hbm4b:s4+s21], $0x80, s17, s21, $0xb8;
	[tilespmem:$0x15E80] =	vst v63  }
0x2e: {  	s24 =	simm.s32 $0x80  }
0x2f: {  	[tilespmem:s28], [sflag:$0x4] =	stream.indirect.gather [hbm4b:s5+s21], $0x80, s24, s21, $0xb8;
	[tilespmem:$0x15E80] =	vst v63  }
0x30: {  	s24 =	simm.s32 $0x0  }
.LBB2_2:
0x31: {  	s6 =	sshll.u32 s24, $0x8  }
0x32: {  	v0 =	vld [tilespmem:s6+$0x0]  }
0x33: {  	v1 =	vld [tilespmem:s6+$0x1C00];
	_ =	sdelay $0x6  }
0x34: {  	v2 =	vld.idx.msk [tilespmem:v0+s18+$0x0], $0xffff  }
0x35: {  	v3 =	vld.idx.msk [tilespmem:v1+s18+$0x0], $0xffff  }
0x36: {  	v4 =	vld.idx.msk [tilespmem:v0+s19+$0x0], $0xffff  }
0x37: {  	v5 =	vld.idx.msk [tilespmem:v1+s19+$0x0], $0xffff  }
0x38: {  	v0 =	vld.idx.msk [tilespmem:v0+s20+$0x0], $0xffff  }
0x39: {  	v1 =	vld.idx.msk [tilespmem:v1+s20+$0x0], $0xffff;
	_ =	sdelay $0x2  }
0x3a: {  	v2 =	vsub.f32 v2, v3;
	v3 =	vsub.f32 v4, v5  }
0x3b: {  	s7 =	smul.u32 $0xA0, s24  }
0x3c: {  	v0 =	vsub.f32 v0, v1;
	v1 =	vmul.f32 v2, v2;
	v2 =	vmul.f32 v3, v3  }
0x3d: {  	p0 =	slt.u32 s24, $0xD;
	s9 =	sadd.s32 $0xFFFFF830, s7  }
0x3e: {  	p1 =	sgt.u32 s24, $0xC;
	s17 =	simm.s32 $0x15680;
	s9 =	smov.u32 @p0 s7;
	v0 =	vmul.f32 v0, v0;
	v1 =	vadd.f32 v2, v1  }
0x3f: {  	s17 =	simm.s32 @!p1 $0x14E80;
	s10 =	sand.u32 $0x780, s9  }
0x40: {  	s9 =	sand.u32 $0x70, s9;
	s10 =	sadd.s32 s10, s17;
	v0 =	vadd.f32 v0, v1  }
0x41: {  	s9 =	sor.u32 s9, s10  }
0x42: {  	[tilespmem:s9+$0x0] =	vst v0  }
0x43: {  	v0 =	vld [tilespmem:s6+$0x10]  }
0x44: {  	v1 =	vld [tilespmem:s6+$0x1C10];
	_ =	sdelay $0x6  }
0x45: {  	v2 =	vld.idx.msk [tilespmem:v0+s18+$0x0], $0xffff  }
0x46: {  	v3 =	vld.idx.msk [tilespmem:v1+s18+$0x0], $0xffff  }
0x47: {  	v4 =	vld.idx.msk [tilespmem:v0+s19+$0x0], $0xffff  }
0x48: {  	v5 =	vld.idx.msk [tilespmem:v1+s19+$0x0], $0xffff  }
0x49: {  	v0 =	vld.idx.msk [tilespmem:v0+s20+$0x0], $0xffff  }
0x4a: {  	v1 =	vld.idx.msk [tilespmem:v1+s20+$0x0], $0xffff;
	_ =	sdelay $0x2  }
0x4b: {  	v2 =	vsub.f32 v2, v3;
	v3 =	vsub.f32 v4, v5;
	_ =	sdelay $0x1  }
0x4c: {  	s9 =	sor.u32 $0x10, s7;
	v0 =	vsub.f32 v0, v1;
	v1 =	vmul.f32 v2, v2;
	v2 =	vmul.f32 v3, v3  }
0x4d: {  	s10 =	sadd.s32 $0xFFFFF840, s7;
	p1 =	slt.u32 s9, $0x7D0  }
0x4e: {  	p2 =	sgt.u32 s9, $0x7CF;
	s10 =	smov.u32 @p1 s9;
	s9 =	simm.s32 $0x800;
	v0 =	vmul.f32 v0, v0;
	v1 =	vadd.f32 v2, v1  }
0x4f: {  	s12 =	sand.u32 $0x780, s10;
	s9 =	simm.s32 @!p2 $0x0  }
0x50: {  	s10 =	sand.u32 $0x70, s10;
	s9 =	sor.u32 s12, s9;
	v0 =	vadd.f32 v0, v1  }
0x51: {  	s9 =	sor.u32 s10, s9  }
0x52: {  	[tilespmem:s9+$0x14E80] =	vst v0  }
0x53: {  	v0 =	vld [tilespmem:s6+$0x20]  }
0x54: {  	v1 =	vld [tilespmem:s6+$0x1C20];
	_ =	sdelay $0x6  }
0x55: {  	v2 =	vld.idx.msk [tilespmem:v0+s18+$0x0], $0xffff  }
0x56: {  	v3 =	vld.idx.msk [tilespmem:v1+s18+$0x0], $0xffff  }
0x57: {  	v4 =	vld.idx.msk [tilespmem:v0+s19+$0x0], $0xffff  }
0x58: {  	v5 =	vld.idx.msk [tilespmem:v1+s19+$0x0], $0xffff  }
0x59: {  	v0 =	vld.idx.msk [tilespmem:v0+s20+$0x0], $0xffff  }
0x5a: {  	v1 =	vld.idx.msk [tilespmem:v1+s20+$0x0], $0xffff;
	_ =	sdelay $0x2  }
0x5b: {  	v2 =	vsub.f32 v2, v3;
	v3 =	vsub.f32 v4, v5;
	_ =	sdelay $0x1  }
0x5c: {  	s9 =	simm.s32 $0x20;
	v0 =	vsub.f32 v0, v1;
	v1 =	vmul.f32 v2, v2;
	v2 =	vmul.f32 v3, v3  }
0x5d: {  	s9 =	simm.s32 @!p0 $0xFFFFF850  }
0x5e: {  	s9 =	sadd.s32 s7, s9;
	v0 =	vmul.f32 v0, v0;
	v1 =	vadd.f32 v2, v1  }
0x5f: {  	s12 =	sand.u32 $0x780, s9  }
0x60: {  	s9 =	sand.u32 $0x70, s9;
	s10 =	sadd.s32 s12, s17;
	v0 =	vadd.f32 v0, v1  }
0x61: {  	s9 =	sor.u32 s9, s10  }
0x62: {  	[tilespmem:s9+$0x0] =	vst v0  }
0x63: {  	v0 =	vld [tilespmem:s6+$0x30]  }
0x64: {  	v1 =	vld [tilespmem:s6+$0x1C30];
	_ =	sdelay $0x6  }
0x65: {  	v2 =	vld.idx.msk [tilespmem:v0+s18+$0x0], $0xffff  }
0x66: {  	v3 =	vld.idx.msk [tilespmem:v1+s18+$0x0], $0xffff  }
0x67: {  	v4 =	vld.idx.msk [tilespmem:v0+s19+$0x0], $0xffff  }
0x68: {  	v5 =	vld.idx.msk [tilespmem:v1+s19+$0x0], $0xffff  }
0x69: {  	v0 =	vld.idx.msk [tilespmem:v0+s20+$0x0], $0xffff  }
0x6a: {  	v1 =	vld.idx.msk [tilespmem:v1+s20+$0x0], $0xffff;
	_ =	sdelay $0x2  }
0x6b: {  	v2 =	vsub.f32 v2, v3;
	v3 =	vsub.f32 v4, v5;
	_ =	sdelay $0x1  }
0x6c: {  	s9 =	simm.s32 $0x30;
	v0 =	vsub.f32 v0, v1;
	v1 =	vmul.f32 v2, v2;
	v2 =	vmul.f32 v3, v3  }
0x6d: {  	s9 =	simm.s32 @!p0 $0xFFFFF860  }
0x6e: {  	s9 =	sadd.s32 s7, s9;
	v0 =	vmul.f32 v0, v0;
	v1 =	vadd.f32 v2, v1  }
0x6f: {  	s12 =	sand.u32 $0x780, s9  }
0x70: {  	s9 =	sand.u32 $0x70, s9;
	s10 =	sadd.s32 s12, s17;
	v0 =	vadd.f32 v0, v1  }
0x71: {  	s9 =	sor.u32 s9, s10  }
0x72: {  	[tilespmem:s9+$0x0] =	vst v0  }
0x73: {  	v0 =	vld [tilespmem:s6+$0x40]  }
0x74: {  	v1 =	vld [tilespmem:s6+$0x1C40];
	_ =	sdelay $0x6  }
0x75: {  	v2 =	vld.idx.msk [tilespmem:v0+s18+$0x0], $0xffff  }
0x76: {  	v3 =	vld.idx.msk [tilespmem:v1+s18+$0x0], $0xffff  }
0x77: {  	v4 =	vld.idx.msk [tilespmem:v0+s19+$0x0], $0xffff  }
0x78: {  	v5 =	vld.idx.msk [tilespmem:v1+s19+$0x0], $0xffff  }
0x79: {  	v0 =	vld.idx.msk [tilespmem:v0+s20+$0x0], $0xffff  }
0x7a: {  	v1 =	vld.idx.msk [tilespmem:v1+s20+$0x0], $0xffff;
	_ =	sdelay $0x2  }
0x7b: {  	v2 =	vsub.f32 v2, v3;
	v3 =	vsub.f32 v4, v5;
	_ =	sdelay $0x1  }
0x7c: {  	s9 =	simm.s32 $0x40;
	v0 =	vsub.f32 v0, v1;
	v1 =	vmul.f32 v2, v2;
	v2 =	vmul.f32 v3, v3  }
0x7d: {  	s9 =	simm.s32 @!p0 $0xFFFFF870  }
0x7e: {  	s9 =	sadd.s32 s7, s9;
	v0 =	vmul.f32 v0, v0;
	v1 =	vadd.f32 v2, v1  }
0x7f: {  	s12 =	sand.u32 $0x780, s9  }
0x80: {  	s9 =	sand.u32 $0x70, s9;
	s10 =	sadd.s32 s12, s17;
	v0 =	vadd.f32 v0, v1  }
0x81: {  	s9 =	sor.u32 s9, s10  }
0x82: {  	[tilespmem:s9+$0x0] =	vst v0  }
0x83: {  	_ =	swait.ge [sflag:s29], $0x2800  }
0x84: {  	[sflag:s29] =	ssyncset.done $0x0  }
0x85: {  	[sflag:s29] =	ssyncadd.s32 $0xFFFFD800  }
0x86: {  	_ =	swait.ge [sflag:s30], $0x2800  }
0x87: {  	[sflag:s30] =	ssyncset.done $0x0  }
0x88: {  	s17 =	simm.s32 $0x0;
	[sflag:s30] =	ssyncadd.s32 $0xFFFFD800  }
0x89: {  	v7 =	vld [tilespmem:s17+$0xD680]  }
0x8a: {  	v11 =	vld [tilespmem:s17+$0xD690]  }
0x8b: {  	v5 =	vld [tilespmem:s17+$0xD6A0]  }
0x8c: {  	v4 =	vld [tilespmem:s17+$0xD6B0]  }
0x8d: {  	v3 =	vld [tilespmem:s17+$0xD6C0]  }
0x8e: {  	v2 =	vld [tilespmem:s17+$0xD6D0]  }
0x8f: {  	v1 =	vld [tilespmem:s17+$0xD6E0]  }
0x90: {  	v0 =	vld [tilespmem:s17+$0xD6F0]  }
0x91: {  	v12 =	vld [tilespmem:s17+$0xAE80]  }
0x92: {  	v13 =	vld [tilespmem:s17+$0xAE90]  }
0x93: {  	v10 =	vld [tilespmem:s17+$0xAEA0]  }
0x94: {  	v9 =	vld [tilespmem:s17+$0xAEB0]  }
0x95: {  	v8 =	vld [tilespmem:s17+$0xAEC0]  }
0x96: {  	v6 =	vld [tilespmem:s17+$0xAED0];
	v12 =	vadd.f32 v7, v12  }
0x97: {  	s9 =	simm.s32 $0x200;
	v11 =	vadd.f32 v11, v13;
	v7 =	vld [tilespmem:s17+$0xAEE0]  }
.LBB2_3:
0x98: {  	s10 =	sshra.s32 s9, $0x2;
	p0 =	sne.s32 s9, $0x9E00;
	[tilespmem:s17+$0xAE80] =	vst v12;
	v5 =	vadd.f32 v5, v10;
	v10 =	vld [tilespmem:s17+$0xAEF0]  }
0x99: {  	v12 =	vld [tilespmem:s10+$0xD680];
	[tilespmem:s17+$0xAE90] =	vst v11;
	v4 =	vadd.f32 v4, v9  }
0x9a: {  	v11 =	vld [tilespmem:s10+$0xD690];
	[tilespmem:s17+$0xAEA0] =	vst v5;
	v3 =	vadd.f32 v3, v8  }
0x9b: {  	v5 =	vld [tilespmem:s10+$0xD6A0];
	[tilespmem:s17+$0xAEB0] =	vst v4;
	v2 =	vadd.f32 v2, v6  }
0x9c: {  	v4 =	vld [tilespmem:s10+$0xD6B0];
	[tilespmem:s17+$0xAEC0] =	vst v3;
	v1 =	vadd.f32 v1, v7  }
0x9d: {  	v3 =	vld [tilespmem:s10+$0xD6C0];
	[tilespmem:s17+$0xAED0] =	vst v2;
	v0 =	vadd.f32 v0, v10  }
0x9e: {  	v2 =	vld [tilespmem:s10+$0xD6D0];
	[tilespmem:s17+$0xAEE0] =	vst v1  }
0x9f: {  	v1 =	vld [tilespmem:s10+$0xD6E0];
	[tilespmem:s17+$0xAEF0] =	vst v0;
	s17 =	smov.u32 s10  }
0xa0: {  	v0 =	vld [tilespmem:s17+$0xD6F0]  }
0xa1: {  	v6 =	vld [tilespmem:s17+$0xAE80]  }
0xa2: {  	v7 =	vld [tilespmem:s17+$0xAE90]  }
.Ltmp0:
0xa3: {  	v10 =	vld [tilespmem:s17+$0xAEA0];
	(pc) =	sbr.rel @p0 .LBB2_3-.Ltmp0, $4  }
0xa4: {  	v9 =	vld [tilespmem:s17+$0xAEB0]  }
0xa5: {  	v8 =	vld [tilespmem:s17+$0xAEC0]  }
0xa6: {  	v12 =	vadd.f32 v12, v6;
	v6 =	vld [tilespmem:s17+$0xAED0]  }
0xa7: {  	s9 =	sadd.s32 $0x200, s9;
	v11 =	vadd.f32 v11, v7;
	v7 =	vld [tilespmem:s17+$0xAEE0]  }
0xa8: {  	[tilespmem:s17+$0xAE80] =	vst v12;
	v5 =	vadd.f32 v5, v10;
	v10 =	vld [tilespmem:s17+$0xAEF0]  }
0xa9: {  	[tilespmem:s17+$0xAE90] =	vst v11;
	v4 =	vadd.f32 v4, v9  }
0xaa: {  	[tilespmem:s17+$0xAEA0] =	vst v5;
	v3 =	vadd.f32 v3, v8  }
0xab: {  	[tilespmem:s17+$0xAEB0] =	vst v4;
	v2 =	vadd.f32 v2, v6  }
0xac: {  	[tilespmem:s17+$0xAEC0] =	vst v3;
	v1 =	vadd.f32 v1, v7  }
0xad: {  	s7 =	sadd.s32 s11, s7;
	[tilespmem:s17+$0xAED0] =	vst v2;
	v0 =	vadd.f32 v0, v10  }
0xae: {  	s9 =	sshllo.u32 s24, $0x1;
	s7 =	sshll.u32 s7, $0x4;
	[tilespmem:s17+$0xAEE0] =	vst v1  }
0xaf: {  	s10 =	simm.s32 $0x0;
	s7 =	sadd.s32 s8, s7;
	[tilespmem:s17+$0xAEF0] =	vst v0;
	s17 =	sshll.u32 s9, $0x7  }
0xb0: {  	[hbm4b:s7+s10] =	stream.linear.scatter [tilespmem:s22], [sflag:$0x5], $0x2800, $0x38;
	[tilespmem:$0x15E80] =	vst v63  }
0xb1: {  	v0 =	vld [tilespmem:s17+$0x0]  }
0xb2: {  	v1 =	vld [tilespmem:s17+$0x1C00];
	_ =	sdelay $0x6  }
0xb3: {  	v2 =	vld.idx.msk [tilespmem:v0+s18+$0x0], $0xffff  }
0xb4: {  	v3 =	vld.idx.msk [tilespmem:v1+s18+$0x0], $0xffff  }
0xb5: {  	v4 =	vld.idx.msk [tilespmem:v0+s19+$0x0], $0xffff  }
0xb6: {  	v5 =	vld.idx.msk [tilespmem:v1+s19+$0x0], $0xffff  }
0xb7: {  	v0 =	vld.idx.msk [tilespmem:v0+s20+$0x0], $0xffff  }
0xb8: {  	v1 =	vld.idx.msk [tilespmem:v1+s20+$0x0], $0xffff  }
0xb9: {  	s7 =	smul.u32 $0x50, s9;
	_ =	sdelay $0x1  }
0xba: {  	s12 =	smulhi.u32 $0x10624DD3, s7;
	v2 =	vsub.f32 v2, v3;
	v3 =	vsub.f32 v4, v5;
	_ =	sdelay $0x1  }
0xbb: {  	s9 =	smulhi.u32 $0x51EB851F, s9;
	s10 =	sshrl.u32 s12, $0x7;
	v0 =	vsub.f32 v0, v1;
	v1 =	vmul.f32 v2, v2;
	v2 =	vmul.f32 v3, v3  }
0xbc: {  	s10 =	smul.u32 $0x7D0, s10  }
0xbd: {  	s9 =	sshll.u32 s9, $0x8;
	v0 =	vmul.f32 v0, v0;
	v1 =	vadd.f32 v2, v1  }
0xbe: {  	s9 =	sand.u32 $0x3FFFF800, s9;
	s10 =	ssub.s32 s7, s10  }
0xbf: {  	s9 =	sor.u32 s9, s10;
	v0 =	vadd.f32 v0, v1  }
0xc0: {  	s9 =	sand.u32 $0x3FFFFFF0, s9  }
0xc1: {  	[tilespmem:s9+$0x14E80] =	vst v0  }
0xc2: {  	v0 =	vld [tilespmem:s17+$0x10]  }
0xc3: {  	v1 =	vld [tilespmem:s17+$0x1C10];
	_ =	sdelay $0x6  }
0xc4: {  	v2 =	vld.idx.msk [tilespmem:v0+s18+$0x0], $0xffff  }
0xc5: {  	v3 =	vld.idx.msk [tilespmem:v1+s18+$0x0], $0xffff  }
0xc6: {  	v4 =	vld.idx.msk [tilespmem:v0+s19+$0x0], $0xffff  }
0xc7: {  	v5 =	vld.idx.msk [tilespmem:v1+s19+$0x0], $0xffff  }
0xc8: {  	v0 =	vld.idx.msk [tilespmem:v0+s20+$0x0], $0xffff  }
0xc9: {  	v1 =	vld.idx.msk [tilespmem:v1+s20+$0x0], $0xffff;
	_ =	sdelay $0x1  }
0xca: {  	s9 =	sadd.s32 $0x10, s7  }
0xcb: {  	s12 =	smulhi.u32 $0x10624DD3, s9;
	v2 =	vsub.f32 v2, v3;
	v3 =	vsub.f32 v4, v5;
	_ =	sdelay $0x1  }
0xcc: {  	s10 =	sshrl.u32 s12, $0x7;
	v0 =	vsub.f32 v0, v1;
	v1 =	vmul.f32 v2, v2;
	v2 =	vmul.f32 v3, v3  }
0xcd: {  	s12 =	smul.u32 $0x7D0, s10  }
0xce: {  	v0 =	vmul.f32 v0, v0;
	v1 =	vadd.f32 v2, v1  }
0xcf: {  	s10 =	sshll.u32 s10, $0xB;
	s9 =	ssub.s32 s9, s12  }
0xd0: {  	s9 =	sor.u32 s10, s9;
	v0 =	vadd.f32 v0, v1  }
0xd1: {  	s9 =	sand.u32 $0x3FFFFFF0, s9  }
0xd2: {  	[tilespmem:s9+$0x14E80] =	vst v0  }
0xd3: {  	v0 =	vld [tilespmem:s17+$0x20]  }
0xd4: {  	v1 =	vld [tilespmem:s17+$0x1C20];
	_ =	sdelay $0x6  }
0xd5: {  	v2 =	vld.idx.msk [tilespmem:v0+s18+$0x0], $0xffff  }
0xd6: {  	v3 =	vld.idx.msk [tilespmem:v1+s18+$0x0], $0xffff  }
0xd7: {  	v4 =	vld.idx.msk [tilespmem:v0+s19+$0x0], $0xffff  }
0xd8: {  	v5 =	vld.idx.msk [tilespmem:v1+s19+$0x0], $0xffff  }
0xd9: {  	v0 =	vld.idx.msk [tilespmem:v0+s20+$0x0], $0xffff  }
0xda: {  	v1 =	vld.idx.msk [tilespmem:v1+s20+$0x0], $0xffff;
	_ =	sdelay $0x1  }
0xdb: {  	s9 =	sadd.s32 $0x20, s7  }
0xdc: {  	s12 =	smulhi.u32 $0x10624DD3, s9;
	v2 =	vsub.f32 v2, v3;
	v3 =	vsub.f32 v4, v5;
	_ =	sdelay $0x1  }
0xdd: {  	s10 =	sshrl.u32 s12, $0x7;
	v0 =	vsub.f32 v0, v1;
	v1 =	vmul.f32 v2, v2;
	v2 =	vmul.f32 v3, v3  }
0xde: {  	s12 =	smul.u32 $0x7D0, s10  }
0xdf: {  	v0 =	vmul.f32 v0, v0;
	v1 =	vadd.f32 v2, v1  }
0xe0: {  	s10 =	sshll.u32 s10, $0xB;
	s9 =	ssub.s32 s9, s12  }
0xe1: {  	s9 =	sor.u32 s10, s9;
	v0 =	vadd.f32 v0, v1  }
0xe2: {  	s9 =	sand.u32 $0x3FFFFFF0, s9  }
0xe3: {  	[tilespmem:s9+$0x14E80] =	vst v0  }
0xe4: {  	v0 =	vld [tilespmem:s17+$0x30]  }
0xe5: {  	v1 =	vld [tilespmem:s17+$0x1C30];
	_ =	sdelay $0x6  }
0xe6: {  	v2 =	vld.idx.msk [tilespmem:v0+s18+$0x0], $0xffff  }
0xe7: {  	v3 =	vld.idx.msk [tilespmem:v1+s18+$0x0], $0xffff  }
0xe8: {  	v4 =	vld.idx.msk [tilespmem:v0+s19+$0x0], $0xffff  }
0xe9: {  	v5 =	vld.idx.msk [tilespmem:v1+s19+$0x0], $0xffff  }
0xea: {  	v0 =	vld.idx.msk [tilespmem:v0+s20+$0x0], $0xffff  }
0xeb: {  	v1 =	vld.idx.msk [tilespmem:v1+s20+$0x0], $0xffff;
	_ =	sdelay $0x1  }
0xec: {  	s9 =	sadd.s32 $0x30, s7  }
0xed: {  	s12 =	smulhi.u32 $0x10624DD3, s9;
	v2 =	vsub.f32 v2, v3;
	v3 =	vsub.f32 v4, v5;
	_ =	sdelay $0x1  }
0xee: {  	s10 =	sshrl.u32 s12, $0x7;
	v0 =	vsub.f32 v0, v1;
	v1 =	vmul.f32 v2, v2;
	v2 =	vmul.f32 v3, v3  }
0xef: {  	s12 =	smul.u32 $0x7D0, s10  }
0xf0: {  	v0 =	vmul.f32 v0, v0;
	v1 =	vadd.f32 v2, v1  }
0xf1: {  	s10 =	sshll.u32 s10, $0xB;
	s9 =	ssub.s32 s9, s12  }
0xf2: {  	s9 =	sor.u32 s10, s9;
	v0 =	vadd.f32 v0, v1  }
0xf3: {  	s9 =	sand.u32 $0x3FFFFFF0, s9  }
0xf4: {  	[tilespmem:s9+$0x14E80] =	vst v0  }
0xf5: {  	v0 =	vld [tilespmem:s17+$0x40]  }
0xf6: {  	v1 =	vld [tilespmem:s17+$0x1C40];
	_ =	sdelay $0x6  }
0xf7: {  	v2 =	vld.idx.msk [tilespmem:v0+s18+$0x0], $0xffff  }
0xf8: {  	v3 =	vld.idx.msk [tilespmem:v1+s18+$0x0], $0xffff  }
0xf9: {  	v4 =	vld.idx.msk [tilespmem:v0+s19+$0x0], $0xffff  }
0xfa: {  	v5 =	vld.idx.msk [tilespmem:v1+s19+$0x0], $0xffff  }
0xfb: {  	v0 =	vld.idx.msk [tilespmem:v0+s20+$0x0], $0xffff  }
0xfc: {  	v1 =	vld.idx.msk [tilespmem:v1+s20+$0x0], $0xffff;
	_ =	sdelay $0x1  }
0xfd: {  	s9 =	sadd.s32 $0x40, s7  }
0xfe: {  	s12 =	smulhi.u32 $0x10624DD3, s9;
	v2 =	vsub.f32 v2, v3;
	v3 =	vsub.f32 v4, v5;
	_ =	sdelay $0x1  }
0xff: {  	s10 =	sshrl.u32 s12, $0x7;
	v0 =	vsub.f32 v0, v1;
	v1 =	vmul.f32 v2, v2;
	v2 =	vmul.f32 v3, v3  }
0x100: {  	s17 =	smul.u32 $0x7D0, s10  }
0x101: {  	v0 =	vmul.f32 v0, v0;
	v1 =	vadd.f32 v2, v1  }
0x102: {  	s10 =	sshll.u32 s10, $0xB;
	s9 =	ssub.s32 s9, s17  }
0x103: {  	s9 =	sor.u32 s10, s9;
	v0 =	vadd.f32 v0, v1  }
0x104: {  	s9 =	sand.u32 $0x3FFFFFF0, s9  }
0x105: {  	[tilespmem:s9+$0x14E80] =	vst v0  }
0x106: {  	_ =	swait.ge [sflag:s31], $0x2800  }
0x107: {  	[sflag:s31] =	ssyncset.done $0x0  }
0x108: {  	[sflag:s31] =	ssyncadd.s32 $0xFFFFD800  }
0x109: {  	_ =	swait.ge [sflag:s1], $0x2800  }
0x10a: {  	[sflag:s1] =	ssyncset.done $0x0  }
0x10b: {  	s17 =	simm.s32 $0x0;
	[sflag:s1] =	ssyncadd.s32 $0xFFFFD800  }
0x10c: {  	v7 =	vld [tilespmem:s17+$0x12680]  }
0x10d: {  	v11 =	vld [tilespmem:s17+$0x12690]  }
0x10e: {  	v5 =	vld [tilespmem:s17+$0x126A0]  }
0x10f: {  	v4 =	vld [tilespmem:s17+$0x126B0]  }
0x110: {  	v3 =	vld [tilespmem:s17+$0x126C0]  }
0x111: {  	v2 =	vld [tilespmem:s17+$0x126D0]  }
0x112: {  	v1 =	vld [tilespmem:s17+$0x126E0]  }
0x113: {  	v0 =	vld [tilespmem:s17+$0x126F0]  }
0x114: {  	v12 =	vld [tilespmem:s17+$0xFE80]  }
0x115: {  	v13 =	vld [tilespmem:s17+$0xFE90]  }
0x116: {  	v10 =	vld [tilespmem:s17+$0xFEA0]  }
0x117: {  	v9 =	vld [tilespmem:s17+$0xFEB0]  }
0x118: {  	v8 =	vld [tilespmem:s17+$0xFEC0]  }
0x119: {  	v6 =	vld [tilespmem:s17+$0xFED0];
	v12 =	vadd.f32 v7, v12  }
0x11a: {  	s9 =	simm.s32 $0x200;
	v11 =	vadd.f32 v11, v13;
	v7 =	vld [tilespmem:s17+$0xFEE0]  }
.LBB2_5:
0x11b: {  	s10 =	sshra.s32 s9, $0x2;
	p0 =	sne.s32 s9, $0x9E00;
	[tilespmem:s17+$0xFE80] =	vst v12;
	v5 =	vadd.f32 v5, v10;
	v10 =	vld [tilespmem:s17+$0xFEF0]  }
0x11c: {  	v12 =	vld [tilespmem:s10+$0x12680];
	[tilespmem:s17+$0xFE90] =	vst v11;
	v4 =	vadd.f32 v4, v9  }
0x11d: {  	v11 =	vld [tilespmem:s10+$0x12690];
	[tilespmem:s17+$0xFEA0] =	vst v5;
	v3 =	vadd.f32 v3, v8  }
0x11e: {  	v5 =	vld [tilespmem:s10+$0x126A0];
	[tilespmem:s17+$0xFEB0] =	vst v4;
	v2 =	vadd.f32 v2, v6  }
0x11f: {  	v4 =	vld [tilespmem:s10+$0x126B0];
	[tilespmem:s17+$0xFEC0] =	vst v3;
	v1 =	vadd.f32 v1, v7  }
0x120: {  	v3 =	vld [tilespmem:s10+$0x126C0];
	[tilespmem:s17+$0xFED0] =	vst v2;
	v0 =	vadd.f32 v0, v10  }
0x121: {  	v2 =	vld [tilespmem:s10+$0x126D0];
	[tilespmem:s17+$0xFEE0] =	vst v1  }
0x122: {  	v1 =	vld [tilespmem:s10+$0x126E0];
	[tilespmem:s17+$0xFEF0] =	vst v0;
	s17 =	smov.u32 s10  }
0x123: {  	v0 =	vld [tilespmem:s17+$0x126F0]  }
0x124: {  	v6 =	vld [tilespmem:s17+$0xFE80]  }
0x125: {  	v7 =	vld [tilespmem:s17+$0xFE90]  }
.Ltmp1:
0x126: {  	v10 =	vld [tilespmem:s17+$0xFEA0];
	(pc) =	sbr.rel @p0 .LBB2_5-.Ltmp1, $4  }
0x127: {  	v9 =	vld [tilespmem:s17+$0xFEB0]  }
0x128: {  	v8 =	vld [tilespmem:s17+$0xFEC0]  }
0x129: {  	v12 =	vadd.f32 v12, v6;
	v6 =	vld [tilespmem:s17+$0xFED0]  }
0x12a: {  	s9 =	sadd.s32 $0x200, s9;
	v11 =	vadd.f32 v11, v7;
	v7 =	vld [tilespmem:s17+$0xFEE0]  }
0x12b: {  	[tilespmem:s17+$0xFE80] =	vst v12;
	v5 =	vadd.f32 v5, v10;
	v63 =	vld [tilespmem:s17+$0xFEF0]  }
0x12c: {  	[tilespmem:s17+$0xFE90] =	vst v11;
	v4 =	vadd.f32 v4, v9  }
0x12d: {  	[tilespmem:s17+$0xFEA0] =	vst v5;
	v3 =	vadd.f32 v3, v8  }
0x12e: {  	[tilespmem:s17+$0xFEB0] =	vst v4;
	v2 =	vadd.f32 v2, v6  }
0x12f: {  	[tilespmem:s17+$0xFEC0] =	vst v3;
	v1 =	vadd.f32 v1, v7  }
0x130: {  	s7 =	sadd.s32 s11, s7;
	[tilespmem:s17+$0xFED0] =	vst v2;
	v0 =	vadd.f32 v0, v63  }
0x131: {  	s7 =	sshll.u32 s7, $0x4;
	[tilespmem:s17+$0xFEE0] =	vst v1  }
0x132: {  	s7 =	sadd.s32 s8, s7;
	[tilespmem:s17+$0xFEF0] =	vst v0  }
0x133: {  	[hbm4b:s7+s3] =	stream.linear.scatter [tilespmem:s25], [sflag:$0x6], $0x2800, $0x38;
	[tilespmem:$0x15E80] =	vst v63  }
0x134: {  	_ =	swait.ge [sflag:s0], $0x2800  }
0x135: {  	[sflag:s0] =	ssyncset.done $0x0  }
0x136: {  	s9 =	sadd.s32 $0x1D00, s6;
	[sflag:s0] =	ssyncadd.s32 $0xFFFFD800  }
0x137: {  	[tilespmem:s22], [sflag:$0x1] =	stream.indirect.gather [hbm4b:s4+s21], $0x80, s9, s21, $0xb8;
	[tilespmem:$0x15E80] =	vst v63  }
0x138: {  	s10 =	sadd.s32 $0x100, s6;
	s24 =	sadd.s32 $0x1, s24  }
0x139: {  	[tilespmem:s23], [sflag:$0x2] =	stream.indirect.gather [hbm4b:s5+s21], $0x80, s10, s21, $0xb8;
	[tilespmem:$0x15E80] =	vst v63  }
0x13a: {  	p0 =	sne.s32 s24, $0x18;
	_ =	swait.ge [sflag:s2], $0x2800  }
.Ltmp2:
0x13b: {  	[sflag:s2] =	ssyncset.done $0x0;
	(pc) =	sbr.rel @p0 .LBB2_2-.Ltmp2, $4  }
0x13c: {  	s12 =	sadd.s32 $0x1D80, s6;
	[sflag:s2] =	ssyncadd.s32 $0xFFFFD800  }
0x13d: {  	[tilespmem:s25], [sflag:$0x3] =	stream.indirect.gather [hbm4b:s4+s21], $0x80, s12, s21, $0xb8;
	[tilespmem:$0x15E80] =	vst v63  }
0x13e: {  	s17 =	sadd.s32 $0x180, s6  }
0x13f: {  	[tilespmem:s28], [sflag:$0x4] =	stream.indirect.gather [hbm4b:s5+s21], $0x80, s17, s21, $0xb8;
	[tilespmem:$0x15E80] =	vst v63  }
0x140: {  	v0 =	vld [tilespmem:$0x1800]  }
0x141: {  	v1 =	vld [tilespmem:$0x3400];
	_ =	sdelay $0x6  }
0x142: {  	v2 =	vld.idx.msk [tilespmem:v0+s18+$0x0], $0xffff  }
0x143: {  	v3 =	vld.idx.msk [tilespmem:v1+s18+$0x0], $0xffff  }
0x144: {  	v4 =	vld.idx.msk [tilespmem:v0+s19+$0x0], $0xffff  }
0x145: {  	v5 =	vld.idx.msk [tilespmem:v1+s19+$0x0], $0xffff  }
0x146: {  	v0 =	vld.idx.msk [tilespmem:v0+s20+$0x0], $0xffff  }
0x147: {  	v1 =	vld.idx.msk [tilespmem:v1+s20+$0x0], $0xffff;
	_ =	sdelay $0x2  }
0x148: {  	v2 =	vsub.f32 v2, v3;
	v3 =	vsub.f32 v4, v5  }
0x149: {  	v4 =	vld [tilespmem:$0x1810]  }
0x14a: {  	v0 =	vsub.f32 v0, v1;
	v1 =	vmul.f32 v2, v2;
	v2 =	vmul.f32 v3, v3  }
0x14b: {  	v3 =	vld [tilespmem:$0x3410]  }
0x14c: {  	v0 =	vmul.f32 v0, v0;
	v1 =	vadd.f32 v2, v1;
	_ =	sdelay $0x1  }
0x14d: {  	v0 =	vadd.f32 v0, v1;
	_ =	sdelay $0x1  }
0x14e: {  	[tilespmem:$0x15DB0] =	vst v0  }
0x14f: {  	v0 =	vld.idx.msk [tilespmem:v4+s18+$0x0], $0xffff  }
0x150: {  	v2 =	vld.idx.msk [tilespmem:v4+s19+$0x0], $0xffff  }
0x151: {  	v1 =	vld.idx.msk [tilespmem:v3+s18+$0x0], $0xffff  }
0x152: {  	v5 =	vld.idx.msk [tilespmem:v3+s19+$0x0], $0xffff  }
0x153: {  	v4 =	vld.idx.msk [tilespmem:v4+s20+$0x0], $0xffff  }
0x154: {  	v3 =	vld.idx.msk [tilespmem:v3+s20+$0x0], $0xffff;
	_ =	sdelay $0x2  }
0x155: {  	v0 =	vsub.f32 v0, v1;
	v1 =	vsub.f32 v2, v5  }
0x156: {  	v2 =	vld [tilespmem:$0x1820]  }
0x157: {  	v3 =	vsub.f32 v4, v3;
	v4 =	vld [tilespmem:$0x3420];
	v0 =	vmul.f32 v0, v0;
	v1 =	vmul.f32 v1, v1;
	_ =	sdelay $0x1  }
0x158: {  	v0 =	vadd.f32 v1, v0;
	v1 =	vmul.f32 v3, v3;
	_ =	sdelay $0x1  }
0x159: {  	v0 =	vadd.f32 v1, v0;
	_ =	sdelay $0x1  }
0x15a: {  	[tilespmem:$0x15DC0] =	vst v0  }
0x15b: {  	v0 =	vld.idx.msk [tilespmem:v2+s18+$0x0], $0xffff  }
0x15c: {  	v1 =	vld.idx.msk [tilespmem:v4+s18+$0x0], $0xffff  }
0x15d: {  	v3 =	vld.idx.msk [tilespmem:v2+s19+$0x0], $0xffff  }
0x15e: {  	v5 =	vld.idx.msk [tilespmem:v4+s19+$0x0], $0xffff  }
0x15f: {  	v2 =	vld.idx.msk [tilespmem:v2+s20+$0x0], $0xffff  }
0x160: {  	v4 =	vld.idx.msk [tilespmem:v4+s20+$0x0], $0xffff;
	_ =	sdelay $0x2  }
0x161: {  	v0 =	vsub.f32 v0, v1;
	v1 =	vsub.f32 v3, v5  }
0x162: {  	v3 =	vld [tilespmem:$0x1830]  }
0x163: {  	v2 =	vsub.f32 v2, v4;
	v4 =	vld [tilespmem:$0x3430];
	v0 =	vmul.f32 v0, v0;
	v1 =	vmul.f32 v1, v1;
	_ =	sdelay $0x1  }
0x164: {  	v0 =	vadd.f32 v1, v0;
	v1 =	vmul.f32 v2, v2;
	_ =	sdelay $0x1  }
0x165: {  	v0 =	vadd.f32 v1, v0;
	_ =	sdelay $0x1  }
0x166: {  	[tilespmem:$0x15DD0] =	vst v0  }
0x167: {  	v0 =	vld.idx.msk [tilespmem:v3+s18+$0x0], $0xffff  }
0x168: {  	v1 =	vld.idx.msk [tilespmem:v4+s18+$0x0], $0xffff  }
0x169: {  	v2 =	vld.idx.msk [tilespmem:v3+s19+$0x0], $0xffff  }
0x16a: {  	v5 =	vld.idx.msk [tilespmem:v4+s19+$0x0], $0xffff  }
0x16b: {  	v3 =	vld.idx.msk [tilespmem:v3+s20+$0x0], $0xffff  }
0x16c: {  	v4 =	vld.idx.msk [tilespmem:v4+s20+$0x0], $0xffff;
	_ =	sdelay $0x2  }
0x16d: {  	v0 =	vsub.f32 v0, v1;
	v1 =	vsub.f32 v2, v5  }
0x16e: {  	v2 =	vld [tilespmem:$0x1840]  }
0x16f: {  	v3 =	vsub.f32 v3, v4;
	v4 =	vld [tilespmem:$0x3440];
	v0 =	vmul.f32 v0, v0;
	v1 =	vmul.f32 v1, v1;
	_ =	sdelay $0x1  }
0x170: {  	v0 =	vadd.f32 v1, v0;
	v1 =	vmul.f32 v3, v3;
	_ =	sdelay $0x1  }
0x171: {  	v0 =	vadd.f32 v1, v0;
	_ =	sdelay $0x1  }
0x172: {  	[tilespmem:$0x15DE0] =	vst v0  }
0x173: {  	v0 =	vld.idx.msk [tilespmem:v2+s18+$0x0], $0xffff  }
0x174: {  	v1 =	vld.idx.msk [tilespmem:v4+s18+$0x0], $0xffff  }
0x175: {  	v3 =	vld.idx.msk [tilespmem:v2+s19+$0x0], $0xffff  }
0x176: {  	v5 =	vld.idx.msk [tilespmem:v4+s19+$0x0], $0xffff  }
0x177: {  	v2 =	vld.idx.msk [tilespmem:v2+s20+$0x0], $0xffff  }
0x178: {  	v4 =	vld.idx.msk [tilespmem:v4+s20+$0x0], $0xffff;
	_ =	sdelay $0x2  }
0x179: {  	v0 =	vsub.f32 v0, v1;
	v1 =	vsub.f32 v3, v5;
	_ =	sdelay $0x1  }
0x17a: {  	v2 =	vsub.f32 v2, v4;
	v0 =	vmul.f32 v0, v0;
	v1 =	vmul.f32 v1, v1;
	_ =	sdelay $0x1  }
0x17b: {  	v0 =	vadd.f32 v1, v0;
	v1 =	vmul.f32 v2, v2;
	_ =	sdelay $0x1  }
0x17c: {  	v0 =	vadd.f32 v1, v0;
	_ =	sdelay $0x1  }
0x17d: {  	[tilespmem:$0x15DF0] =	vst v0  }
0x17e: {  	_ =	swait.ge [sflag:s29], $0x2800  }
0x17f: {  	[sflag:s29] =	ssyncset.done $0x0  }
0x180: {  	[sflag:s29] =	ssyncadd.s32 $0xFFFFD800  }
0x181: {  	_ =	swait.ge [sflag:s30], $0x2800  }
0x182: {  	[sflag:s30] =	ssyncset.done $0x0  }
0x183: {  	s6 =	simm.s32 $0x0;
	[sflag:s30] =	ssyncadd.s32 $0xFFFFD800  }
0x184: {  	v7 =	vld [tilespmem:s6+$0xD680]  }
0x185: {  	v11 =	vld [tilespmem:s6+$0xD690]  }
0x186: {  	v5 =	vld [tilespmem:s6+$0xD6A0]  }
0x187: {  	v4 =	vld [tilespmem:s6+$0xD6B0]  }
0x188: {  	v3 =	vld [tilespmem:s6+$0xD6C0]  }
0x189: {  	v2 =	vld [tilespmem:s6+$0xD6D0]  }
0x18a: {  	v1 =	vld [tilespmem:s6+$0xD6E0]  }
0x18b: {  	v0 =	vld [tilespmem:s6+$0xD6F0]  }
0x18c: {  	v12 =	vld [tilespmem:s6+$0xAE80]  }
0x18d: {  	v13 =	vld [tilespmem:s6+$0xAE90]  }
0x18e: {  	v10 =	vld [tilespmem:s6+$0xAEA0]  }
0x18f: {  	v9 =	vld [tilespmem:s6+$0xAEB0]  }
0x190: {  	v8 =	vld [tilespmem:s6+$0xAEC0]  }
0x191: {  	v6 =	vld [tilespmem:s6+$0xAED0];
	v12 =	vadd.f32 v7, v12  }
0x192: {  	s7 =	simm.s32 $0x200;
	v11 =	vadd.f32 v11, v13;
	v7 =	vld [tilespmem:s6+$0xAEE0]  }
.LBB2_8:
0x193: {  	s9 =	sshra.s32 s7, $0x2;
	p0 =	sne.s32 s7, $0x9E00;
	[tilespmem:s6+$0xAE80] =	vst v12;
	v5 =	vadd.f32 v5, v10;
	v10 =	vld [tilespmem:s6+$0xAEF0]  }
0x194: {  	v12 =	vld [tilespmem:s9+$0xD680];
	[tilespmem:s6+$0xAE90] =	vst v11;
	v4 =	vadd.f32 v4, v9  }
0x195: {  	v11 =	vld [tilespmem:s9+$0xD690];
	[tilespmem:s6+$0xAEA0] =	vst v5;
	v3 =	vadd.f32 v3, v8  }
0x196: {  	v5 =	vld [tilespmem:s9+$0xD6A0];
	[tilespmem:s6+$0xAEB0] =	vst v4;
	v2 =	vadd.f32 v2, v6  }
0x197: {  	v4 =	vld [tilespmem:s9+$0xD6B0];
	[tilespmem:s6+$0xAEC0] =	vst v3;
	v1 =	vadd.f32 v1, v7  }
0x198: {  	v3 =	vld [tilespmem:s9+$0xD6C0];
	[tilespmem:s6+$0xAED0] =	vst v2;
	v0 =	vadd.f32 v0, v10  }
0x199: {  	v2 =	vld [tilespmem:s9+$0xD6D0];
	[tilespmem:s6+$0xAEE0] =	vst v1  }
0x19a: {  	v1 =	vld [tilespmem:s9+$0xD6E0];
	[tilespmem:s6+$0xAEF0] =	vst v0;
	s6 =	smov.u32 s9  }
0x19b: {  	v0 =	vld [tilespmem:s6+$0xD6F0]  }
0x19c: {  	v6 =	vld [tilespmem:s6+$0xAE80]  }
0x19d: {  	v7 =	vld [tilespmem:s6+$0xAE90]  }
.Ltmp3:
0x19e: {  	v10 =	vld [tilespmem:s6+$0xAEA0];
	(pc) =	sbr.rel @p0 .LBB2_8-.Ltmp3, $4  }
0x19f: {  	v9 =	vld [tilespmem:s6+$0xAEB0]  }
0x1a0: {  	v8 =	vld [tilespmem:s6+$0xAEC0]  }
0x1a1: {  	v12 =	vadd.f32 v12, v6;
	v6 =	vld [tilespmem:s6+$0xAED0]  }
0x1a2: {  	s7 =	sadd.s32 $0x200, s7;
	v11 =	vadd.f32 v11, v7;
	v7 =	vld [tilespmem:s6+$0xAEE0]  }
0x1a3: {  	[tilespmem:s6+$0xAE80] =	vst v12;
	v5 =	vadd.f32 v5, v10;
	v10 =	vld [tilespmem:s6+$0xAEF0]  }
0x1a4: {  	[tilespmem:s6+$0xAE90] =	vst v11;
	v4 =	vadd.f32 v4, v9  }
0x1a5: {  	[tilespmem:s6+$0xAEA0] =	vst v5;
	v3 =	vadd.f32 v3, v8  }
0x1a6: {  	[tilespmem:s6+$0xAEB0] =	vst v4;
	v2 =	vadd.f32 v2, v6  }
0x1a7: {  	[tilespmem:s6+$0xAEC0] =	vst v3;
	v1 =	vadd.f32 v1, v7  }
0x1a8: {  	[tilespmem:s6+$0xAED0] =	vst v2;
	v0 =	vadd.f32 v0, v10  }
0x1a9: {  	[tilespmem:s6+$0xAEE0] =	vst v1  }
0x1aa: {  	s24 =	simm.s32 $0x0;
	s7 =	rddreg [dreg:$0x7];
	[tilespmem:s6+$0xAEF0] =	vst v0  }
0x1ab: {  	[hbm4b:s7+s24] =	stream.linear.scatter [tilespmem:s22], [sflag:$0x5], $0x2800, $0x38;
	[tilespmem:$0x15E80] =	vst v63  }
0x1ac: {  	v0 =	vld [tilespmem:$0x1880]  }
0x1ad: {  	v1 =	vld [tilespmem:$0x3480];
	_ =	sdelay $0x6  }
0x1ae: {  	v2 =	vld.idx.msk [tilespmem:v0+s18+$0x0], $0xffff  }
0x1af: {  	v3 =	vld.idx.msk [tilespmem:v1+s18+$0x0], $0xffff  }
0x1b0: {  	v4 =	vld.idx.msk [tilespmem:v0+s19+$0x0], $0xffff  }
0x1b1: {  	v5 =	vld.idx.msk [tilespmem:v1+s19+$0x0], $0xffff  }
0x1b2: {  	v0 =	vld.idx.msk [tilespmem:v0+s20+$0x0], $0xffff  }
0x1b3: {  	v1 =	vld.idx.msk [tilespmem:v1+s20+$0x0], $0xffff;
	_ =	sdelay $0x2  }
0x1b4: {  	v2 =	vsub.f32 v2, v3;
	v3 =	vsub.f32 v4, v5  }
0x1b5: {  	v4 =	vld [tilespmem:$0x1890]  }
0x1b6: {  	v0 =	vsub.f32 v0, v1;
	v1 =	vmul.f32 v2, v2;
	v2 =	vmul.f32 v3, v3  }
0x1b7: {  	v3 =	vld [tilespmem:$0x3490]  }
0x1b8: {  	v0 =	vmul.f32 v0, v0;
	v1 =	vadd.f32 v2, v1;
	_ =	sdelay $0x1  }
0x1b9: {  	v0 =	vadd.f32 v0, v1;
	_ =	sdelay $0x1  }
0x1ba: {  	[tilespmem:$0x15E00] =	vst v0  }
0x1bb: {  	v0 =	vld.idx.msk [tilespmem:v4+s18+$0x0], $0xffff  }
0x1bc: {  	v2 =	vld.idx.msk [tilespmem:v4+s19+$0x0], $0xffff  }
0x1bd: {  	v1 =	vld.idx.msk [tilespmem:v3+s18+$0x0], $0xffff  }
0x1be: {  	v5 =	vld.idx.msk [tilespmem:v3+s19+$0x0], $0xffff  }
0x1bf: {  	v4 =	vld.idx.msk [tilespmem:v4+s20+$0x0], $0xffff  }
0x1c0: {  	v3 =	vld.idx.msk [tilespmem:v3+s20+$0x0], $0xffff;
	_ =	sdelay $0x2  }
0x1c1: {  	v0 =	vsub.f32 v0, v1;
	v1 =	vsub.f32 v2, v5  }
0x1c2: {  	v2 =	vld [tilespmem:$0x18A0]  }
0x1c3: {  	v3 =	vsub.f32 v4, v3;
	v4 =	vld [tilespmem:$0x34A0];
	v0 =	vmul.f32 v0, v0;
	v1 =	vmul.f32 v1, v1;
	_ =	sdelay $0x1  }
0x1c4: {  	v0 =	vadd.f32 v1, v0;
	v1 =	vmul.f32 v3, v3;
	_ =	sdelay $0x1  }
0x1c5: {  	v0 =	vadd.f32 v1, v0;
	_ =	sdelay $0x1  }
0x1c6: {  	[tilespmem:$0x15E10] =	vst v0  }
0x1c7: {  	v0 =	vld.idx.msk [tilespmem:v2+s18+$0x0], $0xffff  }
0x1c8: {  	v1 =	vld.idx.msk [tilespmem:v4+s18+$0x0], $0xffff  }
0x1c9: {  	v3 =	vld.idx.msk [tilespmem:v2+s19+$0x0], $0xffff  }
0x1ca: {  	v5 =	vld.idx.msk [tilespmem:v4+s19+$0x0], $0xffff  }
0x1cb: {  	v2 =	vld.idx.msk [tilespmem:v2+s20+$0x0], $0xffff  }
0x1cc: {  	v4 =	vld.idx.msk [tilespmem:v4+s20+$0x0], $0xffff;
	_ =	sdelay $0x2  }
0x1cd: {  	v0 =	vsub.f32 v0, v1;
	v1 =	vsub.f32 v3, v5  }
0x1ce: {  	v3 =	vld [tilespmem:$0x18B0]  }
0x1cf: {  	v2 =	vsub.f32 v2, v4;
	v4 =	vld [tilespmem:$0x34B0];
	v0 =	vmul.f32 v0, v0;
	v1 =	vmul.f32 v1, v1;
	_ =	sdelay $0x1  }
0x1d0: {  	v0 =	vadd.f32 v1, v0;
	v1 =	vmul.f32 v2, v2;
	_ =	sdelay $0x1  }
0x1d1: {  	v0 =	vadd.f32 v1, v0;
	_ =	sdelay $0x1  }
0x1d2: {  	[tilespmem:$0x15E20] =	vst v0  }
0x1d3: {  	v0 =	vld.idx.msk [tilespmem:v3+s18+$0x0], $0xffff  }
0x1d4: {  	v1 =	vld.idx.msk [tilespmem:v4+s18+$0x0], $0xffff  }
0x1d5: {  	v2 =	vld.idx.msk [tilespmem:v3+s19+$0x0], $0xffff  }
0x1d6: {  	v5 =	vld.idx.msk [tilespmem:v4+s19+$0x0], $0xffff  }
0x1d7: {  	v3 =	vld.idx.msk [tilespmem:v3+s20+$0x0], $0xffff  }
0x1d8: {  	v4 =	vld.idx.msk [tilespmem:v4+s20+$0x0], $0xffff;
	_ =	sdelay $0x2  }
0x1d9: {  	v0 =	vsub.f32 v0, v1;
	v1 =	vsub.f32 v2, v5  }
0x1da: {  	v2 =	vld [tilespmem:$0x18C0]  }
0x1db: {  	v3 =	vsub.f32 v3, v4;
	v4 =	vld [tilespmem:$0x34C0];
	v0 =	vmul.f32 v0, v0;
	v1 =	vmul.f32 v1, v1;
	_ =	sdelay $0x1  }
0x1dc: {  	v0 =	vadd.f32 v1, v0;
	v1 =	vmul.f32 v3, v3;
	_ =	sdelay $0x1  }
0x1dd: {  	v0 =	vadd.f32 v1, v0;
	_ =	sdelay $0x1  }
0x1de: {  	[tilespmem:$0x15E30] =	vst v0  }
0x1df: {  	v0 =	vld.idx.msk [tilespmem:v2+s18+$0x0], $0xffff  }
0x1e0: {  	v1 =	vld.idx.msk [tilespmem:v4+s18+$0x0], $0xffff  }
0x1e1: {  	v3 =	vld.idx.msk [tilespmem:v2+s19+$0x0], $0xffff  }
0x1e2: {  	v5 =	vld.idx.msk [tilespmem:v4+s19+$0x0], $0xffff  }
0x1e3: {  	v2 =	vld.idx.msk [tilespmem:v2+s20+$0x0], $0xffff  }
0x1e4: {  	v4 =	vld.idx.msk [tilespmem:v4+s20+$0x0], $0xffff;
	_ =	sdelay $0x2  }
0x1e5: {  	v0 =	vsub.f32 v0, v1;
	v1 =	vsub.f32 v3, v5;
	_ =	sdelay $0x1  }
0x1e6: {  	v2 =	vsub.f32 v2, v4;
	v0 =	vmul.f32 v0, v0;
	v1 =	vmul.f32 v1, v1;
	_ =	sdelay $0x1  }
0x1e7: {  	v0 =	vadd.f32 v1, v0;
	v1 =	vmul.f32 v2, v2;
	_ =	sdelay $0x1  }
0x1e8: {  	v0 =	vadd.f32 v1, v0;
	_ =	sdelay $0x1  }
0x1e9: {  	[tilespmem:$0x15E40] =	vst v0  }
0x1ea: {  	_ =	swait.ge [sflag:s31], $0x2800  }
0x1eb: {  	[sflag:s31] =	ssyncset.done $0x0  }
0x1ec: {  	[sflag:s31] =	ssyncadd.s32 $0xFFFFD800  }
0x1ed: {  	_ =	swait.ge [sflag:s1], $0x2800  }
0x1ee: {  	[sflag:s1] =	ssyncset.done $0x0  }
0x1ef: {  	s6 =	simm.s32 $0x0;
	[sflag:s1] =	ssyncadd.s32 $0xFFFFD800  }
0x1f0: {  	v7 =	vld [tilespmem:s6+$0x12680]  }
0x1f1: {  	v11 =	vld [tilespmem:s6+$0x12690]  }
0x1f2: {  	v5 =	vld [tilespmem:s6+$0x126A0]  }
0x1f3: {  	v4 =	vld [tilespmem:s6+$0x126B0]  }
0x1f4: {  	v3 =	vld [tilespmem:s6+$0x126C0]  }
0x1f5: {  	v2 =	vld [tilespmem:s6+$0x126D0]  }
0x1f6: {  	v1 =	vld [tilespmem:s6+$0x126E0]  }
0x1f7: {  	v0 =	vld [tilespmem:s6+$0x126F0]  }
0x1f8: {  	v12 =	vld [tilespmem:s6+$0xFE80]  }
0x1f9: {  	v13 =	vld [tilespmem:s6+$0xFE90]  }
0x1fa: {  	v10 =	vld [tilespmem:s6+$0xFEA0]  }
0x1fb: {  	v9 =	vld [tilespmem:s6+$0xFEB0]  }
0x1fc: {  	v8 =	vld [tilespmem:s6+$0xFEC0]  }
0x1fd: {  	v6 =	vld [tilespmem:s6+$0xFED0];
	v12 =	vadd.f32 v7, v12  }
0x1fe: {  	s7 =	simm.s32 $0x200;
	v11 =	vadd.f32 v11, v13;
	v7 =	vld [tilespmem:s6+$0xFEE0]  }
.LBB2_10:
0x1ff: {  	s9 =	sshra.s32 s7, $0x2;
	p0 =	sne.s32 s7, $0x9E00;
	[tilespmem:s6+$0xFE80] =	vst v12;
	v5 =	vadd.f32 v5, v10;
	v10 =	vld [tilespmem:s6+$0xFEF0]  }
0x200: {  	v12 =	vld [tilespmem:s9+$0x12680];
	[tilespmem:s6+$0xFE90] =	vst v11;
	v4 =	vadd.f32 v4, v9  }
0x201: {  	v11 =	vld [tilespmem:s9+$0x12690];
	[tilespmem:s6+$0xFEA0] =	vst v5;
	v3 =	vadd.f32 v3, v8  }
0x202: {  	v5 =	vld [tilespmem:s9+$0x126A0];
	[tilespmem:s6+$0xFEB0] =	vst v4;
	v2 =	vadd.f32 v2, v6  }
0x203: {  	v4 =	vld [tilespmem:s9+$0x126B0];
	[tilespmem:s6+$0xFEC0] =	vst v3;
	v1 =	vadd.f32 v1, v7  }
0x204: {  	v3 =	vld [tilespmem:s9+$0x126C0];
	[tilespmem:s6+$0xFED0] =	vst v2;
	v0 =	vadd.f32 v0, v10  }
0x205: {  	v2 =	vld [tilespmem:s9+$0x126D0];
	[tilespmem:s6+$0xFEE0] =	vst v1  }
0x206: {  	v1 =	vld [tilespmem:s9+$0x126E0];
	[tilespmem:s6+$0xFEF0] =	vst v0;
	s6 =	smov.u32 s9  }
0x207: {  	v0 =	vld [tilespmem:s6+$0x126F0]  }
0x208: {  	v6 =	vld [tilespmem:s6+$0xFE80]  }
0x209: {  	v7 =	vld [tilespmem:s6+$0xFE90]  }
.Ltmp4:
0x20a: {  	v10 =	vld [tilespmem:s6+$0xFEA0];
	(pc) =	sbr.rel @p0 .LBB2_10-.Ltmp4, $4  }
0x20b: {  	v9 =	vld [tilespmem:s6+$0xFEB0]  }
0x20c: {  	v8 =	vld [tilespmem:s6+$0xFEC0]  }
0x20d: {  	v12 =	vadd.f32 v12, v6;
	v6 =	vld [tilespmem:s6+$0xFED0]  }
0x20e: {  	s7 =	sadd.s32 $0x200, s7;
	v11 =	vadd.f32 v11, v7;
	v7 =	vld [tilespmem:s6+$0xFEE0]  }
0x20f: {  	[tilespmem:s6+$0xFE80] =	vst v12;
	v5 =	vadd.f32 v5, v10;
	v63 =	vld [tilespmem:s6+$0xFEF0]  }
0x210: {  	[tilespmem:s6+$0xFE90] =	vst v11;
	v4 =	vadd.f32 v4, v9  }
0x211: {  	[tilespmem:s6+$0xFEA0] =	vst v5;
	v3 =	vadd.f32 v3, v8  }
0x212: {  	[tilespmem:s6+$0xFEB0] =	vst v4;
	v2 =	vadd.f32 v2, v6  }
0x213: {  	[tilespmem:s6+$0xFEC0] =	vst v3;
	v1 =	vadd.f32 v1, v7  }
0x214: {  	[tilespmem:s6+$0xFED0] =	vst v2;
	v0 =	vadd.f32 v0, v63  }
0x215: {  	[tilespmem:s6+$0xFEE0] =	vst v1  }
0x216: {  	[tilespmem:s6+$0xFEF0] =	vst v0  }
0x217: {  	[hbm4b:s13+s3] =	stream.linear.scatter [tilespmem:s25], [sflag:$0x6], $0x2800, $0x38;
	[tilespmem:$0x15E80] =	vst v63  }
0x218: {  	_ =	swait.ge [sflag:s0], $0x2800  }
0x219: {  	[sflag:s0] =	ssyncset.done $0x0  }
0x21a: {  	[sflag:s0] =	ssyncadd.s32 $0xFFFFD800  }
0x21b: {  	s26 =	sadd.s32 $0x1, s26;
	_ =	swait.ge [sflag:s2], $0x2800  }
0x21c: {  	p0 =	sne.s32 s26, s15;
	[sflag:s2] =	ssyncset.done $0x0  }
.Ltmp5:
0x21d: {  	s24 =	simm.s32 $0x14E80;
	[sflag:s2] =	ssyncadd.s32 $0xFFFFD800;
	(pc) =	sbr.rel @p0 .LBB2_1-.Ltmp5, $4  }
0x21e: {  	[hbm4b:s14+s3] =	stream.linear.scatter [tilespmem:s24], [sflag:$0x7], $0x1000, $0x38;
	[tilespmem:$0x15E80] =	vst v63  }
0x21f: {  	_ =	swait.ge [sflag:s16], $0x1000  }
0x220: {  	[sflag:s16] =	ssyncset.done $0x0  }
0x221: {  	[sflag:s16] =	ssyncadd.s32 $0xFFFFF000  }
0x222: {  	_ =	sfence.sel $0x180000  }
0x223: {  	[bflag:$0x0] =	sbarrier.arrive $0xFFFF  }
0x224: {  	_ =	strace $0x9000004A  }
0x225: {  	s0 =	stileid.u32;
	[bflag:$0x2] =	sbarrier.arrive $0xFFFF  }
0x226: {  	p0 =	sne.s32 s0, $0x0;
	s0 =	rddreg [dreg:$0x2]  }
0x227: {  	s0 =	sadd.s32 @!p0 $0x100000, s0  }
0x228: {  	[sflag:s0] =	ssyncadd.tile.s32 @!p0 $0x1;
	_ =	shalt  }
.Lfunc_end2:
_tile_overlayer_lowered:
.L_overlay_start_2:
0x229: {  	(tag) =	ssettag $0x2  }
0x22a: {  	s0 =	rddreg [dreg:$0x0];
	s2 =	stileid.u32  }
0x22b: {  	s1 =	rddreg [dreg:$0x1];
	p0 =	sne.s32 s2, $0x0  }
0x22c: {  	s3 =	rddreg [dreg:$0x2];
	[bflag:$0x3] =	sbarrier.arrive $0xFFFF;
	s2 =	simm.s32 @!p0 $0x1C07  }
0x22d: {  	[timem:s3], [sflag:s2] =	dma.local @!p0 [hbm:s0], s1  }
0x22e: {  	s0 =	simm.s32 @!p0 $0x7  }
0x22f: {  	_ =	swait.ge @!p0 [sflag:s0], s1  }
0x230: {  	s1 =	ssub.s32 @!p0 $0x0, s1;
	[sflag:s0] =	ssyncset.done @!p0 $0x0  }
0x231: {  	[sflag:s0] =	ssyncadd.s32 @!p0 s1  }
0x232: {  	[bflag:$0x3] =	sbarrier.arrive $0xFFFF  }
0x233: {  	_ =	shalt  }

// kernel: kernel.16.cloned.1.call-start
scs
__scs_entry_jumppad:
0x0: {  	(pc) =	sbr.rel $0x88, $3  }
0x1: {  	(tag) =	ssettag $0x0;
	lr =	simm.s32 $0x1  }
0x2: {  	[smem:$0x3F96] =	sst lr;
	_ =	strace $0xD0000000  }
0x3: {  	_ = 	snop  }
0x4: {  	_ = 	snop  }
0x5: {  	_ = 	snop  }
0x6: {  	_ = 	snop  }
0x7: {  	_ = 	snop  }
__scs_overlays_trampoline_lowered:
0x8: {  	[smem:$0x3FA5] =	sst s0  }
0x9: {  	[smem:$0x3FA6] =	sst s1  }
0xa: {  	[smem:$0x3FA7] =	sst s2  }
0xb: {  	[smem:$0x3FA8] =	sst s3  }
0xc: {  	[smem:$0x3FA9] =	sst s4  }
0xd: {  	[smem:$0x3FAA] =	sst s5  }
0xe: {  	[smem:$0x3FAB] =	sst s6  }
0xf: {  	[smem:$0x3FAC] =	sst s7  }
0x10: {  	[smem:$0x3FAD] =	sst s8  }
0x11: {  	[smem:$0x3FAE] =	sst s9;
	s0 =	simm.s32 @!p0 $0x0  }
0x12: {  	s1 =	sld [smem:$0x3F94];
	s0 =	simm.s32 @p0 $0x1  }
0x13: {  	[smem:$0x3FAF] =	sst s0;
	s0 =	simm.s32 @!p1 $0x0  }
0x14: {  	s2 =	sld [smem:$0x3F93];
	s0 =	simm.s32 @p1 $0x1  }
0x15: {  	[smem:$0x3FB0] =	sst s0;
	s0 =	simm.s32 @!p2 $0x0  }
0x16: {  	s3 =	sld [smem:$0x3FDB];
	s0 =	simm.s32 @p2 $0x1  }
0x17: {  	s4 =	simm.s32 $0x1BF5;
	[smem:$0x3FB2] =	sst s0  }
0x18: {  	s0 =	sld [smem:$0x3F95];
	_ =	swait.ge [sflag:s4], $0x0  }
0x19: {  	s7 =	sld [smem:$0x3F96]  }
0x1a: {  	s8 =	sadd.s32 $0xFFFFE003, lr  }
0x1b: {  	s9 =	sadd.s32 $0xFFFFFEF7, lr;
	s5 =	simm.s32 $0xFFFFFFFF;
	p2 =	slt.u32 s8, $0xFFFFF086  }
0x1c: {  	p1 =	slt.u32 s9, $0xF7A;
	s5 =	simm.s32 @!p2 $0x0  }
0x1d: {  	s5 =	simm.s32 @p1 $0x1;
	p0 =	seq.s32 s7, s2  }
0x1e: {  	s7 =	smul.u32 @!p0 $0xF7A, s2;
	p2 =	seq.s32 @!p0 s5, $0x0  }
0x1f: {  	s9 =	smul.u32 $0xF7A, s1;
	s8 =	simm.s32 @!p0 $0x1BF5;
	p2 =	por !p2, p0  }
0x20: {  	[sflag:s8] =	ssyncset.s32 @!p0 $0xFFFFF086;
	s6 =	sadd.s32 @!p0 s3, s7;
	s7 =	simm.s32 @!p0 $0x108  }
0x21: {  	s3 =	sadd.s32 s3, s9;
	s6 =	sadd.s32 @!p0 $0x88, s6;
	s7 =	simm.s32 @p2 $0x1082  }
0x22: {  	[simem:s7], [sflag:s8] =	dma.local @!p0 [hbm:s6], $0xF7A  }
0x23: {  	s9 =	sor.u32 $0xD0000000, s2;
	s6 =	simm.s32 $0x108;
	_ =	swait.ge @!p0 [sflag:s8], $0x0  }
0x24: {  	s3 =	sadd.s32 $0x88, s3;
	s6 =	simm.s32 @!p1 $0x1082;
	[sflag:s4] =	ssyncset.s32 $0xFFFFF086  }
0x25: {  	[simem:s6], [sflag:s4] =	dma.local [hbm:s3], $0xF7A  }
0x26: {  	[smem:$0x3F96] =	sst s1;
	(tag) =	ssettag s2;
	_ =	strace s9  }
0x27: {  	s1 =	sld [smem:$0x3FA6]  }
0x28: {  	s2 =	sld [smem:$0x3FA7]  }
0x29: {  	s4 =	sld [smem:$0x3FA9]  }
0x2a: {  	p0 =	seq.s32 s5, $0x0;
	s5 =	sld [smem:$0x3FAA]  }
0x2b: {  	s6 =	sld [smem:$0x3FAB]  }
0x2c: {  	s7 =	sld [smem:$0x3FAC]  }
0x2d: {  	s3 =	simm.s32 $0x108;
	s8 =	sld [smem:$0x3FAD]  }
0x2e: {  	s3 =	simm.s32 @!p0 $0x1082;
	s9 =	sld [smem:$0x3FAE]  }
0x2f: {  	lr =	sadd.s32 s0, s3;
	s0 =	sld [smem:$0x3FA5]  }
0x30: {  	s3 =	sld [smem:$0x3FA8]  }
0x31: {  	[smem:$0x3FB1] =	sst s10  }
0x32: {  	s10 =	sld [smem:$0x3FAF];
	_ =	sdelay $0x3  }
0x33: {  	p0 =	seq.s32 s10, $0x1;
	s10 =	sld [smem:$0x3FB1];
	_ =	sdelay $0x3  }
0x34: {  	[smem:$0x3FB1] =	sst s10  }
0x35: {  	s10 =	sld [smem:$0x3FB0];
	_ =	sdelay $0x3  }
0x36: {  	p1 =	seq.s32 s10, $0x1;
	s10 =	sld [smem:$0x3FB1];
	_ =	sdelay $0x3  }
0x37: {  	[smem:$0x3FB1] =	sst s10  }
0x38: {  	s10 =	sld [smem:$0x3FB2]  }
0x39: {  	_ = 	snop;
	(pc) =	sbr.ind lr, $3  }
0x3a: {  	_ = 	snop  }
0x3b: {  	_ = 	snop  }
0x3c: {  	p2 =	seq.s32 s10, $0x1;
	s10 =	sld [smem:$0x3FB1]  }
0x3d: {  	_ =	shalt  }
0x3e: {  	_ =	shalt  }
0x3f: {  	_ =	shalt  }
0x40: {  	_ =	shalt  }
0x41: {  	_ =	shalt  }
0x42: {  	_ =	shalt  }
0x43: {  	_ =	shalt  }
0x44: {  	_ =	shalt  }
0x45: {  	_ =	shalt  }
0x46: {  	_ =	shalt  }
0x47: {  	_ =	shalt  }
0x48: {  	_ =	shalt  }
0x49: {  	_ =	shalt  }
0x4a: {  	_ =	shalt  }
0x4b: {  	_ =	shalt  }
0x4c: {  	_ =	shalt  }
0x4d: {  	_ =	shalt  }
0x4e: {  	_ =	shalt  }
0x4f: {  	_ =	shalt  }
0x50: {  	_ =	shalt  }
0x51: {  	_ =	shalt  }
0x52: {  	_ =	shalt  }
0x53: {  	_ =	shalt  }
0x54: {  	_ =	shalt  }
0x55: {  	_ =	shalt  }
0x56: {  	_ =	shalt  }
0x57: {  	_ =	shalt  }
0x58: {  	_ =	shalt  }
0x59: {  	_ =	shalt  }
0x5a: {  	_ =	shalt  }
0x5b: {  	_ =	shalt  }
0x5c: {  	_ =	shalt  }
0x5d: {  	_ =	shalt  }
0x5e: {  	_ =	shalt  }
0x5f: {  	_ =	shalt  }
0x60: {  	_ =	shalt  }
0x61: {  	_ =	shalt  }
0x62: {  	_ =	shalt  }
0x63: {  	_ =	shalt  }
0x64: {  	_ =	shalt  }
0x65: {  	_ =	shalt  }
0x66: {  	_ =	shalt  }
0x67: {  	_ =	shalt  }
0x68: {  	_ =	shalt  }
0x69: {  	_ =	shalt  }
0x6a: {  	_ =	shalt  }
0x6b: {  	_ =	shalt  }
0x6c: {  	_ =	shalt  }
0x6d: {  	_ =	shalt  }
0x6e: {  	_ =	shalt  }
0x6f: {  	_ =	shalt  }
0x70: {  	_ =	shalt  }
0x71: {  	_ =	shalt  }
0x72: {  	_ =	shalt  }
0x73: {  	_ =	shalt  }
0x74: {  	_ =	shalt  }
0x75: {  	_ =	shalt  }
0x76: {  	_ =	shalt  }
0x77: {  	_ =	shalt  }
0x78: {  	_ =	shalt  }
0x79: {  	_ =	shalt  }
0x7a: {  	_ =	shalt  }
0x7b: {  	_ =	shalt  }
0x7c: {  	_ =	shalt  }
0x7d: {  	_ =	shalt  }
0x7e: {  	_ =	shalt  }
0x7f: {  	_ =	shalt  }
0x80: {  	_ =	shalt  }
0x81: {  	_ =	shalt  }
0x82: {  	_ =	shalt  }
0x83: {  	_ =	shalt  }
0x84: {  	_ =	shalt  }
0x85: {  	_ =	shalt  }
0x86: {  	_ =	shalt  }
0x87: {  	_ =	shalt  }
.Lfunc_end0:
.L_simem_size_0:
called_computation.2_lowered:
.L_overlay_start_0:
0x88: {  	s2 =	sld [smem:$0x3FD9]  }
0x89: {  	s3 =	sld [smem:$0x3FFE];
	_ =	sdelay $0x1  }
0x8a: {  	s1 =	srdreg.scid  }
0x8b: {  	s0 =	sand.u32 $0x1, s1  }
0x8c: {  	s17 =	sshll.u32 s0, $0xA;
	s2 =	sadd.s32 s3, s2  }
0x8d: {  	s2 =	sadd.s32 s2, s17  }
0x8e: {  	[smem:$0x3FBD] =	sst s2  }
0x8f: {  	_ = 	snop  }
0x90: {  	(tm) =	ssettm $0x1  }
0x91: {  	s18 =	sld [smem:$0x3FFB];
	_ =	sdelay $0x3  }
0x92: {  	_ =	strace s18  }
0x93: {  	s2 =	sld [smem:$0x3FFC];
	_ =	sdelay $0x3  }
0x94: {  	_ =	strace s2  }
0x95: {  	s2 =	sld [smem:$0x3FFD];
	_ =	sdelay $0x3  }
0x96: {  	_ =	strace s2  }
0x97: {  	_ =	strace $0x8FFFFFFF  }
0x98: {  	s19 =	sld [smem:$0x3FDB];
	_ =	sdelay $0x1  }
0x99: {  	s20 =	simm.s32 $_scs_section_size  }
0x9a: {  	s4 =	simm.s32 $_size__tile_overlayer_lowered;
	s5 =	simm.s32 $_tile_overlayer_lowered  }
0x9b: {  	s6 =	simm.s32 $0x1BFF;
	s21 =	sshll.u32 s5, $0x1;
	s3 =	sadd.s32 s20, s19  }
0x9c: {  	s22 =	simm.s32 $0x0;
	s4 =	sshll.u32 s4, $0x1;
	s5 =	sadd.s32 s21, s3  }
0x9d: {  	[timem:s22], [sflag:s6] =	dma.local [hbm:s5], s4  }
0x9e: {  	_ =	swait.ge [sflag:s6], s4  }
0x9f: {  	s4 =	ssub.s32 $0x0, s4;
	[sflag:s6] =	ssyncset.done $0x0  }
0xa0: {  	[sflag:s6] =	ssyncadd.s32 s4;
	_ =	sdelay $0x1  }
0xa1: {  	s23 =	simm.s32 $0x1B8B  }
0xa2: {  	_ =	swait.ge [sflag:s23], $0x1  }
0xa3: {  	[sflag:s23] =	ssyncset.done $0x0  }
0xa4: {  	[sflag:s23] =	ssyncadd.s32 $0xFFFFFFFF  }
0xa5: {  	s4 =	sld [smem:$0x0]  }
0xa6: {  	s5 =	sand.u32 $0xFFFFFFFE, s1  }
0xa7: {  	p0 =	sne.s32 s1, s5  }
0xa8: {  	s5 =	sshll.u32 @p0 s5, $0xE  }
0xa9: {  	s5 =	sadd.s32 @p0 $0x11B8D, s5;
	s6 =	sshll.u32 @p0 s4, $0x11  }
0xaa: {  	s5 =	sor.u32 @p0 s6, s5  }
0xab: {  	[sflag:s5] =	ssyncadd.remote.s32 @p0 $0x1;
	_ =	sdelay $0x1  }
0xac: {  	s5 =	simm.s32 @p0 $0x1B8D  }
0xad: {  	_ =	swait.eq @p0 [sflag:s5], $0x1  }
0xae: {  	[sflag:s5] =	ssyncadd.s32 @p0 $0xFFFFFFFF  }
0xaf: {  	s6 =	sshll.u32 @!p0 s1, $0xE  }
0xb0: {  	s6 =	sor.u32 @!p0 $0x4000, s6;
	s5 =	simm.s32 @!p0 $0x1B8D  }
0xb1: {  	s4 =	sshll.u32 @!p0 s4, $0x11;
	s6 =	sadd.s32 @!p0 $0x11B8D, s6;
	_ =	swait.eq @!p0 [sflag:s5], $0x1  }
0xb2: {  	s4 =	sor.u32 @!p0 s4, s6;
	[sflag:s5] =	ssyncadd.s32 @!p0 $0xFFFFFFFF  }
0xb3: {  	s25 =	simm.s32 $0x1B8E;
	s24 =	sld [smem:$0x3FFE];
	[sflag:s4] =	ssyncadd.remote.s32 @!p0 $0x1  }
0xb4: {  	s26 =	simm.s32 $execute0_lowered;
	[smem:$0x3FD2] =	sst s25  }
0xb5: {  	s5 =	sshll.u32 s26, $0x1;
	_ =	strace $0x8000004C;
	[dreg:$0x1] =	wrdreg $0xFFFFFFFF  }
0xb6: {  	s28 =	simm.s32 $_size_execute0_lowered;
	s3 =	sadd.s32 s3, s5;
	[dreg:$0x0] =	wrdreg $0x0  }
0xb7: {  	s5 =	sshll.u32 s28, $0x1;
	[dreg:$0x2] =	wrdreg s3  }
0xb8: {  	[dreg:$0x3] =	wrdreg s5  }
0xb9: {  	[dreg:$0x4] =	wrdreg $0xC0  }
0xba: {  	_ =	task [dreg:s22], $0x5FFFF  }
0xbb: {  	[dreg:$0x1] =	wrdreg $0xFFFFFFFF  }
0xbc: {  	[dreg:$0x0] =	wrdreg $0x60  }
0xbd: {  	[dreg:$0x2] =	wrdreg s24  }
0xbe: {  	[dreg:$0x3] =	wrdreg $0x78000  }
0xbf: {  	[dreg:$0x4] =	wrdreg $0xA  }
0xc0: {  	_ =	task.clear_ibuf [dreg:s22], $0x5FFFF;
	_ =	strace $0x9000004C  }
0xc1: {  	s29 =	simm.s32 $0xA;
	_ =	strace $0x8000004E  }
0xc2: {  	_ =	swait.ge [sflag:s29], $0x1  }
0xc3: {  	[sflag:s29] =	ssyncadd.s32 $0xFFFFFFFF  }
0xc4: {  	_ =	strace $0x9000004E  }
0xc5: {  	_ =	sfence  }
0xc6: {  	s30 =	sld [smem:$0x0];
	_ =	sdelay $0x2  }
0xc7: {  	s31 =	sshll.u32 s1, $0xD;
	s1 =	sshrl.u32 s1, $0x2  }
0xc8: {  	s4 =	sand.u32 $0x4000, s31;
	s1 =	sadd.s32 s1, s30  }
0xc9: {  	s0 =	sor.u32 s4, s0;
	s1 =	sshll.u32 s1, $0x11  }
0xca: {  	s0 =	sor.u32 s1, s0  }
0xcb: {  	s0 =	sadd.s32 $0x8F2B, s0  }
0xcc: {  	[sflag:s0] =	ssyncadd.remote.s32 $0x1  }
0xcd: {  	_ =	sfence.sel $0xFFFF  }
0xce: {  	[dreg:$0x0] =	wrdreg $0xFFFFFFFF;
	(pc) =	sbr.abs _section_cstart, $3  }
0xcf: {  	[dreg:$0x1] =	wrdreg $0xFFFFFFFF  }
0xd0: {  	_ =	task.clear_ibuf [dreg:s22], $0x2FFFF;
	_ =	strace $0x9FFFFFFF  }
0xd1: {  	(tm) =	ssettm $0x7FFFFFFF  }
tec
execute0_lowered:
.L_overlay_start_1:
0x0: {  	(tag) =	ssettag $0x1  }
0x1: {  	s1 =	srdreg.scid;
	s4 =	rddreg [dreg:$0x0]  }
0x2: {  	s0 =	stileid.u32;
	s2 =	rddreg [dreg:$0x1]  }
0x3: {  	s3 =	simm.s32 $0x0;
	s15 =	simm.s32 $0x2800;
	s16 =	simm.s32 $0x5000  }
0x4: {  	s17 =	simm.s32 $0x1;
	s18 =	simm.s32 $0x50;
	s19 =	simm.s32 $0x2  }
0x5: {  	s20 =	simm.s32 $0x3;
	s21 =	simm.s32 $0x4;
	s7 =	smul.u32 $0x13C00, s0  }
0x6: {  	s8 =	sand.u32 $0x1, s1;
	s1 =	rddreg [dreg:$0x2];
	s12 =	smul.u32 $0x4F000, s0  }
0x7: {  	s22 =	sshll.u32 s0, $0x1;
	[smem:$0x7FF] =	sst s3;
	s29 =	smul.u32 $0x2EE00, s0  }
0x8: {  	s10 =	sadd.s32 $0x55F000, s4;
	s31 =	sshll.u32 s0, $0x6;
	s9 =	smul.u32 $0x13C000, s8  }
0x9: {  	s5 =	sor.u32 s8, s22;
	_ =	strace $0x8000004D;
	s30 =	smul.u32 $0x17700, s8  }
0xa: {  	s23 =	ssub.s32 $0x2, s8;
	s22 =	simm.s32 $0x2400;
	s6 =	smul.u32 $0x500, s5  }
0xb: {  	s11 =	sshrl.u32 s7, $0x3;
	s24 =	sshrl.u32 s23, $0x1;
	s25 =	smul.u32 $0xBB800, s5  }
0xc: {  	s26 =	sshrl.u32 s12, $0x2;
	s28 =	smul.u32 $0x17700, s5;
	s12 =	simm.s32 $0x5  }
0xd: {  	s11 =	sadd.s32 s11, s4;
	s7 =	sadd.s32 s7, s9;
	s9 =	ssub.s32 s23, s24  }
0xe: {  	s14 =	sadd.s32 s26, s2;
	s23 =	simm.s32 $0x2480;
	s24 =	simm.s32 $0x2500  }
0xf: {  	s6 =	sadd.s32 s6, s4;
	s7 =	sshrl.u32 s7, $0x3;
	s5 =	sadd.s32 $0x65000, s11  }
0x10: {  	s9 =	smax.u32 s9, $0x1;
	s11 =	sadd.s32 s29, s10;
	s14 =	sshrl.u32 s14, $0x3  }
0x11: {  	s13 =	sadd.s32 s7, s4;
	s4 =	sadd.s32 $0xCC00, s6;
	s7 =	sshrl.u32 s25, $0x3  }
0x12: {  	s6 =	sadd.s32 s10, s28;
	s11 =	sadd.s32 s30, s11;
	s25 =	simm.s32 $0x0  }
0x13: {  	s7 =	sadd.s32 s10, s7;
	s8 =	sadd.s32 $0x8C800, s13;
	s10 =	sadd.s32 $0x17200, s6  }
0x14: {  	s11 =	sadd.s32 $0xF00, s11;
	s13 =	sor.u32 $0x1C05, s31;
	s7 =	sadd.s32 $0x500, s7  }
.LBB2_1:
0x15: {  	[tilespmem:s3], [sflag:$0x5] =	stream.linear.gather [hbm4b:s4+s3], $0x2580, $0x38;
	[tilespmem:$0x1B400] =	vst v63  }
0x16: {  	_ =	swait.ge [sflag:s12], $0x2580  }
0x17: {  	[sflag:s12] =	ssyncset.done $0x0  }
0x18: {  	[sflag:s12] =	ssyncadd.s32 $0xFFFFDA80  }
0x19: {  	[spmem:s14], [sflag:s13] =	dma.local [hbm:s5], $0x2780  }
0x1a: {  	_ =	swait.ge [sflag:s12], $0x2780  }
0x1b: {  	[sflag:s12] =	ssyncset.done $0x0  }
0x1c: {  	[sflag:s12] =	ssyncadd.s32 $0xFFFFD880  }
0x1d: {  	[bflag:$0x0] =	sbarrier.arrive $0xFFFF  }
0x1e: {  	[tilespmem:s15], [sflag:$0x1] =	stream.linear.gather [hbm4b:s6+s3], $0x2800, $0x38;
	[tilespmem:$0x1B400] =	vst v63  }
0x1f: {  	_ = 	snop  }
0x20: {  	[tilespmem:s16], [sflag:$0x2] =	stream.linear.gather [hbm4b:s7+s3], $0x2800, $0x38;
	[tilespmem:$0x1B400] =	vst v63  }
0x21: {  	_ =	swait.ge [sflag:s17], $0x2800  }
0x22: {  	[sflag:s17] =	ssyncset.done $0x0  }
0x23: {  	s26 =	simm.s32 $0x0;
	[sflag:s17] =	ssyncadd.s32 $0xFFFFD800  }
0x24: {  	[spmem:s2] =	stream.indirect.scatter.add.f32 [tilespmem:s15], [sflag:$0x3], $0x80, s26, s18, $0xb8;
	[tilespmem:$0x1B400] =	vst v63  }
0x25: {  	_ =	swait.ge [sflag:s19], $0x2800  }
0x26: {  	[sflag:s19] =	ssyncset.done $0x0  }
0x27: {  	s30 =	simm.s32 $0x80;
	[sflag:s19] =	ssyncadd.s32 $0xFFFFD800  }
0x28: {  	[spmem:s2] =	stream.indirect.scatter.add.f32 [tilespmem:s16], [sflag:$0x4], $0x80, s30, s18, $0xb8;
	[tilespmem:$0x1B400] =	vst v63  }
0x29: {  	_ =	swait.ge [sflag:s20], $0x2800  }
0x2a: {  	[sflag:s20] =	ssyncset.done $0x0  }
0x2b: {  	s31 =	sadd.s32 $0xFFFFFB00, s11;
	[sflag:s20] =	ssyncadd.s32 $0xFFFFD800  }
0x2c: {  	[tilespmem:s15], [sflag:$0x1] =	stream.linear.gather [hbm4b:s31+s3], $0x2800, $0x38;
	[tilespmem:$0x1B400] =	vst v63  }
0x2d: {  	_ =	swait.ge [sflag:s21], $0x2800  }
0x2e: {  	s28 =	sadd.s32 $0xA00, s11;
	[sflag:s21] =	ssyncset.done $0x0  }
0x2f: {  	s29 =	smov.u32 s11;
	s26 =	simm.s32 $0x400;
	[sflag:s21] =	ssyncadd.s32 $0xFFFFD800  }
.LBB2_2:
0x30: {  	[tilespmem:s16], [sflag:$0x2] =	stream.linear.gather [hbm4b:s29+s3], $0x2800, $0x38;
	[tilespmem:$0x1B400] =	vst v63  }
0x31: {  	s30 =	smov.u32 s26;
	s29 =	smov.u32 s28  }
0x32: {  	p0 =	sne.s32 s26, $0x8C00;
	s26 =	sadd.s32 $0x400, s26;
	_ =	swait.ge [sflag:s17], $0x2800  }
0x33: {  	[sflag:s17] =	ssyncset.done $0x0  }
0x34: {  	s30 =	sshra.s32 s30, $0x2;
	[sflag:s17] =	ssyncadd.s32 $0xFFFFD800  }
0x35: {  	[spmem:s2] =	stream.indirect.scatter.add.f32 [tilespmem:s15], [sflag:$0x3], $0x80, s30, s18, $0xb8;
	[tilespmem:$0x1B400] =	vst v63  }
0x36: {  	_ =	swait.ge [sflag:s19], $0x2800  }
0x37: {  	[sflag:s19] =	ssyncset.done $0x0  }
0x38: {  	s30 =	sadd.s32 $0x80, s30;
	[sflag:s19] =	ssyncadd.s32 $0xFFFFD800  }
0x39: {  	[spmem:s2] =	stream.indirect.scatter.add.f32 [tilespmem:s16], [sflag:$0x4], $0x80, s30, s18, $0xb8;
	[tilespmem:$0x1B400] =	vst v63  }
0x3a: {  	_ =	swait.ge [sflag:s20], $0x2800  }
0x3b: {  	[sflag:s20] =	ssyncset.done $0x0  }
.Ltmp0:
0x3c: {  	s30 =	sadd.s32 $0xFFFFFB00, s28;
	[sflag:s20] =	ssyncadd.s32 $0xFFFFD800;
	(pc) =	sbr.rel @p0 .LBB2_2-.Ltmp0, $4  }
0x3d: {  	[tilespmem:s15], [sflag:$0x1] =	stream.linear.gather [hbm4b:s30+s3], $0x2800, $0x38;
	[tilespmem:$0x1B400] =	vst v63  }
0x3e: {  	_ =	swait.ge [sflag:s21], $0x2800  }
0x3f: {  	[sflag:s21] =	ssyncset.done $0x0  }
0x40: {  	s28 =	sadd.s32 $0xA00, s28;
	[sflag:s21] =	ssyncadd.s32 $0xFFFFD800  }
0x41: {  	[tilespmem:s16], [sflag:$0x2] =	stream.linear.gather [hbm4b:s29+s3], $0x2800, $0x38;
	[tilespmem:$0x1B400] =	vst v63  }
0x42: {  	_ =	swait.ge [sflag:s17], $0x2800  }
0x43: {  	[sflag:s17] =	ssyncset.done $0x0  }
0x44: {  	[sflag:s17] =	ssyncadd.s32 $0xFFFFD800  }
0x45: {  	[spmem:s2] =	stream.indirect.scatter.add.f32 [tilespmem:s15], [sflag:$0x3], $0x80, s22, s18, $0xb8;
	[tilespmem:$0x1B400] =	vst v63  }
0x46: {  	_ =	swait.ge [sflag:s19], $0x2800  }
0x47: {  	[sflag:s19] =	ssyncset.done $0x0  }
0x48: {  	[sflag:s19] =	ssyncadd.s32 $0xFFFFD800  }
0x49: {  	[spmem:s2] =	stream.indirect.scatter.add.f32 [tilespmem:s16], [sflag:$0x4], $0x80, s23, s18, $0xb8;
	[tilespmem:$0x1B400] =	vst v63  }
0x4a: {  	_ =	swait.ge [sflag:s20], $0x2800  }
0x4b: {  	[sflag:s20] =	ssyncset.done $0x0  }
0x4c: {  	[sflag:s20] =	ssyncadd.s32 $0xFFFFD800  }
0x4d: {  	[tilespmem:s15], [sflag:$0x1] =	stream.linear.gather [hbm4b:s10+s3], $0x2800, $0x38;
	[tilespmem:$0x1B400] =	vst v63  }
0x4e: {  	_ =	swait.ge [sflag:s21], $0x2800  }
0x4f: {  	[sflag:s21] =	ssyncset.done $0x0  }
0x50: {  	[sflag:s21] =	ssyncadd.s32 $0xFFFFD800  }
0x51: {  	[tilespmem:s16], [sflag:$0x2] =	stream.linear.gather [hbm4b:s10+s3], $0x2800, $0x38;
	[tilespmem:$0x1B400] =	vst v63  }
0x52: {  	_ =	swait.ge [sflag:s17], $0x2800  }
0x53: {  	[sflag:s17] =	ssyncset.done $0x0  }
0x54: {  	[sflag:s17] =	ssyncadd.s32 $0xFFFFD800  }
0x55: {  	[spmem:s2] =	stream.indirect.scatter.add.f32 [tilespmem:s15], [sflag:$0x3], $0x80, s24, s18, $0xb8;
	[tilespmem:$0x1B400] =	vst v63  }
0x56: {  	_ =	swait.ge [sflag:s19], $0x2800  }
0x57: {  	[sflag:s19] =	ssyncset.done $0x0  }
0x58: {  	[sflag:s19] =	ssyncadd.s32 $0xFFFFD800  }
0x59: {  	_ =	swait.ge [sflag:s20], $0x2800  }
0x5a: {  	s25 =	sadd.s32 $0x1, s25;
	[sflag:s20] =	ssyncset.done $0x0  }
0x5b: {  	p0 =	sne.s32 s25, s9;
	[sflag:s20] =	ssyncadd.s32 $0xFFFFD800  }
.Ltmp1:
0x5c: {  	[bflag:$0x0] =	sbarrier.arrive $0xFFFF;
	(pc) =	sbr.rel @p0 .LBB2_1-.Ltmp1, $4  }
0x5d: {  	[hbm:s8], [sflag:s13] =	dma.local [spmem:s14], $0x2780  }
0x5e: {  	_ =	swait.ge [sflag:s12], $0x2780  }
0x5f: {  	[sflag:s12] =	ssyncset.done $0x0  }
0x60: {  	[sflag:s12] =	ssyncadd.s32 $0xFFFFD880  }
0x61: {  	_ =	sfence.sel $0x180000  }
0x62: {  	[bflag:$0x0] =	sbarrier.arrive $0xFFFF  }
0x63: {  	p0 =	sne.s32 s0, $0x0;
	_ =	strace $0x9000004D  }
0x64: {  	s0 =	sadd.s32 @!p0 $0x100000, s1;
	[bflag:$0x2] =	sbarrier.arrive $0xFFFF  }
0x65: {  	[sflag:s0] =	ssyncadd.tile.s32 @!p0 $0x1;
	_ =	shalt  }
.Lfunc_end2:
_tile_overlayer_lowered:
.L_overlay_start_2:
0x66: {  	(tag) =	ssettag $0x2  }
0x67: {  	s0 =	rddreg [dreg:$0x0];
	s2 =	stileid.u32  }
0x68: {  	s1 =	rddreg [dreg:$0x1];
	p0 =	sne.s32 s2, $0x0  }
0x69: {  	s3 =	rddreg [dreg:$0x2];
	[bflag:$0x3] =	sbarrier.arrive $0xFFFF;
	s2 =	simm.s32 @!p0 $0x1C05  }
0x6a: {  	[timem:s3], [sflag:s2] =	dma.local @!p0 [hbm:s0], s1  }
0x6b: {  	s0 =	simm.s32 @!p0 $0x5  }
0x6c: {  	_ =	swait.ge @!p0 [sflag:s0], s1  }
0x6d: {  	s1 =	ssub.s32 @!p0 $0x0, s1;
	[sflag:s0] =	ssyncset.done @!p0 $0x0  }
0x6e: {  	[sflag:s0] =	ssyncadd.s32 @!p0 s1  }
0x6f: {  	[bflag:$0x3] =	sbarrier.arrive $0xFFFF  }
0x70: {  	_ =	shalt  }

// kernel: kernel.19.cloned.1.call-start
scs
__scs_entry_jumppad:
0x0: {  	(pc) =	sbr.rel $0x88, $3  }
0x1: {  	(tag) =	ssettag $0x0;
	lr =	simm.s32 $0x1  }
0x2: {  	[smem:$0x3F96] =	sst lr;
	_ =	strace $0xD0000000  }
0x3: {  	_ = 	snop  }
0x4: {  	_ = 	snop  }
0x5: {  	_ = 	snop  }
0x6: {  	_ = 	snop  }
0x7: {  	_ = 	snop  }
__scs_overlays_trampoline_lowered:
0x8: {  	[smem:$0x3FA5] =	sst s0  }
0x9: {  	[smem:$0x3FA6] =	sst s1  }
0xa: {  	[smem:$0x3FA7] =	sst s2  }
0xb: {  	[smem:$0x3FA8] =	sst s3  }
0xc: {  	[smem:$0x3FA9] =	sst s4  }
0xd: {  	[smem:$0x3FAA] =	sst s5  }
0xe: {  	[smem:$0x3FAB] =	sst s6  }
0xf: {  	[smem:$0x3FAC] =	sst s7  }
0x10: {  	[smem:$0x3FAD] =	sst s8  }
0x11: {  	[smem:$0x3FAE] =	sst s9;
	s0 =	simm.s32 @!p0 $0x0  }
0x12: {  	s1 =	sld [smem:$0x3F94];
	s0 =	simm.s32 @p0 $0x1  }
0x13: {  	[smem:$0x3FAF] =	sst s0;
	s0 =	simm.s32 @!p1 $0x0  }
0x14: {  	s2 =	sld [smem:$0x3F93];
	s0 =	simm.s32 @p1 $0x1  }
0x15: {  	[smem:$0x3FB0] =	sst s0;
	s0 =	simm.s32 @!p2 $0x0  }
0x16: {  	s3 =	sld [smem:$0x3FDB];
	s0 =	simm.s32 @p2 $0x1  }
0x17: {  	s4 =	simm.s32 $0x1BF5;
	[smem:$0x3FB2] =	sst s0  }
0x18: {  	s0 =	sld [smem:$0x3F95];
	_ =	swait.ge [sflag:s4], $0x0  }
0x19: {  	s7 =	sld [smem:$0x3F96]  }
0x1a: {  	s8 =	sadd.s32 $0xFFFFE003, lr  }
0x1b: {  	s9 =	sadd.s32 $0xFFFFFEF7, lr;
	s5 =	simm.s32 $0xFFFFFFFF;
	p2 =	slt.u32 s8, $0xFFFFF086  }
0x1c: {  	p1 =	slt.u32 s9, $0xF7A;
	s5 =	simm.s32 @!p2 $0x0  }
0x1d: {  	s5 =	simm.s32 @p1 $0x1;
	p0 =	seq.s32 s7, s2  }
0x1e: {  	s7 =	smul.u32 @!p0 $0xF7A, s2;
	p2 =	seq.s32 @!p0 s5, $0x0  }
0x1f: {  	s9 =	smul.u32 $0xF7A, s1;
	s8 =	simm.s32 @!p0 $0x1BF5;
	p2 =	por !p2, p0  }
0x20: {  	[sflag:s8] =	ssyncset.s32 @!p0 $0xFFFFF086;
	s6 =	sadd.s32 @!p0 s3, s7;
	s7 =	simm.s32 @!p0 $0x108  }
0x21: {  	s3 =	sadd.s32 s3, s9;
	s6 =	sadd.s32 @!p0 $0x88, s6;
	s7 =	simm.s32 @p2 $0x1082  }
0x22: {  	[simem:s7], [sflag:s8] =	dma.local @!p0 [hbm:s6], $0xF7A  }
0x23: {  	s9 =	sor.u32 $0xD0000000, s2;
	s6 =	simm.s32 $0x108;
	_ =	swait.ge @!p0 [sflag:s8], $0x0  }
0x24: {  	s3 =	sadd.s32 $0x88, s3;
	s6 =	simm.s32 @!p1 $0x1082;
	[sflag:s4] =	ssyncset.s32 $0xFFFFF086  }
0x25: {  	[simem:s6], [sflag:s4] =	dma.local [hbm:s3], $0xF7A  }
0x26: {  	[smem:$0x3F96] =	sst s1;
	(tag) =	ssettag s2;
	_ =	strace s9  }
0x27: {  	s1 =	sld [smem:$0x3FA6]  }
0x28: {  	s2 =	sld [smem:$0x3FA7]  }
0x29: {  	s4 =	sld [smem:$0x3FA9]  }
0x2a: {  	p0 =	seq.s32 s5, $0x0;
	s5 =	sld [smem:$0x3FAA]  }
0x2b: {  	s6 =	sld [smem:$0x3FAB]  }
0x2c: {  	s7 =	sld [smem:$0x3FAC]  }
0x2d: {  	s3 =	simm.s32 $0x108;
	s8 =	sld [smem:$0x3FAD]  }
0x2e: {  	s3 =	simm.s32 @!p0 $0x1082;
	s9 =	sld [smem:$0x3FAE]  }
0x2f: {  	lr =	sadd.s32 s0, s3;
	s0 =	sld [smem:$0x3FA5]  }
0x30: {  	s3 =	sld [smem:$0x3FA8]  }
0x31: {  	[smem:$0x3FB1] =	sst s10  }
0x32: {  	s10 =	sld [smem:$0x3FAF];
	_ =	sdelay $0x3  }
0x33: {  	p0 =	seq.s32 s10, $0x1;
	s10 =	sld [smem:$0x3FB1];
	_ =	sdelay $0x3  }
0x34: {  	[smem:$0x3FB1] =	sst s10  }
0x35: {  	s10 =	sld [smem:$0x3FB0];
	_ =	sdelay $0x3  }
0x36: {  	p1 =	seq.s32 s10, $0x1;
	s10 =	sld [smem:$0x3FB1];
	_ =	sdelay $0x3  }
0x37: {  	[smem:$0x3FB1] =	sst s10  }
0x38: {  	s10 =	sld [smem:$0x3FB2]  }
0x39: {  	_ = 	snop;
	(pc) =	sbr.ind lr, $3  }
0x3a: {  	_ = 	snop  }
0x3b: {  	_ = 	snop  }
0x3c: {  	p2 =	seq.s32 s10, $0x1;
	s10 =	sld [smem:$0x3FB1]  }
0x3d: {  	_ =	shalt  }
0x3e: {  	_ =	shalt  }
0x3f: {  	_ =	shalt  }
0x40: {  	_ =	shalt  }
0x41: {  	_ =	shalt  }
0x42: {  	_ =	shalt  }
0x43: {  	_ =	shalt  }
0x44: {  	_ =	shalt  }
0x45: {  	_ =	shalt  }
0x46: {  	_ =	shalt  }
0x47: {  	_ =	shalt  }
0x48: {  	_ =	shalt  }
0x49: {  	_ =	shalt  }
0x4a: {  	_ =	shalt  }
0x4b: {  	_ =	shalt  }
0x4c: {  	_ =	shalt  }
0x4d: {  	_ =	shalt  }
0x4e: {  	_ =	shalt  }
0x4f: {  	_ =	shalt  }
0x50: {  	_ =	shalt  }
0x51: {  	_ =	shalt  }
0x52: {  	_ =	shalt  }
0x53: {  	_ =	shalt  }
0x54: {  	_ =	shalt  }
0x55: {  	_ =	shalt  }
0x56: {  	_ =	shalt  }
0x57: {  	_ =	shalt  }
0x58: {  	_ =	shalt  }
0x59: {  	_ =	shalt  }
0x5a: {  	_ =	shalt  }
0x5b: {  	_ =	shalt  }
0x5c: {  	_ =	shalt  }
0x5d: {  	_ =	shalt  }
0x5e: {  	_ =	shalt  }
0x5f: {  	_ =	shalt  }
0x60: {  	_ =	shalt  }
0x61: {  	_ =	shalt  }
0x62: {  	_ =	shalt  }
0x63: {  	_ =	shalt  }
0x64: {  	_ =	shalt  }
0x65: {  	_ =	shalt  }
0x66: {  	_ =	shalt  }
0x67: {  	_ =	shalt  }
0x68: {  	_ =	shalt  }
0x69: {  	_ =	shalt  }
0x6a: {  	_ =	shalt  }
0x6b: {  	_ =	shalt  }
0x6c: {  	_ =	shalt  }
0x6d: {  	_ =	shalt  }
0x6e: {  	_ =	shalt  }
0x6f: {  	_ =	shalt  }
0x70: {  	_ =	shalt  }
0x71: {  	_ =	shalt  }
0x72: {  	_ =	shalt  }
0x73: {  	_ =	shalt  }
0x74: {  	_ =	shalt  }
0x75: {  	_ =	shalt  }
0x76: {  	_ =	shalt  }
0x77: {  	_ =	shalt  }
0x78: {  	_ =	shalt  }
0x79: {  	_ =	shalt  }
0x7a: {  	_ =	shalt  }
0x7b: {  	_ =	shalt  }
0x7c: {  	_ =	shalt  }
0x7d: {  	_ =	shalt  }
0x7e: {  	_ =	shalt  }
0x7f: {  	_ =	shalt  }
0x80: {  	_ =	shalt  }
0x81: {  	_ =	shalt  }
0x82: {  	_ =	shalt  }
0x83: {  	_ =	shalt  }
0x84: {  	_ =	shalt  }
0x85: {  	_ =	shalt  }
0x86: {  	_ =	shalt  }
0x87: {  	_ =	shalt  }
.Lfunc_end0:
.L_simem_size_0:
called_computation.3_lowered:
.L_overlay_start_0:
0x88: {  	s2 =	sld [smem:$0x3FD9]  }
0x89: {  	s3 =	sld [smem:$0x3FFE];
	_ =	sdelay $0x1  }
0x8a: {  	s1 =	srdreg.scid  }
0x8b: {  	s0 =	sand.u32 $0x1, s1  }
0x8c: {  	s17 =	sshll.u32 s0, $0xA;
	s2 =	sadd.s32 s3, s2  }
0x8d: {  	s2 =	sadd.s32 s2, s17  }
0x8e: {  	[smem:$0x3FBD] =	sst s2  }
0x8f: {  	_ = 	snop  }
0x90: {  	(tm) =	ssettm $0x1  }
0x91: {  	s18 =	sld [smem:$0x3FFB];
	_ =	sdelay $0x3  }
0x92: {  	_ =	strace s18  }
0x93: {  	s2 =	sld [smem:$0x3FFC];
	_ =	sdelay $0x3  }
0x94: {  	_ =	strace s2  }
0x95: {  	s2 =	sld [smem:$0x3FFD];
	_ =	sdelay $0x3  }
0x96: {  	_ =	strace s2  }
0x97: {  	_ =	strace $0x8FFFFFFF  }
0x98: {  	s19 =	sld [smem:$0x3FDB];
	_ =	sdelay $0x1  }
0x99: {  	s20 =	simm.s32 $_scs_section_size  }
0x9a: {  	s4 =	simm.s32 $_size__tile_overlayer_lowered;
	s5 =	simm.s32 $_tile_overlayer_lowered  }
0x9b: {  	s6 =	simm.s32 $0x1BFF;
	s21 =	sshll.u32 s5, $0x1;
	s3 =	sadd.s32 s20, s19  }
0x9c: {  	s22 =	simm.s32 $0x0;
	s4 =	sshll.u32 s4, $0x1;
	s5 =	sadd.s32 s21, s3  }
0x9d: {  	[timem:s22], [sflag:s6] =	dma.local [hbm:s5], s4  }
0x9e: {  	_ =	swait.ge [sflag:s6], s4  }
0x9f: {  	s4 =	ssub.s32 $0x0, s4;
	[sflag:s6] =	ssyncset.done $0x0  }
0xa0: {  	[sflag:s6] =	ssyncadd.s32 s4;
	_ =	sdelay $0x1  }
0xa1: {  	s23 =	simm.s32 $0x1B8B  }
0xa2: {  	_ =	swait.ge [sflag:s23], $0x1  }
0xa3: {  	[sflag:s23] =	ssyncset.done $0x0  }
0xa4: {  	[sflag:s23] =	ssyncadd.s32 $0xFFFFFFFF  }
0xa5: {  	s4 =	sld [smem:$0x0]  }
0xa6: {  	s5 =	sand.u32 $0xFFFFFFFE, s1  }
0xa7: {  	p0 =	sne.s32 s1, s5  }
0xa8: {  	s5 =	sshll.u32 @p0 s5, $0xE  }
0xa9: {  	s5 =	sadd.s32 @p0 $0x11B8D, s5;
	s6 =	sshll.u32 @p0 s4, $0x11  }
0xaa: {  	s5 =	sor.u32 @p0 s6, s5  }
0xab: {  	[sflag:s5] =	ssyncadd.remote.s32 @p0 $0x1;
	_ =	sdelay $0x1  }
0xac: {  	s5 =	simm.s32 @p0 $0x1B8D  }
0xad: {  	_ =	swait.eq @p0 [sflag:s5], $0x1  }
0xae: {  	[sflag:s5] =	ssyncadd.s32 @p0 $0xFFFFFFFF  }
0xaf: {  	s6 =	sshll.u32 @!p0 s1, $0xE  }
0xb0: {  	s6 =	sor.u32 @!p0 $0x4000, s6;
	s5 =	simm.s32 @!p0 $0x1B8D  }
0xb1: {  	s4 =	sshll.u32 @!p0 s4, $0x11;
	s6 =	sadd.s32 @!p0 $0x11B8D, s6;
	_ =	swait.eq @!p0 [sflag:s5], $0x1  }
0xb2: {  	s4 =	sor.u32 @!p0 s4, s6;
	[sflag:s5] =	ssyncadd.s32 @!p0 $0xFFFFFFFF  }
0xb3: {  	s25 =	simm.s32 $0x1B8E;
	s24 =	sld [smem:$0x3FFE];
	[sflag:s4] =	ssyncadd.remote.s32 @!p0 $0x1  }
0xb4: {  	s26 =	simm.s32 $execute0_lowered;
	[smem:$0x3FD2] =	sst s25  }
0xb5: {  	s5 =	sshll.u32 s26, $0x1;
	_ =	strace $0x8000004F;
	[dreg:$0x1] =	wrdreg $0xFFFFFFFF  }
0xb6: {  	s28 =	simm.s32 $_size_execute0_lowered;
	s3 =	sadd.s32 s3, s5;
	[dreg:$0x0] =	wrdreg $0x0  }
0xb7: {  	s5 =	sshll.u32 s28, $0x1;
	[dreg:$0x2] =	wrdreg s3  }
0xb8: {  	[dreg:$0x3] =	wrdreg s5  }
0xb9: {  	[dreg:$0x4] =	wrdreg $0xC0  }
0xba: {  	_ =	task [dreg:s22], $0x5FFFF  }
0xbb: {  	[dreg:$0x1] =	wrdreg $0xFFFFFFFF  }
0xbc: {  	[dreg:$0x0] =	wrdreg $0x60  }
0xbd: {  	[dreg:$0x2] =	wrdreg s24  }
0xbe: {  	[dreg:$0x3] =	wrdreg $0x6C000  }
0xbf: {  	[dreg:$0x4] =	wrdreg $0x9  }
0xc0: {  	_ =	task.clear_ibuf [dreg:s22], $0x5FFFF;
	_ =	strace $0x9000004F  }
0xc1: {  	s29 =	simm.s32 $0x9;
	_ =	strace $0x80000051  }
0xc2: {  	_ =	swait.ge [sflag:s29], $0x1  }
0xc3: {  	[sflag:s29] =	ssyncadd.s32 $0xFFFFFFFF  }
0xc4: {  	_ =	strace $0x90000051  }
0xc5: {  	_ =	sfence  }
0xc6: {  	s30 =	sld [smem:$0x0];
	_ =	sdelay $0x2  }
0xc7: {  	s31 =	sshll.u32 s1, $0xD;
	s1 =	sshrl.u32 s1, $0x2  }
0xc8: {  	s4 =	sand.u32 $0x4000, s31;
	s1 =	sadd.s32 s1, s30  }
0xc9: {  	s0 =	sor.u32 s4, s0;
	s1 =	sshll.u32 s1, $0x11  }
0xca: {  	s0 =	sor.u32 s1, s0  }
0xcb: {  	s0 =	sadd.s32 $0x8F2B, s0  }
0xcc: {  	[sflag:s0] =	ssyncadd.remote.s32 $0x1  }
0xcd: {  	_ =	sfence.sel $0xFFFF  }
0xce: {  	[dreg:$0x0] =	wrdreg $0xFFFFFFFF;
	(pc) =	sbr.abs _section_cstart, $3  }
0xcf: {  	[dreg:$0x1] =	wrdreg $0xFFFFFFFF  }
0xd0: {  	_ =	task.clear_ibuf [dreg:s22], $0x2FFFF;
	_ =	strace $0x9FFFFFFF  }
0xd1: {  	(tm) =	ssettm $0x7FFFFFFF  }
tec
execute0_lowered:
.L_overlay_start_1:
0x0: {  	(tag) =	ssettag $0x1  }
0x1: {  	s1 =	srdreg.scid;
	s4 =	rddreg [dreg:$0x0]  }
0x2: {  	s0 =	stileid.u32;
	s2 =	rddreg [dreg:$0x1];
	s3 =	simm.s32 $0x0  }
0x3: {  	s15 =	simm.s32 $0x4400;
	s16 =	simm.s32 $0x1;
	s17 =	simm.s32 $0x50  }
0x4: {  	s18 =	simm.s32 $0x2;
	s19 =	simm.s32 $0x3;
	s20 =	simm.s32 $0x4  }
0x5: {  	s21 =	simm.s32 $0x1800;
	s6 =	sand.u32 $0x1, s1;
	s8 =	smul.u32 $0x13C00, s0  }
0x6: {  	s22 =	sshll.u32 s0, $0x1;
	s1 =	rddreg [dreg:$0x2];
	s13 =	smul.u32 $0x4F000, s0  }
0x7: {  	[smem:$0x7FF] =	sst s3;
	s10 =	sadd.s32 $0xDB800, s4;
	s29 =	smul.u32 $0x1F400, s0  }
0x8: {  	s31 =	sshll.u32 s0, $0x6;
	s5 =	sor.u32 s6, s22;
	s9 =	smul.u32 $0x13C000, s6  }
0x9: {  	_ =	strace $0x80000050;
	s23 =	ssub.s32 $0x2, s6;
	s30 =	smul.u32 $0xFA00, s6  }
0xa: {  	s22 =	simm.s32 $0x1880;
	s7 =	smul.u32 $0x380, s5;
	s11 =	sshrl.u32 s8, $0x3  }
0xb: {  	s12 =	sshrl.u32 s23, $0x1;
	s24 =	smul.u32 $0x7D000, s5;
	s25 =	sshrl.u32 s13, $0x2  }
0xc: {  	s26 =	smul.u32 $0xFA00, s5;
	s11 =	sadd.s32 s11, s4;
	s8 =	sadd.s32 s8, s9  }
0xd: {  	s9 =	ssub.s32 s23, s12;
	s14 =	sadd.s32 s25, s2;
	s12 =	sor.u32 $0x1C05, s31  }
0xe: {  	s23 =	simm.s32 $0x0;
	s7 =	sadd.s32 s7, s4;
	s8 =	sshrl.u32 s8, $0x3  }
0xf: {  	s28 =	sshrl.u32 s24, $0x3;
	s5 =	sadd.s32 $0x65000, s11;
	s6 =	sadd.s32 s10, s26  }
0x10: {  	s9 =	smax.u32 s9, $0x1;
	s11 =	simm.s32 $0x5;
	s8 =	sadd.s32 s8, s4  }
0x11: {  	s4 =	sadd.s32 $0x360000, s7;
	s7 =	sadd.s32 s10, s28;
	s10 =	sadd.s32 s29, s10  }
0x12: {  	s13 =	sshrl.u32 s14, $0x3;
	s14 =	simm.s32 $0x1C00;
	s10 =	sadd.s32 s30, s10  }
0x13: {  	s7 =	sadd.s32 $0x500, s7;
	s8 =	sadd.s32 $0x2CF800, s8;
	s10 =	sadd.s32 $0xF00, s10  }
.LBB2_1:
0x14: {  	[tilespmem:s3], [sflag:$0x5] =	stream.linear.gather [hbm4b:s4+s3], $0x1900, $0x38;
	[tilespmem:$0x1A800] =	vst v63  }
0x15: {  	_ =	swait.ge [sflag:s11], $0x1900  }
0x16: {  	[sflag:s11] =	ssyncset.done $0x0  }
0x17: {  	[sflag:s11] =	ssyncadd.s32 $0xFFFFE700  }
0x18: {  	[spmem:s13], [sflag:s12] =	dma.local [hbm:s5], $0x2780  }
0x19: {  	_ =	swait.ge [sflag:s11], $0x2780  }
0x1a: {  	[sflag:s11] =	ssyncset.done $0x0  }
0x1b: {  	[sflag:s11] =	ssyncadd.s32 $0xFFFFD880  }
0x1c: {  	[bflag:$0x0] =	sbarrier.arrive $0xFFFF  }
0x1d: {  	[tilespmem:s14], [sflag:$0x1] =	stream.linear.gather [hbm4b:s6+s3], $0x2800, $0x38;
	[tilespmem:$0x1A800] =	vst v63  }
0x1e: {  	_ = 	snop  }
0x1f: {  	[tilespmem:s15], [sflag:$0x2] =	stream.linear.gather [hbm4b:s7+s3], $0x2800, $0x38;
	[tilespmem:$0x1A800] =	vst v63  }
0x20: {  	_ =	swait.ge [sflag:s16], $0x2800  }
0x21: {  	[sflag:s16] =	ssyncset.done $0x0  }
0x22: {  	s24 =	simm.s32 $0x0;
	[sflag:s16] =	ssyncadd.s32 $0xFFFFD800  }
0x23: {  	[spmem:s2] =	stream.indirect.scatter.add.f32 [tilespmem:s14], [sflag:$0x3], $0x80, s24, s17, $0xb8;
	[tilespmem:$0x1A800] =	vst v63  }
0x24: {  	_ =	swait.ge [sflag:s18], $0x2800  }
0x25: {  	[sflag:s18] =	ssyncset.done $0x0  }
0x26: {  	s30 =	simm.s32 $0x80;
	[sflag:s18] =	ssyncadd.s32 $0xFFFFD800  }
0x27: {  	[spmem:s2] =	stream.indirect.scatter.add.f32 [tilespmem:s15], [sflag:$0x4], $0x80, s30, s17, $0xb8;
	[tilespmem:$0x1A800] =	vst v63  }
0x28: {  	_ =	swait.ge [sflag:s19], $0x2800  }
0x29: {  	[sflag:s19] =	ssyncset.done $0x0  }
0x2a: {  	s31 =	sadd.s32 $0xFFFFFB00, s10;
	[sflag:s19] =	ssyncadd.s32 $0xFFFFD800  }
0x2b: {  	[tilespmem:s14], [sflag:$0x1] =	stream.linear.gather [hbm4b:s31+s3], $0x2800, $0x38;
	[tilespmem:$0x1A800] =	vst v63  }
0x2c: {  	_ =	swait.ge [sflag:s20], $0x2800  }
0x2d: {  	s25 =	sadd.s32 $0xA00, s10;
	[sflag:s20] =	ssyncset.done $0x0  }
0x2e: {  	s26 =	smov.u32 s10;
	s24 =	simm.s32 $0x400;
	[sflag:s20] =	ssyncadd.s32 $0xFFFFD800  }
.LBB2_2:
0x2f: {  	[tilespmem:s15], [sflag:$0x2] =	stream.linear.gather [hbm4b:s26+s3], $0x2800, $0x38;
	[tilespmem:$0x1A800] =	vst v63  }
0x30: {  	s28 =	smov.u32 s24;
	s26 =	smov.u32 s25  }
0x31: {  	p0 =	sne.s32 s24, $0x5C00;
	s24 =	sadd.s32 $0x400, s24;
	_ =	swait.ge [sflag:s16], $0x2800  }
0x32: {  	[sflag:s16] =	ssyncset.done $0x0  }
0x33: {  	s28 =	sshra.s32 s28, $0x2;
	[sflag:s16] =	ssyncadd.s32 $0xFFFFD800  }
0x34: {  	[spmem:s2] =	stream.indirect.scatter.add.f32 [tilespmem:s14], [sflag:$0x3], $0x80, s28, s17, $0xb8;
	[tilespmem:$0x1A800] =	vst v63  }
0x35: {  	_ =	swait.ge [sflag:s18], $0x2800  }
0x36: {  	[sflag:s18] =	ssyncset.done $0x0  }
0x37: {  	s28 =	sadd.s32 $0x80, s28;
	[sflag:s18] =	ssyncadd.s32 $0xFFFFD800  }
0x38: {  	[spmem:s2] =	stream.indirect.scatter.add.f32 [tilespmem:s15], [sflag:$0x4], $0x80, s28, s17, $0xb8;
	[tilespmem:$0x1A800] =	vst v63  }
0x39: {  	_ =	swait.ge [sflag:s19], $0x2800  }
0x3a: {  	[sflag:s19] =	ssyncset.done $0x0  }
.Ltmp0:
0x3b: {  	s28 =	sadd.s32 $0xFFFFFB00, s25;
	[sflag:s19] =	ssyncadd.s32 $0xFFFFD800;
	(pc) =	sbr.rel @p0 .LBB2_2-.Ltmp0, $4  }
0x3c: {  	[tilespmem:s14], [sflag:$0x1] =	stream.linear.gather [hbm4b:s28+s3], $0x2800, $0x38;
	[tilespmem:$0x1A800] =	vst v63  }
0x3d: {  	_ =	swait.ge [sflag:s20], $0x2800  }
0x3e: {  	[sflag:s20] =	ssyncset.done $0x0  }
0x3f: {  	s25 =	sadd.s32 $0xA00, s25;
	[sflag:s20] =	ssyncadd.s32 $0xFFFFD800  }
0x40: {  	[tilespmem:s15], [sflag:$0x2] =	stream.linear.gather [hbm4b:s26+s3], $0x2800, $0x38;
	[tilespmem:$0x1A800] =	vst v63  }
0x41: {  	_ =	swait.ge [sflag:s16], $0x2800  }
0x42: {  	[sflag:s16] =	ssyncset.done $0x0  }
0x43: {  	[sflag:s16] =	ssyncadd.s32 $0xFFFFD800  }
0x44: {  	[spmem:s2] =	stream.indirect.scatter.add.f32 [tilespmem:s14], [sflag:$0x3], $0x80, s21, s17, $0xb8;
	[tilespmem:$0x1A800] =	vst v63  }
0x45: {  	_ =	swait.ge [sflag:s18], $0x2800  }
0x46: {  	[sflag:s18] =	ssyncset.done $0x0  }
0x47: {  	[sflag:s18] =	ssyncadd.s32 $0xFFFFD800  }
0x48: {  	[spmem:s2] =	stream.indirect.scatter.add.f32 [tilespmem:s15], [sflag:$0x4], $0x80, s22, s17, $0xb8;
	[tilespmem:$0x1A800] =	vst v63  }
0x49: {  	_ =	swait.ge [sflag:s19], $0x2800  }
0x4a: {  	[sflag:s19] =	ssyncset.done $0x0  }
0x4b: {  	[sflag:s19] =	ssyncadd.s32 $0xFFFFD800  }
0x4c: {  	_ =	swait.ge [sflag:s20], $0x2800  }
0x4d: {  	s23 =	sadd.s32 $0x1, s23;
	[sflag:s20] =	ssyncset.done $0x0  }
0x4e: {  	p0 =	sne.s32 s23, s9;
	[sflag:s20] =	ssyncadd.s32 $0xFFFFD800  }
.Ltmp1:
0x4f: {  	[bflag:$0x0] =	sbarrier.arrive $0xFFFF;
	(pc) =	sbr.rel @p0 .LBB2_1-.Ltmp1, $4  }
0x50: {  	[hbm:s8], [sflag:s12] =	dma.local [spmem:s13], $0x2780  }
0x51: {  	_ =	swait.ge [sflag:s11], $0x2780  }
0x52: {  	[sflag:s11] =	ssyncset.done $0x0  }
0x53: {  	[sflag:s11] =	ssyncadd.s32 $0xFFFFD880  }
0x54: {  	_ =	sfence.sel $0x180000  }
0x55: {  	[bflag:$0x0] =	sbarrier.arrive $0xFFFF  }
0x56: {  	p0 =	sne.s32 s0, $0x0;
	_ =	strace $0x90000050  }
0x57: {  	s0 =	sadd.s32 @!p0 $0x100000, s1;
	[bflag:$0x2] =	sbarrier.arrive $0xFFFF  }
0x58: {  	[sflag:s0] =	ssyncadd.tile.s32 @!p0 $0x1;
	_ =	shalt  }
.Lfunc_end2:
_tile_overlayer_lowered:
.L_overlay_start_2:
0x59: {  	(tag) =	ssettag $0x2  }
0x5a: {  	s0 =	rddreg [dreg:$0x0];
	s2 =	stileid.u32  }
0x5b: {  	s1 =	rddreg [dreg:$0x1];
	p0 =	sne.s32 s2, $0x0  }
0x5c: {  	s3 =	rddreg [dreg:$0x2];
	[bflag:$0x3] =	sbarrier.arrive $0xFFFF;
	s2 =	simm.s32 @!p0 $0x1C05  }
0x5d: {  	[timem:s3], [sflag:s2] =	dma.local @!p0 [hbm:s0], s1  }
0x5e: {  	s0 =	simm.s32 @!p0 $0x5  }
0x5f: {  	_ =	swait.ge @!p0 [sflag:s0], s1  }
0x60: {  	s1 =	ssub.s32 @!p0 $0x0, s1;
	[sflag:s0] =	ssyncset.done @!p0 $0x0  }
0x61: {  	[sflag:s0] =	ssyncadd.s32 @!p0 s1  }
0x62: {  	[bflag:$0x3] =	sbarrier.arrive $0xFFFF  }
0x63: {  	_ =	shalt  }

</sc_bundles>
